<compile_context>
chip_gen: v7x
topology: tpu7x:2x2x1
jax: 0.10.2.dev20260603
libtpu: 0.0.44.dev20260713+nightly
codegen_flags: <defaults>
</compile_context>

<pallas_src>
import functools

import jax
import jax.numpy as jnp
from jax import lax
from jax.experimental import pallas as pl
from jax.experimental.pallas import tpu as pltpu
from jax.experimental.pallas import tpu_sc as plsc

K = 1024
D = 32
H = 64
LN_EPS = 1e-5
COMMIT = 0.25

NC = 2
NS = 16
NW = NC * NS
B = 8 * 8192
BPW = B // NW
CHUNK = 128
NCHUNK = BPW // CHUNK


def _tables_body(w1_ref, b1_ref, g_ref, bb_ref, w2_ref, b2_ref, cb_ref,
                 qtab_ref, lut_ref, d2_ref):
    f32 = jnp.float32
    vals = lax.broadcasted_iota(jnp.int32, (K, 1), 0).astype(f32) / (K - 1) * 2.0 - 1.0
    h = vals * w1_ref[...] + b1_ref[...]
    mu = jnp.mean(h, axis=1, keepdims=True)
    var = jnp.mean((h - mu) ** 2, axis=1, keepdims=True)
    h = (h - mu) / jnp.sqrt(var + LN_EPS) * g_ref[...] + bb_ref[...]
    h = jnp.maximum(h, 0.0)
    z = lax.dot_general(h, w2_ref[...], (((1,), (0,)), ((), ())),
                        preferred_element_type=f32,
                        precision=lax.Precision.HIGHEST) + b2_ref[...]
    cb = cb_ref[...]
    z2 = jnp.sum(z * z, axis=1, keepdims=True)
    c2 = jnp.sum(cb * cb, axis=1, keepdims=True)
    zc = lax.dot_general(z, cb, (((1,), (1,)), ((), ())),
                         preferred_element_type=f32,
                         precision=lax.Precision.HIGHEST)
    dist = z2 - 2.0 * zc + c2.reshape(1, K)
    rowmin = jnp.min(dist, axis=1, keepdims=True)
    col = lax.broadcasted_iota(jnp.int32, (K, K), 1)
    lut = jnp.min(jnp.where(dist == rowmin, col, K), axis=1).astype(jnp.int32)
    onehot = (col == lut[:, None]).astype(f32)
    qtab = lax.dot_general(onehot, cb, (((1,), (0,)), ((), ())),
                           preferred_element_type=f32)
    qtab_ref[...] = qtab
    lut_ref[...] = lut.reshape(8, K // 8)
    d2_ref[...] = rowmin.reshape(8, K // 8)


def _build_tables(W1, b1, ln_g, ln_b, W2, b2, codebook):
    return pl.pallas_call(
        _tables_body,
        out_shape=[
            jax.ShapeDtypeStruct((K, D), jnp.float32),
            jax.ShapeDtypeStruct((8, K // 8), jnp.int32),
            jax.ShapeDtypeStruct((8, K // 8), jnp.float32),
        ],
    )(W1, b1.reshape(1, H), ln_g.reshape(1, H), ln_b.reshape(1, H),
      W2, b2.reshape(1, D), codebook)


def _sc_body(tf_hbm, qtab_hbm, lut_hbm, d2_hbm,
             q_hbm, idxo_hbm, part_hbm,
             idx_v, rows_v, lut_v, d2_v, idxo_v, acc_v, qsh,
             sem_q, sem_w, sem_t):
    wid = lax.axis_index("s") * NC + lax.axis_index("c")
    b = wid // (8192 // BPW)
    off = (wid % (8192 // BPW)) * BPW
    tcopy = pltpu.async_copy(tf_hbm.at[pl.ds(wid * NCHUNK, NCHUNK)], idx_v, sem_t)
    @pl.when(lax.axis_index("s") == 0)
    def _():
        pltpu.sync_copy(qtab_hbm, qsh)
    pltpu.sync_copy(lut_hbm, lut_v)
    pltpu.sync_copy(d2_hbm, d2_v)
    tcopy.wait()
    plsc.subcore_barrier()
    gathers = []
    for j in range(NCHUNK):
        gathers.append(pltpu.async_copy(
            qsh.at[idx_v.at[j]],
            rows_v.at[pl.ds(j * CHUNK, CHUNK)], sem_q))
    acc = jnp.zeros((16,), jnp.float32)
    for j in range(NCHUNK):
        for g in range(CHUNK // 16):
            toks = idx_v[j, pl.ds(g * 16, 16)]
            idxo_v[j, pl.ds(g * 16, 16)] = plsc.load_gather(lut_v, [toks])
            acc = acc + plsc.load_gather(d2_v, [toks])
    acc_v[...] = acc
    writes = []
    for j in range(NCHUNK):
        gathers[j].wait()
        writes.append(pltpu.async_copy(
            rows_v.at[pl.ds(j * CHUNK, CHUNK)],
            q_hbm.at[b, pl.ds(off + j * CHUNK, CHUNK)], sem_w))
        writes.append(pltpu.async_copy(
            idxo_v.at[j], idxo_hbm.at[b, pl.ds(off + j * CHUNK, CHUNK)], sem_w))
    pltpu.sync_copy(acc_v, part_hbm.at[wid])
    for w in writes:
        w.wait()


@functools.lru_cache(maxsize=1)
def _make_sc_gather():
    return functools.partial(
        pl.kernel,
        out_type=[
            jax.ShapeDtypeStruct((8, 8192, D), jnp.float32),
            jax.ShapeDtypeStruct((8, 8192), jnp.int32),
            jax.ShapeDtypeStruct((NW, 16), jnp.float32),
        ],
        mesh=plsc.VectorSubcoreMesh(core_axis_name="c", subcore_axis_name="s",
                                    num_cores=NC, num_subcores=NS),
        scratch_types=[
            pltpu.VMEM((NCHUNK, CHUNK), jnp.int32),
            pltpu.VMEM((BPW, D), jnp.float32),
            pltpu.VMEM((K,), jnp.int32),
            pltpu.VMEM((K,), jnp.float32),
            pltpu.VMEM((NCHUNK, CHUNK), jnp.int32),
            pltpu.VMEM((16,), jnp.float32),
            pltpu.VMEM_SHARED((K, D), jnp.float32),
            pltpu.SemaphoreType.DMA,
            pltpu.SemaphoreType.DMA,
            pltpu.SemaphoreType.DMA,
        ],
        compiler_params=pltpu.CompilerParams(use_tc_tiling_on_sc=False,
                                             needs_layout_passes=False),
    )(_sc_body)


def kernel(t, W1, b1, ln_g, ln_b, W2, b2, codebook):
    qtab, lut8, d28 = _build_tables(W1, b1, ln_g, ln_b, W2, b2, codebook)
    lut = lut8.reshape(K)
    d2 = d28.reshape(K)
    tf = t.reshape(B // CHUNK, CHUNK)
    q, idx, partials = _make_sc_gather()(tf, qtab, lut, d2)
    loss = (1.0 + COMMIT) * jnp.sum(partials) / (B * D)
    return q, idx, loss

# --- scband reference (transcript-rebuilt; emitter-appended) ---
"""Pipeline reference for scband-quantizer1-d-12618613915789 (READ-ONLY COPY).

The authoritative reference and input builder live on the scoring server;
editing this copy changes nothing except your own understanding.
"""

import jax, jax.numpy as jnp
import numpy as np

NUM_EMBEDDINGS = 1024
EMBEDDING_DIM = 32
HIDDEN_DIM = 64
COMMITMENT_COST = 0.25
LN_EPS = 1e-5


def setup_inputs(seed: int = 0) -> dict:
    key = jax.random.key(seed)
    ks = jax.random.split(key, 8)
    t = jax.random.randint(ks[0], (8, 8192, 1), 0, NUM_EMBEDDINGS, dtype=jnp.int64 if jax.config.jax_enable_x64 else jnp.int32).astype(jnp.int32)
    # encoder layer 1: Linear(1 -> hidden) + LayerNorm + ReLU
    W1 = jax.random.normal(ks[1], (1, HIDDEN_DIM), dtype=jnp.float32) * 0.5
    b1 = jnp.zeros((HIDDEN_DIM,), dtype=jnp.float32)
    ln_g = jnp.ones((HIDDEN_DIM,), dtype=jnp.float32)
    ln_b = jnp.zeros((HIDDEN_DIM,), dtype=jnp.float32)
    # encoder layer 2: Linear(hidden -> embedding_dim), no norm/act
    W2 = jax.random.normal(ks[2], (HIDDEN_DIM, EMBEDDING_DIM), dtype=jnp.float32) * (1.0 / np.sqrt(HIDDEN_DIM))
    b2 = jnp.zeros((EMBEDDING_DIM,), dtype=jnp.float32)
    # VQ codebook init: uniform(-1/K, 1/K)
    codebook = jax.random.uniform(ks[3], (NUM_EMBEDDINGS, EMBEDDING_DIM), dtype=jnp.float32, minval=-1.0 / NUM_EMBEDDINGS, maxval=1.0 / NUM_EMBEDDINGS)
    return {"t": t, "W1": W1, "b1": b1, "ln_g": ln_g, "ln_b": ln_b, "W2": W2, "b2": b2, "codebook": codebook}


def reference(t, W1, b1, ln_g, ln_b, W2, b2, codebook):
    K = NUM_EMBEDDINGS
    norm_t = t.astype(jnp.float32) / (K - 1) * 2.0 - 1.0
    # encoder
    h = norm_t @ W1 + b1
    mu = jnp.mean(h, axis=-1, keepdims=True)
    var = jnp.var(h, axis=-1, keepdims=True)
    h = (h - mu) / jnp.sqrt(var + LN_EPS) * ln_g + ln_b
    h = jax.nn.relu(h)
    z = h @ W2 + b2  # [B, N, D]
    # vector quantization
    flat_z = z.reshape(-1, EMBEDDING_DIM)
    distances = (jnp.sum(flat_z ** 2, axis=1, keepdims=True)
                 - 2.0 * flat_z @ codebook.T
                 + jnp.sum(codebook ** 2, axis=1))
    encoding_indices = jnp.argmin(distances, axis=1)
    quantized = jnp.take(codebook, encoding_indices, axis=0)
    loss = (jnp.mean((quantized - jax.lax.stop_gradient(flat_z)) ** 2)
            + COMMITMENT_COST * jnp.mean((jax.lax.stop_gradient(quantized) - flat_z) ** 2))
    quantized_st = flat_z + jax.lax.stop_gradient(quantized - flat_z)
    q = quantized_st.reshape(z.shape)
    idx = encoding_indices.reshape(z.shape[0], -1)
    return (q, idx, loss)

if __name__ == "__main__":
    import jax
    _d = setup_inputs()
    print(jax.jit(kernel)(*tuple(_d.values())))

</pallas_src>

<mosaic_0001>
#map = affine_map<(d0, d1) -> (0, 0)>
#map1 = affine_map<(d0, d1) -> (0)>
#map2 = affine_map<(d0, d1) -> (0, 0, 0)>
module attributes {stable_mosaic.version = 14 : i64} {
  func.func @_sc_body(%arg0: i32, %arg1: i32, %arg2: memref<512x128xi32, #tpu.memory_space<hbm>>, %arg3: memref<1024x32xf32, #tpu.memory_space<hbm>>, %arg4: memref<1024xi32, #tpu.memory_space<hbm>>, %arg5: memref<1024xf32, #tpu.memory_space<hbm>>, %arg6: memref<8x8192x32xf32, #tpu.memory_space<hbm>>, %arg7: memref<8x8192xi32, #tpu.memory_space<hbm>>, %arg8: memref<32x16xf32, #tpu.memory_space<hbm>>, %arg9: memref<16x128xi32, #tpu.memory_space<vmem>>, %arg10: memref<2048x32xf32, #tpu.memory_space<vmem>>, %arg11: memref<1024xi32, #tpu.memory_space<vmem>>, %arg12: memref<1024xf32, #tpu.memory_space<vmem>>, %arg13: memref<16x128xi32, #tpu.memory_space<vmem>>, %arg14: memref<16xf32, #tpu.memory_space<vmem>>, %arg15: memref<1024x32xf32, #tpu.memory_space<vmem_shared>>, %arg16: memref<!tpu.dma_semaphore, #tpu.memory_space<semaphore_mem>>, %arg17: memref<!tpu.dma_semaphore, #tpu.memory_space<semaphore_mem>>, %arg18: memref<!tpu.dma_semaphore, #tpu.memory_space<semaphore_mem>>) attributes {dimension_semantics = [#tpu.dimension_semantics<core_parallel>, #tpu.dimension_semantics<subcore_parallel>], iteration_bounds = array<i64: 2, 16>, scalar_prefetch = 0 : i64, scratch_operands = 10 : i64, tpu.core_type = #tpu.core_type<sc_vector_subcore>, window_params = [{transform_indices = #map}, {transform_indices = #map}, {transform_indices = #map1}, {transform_indices = #map1}, {transform_indices = #map2}, {transform_indices = #map}, {transform_indices = #map}]} {
    %mul3A = arith.constant 2 : i32
    %mul3A_0 = arith.muli %arg1, %mul3A : i32
    %add3A = arith.addi %mul3A_0, %arg0 : i32
    %jit3A = arith.constant 4 : i32
    %div3A = arith.divsi %add3A, %jit3A : i32
    %sign3A = arith.constant 0 : i32
    %sign3A_1 = arith.cmpi sgt, %add3A, %sign3A : i32
    %sign3A_2 = arith.extui %sign3A_1 : i1 to i32
    %sign3A_3 = arith.constant 0 : i32
    %sign3A_4 = arith.cmpi slt, %add3A, %sign3A_3 : i32
    %sign3A_5 = arith.extui %sign3A_4 : i1 to i32
    %sign3A_6 = arith.subi %sign3A_2, %sign3A_5 : i32
    %sign3A_7 = arith.constant 0 : i32
    %sign3A_8 = arith.cmpi sgt, %jit3A, %sign3A_7 : i32
    %sign3A_9 = arith.extui %sign3A_8 : i1 to i32
    %sign3A_10 = arith.constant 0 : i32
    %sign3A_11 = arith.cmpi slt, %jit3A, %sign3A_10 : i32
    %sign3A_12 = arith.extui %sign3A_11 : i1 to i32
    %sign3A_13 = arith.subi %sign3A_9, %sign3A_12 : i32
    %ne3A = arith.cmpi ne, %sign3A_6, %sign3A_13 : i32
    %rem3A = arith.remsi %add3A, %jit3A : i32
    %ne3A_14 = arith.constant 0 : i32
    %ne3A_15 = arith.cmpi ne, %rem3A, %ne3A_14 : i32
    %and3A = arith.andi %ne3A, %ne3A_15 : i1
    %sub3A = arith.constant 1 : i32
    %sub3A_16 = arith.subi %div3A, %sub3A : i32
    %select_n3A = arith.select %and3A, %sub3A_16, %div3A : i32
    %jit3A_17 = arith.constant 4 : i32
    %eq3A = arith.constant 0 : i32
    %eq3A_18 = arith.cmpi eq, %jit3A_17, %eq3A : i32
    %jit3A_19 = arith.constant 1 : i32
    %select_n3A_20 = arith.select %eq3A_18, %jit3A_19, %jit3A_17 : i32
    %rem3A_21 = arith.remsi %add3A, %select_n3A_20 : i32
    %ne3A_22 = arith.constant 0 : i32
    %ne3A_23 = arith.cmpi ne, %rem3A_21, %ne3A_22 : i32
    %lt3A = arith.constant 0 : i32
    %lt3A_24 = arith.cmpi slt, %rem3A_21, %lt3A : i32
    %lt3A_25 = arith.constant 0 : i32
    %lt3A_26 = arith.cmpi slt, %select_n3A_20, %lt3A_25 : i32
    %ne3A_27 = arith.xori %lt3A_24, %lt3A_26 : i1
    %and3A_28 = arith.andi %ne3A_27, %ne3A_23 : i1
    %add3A_29 = arith.addi %rem3A_21, %select_n3A_20 : i32
    %select_n3A_30 = arith.select %and3A_28, %add3A_29, %rem3A_21 : i32
    %mul3A_31 = arith.constant 2048 : i32
    %mul3A_32 = arith.muli %select_n3A_30, %mul3A_31 : i32
    %mul3A_33 = arith.constant 16 : i32
    %mul3A_34 = arith.muli %add3A, %mul3A_33 : i32
    %dma_start3A = arith.constant 0 : i32
    %dma_start3A_35 = tpu.memref_slice %arg2[%mul3A_34, %dma_start3A] : memref<512x128xi32, #tpu.memory_space<hbm>> -> memref<16x128xi32, #tpu.memory_space<hbm>>
    %dma_start3A_36 = arith.constant 0 : i32
    %dma_start3A_37 = tpu.memref_slice %arg2[%mul3A_34, %dma_start3A_36] : memref<512x128xi32, #tpu.memory_space<hbm>> -> memref<16x128xi32, #tpu.memory_space<hbm>>
    tpu.enqueue_dma source(%dma_start3A_37 : memref<16x128xi32, #tpu.memory_space<hbm>>) target(%arg9 : memref<16x128xi32, #tpu.memory_space<vmem>>) target_semaphore(%arg18 : memref<!tpu.dma_semaphore, #tpu.memory_space<semaphore_mem>>)
    %eq3A_38 = arith.constant 0 : i32
    %eq3A_39 = arith.cmpi eq, %arg1, %eq3A_38 : i32
    %convert_element_type3A = arith.extui %eq3A_39 : i1 to i32
    %cond3A = arith.constant 0 : i32
    %cond3A_40 = arith.cmpi ne, %convert_element_type3A, %cond3A : i32
    scf.if %cond3A_40 {
      "tpu.region"() ({
        %run_scoped3A = tpu.sem_alloc : memref<!tpu.dma_semaphore, #tpu.memory_space<semaphore_mem>>
        tpu.enqueue_dma source(%arg3 : memref<1024x32xf32, #tpu.memory_space<hbm>>) target(%arg15 : memref<1024x32xf32, #tpu.memory_space<vmem_shared>>) target_semaphore(%run_scoped3A : memref<!tpu.dma_semaphore, #tpu.memory_space<semaphore_mem>>)
        tpu.wait_dma2 semaphore(%run_scoped3A : memref<!tpu.dma_semaphore, #tpu.memory_space<semaphore_mem>>) src(%arg3 : memref<1024x32xf32, #tpu.memory_space<hbm>>) dst(%arg15 : memref<1024x32xf32, #tpu.memory_space<vmem_shared>>)
        tpu.yield
      }) : () -> ()
    } else {
    }
    "tpu.region"() ({
      %run_scoped3A = tpu.sem_alloc : memref<!tpu.dma_semaphore, #tpu.memory_space<semaphore_mem>>
      tpu.enqueue_dma source(%arg4 : memref<1024xi32, #tpu.memory_space<hbm>>) target(%arg11 : memref<1024xi32, #tpu.memory_space<vmem>>) target_semaphore(%run_scoped3A : memref<!tpu.dma_semaphore, #tpu.memory_space<semaphore_mem>>)
      tpu.wait_dma2 semaphore(%run_scoped3A : memref<!tpu.dma_semaphore, #tpu.memory_space<semaphore_mem>>) src(%arg4 : memref<1024xi32, #tpu.memory_space<hbm>>) dst(%arg11 : memref<1024xi32, #tpu.memory_space<vmem>>)
      tpu.yield
    }) : () -> ()
    "tpu.region"() ({
      %run_scoped3A = tpu.sem_alloc : memref<!tpu.dma_semaphore, #tpu.memory_space<semaphore_mem>>
      tpu.enqueue_dma source(%arg5 : memref<1024xf32, #tpu.memory_space<hbm>>) target(%arg12 : memref<1024xf32, #tpu.memory_space<vmem>>) target_semaphore(%run_scoped3A : memref<!tpu.dma_semaphore, #tpu.memory_space<semaphore_mem>>)
      tpu.wait_dma2 semaphore(%run_scoped3A : memref<!tpu.dma_semaphore, #tpu.memory_space<semaphore_mem>>) src(%arg5 : memref<1024xf32, #tpu.memory_space<hbm>>) dst(%arg12 : memref<1024xf32, #tpu.memory_space<vmem>>)
      tpu.yield
    }) : () -> ()
    %dma_wait3A = arith.constant 0 : i32
    %dma_wait3A_41 = tpu.memref_slice %arg2[%mul3A_34, %dma_wait3A] : memref<512x128xi32, #tpu.memory_space<hbm>> -> memref<16x128xi32, #tpu.memory_space<hbm>>
    %dma_wait3A_42 = arith.constant 0 : i32
    %dma_wait3A_43 = tpu.memref_slice %arg2[%mul3A_34, %dma_wait3A_42] : memref<512x128xi32, #tpu.memory_space<hbm>> -> memref<16x128xi32, #tpu.memory_space<hbm>>
    tpu.wait_dma2 semaphore(%arg18 : memref<!tpu.dma_semaphore, #tpu.memory_space<semaphore_mem>>) src(%dma_wait3A_43 : memref<16x128xi32, #tpu.memory_space<hbm>>) dst(%arg9 : memref<16x128xi32, #tpu.memory_space<vmem>>)
    %barrier3A = arith.constant 0 : index
    tpu.barrier barrier_id(%barrier3A)
    %dma_start3A_44 = arith.constant 0 : i32
    %dma_start3A_45 = arith.constant 0 : i32
    %dma_start3A_46 = arith.constant 0 : i32
    %dma_start3A_47 = tpu.memref_slice %arg10[%dma_start3A_45, %dma_start3A_46] : memref<2048x32xf32, #tpu.memory_space<vmem>> -> memref<128x32xf32, #tpu.memory_space<vmem>>
    %dma_start3A_48 = arith.constant 0 : i32
    %dma_start3A_49 = tpu.memref_slice %arg9[%dma_start3A_44, %dma_start3A_48] : memref<16x128xi32, #tpu.memory_space<vmem>> -> memref<1x128xi32, #tpu.memory_space<vmem>>
    %dma_start3A_50 = tpu.memref_squeeze %dma_start3A_49 : memref<1x128xi32, #tpu.memory_space<vmem>> -> memref<128xi32, #tpu.memory_space<vmem>>
    %dma_start3A_51 = arith.constant 0 : i32
    %dma_start3A_52 = arith.constant 0 : i32
    %dma_start3A_53 = tpu.memref_slice %arg15[%dma_start3A_51, %dma_start3A_52] : memref<1024x32xf32, #tpu.memory_space<vmem_shared>> -> memref<1024x32xf32, #tpu.memory_space<vmem_shared>>
    tpu.enqueue_indirect_dma source(%dma_start3A_53 : memref<1024x32xf32, #tpu.memory_space<vmem_shared>>) target(%dma_start3A_47 : memref<128x32xf32, #tpu.memory_space<vmem>>) offsets(%dma_start3A_50 : memref<128xi32, #tpu.memory_space<vmem>>) semaphore(%arg16 : memref<!tpu.dma_semaphore, #tpu.memory_space<semaphore_mem>>)
    %dma_start3A_54 = arith.constant 1 : i32
    %dma_start3A_55 = arith.constant 128 : i32
    %dma_start3A_56 = arith.constant 0 : i32
    %dma_start3A_57 = tpu.memref_slice %arg10[%dma_start3A_55, %dma_start3A_56] : memref<2048x32xf32, #tpu.memory_space<vmem>> -> memref<128x32xf32, #tpu.memory_space<vmem>>
    %dma_start3A_58 = arith.constant 0 : i32
    %dma_start3A_59 = tpu.memref_slice %arg9[%dma_start3A_54, %dma_start3A_58] : memref<16x128xi32, #tpu.memory_space<vmem>> -> memref<1x128xi32, #tpu.memory_space<vmem>>
    %dma_start3A_60 = tpu.memref_squeeze %dma_start3A_59 : memref<1x128xi32, #tpu.memory_space<vmem>> -> memref<128xi32, #tpu.memory_space<vmem>>
    %dma_start3A_61 = arith.constant 0 : i32
    %dma_start3A_62 = arith.constant 0 : i32
    %dma_start3A_63 = tpu.memref_slice %arg15[%dma_start3A_61, %dma_start3A_62] : memref<1024x32xf32, #tpu.memory_space<vmem_shared>> -> memref<1024x32xf32, #tpu.memory_space<vmem_shared>>
    tpu.enqueue_indirect_dma source(%dma_start3A_63 : memref<1024x32xf32, #tpu.memory_space<vmem_shared>>) target(%dma_start3A_57 : memref<128x32xf32, #tpu.memory_space<vmem>>) offsets(%dma_start3A_60 : memref<128xi32, #tpu.memory_space<vmem>>) semaphore(%arg16 : memref<!tpu.dma_semaphore, #tpu.memory_space<semaphore_mem>>)
    %dma_start3A_64 = arith.constant 2 : i32
    %dma_start3A_65 = arith.constant 256 : i32
    %dma_start3A_66 = arith.constant 0 : i32
    %dma_start3A_67 = tpu.memref_slice %arg10[%dma_start3A_65, %dma_start3A_66] : memref<2048x32xf32, #tpu.memory_space<vmem>> -> memref<128x32xf32, #tpu.memory_space<vmem>>
    %dma_start3A_68 = arith.constant 0 : i32
    %dma_start3A_69 = tpu.memref_slice %arg9[%dma_start3A_64, %dma_start3A_68] : memref<16x128xi32, #tpu.memory_space<vmem>> -> memref<1x128xi32, #tpu.memory_space<vmem>>
    %dma_start3A_70 = tpu.memref_squeeze %dma_start3A_69 : memref<1x128xi32, #tpu.memory_space<vmem>> -> memref<128xi32, #tpu.memory_space<vmem>>
    %dma_start3A_71 = arith.constant 0 : i32
    %dma_start3A_72 = arith.constant 0 : i32
    %dma_start3A_73 = tpu.memref_slice %arg15[%dma_start3A_71, %dma_start3A_72] : memref<1024x32xf32, #tpu.memory_space<vmem_shared>> -> memref<1024x32xf32, #tpu.memory_space<vmem_shared>>
    tpu.enqueue_indirect_dma source(%dma_start3A_73 : memref<1024x32xf32, #tpu.memory_space<vmem_shared>>) target(%dma_start3A_67 : memref<128x32xf32, #tpu.memory_space<vmem>>) offsets(%dma_start3A_70 : memref<128xi32, #tpu.memory_space<vmem>>) semaphore(%arg16 : memref<!tpu.dma_semaphore, #tpu.memory_space<semaphore_mem>>)
    %dma_start3A_74 = arith.constant 3 : i32
    %dma_start3A_75 = arith.constant 384 : i32
    %dma_start3A_76 = arith.constant 0 : i32
    %dma_start3A_77 = tpu.memref_slice %arg10[%dma_start3A_75, %dma_start3A_76] : memref<2048x32xf32, #tpu.memory_space<vmem>> -> memref<128x32xf32, #tpu.memory_space<vmem>>
    %dma_start3A_78 = arith.constant 0 : i32
    %dma_start3A_79 = tpu.memref_slice %arg9[%dma_start3A_74, %dma_start3A_78] : memref<16x128xi32, #tpu.memory_space<vmem>> -> memref<1x128xi32, #tpu.memory_space<vmem>>
    %dma_start3A_80 = tpu.memref_squeeze %dma_start3A_79 : memref<1x128xi32, #tpu.memory_space<vmem>> -> memref<128xi32, #tpu.memory_space<vmem>>
    %dma_start3A_81 = arith.constant 0 : i32
    %dma_start3A_82 = arith.constant 0 : i32
    %dma_start3A_83 = tpu.memref_slice %arg15[%dma_start3A_81, %dma_start3A_82] : memref<1024x32xf32, #tpu.memory_space<vmem_shared>> -> memref<1024x32xf32, #tpu.memory_space<vmem_shared>>
    tpu.enqueue_indirect_dma source(%dma_start3A_83 : memref<1024x32xf32, #tpu.memory_space<vmem_shared>>) target(%dma_start3A_77 : memref<128x32xf32, #tpu.memory_space<vmem>>) offsets(%dma_start3A_80 : memref<128xi32, #tpu.memory_space<vmem>>) semaphore(%arg16 : memref<!tpu.dma_semaphore, #tpu.memory_space<semaphore_mem>>)
    %dma_start3A_84 = arith.constant 4 : i32
    %dma_start3A_85 = arith.constant 512 : i32
    %dma_start3A_86 = arith.constant 0 : i32
    %dma_start3A_87 = tpu.memref_slice %arg10[%dma_start3A_85, %dma_start3A_86] : memref<2048x32xf32, #tpu.memory_space<vmem>> -> memref<128x32xf32, #tpu.memory_space<vmem>>
    %dma_start3A_88 = arith.constant 0 : i32
    %dma_start3A_89 = tpu.memref_slice %arg9[%dma_start3A_84, %dma_start3A_88] : memref<16x128xi32, #tpu.memory_space<vmem>> -> memref<1x128xi32, #tpu.memory_space<vmem>>
    %dma_start3A_90 = tpu.memref_squeeze %dma_start3A_89 : memref<1x128xi32, #tpu.memory_space<vmem>> -> memref<128xi32, #tpu.memory_space<vmem>>
    %dma_start3A_91 = arith.constant 0 : i32
    %dma_start3A_92 = arith.constant 0 : i32
    %dma_start3A_93 = tpu.memref_slice %arg15[%dma_start3A_91, %dma_start3A_92] : memref<1024x32xf32, #tpu.memory_space<vmem_shared>> -> memref<1024x32xf32, #tpu.memory_space<vmem_shared>>
    tpu.enqueue_indirect_dma source(%dma_start3A_93 : memref<1024x32xf32, #tpu.memory_space<vmem_shared>>) target(%dma_start3A_87 : memref<128x32xf32, #tpu.memory_space<vmem>>) offsets(%dma_start3A_90 : memref<128xi32, #tpu.memory_space<vmem>>) semaphore(%arg16 : memref<!tpu.dma_semaphore, #tpu.memory_space<semaphore_mem>>)
    %dma_start3A_94 = arith.constant 5 : i32
    %dma_start3A_95 = arith.constant 640 : i32
    %dma_start3A_96 = arith.constant 0 : i32
    %dma_start3A_97 = tpu.memref_slice %arg10[%dma_start3A_95, %dma_start3A_96] : memref<2048x32xf32, #tpu.memory_space<vmem>> -> memref<128x32xf32, #tpu.memory_space<vmem>>
    %dma_start3A_98 = arith.constant 0 : i32
    %dma_start3A_99 = tpu.memref_slice %arg9[%dma_start3A_94, %dma_start3A_98] : memref<16x128xi32, #tpu.memory_space<vmem>> -> memref<1x128xi32, #tpu.memory_space<vmem>>
    %dma_start3A_100 = tpu.memref_squeeze %dma_start3A_99 : memref<1x128xi32, #tpu.memory_space<vmem>> -> memref<128xi32, #tpu.memory_space<vmem>>
    %dma_start3A_101 = arith.constant 0 : i32
    %dma_start3A_102 = arith.constant 0 : i32
    %dma_start3A_103 = tpu.memref_slice %arg15[%dma_start3A_101, %dma_start3A_102] : memref<1024x32xf32, #tpu.memory_space<vmem_shared>> -> memref<1024x32xf32, #tpu.memory_space<vmem_shared>>
    tpu.enqueue_indirect_dma source(%dma_start3A_103 : memref<1024x32xf32, #tpu.memory_space<vmem_shared>>) target(%dma_start3A_97 : memref<128x32xf32, #tpu.memory_space<vmem>>) offsets(%dma_start3A_100 : memref<128xi32, #tpu.memory_space<vmem>>) semaphore(%arg16 : memref<!tpu.dma_semaphore, #tpu.memory_space<semaphore_mem>>)
    %dma_start3A_104 = arith.constant 6 : i32
    %dma_start3A_105 = arith.constant 768 : i32
    %dma_start3A_106 = arith.constant 0 : i32
    %dma_start3A_107 = tpu.memref_slice %arg10[%dma_start3A_105, %dma_start3A_106] : memref<2048x32xf32, #tpu.memory_space<vmem>> -> memref<128x32xf32, #tpu.memory_space<vmem>>
    %dma_start3A_108 = arith.constant 0 : i32
    %dma_start3A_109 = tpu.memref_slice %arg9[%dma_start3A_104, %dma_start3A_108] : memref<16x128xi32, #tpu.memory_space<vmem>> -> memref<1x128xi32, #tpu.memory_space<vmem>>
    %dma_start3A_110 = tpu.memref_squeeze %dma_start3A_109 : memref<1x128xi32, #tpu.memory_space<vmem>> -> memref<128xi32, #tpu.memory_space<vmem>>
    %dma_start3A_111 = arith.constant 0 : i32
    %dma_start3A_112 = arith.constant 0 : i32
    %dma_start3A_113 = tpu.memref_slice %arg15[%dma_start3A_111, %dma_start3A_112] : memref<1024x32xf32, #tpu.memory_space<vmem_shared>> -> memref<1024x32xf32, #tpu.memory_space<vmem_shared>>
    tpu.enqueue_indirect_dma source(%dma_start3A_113 : memref<1024x32xf32, #tpu.memory_space<vmem_shared>>) target(%dma_start3A_107 : memref<128x32xf32, #tpu.memory_space<vmem>>) offsets(%dma_start3A_110 : memref<128xi32, #tpu.memory_space<vmem>>) semaphore(%arg16 : memref<!tpu.dma_semaphore, #tpu.memory_space<semaphore_mem>>)
    %dma_start3A_114 = arith.constant 7 : i32
    %dma_start3A_115 = arith.constant 896 : i32
    %dma_start3A_116 = arith.constant 0 : i32
    %dma_start3A_117 = tpu.memref_slice %arg10[%dma_start3A_115, %dma_start3A_116] : memref<2048x32xf32, #tpu.memory_space<vmem>> -> memref<128x32xf32, #tpu.memory_space<vmem>>
    %dma_start3A_118 = arith.constant 0 : i32
    %dma_start3A_119 = tpu.memref_slice %arg9[%dma_start3A_114, %dma_start3A_118] : memref<16x128xi32, #tpu.memory_space<vmem>> -> memref<1x128xi32, #tpu.memory_space<vmem>>
    %dma_start3A_120 = tpu.memref_squeeze %dma_start3A_119 : memref<1x128xi32, #tpu.memory_space<vmem>> -> memref<128xi32, #tpu.memory_space<vmem>>
    %dma_start3A_121 = arith.constant 0 : i32
    %dma_start3A_122 = arith.constant 0 : i32
    %dma_start3A_123 = tpu.memref_slice %arg15[%dma_start3A_121, %dma_start3A_122] : memref<1024x32xf32, #tpu.memory_space<vmem_shared>> -> memref<1024x32xf32, #tpu.memory_space<vmem_shared>>
    tpu.enqueue_indirect_dma source(%dma_start3A_123 : memref<1024x32xf32, #tpu.memory_space<vmem_shared>>) target(%dma_start3A_117 : memref<128x32xf32, #tpu.memory_space<vmem>>) offsets(%dma_start3A_120 : memref<128xi32, #tpu.memory_space<vmem>>) semaphore(%arg16 : memref<!tpu.dma_semaphore, #tpu.memory_space<semaphore_mem>>)
    %dma_start3A_124 = arith.constant 8 : i32
    %dma_start3A_125 = arith.constant 1024 : i32
    %dma_start3A_126 = arith.constant 0 : i32
    %dma_start3A_127 = tpu.memref_slice %arg10[%dma_start3A_125, %dma_start3A_126] : memref<2048x32xf32, #tpu.memory_space<vmem>> -> memref<128x32xf32, #tpu.memory_space<vmem>>
    %dma_start3A_128 = arith.constant 0 : i32
    %dma_start3A_129 = tpu.memref_slice %arg9[%dma_start3A_124, %dma_start3A_128] : memref<16x128xi32, #tpu.memory_space<vmem>> -> memref<1x128xi32, #tpu.memory_space<vmem>>
    %dma_start3A_130 = tpu.memref_squeeze %dma_start3A_129 : memref<1x128xi32, #tpu.memory_space<vmem>> -> memref<128xi32, #tpu.memory_space<vmem>>
    %dma_start3A_131 = arith.constant 0 : i32
    %dma_start3A_132 = arith.constant 0 : i32
    %dma_start3A_133 = tpu.memref_slice %arg15[%dma_start3A_131, %dma_start3A_132] : memref<1024x32xf32, #tpu.memory_space<vmem_shared>> -> memref<1024x32xf32, #tpu.memory_space<vmem_shared>>
    tpu.enqueue_indirect_dma source(%dma_start3A_133 : memref<1024x32xf32, #tpu.memory_space<vmem_shared>>) target(%dma_start3A_127 : memref<128x32xf32, #tpu.memory_space<vmem>>) offsets(%dma_start3A_130 : memref<128xi32, #tpu.memory_space<vmem>>) semaphore(%arg16 : memref<!tpu.dma_semaphore, #tpu.memory_space<semaphore_mem>>)
    %dma_start3A_134 = arith.constant 9 : i32
    %dma_start3A_135 = arith.constant 1152 : i32
    %dma_start3A_136 = arith.constant 0 : i32
    %dma_start3A_137 = tpu.memref_slice %arg10[%dma_start3A_135, %dma_start3A_136] : memref<2048x32xf32, #tpu.memory_space<vmem>> -> memref<128x32xf32, #tpu.memory_space<vmem>>
    %dma_start3A_138 = arith.constant 0 : i32
    %dma_start3A_139 = tpu.memref_slice %arg9[%dma_start3A_134, %dma_start3A_138] : memref<16x128xi32, #tpu.memory_space<vmem>> -> memref<1x128xi32, #tpu.memory_space<vmem>>
    %dma_start3A_140 = tpu.memref_squeeze %dma_start3A_139 : memref<1x128xi32, #tpu.memory_space<vmem>> -> memref<128xi32, #tpu.memory_space<vmem>>
    %dma_start3A_141 = arith.constant 0 : i32
    %dma_start3A_142 = arith.constant 0 : i32
    %dma_start3A_143 = tpu.memref_slice %arg15[%dma_start3A_141, %dma_start3A_142] : memref<1024x32xf32, #tpu.memory_space<vmem_shared>> -> memref<1024x32xf32, #tpu.memory_space<vmem_shared>>
    tpu.enqueue_indirect_dma source(%dma_start3A_143 : memref<1024x32xf32, #tpu.memory_space<vmem_shared>>) target(%dma_start3A_137 : memref<128x32xf32, #tpu.memory_space<vmem>>) offsets(%dma_start3A_140 : memref<128xi32, #tpu.memory_space<vmem>>) semaphore(%arg16 : memref<!tpu.dma_semaphore, #tpu.memory_space<semaphore_mem>>)
    %dma_start3A_144 = arith.constant 10 : i32
    %dma_start3A_145 = arith.constant 1280 : i32
    %dma_start3A_146 = arith.constant 0 : i32
    %dma_start3A_147 = tpu.memref_slice %arg10[%dma_start3A_145, %dma_start3A_146] : memref<2048x32xf32, #tpu.memory_space<vmem>> -> memref<128x32xf32, #tpu.memory_space<vmem>>
    %dma_start3A_148 = arith.constant 0 : i32
    %dma_start3A_149 = tpu.memref_slice %arg9[%dma_start3A_144, %dma_start3A_148] : memref<16x128xi32, #tpu.memory_space<vmem>> -> memref<1x128xi32, #tpu.memory_space<vmem>>
    %dma_start3A_150 = tpu.memref_squeeze %dma_start3A_149 : memref<1x128xi32, #tpu.memory_space<vmem>> -> memref<128xi32, #tpu.memory_space<vmem>>
    %dma_start3A_151 = arith.constant 0 : i32
    %dma_start3A_152 = arith.constant 0 : i32
    %dma_start3A_153 = tpu.memref_slice %arg15[%dma_start3A_151, %dma_start3A_152] : memref<1024x32xf32, #tpu.memory_space<vmem_shared>> -> memref<1024x32xf32, #tpu.memory_space<vmem_shared>>
    tpu.enqueue_indirect_dma source(%dma_start3A_153 : memref<1024x32xf32, #tpu.memory_space<vmem_shared>>) target(%dma_start3A_147 : memref<128x32xf32, #tpu.memory_space<vmem>>) offsets(%dma_start3A_150 : memref<128xi32, #tpu.memory_space<vmem>>) semaphore(%arg16 : memref<!tpu.dma_semaphore, #tpu.memory_space<semaphore_mem>>)
    %dma_start3A_154 = arith.constant 11 : i32
    %dma_start3A_155 = arith.constant 1408 : i32
    %dma_start3A_156 = arith.constant 0 : i32
    %dma_start3A_157 = tpu.memref_slice %arg10[%dma_start3A_155, %dma_start3A_156] : memref<2048x32xf32, #tpu.memory_space<vmem>> -> memref<128x32xf32, #tpu.memory_space<vmem>>
    %dma_start3A_158 = arith.constant 0 : i32
    %dma_start3A_159 = tpu.memref_slice %arg9[%dma_start3A_154, %dma_start3A_158] : memref<16x128xi32, #tpu.memory_space<vmem>> -> memref<1x128xi32, #tpu.memory_space<vmem>>
    %dma_start3A_160 = tpu.memref_squeeze %dma_start3A_159 : memref<1x128xi32, #tpu.memory_space<vmem>> -> memref<128xi32, #tpu.memory_space<vmem>>
    %dma_start3A_161 = arith.constant 0 : i32
    %dma_start3A_162 = arith.constant 0 : i32
    %dma_start3A_163 = tpu.memref_slice %arg15[%dma_start3A_161, %dma_start3A_162] : memref<1024x32xf32, #tpu.memory_space<vmem_shared>> -> memref<1024x32xf32, #tpu.memory_space<vmem_shared>>
    tpu.enqueue_indirect_dma source(%dma_start3A_163 : memref<1024x32xf32, #tpu.memory_space<vmem_shared>>) target(%dma_start3A_157 : memref<128x32xf32, #tpu.memory_space<vmem>>) offsets(%dma_start3A_160 : memref<128xi32, #tpu.memory_space<vmem>>) semaphore(%arg16 : memref<!tpu.dma_semaphore, #tpu.memory_space<semaphore_mem>>)
    %dma_start3A_164 = arith.constant 12 : i32
    %dma_start3A_165 = arith.constant 1536 : i32
    %dma_start3A_166 = arith.constant 0 : i32
    %dma_start3A_167 = tpu.memref_slice %arg10[%dma_start3A_165, %dma_start3A_166] : memref<2048x32xf32, #tpu.memory_space<vmem>> -> memref<128x32xf32, #tpu.memory_space<vmem>>
    %dma_start3A_168 = arith.constant 0 : i32
    %dma_start3A_169 = tpu.memref_slice %arg9[%dma_start3A_164, %dma_start3A_168] : memref<16x128xi32, #tpu.memory_space<vmem>> -> memref<1x128xi32, #tpu.memory_space<vmem>>
    %dma_start3A_170 = tpu.memref_squeeze %dma_start3A_169 : memref<1x128xi32, #tpu.memory_space<vmem>> -> memref<128xi32, #tpu.memory_space<vmem>>
    %dma_start3A_171 = arith.constant 0 : i32
    %dma_start3A_172 = arith.constant 0 : i32
    %dma_start3A_173 = tpu.memref_slice %arg15[%dma_start3A_171, %dma_start3A_172] : memref<1024x32xf32, #tpu.memory_space<vmem_shared>> -> memref<1024x32xf32, #tpu.memory_space<vmem_shared>>
    tpu.enqueue_indirect_dma source(%dma_start3A_173 : memref<1024x32xf32, #tpu.memory_space<vmem_shared>>) target(%dma_start3A_167 : memref<128x32xf32, #tpu.memory_space<vmem>>) offsets(%dma_start3A_170 : memref<128xi32, #tpu.memory_space<vmem>>) semaphore(%arg16 : memref<!tpu.dma_semaphore, #tpu.memory_space<semaphore_mem>>)
    %dma_start3A_174 = arith.constant 13 : i32
    %dma_start3A_175 = arith.constant 1664 : i32
    %dma_start3A_176 = arith.constant 0 : i32
    %dma_start3A_177 = tpu.memref_slice %arg10[%dma_start3A_175, %dma_start3A_176] : memref<2048x32xf32, #tpu.memory_space<vmem>> -> memref<128x32xf32, #tpu.memory_space<vmem>>
    %dma_start3A_178 = arith.constant 0 : i32
    %dma_start3A_179 = tpu.memref_slice %arg9[%dma_start3A_174, %dma_start3A_178] : memref<16x128xi32, #tpu.memory_space<vmem>> -> memref<1x128xi32, #tpu.memory_space<vmem>>
    %dma_start3A_180 = tpu.memref_squeeze %dma_start3A_179 : memref<1x128xi32, #tpu.memory_space<vmem>> -> memref<128xi32, #tpu.memory_space<vmem>>
    %dma_start3A_181 = arith.constant 0 : i32
    %dma_start3A_182 = arith.constant 0 : i32
    %dma_start3A_183 = tpu.memref_slice %arg15[%dma_start3A_181, %dma_start3A_182] : memref<1024x32xf32, #tpu.memory_space<vmem_shared>> -> memref<1024x32xf32, #tpu.memory_space<vmem_shared>>
    tpu.enqueue_indirect_dma source(%dma_start3A_183 : memref<1024x32xf32, #tpu.memory_space<vmem_shared>>) target(%dma_start3A_177 : memref<128x32xf32, #tpu.memory_space<vmem>>) offsets(%dma_start3A_180 : memref<128xi32, #tpu.memory_space<vmem>>) semaphore(%arg16 : memref<!tpu.dma_semaphore, #tpu.memory_space<semaphore_mem>>)
    %dma_start3A_184 = arith.constant 14 : i32
    %dma_start3A_185 = arith.constant 1792 : i32
    %dma_start3A_186 = arith.constant 0 : i32
    %dma_start3A_187 = tpu.memref_slice %arg10[%dma_start3A_185, %dma_start3A_186] : memref<2048x32xf32, #tpu.memory_space<vmem>> -> memref<128x32xf32, #tpu.memory_space<vmem>>
    %dma_start3A_188 = arith.constant 0 : i32
    %dma_start3A_189 = tpu.memref_slice %arg9[%dma_start3A_184, %dma_start3A_188] : memref<16x128xi32, #tpu.memory_space<vmem>> -> memref<1x128xi32, #tpu.memory_space<vmem>>
    %dma_start3A_190 = tpu.memref_squeeze %dma_start3A_189 : memref<1x128xi32, #tpu.memory_space<vmem>> -> memref<128xi32, #tpu.memory_space<vmem>>
    %dma_start3A_191 = arith.constant 0 : i32
    %dma_start3A_192 = arith.constant 0 : i32
    %dma_start3A_193 = tpu.memref_slice %arg15[%dma_start3A_191, %dma_start3A_192] : memref<1024x32xf32, #tpu.memory_space<vmem_shared>> -> memref<1024x32xf32, #tpu.memory_space<vmem_shared>>
    tpu.enqueue_indirect_dma source(%dma_start3A_193 : memref<1024x32xf32, #tpu.memory_space<vmem_shared>>) target(%dma_start3A_187 : memref<128x32xf32, #tpu.memory_space<vmem>>) offsets(%dma_start3A_190 : memref<128xi32, #tpu.memory_space<vmem>>) semaphore(%arg16 : memref<!tpu.dma_semaphore, #tpu.memory_space<semaphore_mem>>)
    %dma_start3A_194 = arith.constant 15 : i32
    %dma_start3A_195 = arith.constant 1920 : i32
    %dma_start3A_196 = arith.constant 0 : i32
    %dma_start3A_197 = tpu.memref_slice %arg10[%dma_start3A_195, %dma_start3A_196] : memref<2048x32xf32, #tpu.memory_space<vmem>> -> memref<128x32xf32, #tpu.memory_space<vmem>>
    %dma_start3A_198 = arith.constant 0 : i32
    %dma_start3A_199 = tpu.memref_slice %arg9[%dma_start3A_194, %dma_start3A_198] : memref<16x128xi32, #tpu.memory_space<vmem>> -> memref<1x128xi32, #tpu.memory_space<vmem>>
    %dma_start3A_200 = tpu.memref_squeeze %dma_start3A_199 : memref<1x128xi32, #tpu.memory_space<vmem>> -> memref<128xi32, #tpu.memory_space<vmem>>
    %dma_start3A_201 = arith.constant 0 : i32
    %dma_start3A_202 = arith.constant 0 : i32
    %dma_start3A_203 = tpu.memref_slice %arg15[%dma_start3A_201, %dma_start3A_202] : memref<1024x32xf32, #tpu.memory_space<vmem_shared>> -> memref<1024x32xf32, #tpu.memory_space<vmem_shared>>
    tpu.enqueue_indirect_dma source(%dma_start3A_203 : memref<1024x32xf32, #tpu.memory_space<vmem_shared>>) target(%dma_start3A_197 : memref<128x32xf32, #tpu.memory_space<vmem>>) offsets(%dma_start3A_200 : memref<128xi32, #tpu.memory_space<vmem>>) semaphore(%arg16 : memref<!tpu.dma_semaphore, #tpu.memory_space<semaphore_mem>>)
    %broadcast_in_dim3A = arith.constant 0.000000e+00 : f32
    %broadcast_in_dim3A_204 = vector.broadcast %broadcast_in_dim3A : f32 to vector<16xf32>
    %get3A = arith.constant 0 : i32
    %get3A_205 = arith.index_cast %get3A : i32 to index
    %get3A_206 = arith.constant 0 : index
    %get3A_207 = tpu.vector_load %arg9[%get3A_205, %get3A_206] {strides = array<i32>} : memref<16x128xi32, #tpu.memory_space<vmem>>, vector<16xi32>,
    %gather3A = tpu.vector_load_idx %arg11[%get3A_207] : memref<1024xi32, #tpu.memory_space<vmem>>[vector<16xi32>], vector<16xi32>,
    %swap3A = arith.constant 0 : i32
    %swap3A_208 = arith.index_cast %swap3A : i32 to index
    %swap3A_209 = arith.constant 0 : index
    %swap3A_210 = tpu.vector_load %arg13[%swap3A_208, %swap3A_209] {strides = array<i32>} : memref<16x128xi32, #tpu.memory_space<vmem>>, vector<16xi32>,
    tpu.vector_store %arg13[%swap3A_208, %swap3A_209], %gather3A {strides = array<i32>} : memref<16x128xi32, #tpu.memory_space<vmem>>, vector<16xi32>,
    %gather3A_211 = tpu.vector_load_idx %arg12[%get3A_207] : memref<1024xf32, #tpu.memory_space<vmem>>[vector<16xi32>], vector<16xf32>,
    %add3A_212 = arith.addf %broadcast_in_dim3A_204, %gather3A_211 : vector<16xf32>
    %get3A_213 = arith.constant 0 : i32
    %get3A_214 = arith.index_cast %get3A_213 : i32 to index
    %get3A_215 = arith.constant 16 : index
    %get3A_216 = tpu.vector_load %arg9[%get3A_214, %get3A_215] {strides = array<i32>} : memref<16x128xi32, #tpu.memory_space<vmem>>, vector<16xi32>,
    %gather3A_217 = tpu.vector_load_idx %arg11[%get3A_216] : memref<1024xi32, #tpu.memory_space<vmem>>[vector<16xi32>], vector<16xi32>,
    %swap3A_218 = arith.constant 0 : i32
    %swap3A_219 = arith.index_cast %swap3A_218 : i32 to index
    %swap3A_220 = arith.constant 16 : index
    %swap3A_221 = tpu.vector_load %arg13[%swap3A_219, %swap3A_220] {strides = array<i32>} : memref<16x128xi32, #tpu.memory_space<vmem>>, vector<16xi32>,
    tpu.vector_store %arg13[%swap3A_219, %swap3A_220], %gather3A_217 {strides = array<i32>} : memref<16x128xi32, #tpu.memory_space<vmem>>, vector<16xi32>,
    %gather3A_222 = tpu.vector_load_idx %arg12[%get3A_216] : memref<1024xf32, #tpu.memory_space<vmem>>[vector<16xi32>], vector<16xf32>,
    %add3A_223 = arith.addf %add3A_212, %gather3A_222 : vector<16xf32>
    %get3A_224 = arith.constant 0 : i32
    %get3A_225 = arith.index_cast %get3A_224 : i32 to index
    %get3A_226 = arith.constant 32 : index
    %get3A_227 = tpu.vector_load %arg9[%get3A_225, %get3A_226] {strides = array<i32>} : memref<16x128xi32, #tpu.memory_space<vmem>>, vector<16xi32>,
    %gather3A_228 = tpu.vector_load_idx %arg11[%get3A_227] : memref<1024xi32, #tpu.memory_space<vmem>>[vector<16xi32>], vector<16xi32>,
    %swap3A_229 = arith.constant 0 : i32
    %swap3A_230 = arith.index_cast %swap3A_229 : i32 to index
    %swap3A_231 = arith.constant 32 : index
    %swap3A_232 = tpu.vector_load %arg13[%swap3A_230, %swap3A_231] {strides = array<i32>} : memref<16x128xi32, #tpu.memory_space<vmem>>, vector<16xi32>,
    tpu.vector_store %arg13[%swap3A_230, %swap3A_231], %gather3A_228 {strides = array<i32>} : memref<16x128xi32, #tpu.memory_space<vmem>>, vector<16xi32>,
    %gather3A_233 = tpu.vector_load_idx %arg12[%get3A_227] : memref<1024xf32, #tpu.memory_space<vmem>>[vector<16xi32>], vector<16xf32>,
    %add3A_234 = arith.addf %add3A_223, %gather3A_233 : vector<16xf32>
    %get3A_235 = arith.constant 0 : i32
    %get3A_236 = arith.index_cast %get3A_235 : i32 to index
    %get3A_237 = arith.constant 48 : index
    %get3A_238 = tpu.vector_load %arg9[%get3A_236, %get3A_237] {strides = array<i32>} : memref<16x128xi32, #tpu.memory_space<vmem>>, vector<16xi32>,
    %gather3A_239 = tpu.vector_load_idx %arg11[%get3A_238] : memref<1024xi32, #tpu.memory_space<vmem>>[vector<16xi32>], vector<16xi32>,
    %swap3A_240 = arith.constant 0 : i32
    %swap3A_241 = arith.index_cast %swap3A_240 : i32 to index
    %swap3A_242 = arith.constant 48 : index
    %swap3A_243 = tpu.vector_load %arg13[%swap3A_241, %swap3A_242] {strides = array<i32>} : memref<16x128xi32, #tpu.memory_space<vmem>>, vector<16xi32>,
    tpu.vector_store %arg13[%swap3A_241, %swap3A_242], %gather3A_239 {strides = array<i32>} : memref<16x128xi32, #tpu.memory_space<vmem>>, vector<16xi32>,
    %gather3A_244 = tpu.vector_load_idx %arg12[%get3A_238] : memref<1024xf32, #tpu.memory_space<vmem>>[vector<16xi32>], vector<16xf32>,
    %add3A_245 = arith.addf %add3A_234, %gather3A_244 : vector<16xf32>
    %get3A_246 = arith.constant 0 : i32
    %get3A_247 = arith.index_cast %get3A_246 : i32 to index
    %get3A_248 = arith.constant 64 : index
    %get3A_249 = tpu.vector_load %arg9[%get3A_247, %get3A_248] {strides = array<i32>} : memref<16x128xi32, #tpu.memory_space<vmem>>, vector<16xi32>,
    %gather3A_250 = tpu.vector_load_idx %arg11[%get3A_249] : memref<1024xi32, #tpu.memory_space<vmem>>[vector<16xi32>], vector<16xi32>,
    %swap3A_251 = arith.constant 0 : i32
    %swap3A_252 = arith.index_cast %swap3A_251 : i32 to index
    %swap3A_253 = arith.constant 64 : index
    %swap3A_254 = tpu.vector_load %arg13[%swap3A_252, %swap3A_253] {strides = array<i32>} : memref<16x128xi32, #tpu.memory_space<vmem>>, vector<16xi32>,
    tpu.vector_store %arg13[%swap3A_252, %swap3A_253], %gather3A_250 {strides = array<i32>} : memref<16x128xi32, #tpu.memory_space<vmem>>, vector<16xi32>,
    %gather3A_255 = tpu.vector_load_idx %arg12[%get3A_249] : memref<1024xf32, #tpu.memory_space<vmem>>[vector<16xi32>], vector<16xf32>,
    %add3A_256 = arith.addf %add3A_245, %gather3A_255 : vector<16xf32>
    %get3A_257 = arith.constant 0 : i32
    %get3A_258 = arith.index_cast %get3A_257 : i32 to index
    %get3A_259 = arith.constant 80 : index
    %get3A_260 = tpu.vector_load %arg9[%get3A_258, %get3A_259] {strides = array<i32>} : memref<16x128xi32, #tpu.memory_space<vmem>>, vector<16xi32>,
    %gather3A_261 = tpu.vector_load_idx %arg11[%get3A_260] : memref<1024xi32, #tpu.memory_space<vmem>>[vector<16xi32>], vector<16xi32>,
    %swap3A_262 = arith.constant 0 : i32
    %swap3A_263 = arith.index_cast %swap3A_262 : i32 to index
    %swap3A_264 = arith.constant 80 : index
    %swap3A_265 = tpu.vector_load %arg13[%swap3A_263, %swap3A_264] {strides = array<i32>} : memref<16x128xi32, #tpu.memory_space<vmem>>, vector<16xi32>,
    tpu.vector_store %arg13[%swap3A_263, %swap3A_264], %gather3A_261 {strides = array<i32>} : memref<16x128xi32, #tpu.memory_space<vmem>>, vector<16xi32>,
    %gather3A_266 = tpu.vector_load_idx %arg12[%get3A_260] : memref<1024xf32, #tpu.memory_space<vmem>>[vector<16xi32>], vector<16xf32>,
    %add3A_267 = arith.addf %add3A_256, %gather3A_266 : vector<16xf32>
    %get3A_268 = arith.constant 0 : i32
    %get3A_269 = arith.index_cast %get3A_268 : i32 to index
    %get3A_270 = arith.constant 96 : index
    %get3A_271 = tpu.vector_load %arg9[%get3A_269, %get3A_270] {strides = array<i32>} : memref<16x128xi32, #tpu.memory_space<vmem>>, vector<16xi32>,
    %gather3A_272 = tpu.vector_load_idx %arg11[%get3A_271] : memref<1024xi32, #tpu.memory_space<vmem>>[vector<16xi32>], vector<16xi32>,
    %swap3A_273 = arith.constant 0 : i32
    %swap3A_274 = arith.index_cast %swap3A_273 : i32 to index
    %swap3A_275 = arith.constant 96 : index
    %swap3A_276 = tpu.vector_load %arg13[%swap3A_274, %swap3A_275] {strides = array<i32>} : memref<16x128xi32, #tpu.memory_space<vmem>>, vector<16xi32>,
    tpu.vector_store %arg13[%swap3A_274, %swap3A_275], %gather3A_272 {strides = array<i32>} : memref<16x128xi32, #tpu.memory_space<vmem>>, vector<16xi32>,
    %gather3A_277 = tpu.vector_load_idx %arg12[%get3A_271] : memref<1024xf32, #tpu.memory_space<vmem>>[vector<16xi32>], vector<16xf32>,
    %add3A_278 = arith.addf %add3A_267, %gather3A_277 : vector<16xf32>
    %get3A_279 = arith.constant 0 : i32
    %get3A_280 = arith.index_cast %get3A_279 : i32 to index
    %get3A_281 = arith.constant 112 : index
    %get3A_282 = tpu.vector_load %arg9[%get3A_280, %get3A_281] {strides = array<i32>} : memref<16x128xi32, #tpu.memory_space<vmem>>, vector<16xi32>,
    %gather3A_283 = tpu.vector_load_idx %arg11[%get3A_282] : memref<1024xi32, #tpu.memory_space<vmem>>[vector<16xi32>], vector<16xi32>,
    %swap3A_284 = arith.constant 0 : i32
    %swap3A_285 = arith.index_cast %swap3A_284 : i32 to index
    %swap3A_286 = arith.constant 112 : index
    %swap3A_287 = tpu.vector_load %arg13[%swap3A_285, %swap3A_286] {strides = array<i32>} : memref<16x128xi32, #tpu.memory_space<vmem>>, vector<16xi32>,
    tpu.vector_store %arg13[%swap3A_285, %swap3A_286], %gather3A_283 {strides = array<i32>} : memref<16x128xi32, #tpu.memory_space<vmem>>, vector<16xi32>,
    %gather3A_288 = tpu.vector_load_idx %arg12[%get3A_282] : memref<1024xf32, #tpu.memory_space<vmem>>[vector<16xi32>], vector<16xf32>,
    %add3A_289 = arith.addf %add3A_278, %gather3A_288 : vector<16xf32>
    %get3A_290 = arith.constant 1 : i32
    %get3A_291 = arith.index_cast %get3A_290 : i32 to index
    %get3A_292 = arith.constant 0 : index
    %get3A_293 = tpu.vector_load %arg9[%get3A_291, %get3A_292] {strides = array<i32>} : memref<16x128xi32, #tpu.memory_space<vmem>>, vector<16xi32>,
    %gather3A_294 = tpu.vector_load_idx %arg11[%get3A_293] : memref<1024xi32, #tpu.memory_space<vmem>>[vector<16xi32>], vector<16xi32>,
    %swap3A_295 = arith.constant 1 : i32
    %swap3A_296 = arith.index_cast %swap3A_295 : i32 to index
    %swap3A_297 = arith.constant 0 : index
    %swap3A_298 = tpu.vector_load %arg13[%swap3A_296, %swap3A_297] {strides = array<i32>} : memref<16x128xi32, #tpu.memory_space<vmem>>, vector<16xi32>,
    tpu.vector_store %arg13[%swap3A_296, %swap3A_297], %gather3A_294 {strides = array<i32>} : memref<16x128xi32, #tpu.memory_space<vmem>>, vector<16xi32>,
    %gather3A_299 = tpu.vector_load_idx %arg12[%get3A_293] : memref<1024xf32, #tpu.memory_space<vmem>>[vector<16xi32>], vector<16xf32>,
    %add3A_300 = arith.addf %add3A_289, %gather3A_299 : vector<16xf32>
    %get3A_301 = arith.constant 1 : i32
    %get3A_302 = arith.index_cast %get3A_301 : i32 to index
    %get3A_303 = arith.constant 16 : index
    %get3A_304 = tpu.vector_load %arg9[%get3A_302, %get3A_303] {strides = array<i32>} : memref<16x128xi32, #tpu.memory_space<vmem>>, vector<16xi32>,
    %gather3A_305 = tpu.vector_load_idx %arg11[%get3A_304] : memref<1024xi32, #tpu.memory_space<vmem>>[vector<16xi32>], vector<16xi32>,
    %swap3A_306 = arith.constant 1 : i32
    %swap3A_307 = arith.index_cast %swap3A_306 : i32 to index
    %swap3A_308 = arith.constant 16 : index
    %swap3A_309 = tpu.vector_load %arg13[%swap3A_307, %swap3A_308] {strides = array<i32>} : memref<16x128xi32, #tpu.memory_space<vmem>>, vector<16xi32>,
    tpu.vector_store %arg13[%swap3A_307, %swap3A_308], %gather3A_305 {strides = array<i32>} : memref<16x128xi32, #tpu.memory_space<vmem>>, vector<16xi32>,
    %gather3A_310 = tpu.vector_load_idx %arg12[%get3A_304] : memref<1024xf32, #tpu.memory_space<vmem>>[vector<16xi32>], vector<16xf32>,
    %add3A_311 = arith.addf %add3A_300, %gather3A_310 : vector<16xf32>
    %get3A_312 = arith.constant 1 : i32
    %get3A_313 = arith.index_cast %get3A_312 : i32 to index
    %get3A_314 = arith.constant 32 : index
    %get3A_315 = tpu.vector_load %arg9[%get3A_313, %get3A_314] {strides = array<i32>} : memref<16x128xi32, #tpu.memory_space<vmem>>, vector<16xi32>,
    %gather3A_316 = tpu.vector_load_idx %arg11[%get3A_315] : memref<1024xi32, #tpu.memory_space<vmem>>[vector<16xi32>], vector<16xi32>,
    %swap3A_317 = arith.constant 1 : i32
    %swap3A_318 = arith.index_cast %swap3A_317 : i32 to index
    %swap3A_319 = arith.constant 32 : index
    %swap3A_320 = tpu.vector_load %arg13[%swap3A_318, %swap3A_319] {strides = array<i32>} : memref<16x128xi32, #tpu.memory_space<vmem>>, vector<16xi32>,
    tpu.vector_store %arg13[%swap3A_318, %swap3A_319], %gather3A_316 {strides = array<i32>} : memref<16x128xi32, #tpu.memory_space<vmem>>, vector<16xi32>,
    %gather3A_321 = tpu.vector_load_idx %arg12[%get3A_315] : memref<1024xf32, #tpu.memory_space<vmem>>[vector<16xi32>], vector<16xf32>,
    %add3A_322 = arith.addf %add3A_311, %gather3A_321 : vector<16xf32>
    %get3A_323 = arith.constant 1 : i32
    %get3A_324 = arith.index_cast %get3A_323 : i32 to index
    %get3A_325 = arith.constant 48 : index
    %get3A_326 = tpu.vector_load %arg9[%get3A_324, %get3A_325] {strides = array<i32>} : memref<16x128xi32, #tpu.memory_space<vmem>>, vector<16xi32>,
    %gather3A_327 = tpu.vector_load_idx %arg11[%get3A_326] : memref<1024xi32, #tpu.memory_space<vmem>>[vector<16xi32>], vector<16xi32>,
    %swap3A_328 = arith.constant 1 : i32
    %swap3A_329 = arith.index_cast %swap3A_328 : i32 to index
    %swap3A_330 = arith.constant 48 : index
    %swap3A_331 = tpu.vector_load %arg13[%swap3A_329, %swap3A_330] {strides = array<i32>} : memref<16x128xi32, #tpu.memory_space<vmem>>, vector<16xi32>,
    tpu.vector_store %arg13[%swap3A_329, %swap3A_330], %gather3A_327 {strides = array<i32>} : memref<16x128xi32, #tpu.memory_space<vmem>>, vector<16xi32>,
    %gather3A_332 = tpu.vector_load_idx %arg12[%get3A_326] : memref<1024xf32, #tpu.memory_space<vmem>>[vector<16xi32>], vector<16xf32>,
    %add3A_333 = arith.addf %add3A_322, %gather3A_332 : vector<16xf32>
    %get3A_334 = arith.constant 1 : i32
    %get3A_335 = arith.index_cast %get3A_334 : i32 to index
    %get3A_336 = arith.constant 64 : index
    %get3A_337 = tpu.vector_load %arg9[%get3A_335, %get3A_336] {strides = array<i32>} : memref<16x128xi32, #tpu.memory_space<vmem>>, vector<16xi32>,
    %gather3A_338 = tpu.vector_load_idx %arg11[%get3A_337] : memref<1024xi32, #tpu.memory_space<vmem>>[vector<16xi32>], vector<16xi32>,
    %swap3A_339 = arith.constant 1 : i32
    %swap3A_340 = arith.index_cast %swap3A_339 : i32 to index
    %swap3A_341 = arith.constant 64 : index
    %swap3A_342 = tpu.vector_load %arg13[%swap3A_340, %swap3A_341] {strides = array<i32>} : memref<16x128xi32, #tpu.memory_space<vmem>>, vector<16xi32>,
    tpu.vector_store %arg13[%swap3A_340, %swap3A_341], %gather3A_338 {strides = array<i32>} : memref<16x128xi32, #tpu.memory_space<vmem>>, vector<16xi32>,
    %gather3A_343 = tpu.vector_load_idx %arg12[%get3A_337] : memref<1024xf32, #tpu.memory_space<vmem>>[vector<16xi32>], vector<16xf32>,
    %add3A_344 = arith.addf %add3A_333, %gather3A_343 : vector<16xf32>
    %get3A_345 = arith.constant 1 : i32
    %get3A_346 = arith.index_cast %get3A_345 : i32 to index
    %get3A_347 = arith.constant 80 : index
    %get3A_348 = tpu.vector_load %arg9[%get3A_346, %get3A_347] {strides = array<i32>} : memref<16x128xi32, #tpu.memory_space<vmem>>, vector<16xi32>,
    %gather3A_349 = tpu.vector_load_idx %arg11[%get3A_348] : memref<1024xi32, #tpu.memory_space<vmem>>[vector<16xi32>], vector<16xi32>,
    %swap3A_350 = arith.constant 1 : i32
    %swap3A_351 = arith.index_cast %swap3A_350 : i32 to index
    %swap3A_352 = arith.constant 80 : index
    %swap3A_353 = tpu.vector_load %arg13[%swap3A_351, %swap3A_352] {strides = array<i32>} : memref<16x128xi32, #tpu.memory_space<vmem>>, vector<16xi32>,
    tpu.vector_store %arg13[%swap3A_351, %swap3A_352], %gather3A_349 {strides = array<i32>} : memref<16x128xi32, #tpu.memory_space<vmem>>, vector<16xi32>,
    %gather3A_354 = tpu.vector_load_idx %arg12[%get3A_348] : memref<1024xf32, #tpu.memory_space<vmem>>[vector<16xi32>], vector<16xf32>,
    %add3A_355 = arith.addf %add3A_344, %gather3A_354 : vector<16xf32>
    %get3A_356 = arith.constant 1 : i32
    %get3A_357 = arith.index_cast %get3A_356 : i32 to index
    %get3A_358 = arith.constant 96 : index
    %get3A_359 = tpu.vector_load %arg9[%get3A_357, %get3A_358] {strides = array<i32>} : memref<16x128xi32, #tpu.memory_space<vmem>>, vector<16xi32>,
    %gather3A_360 = tpu.vector_load_idx %arg11[%get3A_359] : memref<1024xi32, #tpu.memory_space<vmem>>[vector<16xi32>], vector<16xi32>,
    %swap3A_361 = arith.constant 1 : i32
    %swap3A_362 = arith.index_cast %swap3A_361 : i32 to index
    %swap3A_363 = arith.constant 96 : index
    %swap3A_364 = tpu.vector_load %arg13[%swap3A_362, %swap3A_363] {strides = array<i32>} : memref<16x128xi32, #tpu.memory_space<vmem>>, vector<16xi32>,
    tpu.vector_store %arg13[%swap3A_362, %swap3A_363], %gather3A_360 {strides = array<i32>} : memref<16x128xi32, #tpu.memory_space<vmem>>, vector<16xi32>,
    %gather3A_365 = tpu.vector_load_idx %arg12[%get3A_359] : memref<1024xf32, #tpu.memory_space<vmem>>[vector<16xi32>], vector<16xf32>,
    %add3A_366 = arith.addf %add3A_355, %gather3A_365 : vector<16xf32>
    %get3A_367 = arith.constant 1 : i32
    %get3A_368 = arith.index_cast %get3A_367 : i32 to index
    %get3A_369 = arith.constant 112 : index
    %get3A_370 = tpu.vector_load %arg9[%get3A_368, %get3A_369] {strides = array<i32>} : memref<16x128xi32, #tpu.memory_space<vmem>>, vector<16xi32>,
    %gather3A_371 = tpu.vector_load_idx %arg11[%get3A_370] : memref<1024xi32, #tpu.memory_space<vmem>>[vector<16xi32>], vector<16xi32>,
    %swap3A_372 = arith.constant 1 : i32
    %swap3A_373 = arith.index_cast %swap3A_372 : i32 to index
    %swap3A_374 = arith.constant 112 : index
    %swap3A_375 = tpu.vector_load %arg13[%swap3A_373, %swap3A_374] {strides = array<i32>} : memref<16x128xi32, #tpu.memory_space<vmem>>, vector<16xi32>,
    tpu.vector_store %arg13[%swap3A_373, %swap3A_374], %gather3A_371 {strides = array<i32>} : memref<16x128xi32, #tpu.memory_space<vmem>>, vector<16xi32>,
    %gather3A_376 = tpu.vector_load_idx %arg12[%get3A_370] : memref<1024xf32, #tpu.memory_space<vmem>>[vector<16xi32>], vector<16xf32>,
    %add3A_377 = arith.addf %add3A_366, %gather3A_376 : vector<16xf32>
    %get3A_378 = arith.constant 2 : i32
    %get3A_379 = arith.index_cast %get3A_378 : i32 to index
    %get3A_380 = arith.constant 0 : index
    %get3A_381 = tpu.vector_load %arg9[%get3A_379, %get3A_380] {strides = array<i32>} : memref<16x128xi32, #tpu.memory_space<vmem>>, vector<16xi32>,
    %gather3A_382 = tpu.vector_load_idx %arg11[%get3A_381] : memref<1024xi32, #tpu.memory_space<vmem>>[vector<16xi32>], vector<16xi32>,
    %swap3A_383 = arith.constant 2 : i32
    %swap3A_384 = arith.index_cast %swap3A_383 : i32 to index
    %swap3A_385 = arith.constant 0 : index
    %swap3A_386 = tpu.vector_load %arg13[%swap3A_384, %swap3A_385] {strides = array<i32>} : memref<16x128xi32, #tpu.memory_space<vmem>>, vector<16xi32>,
    tpu.vector_store %arg13[%swap3A_384, %swap3A_385], %gather3A_382 {strides = array<i32>} : memref<16x128xi32, #tpu.memory_space<vmem>>, vector<16xi32>,
    %gather3A_387 = tpu.vector_load_idx %arg12[%get3A_381] : memref<1024xf32, #tpu.memory_space<vmem>>[vector<16xi32>], vector<16xf32>,
    %add3A_388 = arith.addf %add3A_377, %gather3A_387 : vector<16xf32>
    %get3A_389 = arith.constant 2 : i32
    %get3A_390 = arith.index_cast %get3A_389 : i32 to index
    %get3A_391 = arith.constant 16 : index
    %get3A_392 = tpu.vector_load %arg9[%get3A_390, %get3A_391] {strides = array<i32>} : memref<16x128xi32, #tpu.memory_space<vmem>>, vector<16xi32>,
    %gather3A_393 = tpu.vector_load_idx %arg11[%get3A_392] : memref<1024xi32, #tpu.memory_space<vmem>>[vector<16xi32>], vector<16xi32>,
    %swap3A_394 = arith.constant 2 : i32
    %swap3A_395 = arith.index_cast %swap3A_394 : i32 to index
    %swap3A_396 = arith.constant 16 : index
    %swap3A_397 = tpu.vector_load %arg13[%swap3A_395, %swap3A_396] {strides = array<i32>} : memref<16x128xi32, #tpu.memory_space<vmem>>, vector<16xi32>,
    tpu.vector_store %arg13[%swap3A_395, %swap3A_396], %gather3A_393 {strides = array<i32>} : memref<16x128xi32, #tpu.memory_space<vmem>>, vector<16xi32>,
    %gather3A_398 = tpu.vector_load_idx %arg12[%get3A_392] : memref<1024xf32, #tpu.memory_space<vmem>>[vector<16xi32>], vector<16xf32>,
    %add3A_399 = arith.addf %add3A_388, %gather3A_398 : vector<16xf32>
    %get3A_400 = arith.constant 2 : i32
    %get3A_401 = arith.index_cast %get3A_400 : i32 to index
    %get3A_402 = arith.constant 32 : index
    %get3A_403 = tpu.vector_load %arg9[%get3A_401, %get3A_402] {strides = array<i32>} : memref<16x128xi32, #tpu.memory_space<vmem>>, vector<16xi32>,
    %gather3A_404 = tpu.vector_load_idx %arg11[%get3A_403] : memref<1024xi32, #tpu.memory_space<vmem>>[vector<16xi32>], vector<16xi32>,
    %swap3A_405 = arith.constant 2 : i32
    %swap3A_406 = arith.index_cast %swap3A_405 : i32 to index
    %swap3A_407 = arith.constant 32 : index
    %swap3A_408 = tpu.vector_load %arg13[%swap3A_406, %swap3A_407] {strides = array<i32>} : memref<16x128xi32, #tpu.memory_space<vmem>>, vector<16xi32>,
    tpu.vector_store %arg13[%swap3A_406, %swap3A_407], %gather3A_404 {strides = array<i32>} : memref<16x128xi32, #tpu.memory_space<vmem>>, vector<16xi32>,
    %gather3A_409 = tpu.vector_load_idx %arg12[%get3A_403] : memref<1024xf32, #tpu.memory_space<vmem>>[vector<16xi32>], vector<16xf32>,
    %add3A_410 = arith.addf %add3A_399, %gather3A_409 : vector<16xf32>
    %get3A_411 = arith.constant 2 : i32
    %get3A_412 = arith.index_cast %get3A_411 : i32 to index
    %get3A_413 = arith.constant 48 : index
    %get3A_414 = tpu.vector_load %arg9[%get3A_412, %get3A_413] {strides = array<i32>} : memref<16x128xi32, #tpu.memory_space<vmem>>, vector<16xi32>,
    %gather3A_415 = tpu.vector_load_idx %arg11[%get3A_414] : memref<1024xi32, #tpu.memory_space<vmem>>[vector<16xi32>], vector<16xi32>,
    %swap3A_416 = arith.constant 2 : i32
    %swap3A_417 = arith.index_cast %swap3A_416 : i32 to index
    %swap3A_418 = arith.constant 48 : index
    %swap3A_419 = tpu.vector_load %arg13[%swap3A_417, %swap3A_418] {strides = array<i32>} : memref<16x128xi32, #tpu.memory_space<vmem>>, vector<16xi32>,
    tpu.vector_store %arg13[%swap3A_417, %swap3A_418], %gather3A_415 {strides = array<i32>} : memref<16x128xi32, #tpu.memory_space<vmem>>, vector<16xi32>,
    %gather3A_420 = tpu.vector_load_idx %arg12[%get3A_414] : memref<1024xf32, #tpu.memory_space<vmem>>[vector<16xi32>], vector<16xf32>,
    %add3A_421 = arith.addf %add3A_410, %gather3A_420 : vector<16xf32>
    %get3A_422 = arith.constant 2 : i32
    %get3A_423 = arith.index_cast %get3A_422 : i32 to index
    %get3A_424 = arith.constant 64 : index
    %get3A_425 = tpu.vector_load %arg9[%get3A_423, %get3A_424] {strides = array<i32>} : memref<16x128xi32, #tpu.memory_space<vmem>>, vector<16xi32>,
    %gather3A_426 = tpu.vector_load_idx %arg11[%get3A_425] : memref<1024xi32, #tpu.memory_space<vmem>>[vector<16xi32>], vector<16xi32>,
    %swap3A_427 = arith.constant 2 : i32
    %swap3A_428 = arith.index_cast %swap3A_427 : i32 to index
    %swap3A_429 = arith.constant 64 : index
    %swap3A_430 = tpu.vector_load %arg13[%swap3A_428, %swap3A_429] {strides = array<i32>} : memref<16x128xi32, #tpu.memory_space<vmem>>, vector<16xi32>,
    tpu.vector_store %arg13[%swap3A_428, %swap3A_429], %gather3A_426 {strides = array<i32>} : memref<16x128xi32, #tpu.memory_space<vmem>>, vector<16xi32>,
    %gather3A_431 = tpu.vector_load_idx %arg12[%get3A_425] : memref<1024xf32, #tpu.memory_space<vmem>>[vector<16xi32>], vector<16xf32>,
    %add3A_432 = arith.addf %add3A_421, %gather3A_431 : vector<16xf32>
    %get3A_433 = arith.constant 2 : i32
    %get3A_434 = arith.index_cast %get3A_433 : i32 to index
    %get3A_435 = arith.constant 80 : index
    %get3A_436 = tpu.vector_load %arg9[%get3A_434, %get3A_435] {strides = array<i32>} : memref<16x128xi32, #tpu.memory_space<vmem>>, vector<16xi32>,
    %gather3A_437 = tpu.vector_load_idx %arg11[%get3A_436] : memref<1024xi32, #tpu.memory_space<vmem>>[vector<16xi32>], vector<16xi32>,
    %swap3A_438 = arith.constant 2 : i32
    %swap3A_439 = arith.index_cast %swap3A_438 : i32 to index
    %swap3A_440 = arith.constant 80 : index
    %swap3A_441 = tpu.vector_load %arg13[%swap3A_439, %swap3A_440] {strides = array<i32>} : memref<16x128xi32, #tpu.memory_space<vmem>>, vector<16xi32>,
    tpu.vector_store %arg13[%swap3A_439, %swap3A_440], %gather3A_437 {strides = array<i32>} : memref<16x128xi32, #tpu.memory_space<vmem>>, vector<16xi32>,
    %gather3A_442 = tpu.vector_load_idx %arg12[%get3A_436] : memref<1024xf32, #tpu.memory_space<vmem>>[vector<16xi32>], vector<16xf32>,
    %add3A_443 = arith.addf %add3A_432, %gather3A_442 : vector<16xf32>
    %get3A_444 = arith.constant 2 : i32
    %get3A_445 = arith.index_cast %get3A_444 : i32 to index
    %get3A_446 = arith.constant 96 : index
    %get3A_447 = tpu.vector_load %arg9[%get3A_445, %get3A_446] {strides = array<i32>} : memref<16x128xi32, #tpu.memory_space<vmem>>, vector<16xi32>,
    %gather3A_448 = tpu.vector_load_idx %arg11[%get3A_447] : memref<1024xi32, #tpu.memory_space<vmem>>[vector<16xi32>], vector<16xi32>,
    %swap3A_449 = arith.constant 2 : i32
    %swap3A_450 = arith.index_cast %swap3A_449 : i32 to index
    %swap3A_451 = arith.constant 96 : index
    %swap3A_452 = tpu.vector_load %arg13[%swap3A_450, %swap3A_451] {strides = array<i32>} : memref<16x128xi32, #tpu.memory_space<vmem>>, vector<16xi32>,
    tpu.vector_store %arg13[%swap3A_450, %swap3A_451], %gather3A_448 {strides = array<i32>} : memref<16x128xi32, #tpu.memory_space<vmem>>, vector<16xi32>,
    %gather3A_453 = tpu.vector_load_idx %arg12[%get3A_447] : memref<1024xf32, #tpu.memory_space<vmem>>[vector<16xi32>], vector<16xf32>,
    %add3A_454 = arith.addf %add3A_443, %gather3A_453 : vector<16xf32>
    %get3A_455 = arith.constant 2 : i32
    %get3A_456 = arith.index_cast %get3A_455 : i32 to index
    %get3A_457 = arith.constant 112 : index
    %get3A_458 = tpu.vector_load %arg9[%get3A_456, %get3A_457] {strides = array<i32>} : memref<16x128xi32, #tpu.memory_space<vmem>>, vector<16xi32>,
    %gather3A_459 = tpu.vector_load_idx %arg11[%get3A_458] : memref<1024xi32, #tpu.memory_space<vmem>>[vector<16xi32>], vector<16xi32>,
    %swap3A_460 = arith.constant 2 : i32
    %swap3A_461 = arith.index_cast %swap3A_460 : i32 to index
    %swap3A_462 = arith.constant 112 : index
    %swap3A_463 = tpu.vector_load %arg13[%swap3A_461, %swap3A_462] {strides = array<i32>} : memref<16x128xi32, #tpu.memory_space<vmem>>, vector<16xi32>,
    tpu.vector_store %arg13[%swap3A_461, %swap3A_462], %gather3A_459 {strides = array<i32>} : memref<16x128xi32, #tpu.memory_space<vmem>>, vector<16xi32>,
    %gather3A_464 = tpu.vector_load_idx %arg12[%get3A_458] : memref<1024xf32, #tpu.memory_space<vmem>>[vector<16xi32>], vector<16xf32>,
    %add3A_465 = arith.addf %add3A_454, %gather3A_464 : vector<16xf32>
    %get3A_466 = arith.constant 3 : i32
    %get3A_467 = arith.index_cast %get3A_466 : i32 to index
    %get3A_468 = arith.constant 0 : index
    %get3A_469 = tpu.vector_load %arg9[%get3A_467, %get3A_468] {strides = array<i32>} : memref<16x128xi32, #tpu.memory_space<vmem>>, vector<16xi32>,
    %gather3A_470 = tpu.vector_load_idx %arg11[%get3A_469] : memref<1024xi32, #tpu.memory_space<vmem>>[vector<16xi32>], vector<16xi32>,
    %swap3A_471 = arith.constant 3 : i32
    %swap3A_472 = arith.index_cast %swap3A_471 : i32 to index
    %swap3A_473 = arith.constant 0 : index
    %swap3A_474 = tpu.vector_load %arg13[%swap3A_472, %swap3A_473] {strides = array<i32>} : memref<16x128xi32, #tpu.memory_space<vmem>>, vector<16xi32>,
    tpu.vector_store %arg13[%swap3A_472, %swap3A_473], %gather3A_470 {strides = array<i32>} : memref<16x128xi32, #tpu.memory_space<vmem>>, vector<16xi32>,
    %gather3A_475 = tpu.vector_load_idx %arg12[%get3A_469] : memref<1024xf32, #tpu.memory_space<vmem>>[vector<16xi32>], vector<16xf32>,
    %add3A_476 = arith.addf %add3A_465, %gather3A_475 : vector<16xf32>
    %get3A_477 = arith.constant 3 : i32
    %get3A_478 = arith.index_cast %get3A_477 : i32 to index
    %get3A_479 = arith.constant 16 : index
    %get3A_480 = tpu.vector_load %arg9[%get3A_478, %get3A_479] {strides = array<i32>} : memref<16x128xi32, #tpu.memory_space<vmem>>, vector<16xi32>,
    %gather3A_481 = tpu.vector_load_idx %arg11[%get3A_480] : memref<1024xi32, #tpu.memory_space<vmem>>[vector<16xi32>], vector<16xi32>,
    %swap3A_482 = arith.constant 3 : i32
    %swap3A_483 = arith.index_cast %swap3A_482 : i32 to index
    %swap3A_484 = arith.constant 16 : index
    %swap3A_485 = tpu.vector_load %arg13[%swap3A_483, %swap3A_484] {strides = array<i32>} : memref<16x128xi32, #tpu.memory_space<vmem>>, vector<16xi32>,
    tpu.vector_store %arg13[%swap3A_483, %swap3A_484], %gather3A_481 {strides = array<i32>} : memref<16x128xi32, #tpu.memory_space<vmem>>, vector<16xi32>,
    %gather3A_486 = tpu.vector_load_idx %arg12[%get3A_480] : memref<1024xf32, #tpu.memory_space<vmem>>[vector<16xi32>], vector<16xf32>,
    %add3A_487 = arith.addf %add3A_476, %gather3A_486 : vector<16xf32>
    %get3A_488 = arith.constant 3 : i32
    %get3A_489 = arith.index_cast %get3A_488 : i32 to index
    %get3A_490 = arith.constant 32 : index
    %get3A_491 = tpu.vector_load %arg9[%get3A_489, %get3A_490] {strides = array<i32>} : memref<16x128xi32, #tpu.memory_space<vmem>>, vector<16xi32>,
    %gather3A_492 = tpu.vector_load_idx %arg11[%get3A_491] : memref<1024xi32, #tpu.memory_space<vmem>>[vector<16xi32>], vector<16xi32>,
    %swap3A_493 = arith.constant 3 : i32
    %swap3A_494 = arith.index_cast %swap3A_493 : i32 to index
    %swap3A_495 = arith.constant 32 : index
    %swap3A_496 = tpu.vector_load %arg13[%swap3A_494, %swap3A_495] {strides = array<i32>} : memref<16x128xi32, #tpu.memory_space<vmem>>, vector<16xi32>,
    tpu.vector_store %arg13[%swap3A_494, %swap3A_495], %gather3A_492 {strides = array<i32>} : memref<16x128xi32, #tpu.memory_space<vmem>>, vector<16xi32>,
    %gather3A_497 = tpu.vector_load_idx %arg12[%get3A_491] : memref<1024xf32, #tpu.memory_space<vmem>>[vector<16xi32>], vector<16xf32>,
    %add3A_498 = arith.addf %add3A_487, %gather3A_497 : vector<16xf32>
    %get3A_499 = arith.constant 3 : i32
    %get3A_500 = arith.index_cast %get3A_499 : i32 to index
    %get3A_501 = arith.constant 48 : index
    %get3A_502 = tpu.vector_load %arg9[%get3A_500, %get3A_501] {strides = array<i32>} : memref<16x128xi32, #tpu.memory_space<vmem>>, vector<16xi32>,
    %gather3A_503 = tpu.vector_load_idx %arg11[%get3A_502] : memref<1024xi32, #tpu.memory_space<vmem>>[vector<16xi32>], vector<16xi32>,
    %swap3A_504 = arith.constant 3 : i32
    %swap3A_505 = arith.index_cast %swap3A_504 : i32 to index
    %swap3A_506 = arith.constant 48 : index
    %swap3A_507 = tpu.vector_load %arg13[%swap3A_505, %swap3A_506] {strides = array<i32>} : memref<16x128xi32, #tpu.memory_space<vmem>>, vector<16xi32>,
    tpu.vector_store %arg13[%swap3A_505, %swap3A_506], %gather3A_503 {strides = array<i32>} : memref<16x128xi32, #tpu.memory_space<vmem>>, vector<16xi32>,
    %gather3A_508 = tpu.vector_load_idx %arg12[%get3A_502] : memref<1024xf32, #tpu.memory_space<vmem>>[vector<16xi32>], vector<16xf32>,
    %add3A_509 = arith.addf %add3A_498, %gather3A_508 : vector<16xf32>
    %get3A_510 = arith.constant 3 : i32
    %get3A_511 = arith.index_cast %get3A_510 : i32 to index
    %get3A_512 = arith.constant 64 : index
    %get3A_513 = tpu.vector_load %arg9[%get3A_511, %get3A_512] {strides = array<i32>} : memref<16x128xi32, #tpu.memory_space<vmem>>, vector<16xi32>,
    %gather3A_514 = tpu.vector_load_idx %arg11[%get3A_513] : memref<1024xi32, #tpu.memory_space<vmem>>[vector<16xi32>], vector<16xi32>,
    %swap3A_515 = arith.constant 3 : i32
    %swap3A_516 = arith.index_cast %swap3A_515 : i32 to index
    %swap3A_517 = arith.constant 64 : index
    %swap3A_518 = tpu.vector_load %arg13[%swap3A_516, %swap3A_517] {strides = array<i32>} : memref<16x128xi32, #tpu.memory_space<vmem>>, vector<16xi32>,
    tpu.vector_store %arg13[%swap3A_516, %swap3A_517], %gather3A_514 {strides = array<i32>} : memref<16x128xi32, #tpu.memory_space<vmem>>, vector<16xi32>,
    %gather3A_519 = tpu.vector_load_idx %arg12[%get3A_513] : memref<1024xf32, #tpu.memory_space<vmem>>[vector<16xi32>], vector<16xf32>,
    %add3A_520 = arith.addf %add3A_509, %gather3A_519 : vector<16xf32>
    %get3A_521 = arith.constant 3 : i32
    %get3A_522 = arith.index_cast %get3A_521 : i32 to index
    %get3A_523 = arith.constant 80 : index
    %get3A_524 = tpu.vector_load %arg9[%get3A_522, %get3A_523] {strides = array<i32>} : memref<16x128xi32, #tpu.memory_space<vmem>>, vector<16xi32>,
    %gather3A_525 = tpu.vector_load_idx %arg11[%get3A_524] : memref<1024xi32, #tpu.memory_space<vmem>>[vector<16xi32>], vector<16xi32>,
    %swap3A_526 = arith.constant 3 : i32
    %swap3A_527 = arith.index_cast %swap3A_526 : i32 to index
    %swap3A_528 = arith.constant 80 : index
    %swap3A_529 = tpu.vector_load %arg13[%swap3A_527, %swap3A_528] {strides = array<i32>} : memref<16x128xi32, #tpu.memory_space<vmem>>, vector<16xi32>,
    tpu.vector_store %arg13[%swap3A_527, %swap3A_528], %gather3A_525 {strides = array<i32>} : memref<16x128xi32, #tpu.memory_space<vmem>>, vector<16xi32>,
    %gather3A_530 = tpu.vector_load_idx %arg12[%get3A_524] : memref<1024xf32, #tpu.memory_space<vmem>>[vector<16xi32>], vector<16xf32>,
    %add3A_531 = arith.addf %add3A_520, %gather3A_530 : vector<16xf32>
    %get3A_532 = arith.constant 3 : i32
    %get3A_533 = arith.index_cast %get3A_532 : i32 to index
    %get3A_534 = arith.constant 96 : index
    %get3A_535 = tpu.vector_load %arg9[%get3A_533, %get3A_534] {strides = array<i32>} : memref<16x128xi32, #tpu.memory_space<vmem>>, vector<16xi32>,
    %gather3A_536 = tpu.vector_load_idx %arg11[%get3A_535] : memref<1024xi32, #tpu.memory_space<vmem>>[vector<16xi32>], vector<16xi32>,
    %swap3A_537 = arith.constant 3 : i32
    %swap3A_538 = arith.index_cast %swap3A_537 : i32 to index
    %swap3A_539 = arith.constant 96 : index
    %swap3A_540 = tpu.vector_load %arg13[%swap3A_538, %swap3A_539] {strides = array<i32>} : memref<16x128xi32, #tpu.memory_space<vmem>>, vector<16xi32>,
    tpu.vector_store %arg13[%swap3A_538, %swap3A_539], %gather3A_536 {strides = array<i32>} : memref<16x128xi32, #tpu.memory_space<vmem>>, vector<16xi32>,
    %gather3A_541 = tpu.vector_load_idx %arg12[%get3A_535] : memref<1024xf32, #tpu.memory_space<vmem>>[vector<16xi32>], vector<16xf32>,
    %add3A_542 = arith.addf %add3A_531, %gather3A_541 : vector<16xf32>
    %get3A_543 = arith.constant 3 : i32
    %get3A_544 = arith.index_cast %get3A_543 : i32 to index
    %get3A_545 = arith.constant 112 : index
    %get3A_546 = tpu.vector_load %arg9[%get3A_544, %get3A_545] {strides = array<i32>} : memref<16x128xi32, #tpu.memory_space<vmem>>, vector<16xi32>,
    %gather3A_547 = tpu.vector_load_idx %arg11[%get3A_546] : memref<1024xi32, #tpu.memory_space<vmem>>[vector<16xi32>], vector<16xi32>,
    %swap3A_548 = arith.constant 3 : i32
    %swap3A_549 = arith.index_cast %swap3A_548 : i32 to index
    %swap3A_550 = arith.constant 112 : index
    %swap3A_551 = tpu.vector_load %arg13[%swap3A_549, %swap3A_550] {strides = array<i32>} : memref<16x128xi32, #tpu.memory_space<vmem>>, vector<16xi32>,
    tpu.vector_store %arg13[%swap3A_549, %swap3A_550], %gather3A_547 {strides = array<i32>} : memref<16x128xi32, #tpu.memory_space<vmem>>, vector<16xi32>,
    %gather3A_552 = tpu.vector_load_idx %arg12[%get3A_546] : memref<1024xf32, #tpu.memory_space<vmem>>[vector<16xi32>], vector<16xf32>,
    %add3A_553 = arith.addf %add3A_542, %gather3A_552 : vector<16xf32>
    %get3A_554 = arith.constant 4 : i32
    %get3A_555 = arith.index_cast %get3A_554 : i32 to index
    %get3A_556 = arith.constant 0 : index
    %get3A_557 = tpu.vector_load %arg9[%get3A_555, %get3A_556] {strides = array<i32>} : memref<16x128xi32, #tpu.memory_space<vmem>>, vector<16xi32>,
    %gather3A_558 = tpu.vector_load_idx %arg11[%get3A_557] : memref<1024xi32, #tpu.memory_space<vmem>>[vector<16xi32>], vector<16xi32>,
    %swap3A_559 = arith.constant 4 : i32
    %swap3A_560 = arith.index_cast %swap3A_559 : i32 to index
    %swap3A_561 = arith.constant 0 : index
    %swap3A_562 = tpu.vector_load %arg13[%swap3A_560, %swap3A_561] {strides = array<i32>} : memref<16x128xi32, #tpu.memory_space<vmem>>, vector<16xi32>,
    tpu.vector_store %arg13[%swap3A_560, %swap3A_561], %gather3A_558 {strides = array<i32>} : memref<16x128xi32, #tpu.memory_space<vmem>>, vector<16xi32>,
    %gather3A_563 = tpu.vector_load_idx %arg12[%get3A_557] : memref<1024xf32, #tpu.memory_space<vmem>>[vector<16xi32>], vector<16xf32>,
    %add3A_564 = arith.addf %add3A_553, %gather3A_563 : vector<16xf32>
    %get3A_565 = arith.constant 4 : i32
    %get3A_566 = arith.index_cast %get3A_565 : i32 to index
    %get3A_567 = arith.constant 16 : index
    %get3A_568 = tpu.vector_load %arg9[%get3A_566, %get3A_567] {strides = array<i32>} : memref<16x128xi32, #tpu.memory_space<vmem>>, vector<16xi32>,
    %gather3A_569 = tpu.vector_load_idx %arg11[%get3A_568] : memref<1024xi32, #tpu.memory_space<vmem>>[vector<16xi32>], vector<16xi32>,
    %swap3A_570 = arith.constant 4 : i32
    %swap3A_571 = arith.index_cast %swap3A_570 : i32 to index
    %swap3A_572 = arith.constant 16 : index
    %swap3A_573 = tpu.vector_load %arg13[%swap3A_571, %swap3A_572] {strides = array<i32>} : memref<16x128xi32, #tpu.memory_space<vmem>>, vector<16xi32>,
    tpu.vector_store %arg13[%swap3A_571, %swap3A_572], %gather3A_569 {strides = array<i32>} : memref<16x128xi32, #tpu.memory_space<vmem>>, vector<16xi32>,
    %gather3A_574 = tpu.vector_load_idx %arg12[%get3A_568] : memref<1024xf32, #tpu.memory_space<vmem>>[vector<16xi32>], vector<16xf32>,
    %add3A_575 = arith.addf %add3A_564, %gather3A_574 : vector<16xf32>
    %get3A_576 = arith.constant 4 : i32
    %get3A_577 = arith.index_cast %get3A_576 : i32 to index
    %get3A_578 = arith.constant 32 : index
    %get3A_579 = tpu.vector_load %arg9[%get3A_577, %get3A_578] {strides = array<i32>} : memref<16x128xi32, #tpu.memory_space<vmem>>, vector<16xi32>,
    %gather3A_580 = tpu.vector_load_idx %arg11[%get3A_579] : memref<1024xi32, #tpu.memory_space<vmem>>[vector<16xi32>], vector<16xi32>,
    %swap3A_581 = arith.constant 4 : i32
    %swap3A_582 = arith.index_cast %swap3A_581 : i32 to index
    %swap3A_583 = arith.constant 32 : index
    %swap3A_584 = tpu.vector_load %arg13[%swap3A_582, %swap3A_583] {strides = array<i32>} : memref<16x128xi32, #tpu.memory_space<vmem>>, vector<16xi32>,
    tpu.vector_store %arg13[%swap3A_582, %swap3A_583], %gather3A_580 {strides = array<i32>} : memref<16x128xi32, #tpu.memory_space<vmem>>, vector<16xi32>,
    %gather3A_585 = tpu.vector_load_idx %arg12[%get3A_579] : memref<1024xf32, #tpu.memory_space<vmem>>[vector<16xi32>], vector<16xf32>,
    %add3A_586 = arith.addf %add3A_575, %gather3A_585 : vector<16xf32>
    %get3A_587 = arith.constant 4 : i32
    %get3A_588 = arith.index_cast %get3A_587 : i32 to index
    %get3A_589 = arith.constant 48 : index
    %get3A_590 = tpu.vector_load %arg9[%get3A_588, %get3A_589] {strides = array<i32>} : memref<16x128xi32, #tpu.memory_space<vmem>>, vector<16xi32>,
    %gather3A_591 = tpu.vector_load_idx %arg11[%get3A_590] : memref<1024xi32, #tpu.memory_space<vmem>>[vector<16xi32>], vector<16xi32>,
    %swap3A_592 = arith.constant 4 : i32
    %swap3A_593 = arith.index_cast %swap3A_592 : i32 to index
    %swap3A_594 = arith.constant 48 : index
    %swap3A_595 = tpu.vector_load %arg13[%swap3A_593, %swap3A_594] {strides = array<i32>} : memref<16x128xi32, #tpu.memory_space<vmem>>, vector<16xi32>,
    tpu.vector_store %arg13[%swap3A_593, %swap3A_594], %gather3A_591 {strides = array<i32>} : memref<16x128xi32, #tpu.memory_space<vmem>>, vector<16xi32>,
    %gather3A_596 = tpu.vector_load_idx %arg12[%get3A_590] : memref<1024xf32, #tpu.memory_space<vmem>>[vector<16xi32>], vector<16xf32>,
    %add3A_597 = arith.addf %add3A_586, %gather3A_596 : vector<16xf32>
    %get3A_598 = arith.constant 4 : i32
    %get3A_599 = arith.index_cast %get3A_598 : i32 to index
    %get3A_600 = arith.constant 64 : index
    %get3A_601 = tpu.vector_load %arg9[%get3A_599, %get3A_600] {strides = array<i32>} : memref<16x128xi32, #tpu.memory_space<vmem>>, vector<16xi32>,
    %gather3A_602 = tpu.vector_load_idx %arg11[%get3A_601] : memref<1024xi32, #tpu.memory_space<vmem>>[vector<16xi32>], vector<16xi32>,
    %swap3A_603 = arith.constant 4 : i32
    %swap3A_604 = arith.index_cast %swap3A_603 : i32 to index
    %swap3A_605 = arith.constant 64 : index
    %swap3A_606 = tpu.vector_load %arg13[%swap3A_604, %swap3A_605] {strides = array<i32>} : memref<16x128xi32, #tpu.memory_space<vmem>>, vector<16xi32>,
    tpu.vector_store %arg13[%swap3A_604, %swap3A_605], %gather3A_602 {strides = array<i32>} : memref<16x128xi32, #tpu.memory_space<vmem>>, vector<16xi32>,
    %gather3A_607 = tpu.vector_load_idx %arg12[%get3A_601] : memref<1024xf32, #tpu.memory_space<vmem>>[vector<16xi32>], vector<16xf32>,
    %add3A_608 = arith.addf %add3A_597, %gather3A_607 : vector<16xf32>
    %get3A_609 = arith.constant 4 : i32
    %get3A_610 = arith.index_cast %get3A_609 : i32 to index
    %get3A_611 = arith.constant 80 : index
    %get3A_612 = tpu.vector_load %arg9[%get3A_610, %get3A_611] {strides = array<i32>} : memref<16x128xi32, #tpu.memory_space<vmem>>, vector<16xi32>,
    %gather3A_613 = tpu.vector_load_idx %arg11[%get3A_612] : memref<1024xi32, #tpu.memory_space<vmem>>[vector<16xi32>], vector<16xi32>,
    %swap3A_614 = arith.constant 4 : i32
    %swap3A_615 = arith.index_cast %swap3A_614 : i32 to index
    %swap3A_616 = arith.constant 80 : index
    %swap3A_617 = tpu.vector_load %arg13[%swap3A_615, %swap3A_616] {strides = array<i32>} : memref<16x128xi32, #tpu.memory_space<vmem>>, vector<16xi32>,
    tpu.vector_store %arg13[%swap3A_615, %swap3A_616], %gather3A_613 {strides = array<i32>} : memref<16x128xi32, #tpu.memory_space<vmem>>, vector<16xi32>,
    %gather3A_618 = tpu.vector_load_idx %arg12[%get3A_612] : memref<1024xf32, #tpu.memory_space<vmem>>[vector<16xi32>], vector<16xf32>,
    %add3A_619 = arith.addf %add3A_608, %gather3A_618 : vector<16xf32>
    %get3A_620 = arith.constant 4 : i32
    %get3A_621 = arith.index_cast %get3A_620 : i32 to index
    %get3A_622 = arith.constant 96 : index
    %get3A_623 = tpu.vector_load %arg9[%get3A_621, %get3A_622] {strides = array<i32>} : memref<16x128xi32, #tpu.memory_space<vmem>>, vector<16xi32>,
    %gather3A_624 = tpu.vector_load_idx %arg11[%get3A_623] : memref<1024xi32, #tpu.memory_space<vmem>>[vector<16xi32>], vector<16xi32>,
    %swap3A_625 = arith.constant 4 : i32
    %swap3A_626 = arith.index_cast %swap3A_625 : i32 to index
    %swap3A_627 = arith.constant 96 : index
    %swap3A_628 = tpu.vector_load %arg13[%swap3A_626, %swap3A_627] {strides = array<i32>} : memref<16x128xi32, #tpu.memory_space<vmem>>, vector<16xi32>,
    tpu.vector_store %arg13[%swap3A_626, %swap3A_627], %gather3A_624 {strides = array<i32>} : memref<16x128xi32, #tpu.memory_space<vmem>>, vector<16xi32>,
    %gather3A_629 = tpu.vector_load_idx %arg12[%get3A_623] : memref<1024xf32, #tpu.memory_space<vmem>>[vector<16xi32>], vector<16xf32>,
    %add3A_630 = arith.addf %add3A_619, %gather3A_629 : vector<16xf32>
    %get3A_631 = arith.constant 4 : i32
    %get3A_632 = arith.index_cast %get3A_631 : i32 to index
    %get3A_633 = arith.constant 112 : index
    %get3A_634 = tpu.vector_load %arg9[%get3A_632, %get3A_633] {strides = array<i32>} : memref<16x128xi32, #tpu.memory_space<vmem>>, vector<16xi32>,
    %gather3A_635 = tpu.vector_load_idx %arg11[%get3A_634] : memref<1024xi32, #tpu.memory_space<vmem>>[vector<16xi32>], vector<16xi32>,
    %swap3A_636 = arith.constant 4 : i32
    %swap3A_637 = arith.index_cast %swap3A_636 : i32 to index
    %swap3A_638 = arith.constant 112 : index
    %swap3A_639 = tpu.vector_load %arg13[%swap3A_637, %swap3A_638] {strides = array<i32>} : memref<16x128xi32, #tpu.memory_space<vmem>>, vector<16xi32>,
    tpu.vector_store %arg13[%swap3A_637, %swap3A_638], %gather3A_635 {strides = array<i32>} : memref<16x128xi32, #tpu.memory_space<vmem>>, vector<16xi32>,
    %gather3A_640 = tpu.vector_load_idx %arg12[%get3A_634] : memref<1024xf32, #tpu.memory_space<vmem>>[vector<16xi32>], vector<16xf32>,
    %add3A_641 = arith.addf %add3A_630, %gather3A_640 : vector<16xf32>
    %get3A_642 = arith.constant 5 : i32
    %get3A_643 = arith.index_cast %get3A_642 : i32 to index
    %get3A_644 = arith.constant 0 : index
    %get3A_645 = tpu.vector_load %arg9[%get3A_643, %get3A_644] {strides = array<i32>} : memref<16x128xi32, #tpu.memory_space<vmem>>, vector<16xi32>,
    %gather3A_646 = tpu.vector_load_idx %arg11[%get3A_645] : memref<1024xi32, #tpu.memory_space<vmem>>[vector<16xi32>], vector<16xi32>,
    %swap3A_647 = arith.constant 5 : i32
    %swap3A_648 = arith.index_cast %swap3A_647 : i32 to index
    %swap3A_649 = arith.constant 0 : index
    %swap3A_650 = tpu.vector_load %arg13[%swap3A_648, %swap3A_649] {strides = array<i32>} : memref<16x128xi32, #tpu.memory_space<vmem>>, vector<16xi32>,
    tpu.vector_store %arg13[%swap3A_648, %swap3A_649], %gather3A_646 {strides = array<i32>} : memref<16x128xi32, #tpu.memory_space<vmem>>, vector<16xi32>,
    %gather3A_651 = tpu.vector_load_idx %arg12[%get3A_645] : memref<1024xf32, #tpu.memory_space<vmem>>[vector<16xi32>], vector<16xf32>,
    %add3A_652 = arith.addf %add3A_641, %gather3A_651 : vector<16xf32>
    %get3A_653 = arith.constant 5 : i32
    %get3A_654 = arith.index_cast %get3A_653 : i32 to index
    %get3A_655 = arith.constant 16 : index
    %get3A_656 = tpu.vector_load %arg9[%get3A_654, %get3A_655] {strides = array<i32>} : memref<16x128xi32, #tpu.memory_space<vmem>>, vector<16xi32>,
    %gather3A_657 = tpu.vector_load_idx %arg11[%get3A_656] : memref<1024xi32, #tpu.memory_space<vmem>>[vector<16xi32>], vector<16xi32>,
    %swap3A_658 = arith.constant 5 : i32
    %swap3A_659 = arith.index_cast %swap3A_658 : i32 to index
    %swap3A_660 = arith.constant 16 : index
    %swap3A_661 = tpu.vector_load %arg13[%swap3A_659, %swap3A_660] {strides = array<i32>} : memref<16x128xi32, #tpu.memory_space<vmem>>, vector<16xi32>,
    tpu.vector_store %arg13[%swap3A_659, %swap3A_660], %gather3A_657 {strides = array<i32>} : memref<16x128xi32, #tpu.memory_space<vmem>>, vector<16xi32>,
    %gather3A_662 = tpu.vector_load_idx %arg12[%get3A_656] : memref<1024xf32, #tpu.memory_space<vmem>>[vector<16xi32>], vector<16xf32>,
    %add3A_663 = arith.addf %add3A_652, %gather3A_662 : vector<16xf32>
    %get3A_664 = arith.constant 5 : i32
    %get3A_665 = arith.index_cast %get3A_664 : i32 to index
    %get3A_666 = arith.constant 32 : index
    %get3A_667 = tpu.vector_load %arg9[%get3A_665, %get3A_666] {strides = array<i32>} : memref<16x128xi32, #tpu.memory_space<vmem>>, vector<16xi32>,
    %gather3A_668 = tpu.vector_load_idx %arg11[%get3A_667] : memref<1024xi32, #tpu.memory_space<vmem>>[vector<16xi32>], vector<16xi32>,
    %swap3A_669 = arith.constant 5 : i32
    %swap3A_670 = arith.index_cast %swap3A_669 : i32 to index
    %swap3A_671 = arith.constant 32 : index
    %swap3A_672 = tpu.vector_load %arg13[%swap3A_670, %swap3A_671] {strides = array<i32>} : memref<16x128xi32, #tpu.memory_space<vmem>>, vector<16xi32>,
    tpu.vector_store %arg13[%swap3A_670, %swap3A_671], %gather3A_668 {strides = array<i32>} : memref<16x128xi32, #tpu.memory_space<vmem>>, vector<16xi32>,
    %gather3A_673 = tpu.vector_load_idx %arg12[%get3A_667] : memref<1024xf32, #tpu.memory_space<vmem>>[vector<16xi32>], vector<16xf32>,
    %add3A_674 = arith.addf %add3A_663, %gather3A_673 : vector<16xf32>
    %get3A_675 = arith.constant 5 : i32
    %get3A_676 = arith.index_cast %get3A_675 : i32 to index
    %get3A_677 = arith.constant 48 : index
    %get3A_678 = tpu.vector_load %arg9[%get3A_676, %get3A_677] {strides = array<i32>} : memref<16x128xi32, #tpu.memory_space<vmem>>, vector<16xi32>,
    %gather3A_679 = tpu.vector_load_idx %arg11[%get3A_678] : memref<1024xi32, #tpu.memory_space<vmem>>[vector<16xi32>], vector<16xi32>,
    %swap3A_680 = arith.constant 5 : i32
    %swap3A_681 = arith.index_cast %swap3A_680 : i32 to index
    %swap3A_682 = arith.constant 48 : index
    %swap3A_683 = tpu.vector_load %arg13[%swap3A_681, %swap3A_682] {strides = array<i32>} : memref<16x128xi32, #tpu.memory_space<vmem>>, vector<16xi32>,
    tpu.vector_store %arg13[%swap3A_681, %swap3A_682], %gather3A_679 {strides = array<i32>} : memref<16x128xi32, #tpu.memory_space<vmem>>, vector<16xi32>,
    %gather3A_684 = tpu.vector_load_idx %arg12[%get3A_678] : memref<1024xf32, #tpu.memory_space<vmem>>[vector<16xi32>], vector<16xf32>,
    %add3A_685 = arith.addf %add3A_674, %gather3A_684 : vector<16xf32>
    %get3A_686 = arith.constant 5 : i32
    %get3A_687 = arith.index_cast %get3A_686 : i32 to index
    %get3A_688 = arith.constant 64 : index
    %get3A_689 = tpu.vector_load %arg9[%get3A_687, %get3A_688] {strides = array<i32>} : memref<16x128xi32, #tpu.memory_space<vmem>>, vector<16xi32>,
    %gather3A_690 = tpu.vector_load_idx %arg11[%get3A_689] : memref<1024xi32, #tpu.memory_space<vmem>>[vector<16xi32>], vector<16xi32>,
    %swap3A_691 = arith.constant 5 : i32
    %swap3A_692 = arith.index_cast %swap3A_691 : i32 to index
    %swap3A_693 = arith.constant 64 : index
    %swap3A_694 = tpu.vector_load %arg13[%swap3A_692, %swap3A_693] {strides = array<i32>} : memref<16x128xi32, #tpu.memory_space<vmem>>, vector<16xi32>,
    tpu.vector_store %arg13[%swap3A_692, %swap3A_693], %gather3A_690 {strides = array<i32>} : memref<16x128xi32, #tpu.memory_space<vmem>>, vector<16xi32>,
    %gather3A_695 = tpu.vector_load_idx %arg12[%get3A_689] : memref<1024xf32, #tpu.memory_space<vmem>>[vector<16xi32>], vector<16xf32>,
    %add3A_696 = arith.addf %add3A_685, %gather3A_695 : vector<16xf32>
    %get3A_697 = arith.constant 5 : i32
    %get3A_698 = arith.index_cast %get3A_697 : i32 to index
    %get3A_699 = arith.constant 80 : index
    %get3A_700 = tpu.vector_load %arg9[%get3A_698, %get3A_699] {strides = array<i32>} : memref<16x128xi32, #tpu.memory_space<vmem>>, vector<16xi32>,
    %gather3A_701 = tpu.vector_load_idx %arg11[%get3A_700] : memref<1024xi32, #tpu.memory_space<vmem>>[vector<16xi32>], vector<16xi32>,
    %swap3A_702 = arith.constant 5 : i32
    %swap3A_703 = arith.index_cast %swap3A_702 : i32 to index
    %swap3A_704 = arith.constant 80 : index
    %swap3A_705 = tpu.vector_load %arg13[%swap3A_703, %swap3A_704] {strides = array<i32>} : memref<16x128xi32, #tpu.memory_space<vmem>>, vector<16xi32>,
    tpu.vector_store %arg13[%swap3A_703, %swap3A_704], %gather3A_701 {strides = array<i32>} : memref<16x128xi32, #tpu.memory_space<vmem>>, vector<16xi32>,
    %gather3A_706 = tpu.vector_load_idx %arg12[%get3A_700] : memref<1024xf32, #tpu.memory_space<vmem>>[vector<16xi32>], vector<16xf32>,
    %add3A_707 = arith.addf %add3A_696, %gather3A_706 : vector<16xf32>
    %get3A_708 = arith.constant 5 : i32
    %get3A_709 = arith.index_cast %get3A_708 : i32 to index
    %get3A_710 = arith.constant 96 : index
    %get3A_711 = tpu.vector_load %arg9[%get3A_709, %get3A_710] {strides = array<i32>} : memref<16x128xi32, #tpu.memory_space<vmem>>, vector<16xi32>,
    %gather3A_712 = tpu.vector_load_idx %arg11[%get3A_711] : memref<1024xi32, #tpu.memory_space<vmem>>[vector<16xi32>], vector<16xi32>,
    %swap3A_713 = arith.constant 5 : i32
    %swap3A_714 = arith.index_cast %swap3A_713 : i32 to index
    %swap3A_715 = arith.constant 96 : index
    %swap3A_716 = tpu.vector_load %arg13[%swap3A_714, %swap3A_715] {strides = array<i32>} : memref<16x128xi32, #tpu.memory_space<vmem>>, vector<16xi32>,
    tpu.vector_store %arg13[%swap3A_714, %swap3A_715], %gather3A_712 {strides = array<i32>} : memref<16x128xi32, #tpu.memory_space<vmem>>, vector<16xi32>,
    %gather3A_717 = tpu.vector_load_idx %arg12[%get3A_711] : memref<1024xf32, #tpu.memory_space<vmem>>[vector<16xi32>], vector<16xf32>,
    %add3A_718 = arith.addf %add3A_707, %gather3A_717 : vector<16xf32>
    %get3A_719 = arith.constant 5 : i32
    %get3A_720 = arith.index_cast %get3A_719 : i32 to index
    %get3A_721 = arith.constant 112 : index
    %get3A_722 = tpu.vector_load %arg9[%get3A_720, %get3A_721] {strides = array<i32>} : memref<16x128xi32, #tpu.memory_space<vmem>>, vector<16xi32>,
    %gather3A_723 = tpu.vector_load_idx %arg11[%get3A_722] : memref<1024xi32, #tpu.memory_space<vmem>>[vector<16xi32>], vector<16xi32>,
    %swap3A_724 = arith.constant 5 : i32
    %swap3A_725 = arith.index_cast %swap3A_724 : i32 to index
    %swap3A_726 = arith.constant 112 : index
    %swap3A_727 = tpu.vector_load %arg13[%swap3A_725, %swap3A_726] {strides = array<i32>} : memref<16x128xi32, #tpu.memory_space<vmem>>, vector<16xi32>,
    tpu.vector_store %arg13[%swap3A_725, %swap3A_726], %gather3A_723 {strides = array<i32>} : memref<16x128xi32, #tpu.memory_space<vmem>>, vector<16xi32>,
    %gather3A_728 = tpu.vector_load_idx %arg12[%get3A_722] : memref<1024xf32, #tpu.memory_space<vmem>>[vector<16xi32>], vector<16xf32>,
    %add3A_729 = arith.addf %add3A_718, %gather3A_728 : vector<16xf32>
    %get3A_730 = arith.constant 6 : i32
    %get3A_731 = arith.index_cast %get3A_730 : i32 to index
    %get3A_732 = arith.constant 0 : index
    %get3A_733 = tpu.vector_load %arg9[%get3A_731, %get3A_732] {strides = array<i32>} : memref<16x128xi32, #tpu.memory_space<vmem>>, vector<16xi32>,
    %gather3A_734 = tpu.vector_load_idx %arg11[%get3A_733] : memref<1024xi32, #tpu.memory_space<vmem>>[vector<16xi32>], vector<16xi32>,
    %swap3A_735 = arith.constant 6 : i32
    %swap3A_736 = arith.index_cast %swap3A_735 : i32 to index
    %swap3A_737 = arith.constant 0 : index
    %swap3A_738 = tpu.vector_load %arg13[%swap3A_736, %swap3A_737] {strides = array<i32>} : memref<16x128xi32, #tpu.memory_space<vmem>>, vector<16xi32>,
    tpu.vector_store %arg13[%swap3A_736, %swap3A_737], %gather3A_734 {strides = array<i32>} : memref<16x128xi32, #tpu.memory_space<vmem>>, vector<16xi32>,
    %gather3A_739 = tpu.vector_load_idx %arg12[%get3A_733] : memref<1024xf32, #tpu.memory_space<vmem>>[vector<16xi32>], vector<16xf32>,
    %add3A_740 = arith.addf %add3A_729, %gather3A_739 : vector<16xf32>
    %get3A_741 = arith.constant 6 : i32
    %get3A_742 = arith.index_cast %get3A_741 : i32 to index
    %get3A_743 = arith.constant 16 : index
    %get3A_744 = tpu.vector_load %arg9[%get3A_742, %get3A_743] {strides = array<i32>} : memref<16x128xi32, #tpu.memory_space<vmem>>, vector<16xi32>,
    %gather3A_745 = tpu.vector_load_idx %arg11[%get3A_744] : memref<1024xi32, #tpu.memory_space<vmem>>[vector<16xi32>], vector<16xi32>,
    %swap3A_746 = arith.constant 6 : i32
    %swap3A_747 = arith.index_cast %swap3A_746 : i32 to index
    %swap3A_748 = arith.constant 16 : index
    %swap3A_749 = tpu.vector_load %arg13[%swap3A_747, %swap3A_748] {strides = array<i32>} : memref<16x128xi32, #tpu.memory_space<vmem>>, vector<16xi32>,
    tpu.vector_store %arg13[%swap3A_747, %swap3A_748], %gather3A_745 {strides = array<i32>} : memref<16x128xi32, #tpu.memory_space<vmem>>, vector<16xi32>,
    %gather3A_750 = tpu.vector_load_idx %arg12[%get3A_744] : memref<1024xf32, #tpu.memory_space<vmem>>[vector<16xi32>], vector<16xf32>,
    %add3A_751 = arith.addf %add3A_740, %gather3A_750 : vector<16xf32>
    %get3A_752 = arith.constant 6 : i32
    %get3A_753 = arith.index_cast %get3A_752 : i32 to index
    %get3A_754 = arith.constant 32 : index
    %get3A_755 = tpu.vector_load %arg9[%get3A_753, %get3A_754] {strides = array<i32>} : memref<16x128xi32, #tpu.memory_space<vmem>>, vector<16xi32>,
    %gather3A_756 = tpu.vector_load_idx %arg11[%get3A_755] : memref<1024xi32, #tpu.memory_space<vmem>>[vector<16xi32>], vector<16xi32>,
    %swap3A_757 = arith.constant 6 : i32
    %swap3A_758 = arith.index_cast %swap3A_757 : i32 to index
    %swap3A_759 = arith.constant 32 : index
    %swap3A_760 = tpu.vector_load %arg13[%swap3A_758, %swap3A_759] {strides = array<i32>} : memref<16x128xi32, #tpu.memory_space<vmem>>, vector<16xi32>,
    tpu.vector_store %arg13[%swap3A_758, %swap3A_759], %gather3A_756 {strides = array<i32>} : memref<16x128xi32, #tpu.memory_space<vmem>>, vector<16xi32>,
    %gather3A_761 = tpu.vector_load_idx %arg12[%get3A_755] : memref<1024xf32, #tpu.memory_space<vmem>>[vector<16xi32>], vector<16xf32>,
    %add3A_762 = arith.addf %add3A_751, %gather3A_761 : vector<16xf32>
    %get3A_763 = arith.constant 6 : i32
    %get3A_764 = arith.index_cast %get3A_763 : i32 to index
    %get3A_765 = arith.constant 48 : index
    %get3A_766 = tpu.vector_load %arg9[%get3A_764, %get3A_765] {strides = array<i32>} : memref<16x128xi32, #tpu.memory_space<vmem>>, vector<16xi32>,
    %gather3A_767 = tpu.vector_load_idx %arg11[%get3A_766] : memref<1024xi32, #tpu.memory_space<vmem>>[vector<16xi32>], vector<16xi32>,
    %swap3A_768 = arith.constant 6 : i32
    %swap3A_769 = arith.index_cast %swap3A_768 : i32 to index
    %swap3A_770 = arith.constant 48 : index
    %swap3A_771 = tpu.vector_load %arg13[%swap3A_769, %swap3A_770] {strides = array<i32>} : memref<16x128xi32, #tpu.memory_space<vmem>>, vector<16xi32>,
    tpu.vector_store %arg13[%swap3A_769, %swap3A_770], %gather3A_767 {strides = array<i32>} : memref<16x128xi32, #tpu.memory_space<vmem>>, vector<16xi32>,
    %gather3A_772 = tpu.vector_load_idx %arg12[%get3A_766] : memref<1024xf32, #tpu.memory_space<vmem>>[vector<16xi32>], vector<16xf32>,
    %add3A_773 = arith.addf %add3A_762, %gather3A_772 : vector<16xf32>
    %get3A_774 = arith.constant 6 : i32
    %get3A_775 = arith.index_cast %get3A_774 : i32 to index
    %get3A_776 = arith.constant 64 : index
    %get3A_777 = tpu.vector_load %arg9[%get3A_775, %get3A_776] {strides = array<i32>} : memref<16x128xi32, #tpu.memory_space<vmem>>, vector<16xi32>,
    %gather3A_778 = tpu.vector_load_idx %arg11[%get3A_777] : memref<1024xi32, #tpu.memory_space<vmem>>[vector<16xi32>], vector<16xi32>,
    %swap3A_779 = arith.constant 6 : i32
    %swap3A_780 = arith.index_cast %swap3A_779 : i32 to index
    %swap3A_781 = arith.constant 64 : index
    %swap3A_782 = tpu.vector_load %arg13[%swap3A_780, %swap3A_781] {strides = array<i32>} : memref<16x128xi32, #tpu.memory_space<vmem>>, vector<16xi32>,
    tpu.vector_store %arg13[%swap3A_780, %swap3A_781], %gather3A_778 {strides = array<i32>} : memref<16x128xi32, #tpu.memory_space<vmem>>, vector<16xi32>,
    %gather3A_783 = tpu.vector_load_idx %arg12[%get3A_777] : memref<1024xf32, #tpu.memory_space<vmem>>[vector<16xi32>], vector<16xf32>,
    %add3A_784 = arith.addf %add3A_773, %gather3A_783 : vector<16xf32>
    %get3A_785 = arith.constant 6 : i32
    %get3A_786 = arith.index_cast %get3A_785 : i32 to index
    %get3A_787 = arith.constant 80 : index
    %get3A_788 = tpu.vector_load %arg9[%get3A_786, %get3A_787] {strides = array<i32>} : memref<16x128xi32, #tpu.memory_space<vmem>>, vector<16xi32>,
    %gather3A_789 = tpu.vector_load_idx %arg11[%get3A_788] : memref<1024xi32, #tpu.memory_space<vmem>>[vector<16xi32>], vector<16xi32>,
    %swap3A_790 = arith.constant 6 : i32
    %swap3A_791 = arith.index_cast %swap3A_790 : i32 to index
    %swap3A_792 = arith.constant 80 : index
    %swap3A_793 = tpu.vector_load %arg13[%swap3A_791, %swap3A_792] {strides = array<i32>} : memref<16x128xi32, #tpu.memory_space<vmem>>, vector<16xi32>,
    tpu.vector_store %arg13[%swap3A_791, %swap3A_792], %gather3A_789 {strides = array<i32>} : memref<16x128xi32, #tpu.memory_space<vmem>>, vector<16xi32>,
    %gather3A_794 = tpu.vector_load_idx %arg12[%get3A_788] : memref<1024xf32, #tpu.memory_space<vmem>>[vector<16xi32>], vector<16xf32>,
    %add3A_795 = arith.addf %add3A_784, %gather3A_794 : vector<16xf32>
    %get3A_796 = arith.constant 6 : i32
    %get3A_797 = arith.index_cast %get3A_796 : i32 to index
    %get3A_798 = arith.constant 96 : index
    %get3A_799 = tpu.vector_load %arg9[%get3A_797, %get3A_798] {strides = array<i32>} : memref<16x128xi32, #tpu.memory_space<vmem>>, vector<16xi32>,
    %gather3A_800 = tpu.vector_load_idx %arg11[%get3A_799] : memref<1024xi32, #tpu.memory_space<vmem>>[vector<16xi32>], vector<16xi32>,
    %swap3A_801 = arith.constant 6 : i32
    %swap3A_802 = arith.index_cast %swap3A_801 : i32 to index
    %swap3A_803 = arith.constant 96 : index
    %swap3A_804 = tpu.vector_load %arg13[%swap3A_802, %swap3A_803] {strides = array<i32>} : memref<16x128xi32, #tpu.memory_space<vmem>>, vector<16xi32>,
    tpu.vector_store %arg13[%swap3A_802, %swap3A_803], %gather3A_800 {strides = array<i32>} : memref<16x128xi32, #tpu.memory_space<vmem>>, vector<16xi32>,
    %gather3A_805 = tpu.vector_load_idx %arg12[%get3A_799] : memref<1024xf32, #tpu.memory_space<vmem>>[vector<16xi32>], vector<16xf32>,
    %add3A_806 = arith.addf %add3A_795, %gather3A_805 : vector<16xf32>
    %get3A_807 = arith.constant 6 : i32
    %get3A_808 = arith.index_cast %get3A_807 : i32 to index
    %get3A_809 = arith.constant 112 : index
    %get3A_810 = tpu.vector_load %arg9[%get3A_808, %get3A_809] {strides = array<i32>} : memref<16x128xi32, #tpu.memory_space<vmem>>, vector<16xi32>,
    %gather3A_811 = tpu.vector_load_idx %arg11[%get3A_810] : memref<1024xi32, #tpu.memory_space<vmem>>[vector<16xi32>], vector<16xi32>,
    %swap3A_812 = arith.constant 6 : i32
    %swap3A_813 = arith.index_cast %swap3A_812 : i32 to index
    %swap3A_814 = arith.constant 112 : index
    %swap3A_815 = tpu.vector_load %arg13[%swap3A_813, %swap3A_814] {strides = array<i32>} : memref<16x128xi32, #tpu.memory_space<vmem>>, vector<16xi32>,
    tpu.vector_store %arg13[%swap3A_813, %swap3A_814], %gather3A_811 {strides = array<i32>} : memref<16x128xi32, #tpu.memory_space<vmem>>, vector<16xi32>,
    %gather3A_816 = tpu.vector_load_idx %arg12[%get3A_810] : memref<1024xf32, #tpu.memory_space<vmem>>[vector<16xi32>], vector<16xf32>,
    %add3A_817 = arith.addf %add3A_806, %gather3A_816 : vector<16xf32>
    %get3A_818 = arith.constant 7 : i32
    %get3A_819 = arith.index_cast %get3A_818 : i32 to index
    %get3A_820 = arith.constant 0 : index
    %get3A_821 = tpu.vector_load %arg9[%get3A_819, %get3A_820] {strides = array<i32>} : memref<16x128xi32, #tpu.memory_space<vmem>>, vector<16xi32>,
    %gather3A_822 = tpu.vector_load_idx %arg11[%get3A_821] : memref<1024xi32, #tpu.memory_space<vmem>>[vector<16xi32>], vector<16xi32>,
    %swap3A_823 = arith.constant 7 : i32
    %swap3A_824 = arith.index_cast %swap3A_823 : i32 to index
    %swap3A_825 = arith.constant 0 : index
    %swap3A_826 = tpu.vector_load %arg13[%swap3A_824, %swap3A_825] {strides = array<i32>} : memref<16x128xi32, #tpu.memory_space<vmem>>, vector<16xi32>,
    tpu.vector_store %arg13[%swap3A_824, %swap3A_825], %gather3A_822 {strides = array<i32>} : memref<16x128xi32, #tpu.memory_space<vmem>>, vector<16xi32>,
    %gather3A_827 = tpu.vector_load_idx %arg12[%get3A_821] : memref<1024xf32, #tpu.memory_space<vmem>>[vector<16xi32>], vector<16xf32>,
    %add3A_828 = arith.addf %add3A_817, %gather3A_827 : vector<16xf32>
    %get3A_829 = arith.constant 7 : i32
    %get3A_830 = arith.index_cast %get3A_829 : i32 to index
    %get3A_831 = arith.constant 16 : index
    %get3A_832 = tpu.vector_load %arg9[%get3A_830, %get3A_831] {strides = array<i32>} : memref<16x128xi32, #tpu.memory_space<vmem>>, vector<16xi32>,
    %gather3A_833 = tpu.vector_load_idx %arg11[%get3A_832] : memref<1024xi32, #tpu.memory_space<vmem>>[vector<16xi32>], vector<16xi32>,
    %swap3A_834 = arith.constant 7 : i32
    %swap3A_835 = arith.index_cast %swap3A_834 : i32 to index
    %swap3A_836 = arith.constant 16 : index
    %swap3A_837 = tpu.vector_load %arg13[%swap3A_835, %swap3A_836] {strides = array<i32>} : memref<16x128xi32, #tpu.memory_space<vmem>>, vector<16xi32>,
    tpu.vector_store %arg13[%swap3A_835, %swap3A_836], %gather3A_833 {strides = array<i32>} : memref<16x128xi32, #tpu.memory_space<vmem>>, vector<16xi32>,
    %gather3A_838 = tpu.vector_load_idx %arg12[%get3A_832] : memref<1024xf32, #tpu.memory_space<vmem>>[vector<16xi32>], vector<16xf32>,
    %add3A_839 = arith.addf %add3A_828, %gather3A_838 : vector<16xf32>
    %get3A_840 = arith.constant 7 : i32
    %get3A_841 = arith.index_cast %get3A_840 : i32 to index
    %get3A_842 = arith.constant 32 : index
    %get3A_843 = tpu.vector_load %arg9[%get3A_841, %get3A_842] {strides = array<i32>} : memref<16x128xi32, #tpu.memory_space<vmem>>, vector<16xi32>,
    %gather3A_844 = tpu.vector_load_idx %arg11[%get3A_843] : memref<1024xi32, #tpu.memory_space<vmem>>[vector<16xi32>], vector<16xi32>,
    %swap3A_845 = arith.constant 7 : i32
    %swap3A_846 = arith.index_cast %swap3A_845 : i32 to index
    %swap3A_847 = arith.constant 32 : index
    %swap3A_848 = tpu.vector_load %arg13[%swap3A_846, %swap3A_847] {strides = array<i32>} : memref<16x128xi32, #tpu.memory_space<vmem>>, vector<16xi32>,
    tpu.vector_store %arg13[%swap3A_846, %swap3A_847], %gather3A_844 {strides = array<i32>} : memref<16x128xi32, #tpu.memory_space<vmem>>, vector<16xi32>,
    %gather3A_849 = tpu.vector_load_idx %arg12[%get3A_843] : memref<1024xf32, #tpu.memory_space<vmem>>[vector<16xi32>], vector<16xf32>,
    %add3A_850 = arith.addf %add3A_839, %gather3A_849 : vector<16xf32>
    %get3A_851 = arith.constant 7 : i32
    %get3A_852 = arith.index_cast %get3A_851 : i32 to index
    %get3A_853 = arith.constant 48 : index
    %get3A_854 = tpu.vector_load %arg9[%get3A_852, %get3A_853] {strides = array<i32>} : memref<16x128xi32, #tpu.memory_space<vmem>>, vector<16xi32>,
    %gather3A_855 = tpu.vector_load_idx %arg11[%get3A_854] : memref<1024xi32, #tpu.memory_space<vmem>>[vector<16xi32>], vector<16xi32>,
    %swap3A_856 = arith.constant 7 : i32
    %swap3A_857 = arith.index_cast %swap3A_856 : i32 to index
    %swap3A_858 = arith.constant 48 : index
    %swap3A_859 = tpu.vector_load %arg13[%swap3A_857, %swap3A_858] {strides = array<i32>} : memref<16x128xi32, #tpu.memory_space<vmem>>, vector<16xi32>,
    tpu.vector_store %arg13[%swap3A_857, %swap3A_858], %gather3A_855 {strides = array<i32>} : memref<16x128xi32, #tpu.memory_space<vmem>>, vector<16xi32>,
    %gather3A_860 = tpu.vector_load_idx %arg12[%get3A_854] : memref<1024xf32, #tpu.memory_space<vmem>>[vector<16xi32>], vector<16xf32>,
    %add3A_861 = arith.addf %add3A_850, %gather3A_860 : vector<16xf32>
    %get3A_862 = arith.constant 7 : i32
    %get3A_863 = arith.index_cast %get3A_862 : i32 to index
    %get3A_864 = arith.constant 64 : index
    %get3A_865 = tpu.vector_load %arg9[%get3A_863, %get3A_864] {strides = array<i32>} : memref<16x128xi32, #tpu.memory_space<vmem>>, vector<16xi32>,
    %gather3A_866 = tpu.vector_load_idx %arg11[%get3A_865] : memref<1024xi32, #tpu.memory_space<vmem>>[vector<16xi32>], vector<16xi32>,
    %swap3A_867 = arith.constant 7 : i32
    %swap3A_868 = arith.index_cast %swap3A_867 : i32 to index
    %swap3A_869 = arith.constant 64 : index
    %swap3A_870 = tpu.vector_load %arg13[%swap3A_868, %swap3A_869] {strides = array<i32>} : memref<16x128xi32, #tpu.memory_space<vmem>>, vector<16xi32>,
    tpu.vector_store %arg13[%swap3A_868, %swap3A_869], %gather3A_866 {strides = array<i32>} : memref<16x128xi32, #tpu.memory_space<vmem>>, vector<16xi32>,
    %gather3A_871 = tpu.vector_load_idx %arg12[%get3A_865] : memref<1024xf32, #tpu.memory_space<vmem>>[vector<16xi32>], vector<16xf32>,
    %add3A_872 = arith.addf %add3A_861, %gather3A_871 : vector<16xf32>
    %get3A_873 = arith.constant 7 : i32
    %get3A_874 = arith.index_cast %get3A_873 : i32 to index
    %get3A_875 = arith.constant 80 : index
    %get3A_876 = tpu.vector_load %arg9[%get3A_874, %get3A_875] {strides = array<i32>} : memref<16x128xi32, #tpu.memory_space<vmem>>, vector<16xi32>,
    %gather3A_877 = tpu.vector_load_idx %arg11[%get3A_876] : memref<1024xi32, #tpu.memory_space<vmem>>[vector<16xi32>], vector<16xi32>,
    %swap3A_878 = arith.constant 7 : i32
    %swap3A_879 = arith.index_cast %swap3A_878 : i32 to index
    %swap3A_880 = arith.constant 80 : index
    %swap3A_881 = tpu.vector_load %arg13[%swap3A_879, %swap3A_880] {strides = array<i32>} : memref<16x128xi32, #tpu.memory_space<vmem>>, vector<16xi32>,
    tpu.vector_store %arg13[%swap3A_879, %swap3A_880], %gather3A_877 {strides = array<i32>} : memref<16x128xi32, #tpu.memory_space<vmem>>, vector<16xi32>,
    %gather3A_882 = tpu.vector_load_idx %arg12[%get3A_876] : memref<1024xf32, #tpu.memory_space<vmem>>[vector<16xi32>], vector<16xf32>,
    %add3A_883 = arith.addf %add3A_872, %gather3A_882 : vector<16xf32>
    %get3A_884 = arith.constant 7 : i32
    %get3A_885 = arith.index_cast %get3A_884 : i32 to index
    %get3A_886 = arith.constant 96 : index
    %get3A_887 = tpu.vector_load %arg9[%get3A_885, %get3A_886] {strides = array<i32>} : memref<16x128xi32, #tpu.memory_space<vmem>>, vector<16xi32>,
    %gather3A_888 = tpu.vector_load_idx %arg11[%get3A_887] : memref<1024xi32, #tpu.memory_space<vmem>>[vector<16xi32>], vector<16xi32>,
    %swap3A_889 = arith.constant 7 : i32
    %swap3A_890 = arith.index_cast %swap3A_889 : i32 to index
    %swap3A_891 = arith.constant 96 : index
    %swap3A_892 = tpu.vector_load %arg13[%swap3A_890, %swap3A_891] {strides = array<i32>} : memref<16x128xi32, #tpu.memory_space<vmem>>, vector<16xi32>,
    tpu.vector_store %arg13[%swap3A_890, %swap3A_891], %gather3A_888 {strides = array<i32>} : memref<16x128xi32, #tpu.memory_space<vmem>>, vector<16xi32>,
    %gather3A_893 = tpu.vector_load_idx %arg12[%get3A_887] : memref<1024xf32, #tpu.memory_space<vmem>>[vector<16xi32>], vector<16xf32>,
    %add3A_894 = arith.addf %add3A_883, %gather3A_893 : vector<16xf32>
    %get3A_895 = arith.constant 7 : i32
    %get3A_896 = arith.index_cast %get3A_895 : i32 to index
    %get3A_897 = arith.constant 112 : index
    %get3A_898 = tpu.vector_load %arg9[%get3A_896, %get3A_897] {strides = array<i32>} : memref<16x128xi32, #tpu.memory_space<vmem>>, vector<16xi32>,
    %gather3A_899 = tpu.vector_load_idx %arg11[%get3A_898] : memref<1024xi32, #tpu.memory_space<vmem>>[vector<16xi32>], vector<16xi32>,
    %swap3A_900 = arith.constant 7 : i32
    %swap3A_901 = arith.index_cast %swap3A_900 : i32 to index
    %swap3A_902 = arith.constant 112 : index
    %swap3A_903 = tpu.vector_load %arg13[%swap3A_901, %swap3A_902] {strides = array<i32>} : memref<16x128xi32, #tpu.memory_space<vmem>>, vector<16xi32>,
    tpu.vector_store %arg13[%swap3A_901, %swap3A_902], %gather3A_899 {strides = array<i32>} : memref<16x128xi32, #tpu.memory_space<vmem>>, vector<16xi32>,
    %gather3A_904 = tpu.vector_load_idx %arg12[%get3A_898] : memref<1024xf32, #tpu.memory_space<vmem>>[vector<16xi32>], vector<16xf32>,
    %add3A_905 = arith.addf %add3A_894, %gather3A_904 : vector<16xf32>
    %get3A_906 = arith.constant 8 : i32
    %get3A_907 = arith.index_cast %get3A_906 : i32 to index
    %get3A_908 = arith.constant 0 : index
    %get3A_909 = tpu.vector_load %arg9[%get3A_907, %get3A_908] {strides = array<i32>} : memref<16x128xi32, #tpu.memory_space<vmem>>, vector<16xi32>,
    %gather3A_910 = tpu.vector_load_idx %arg11[%get3A_909] : memref<1024xi32, #tpu.memory_space<vmem>>[vector<16xi32>], vector<16xi32>,
    %swap3A_911 = arith.constant 8 : i32
    %swap3A_912 = arith.index_cast %swap3A_911 : i32 to index
    %swap3A_913 = arith.constant 0 : index
    %swap3A_914 = tpu.vector_load %arg13[%swap3A_912, %swap3A_913] {strides = array<i32>} : memref<16x128xi32, #tpu.memory_space<vmem>>, vector<16xi32>,
    tpu.vector_store %arg13[%swap3A_912, %swap3A_913], %gather3A_910 {strides = array<i32>} : memref<16x128xi32, #tpu.memory_space<vmem>>, vector<16xi32>,
    %gather3A_915 = tpu.vector_load_idx %arg12[%get3A_909] : memref<1024xf32, #tpu.memory_space<vmem>>[vector<16xi32>], vector<16xf32>,
    %add3A_916 = arith.addf %add3A_905, %gather3A_915 : vector<16xf32>
    %get3A_917 = arith.constant 8 : i32
    %get3A_918 = arith.index_cast %get3A_917 : i32 to index
    %get3A_919 = arith.constant 16 : index
    %get3A_920 = tpu.vector_load %arg9[%get3A_918, %get3A_919] {strides = array<i32>} : memref<16x128xi32, #tpu.memory_space<vmem>>, vector<16xi32>,
    %gather3A_921 = tpu.vector_load_idx %arg11[%get3A_920] : memref<1024xi32, #tpu.memory_space<vmem>>[vector<16xi32>], vector<16xi32>,
    %swap3A_922 = arith.constant 8 : i32
    %swap3A_923 = arith.index_cast %swap3A_922 : i32 to index
    %swap3A_924 = arith.constant 16 : index
    %swap3A_925 = tpu.vector_load %arg13[%swap3A_923, %swap3A_924] {strides = array<i32>} : memref<16x128xi32, #tpu.memory_space<vmem>>, vector<16xi32>,
    tpu.vector_store %arg13[%swap3A_923, %swap3A_924], %gather3A_921 {strides = array<i32>} : memref<16x128xi32, #tpu.memory_space<vmem>>, vector<16xi32>,
    %gather3A_926 = tpu.vector_load_idx %arg12[%get3A_920] : memref<1024xf32, #tpu.memory_space<vmem>>[vector<16xi32>], vector<16xf32>,
    %add3A_927 = arith.addf %add3A_916, %gather3A_926 : vector<16xf32>
    %get3A_928 = arith.constant 8 : i32
    %get3A_929 = arith.index_cast %get3A_928 : i32 to index
    %get3A_930 = arith.constant 32 : index
    %get3A_931 = tpu.vector_load %arg9[%get3A_929, %get3A_930] {strides = array<i32>} : memref<16x128xi32, #tpu.memory_space<vmem>>, vector<16xi32>,
    %gather3A_932 = tpu.vector_load_idx %arg11[%get3A_931] : memref<1024xi32, #tpu.memory_space<vmem>>[vector<16xi32>], vector<16xi32>,
    %swap3A_933 = arith.constant 8 : i32
    %swap3A_934 = arith.index_cast %swap3A_933 : i32 to index
    %swap3A_935 = arith.constant 32 : index
    %swap3A_936 = tpu.vector_load %arg13[%swap3A_934, %swap3A_935] {strides = array<i32>} : memref<16x128xi32, #tpu.memory_space<vmem>>, vector<16xi32>,
    tpu.vector_store %arg13[%swap3A_934, %swap3A_935], %gather3A_932 {strides = array<i32>} : memref<16x128xi32, #tpu.memory_space<vmem>>, vector<16xi32>,
    %gather3A_937 = tpu.vector_load_idx %arg12[%get3A_931] : memref<1024xf32, #tpu.memory_space<vmem>>[vector<16xi32>], vector<16xf32>,
    %add3A_938 = arith.addf %add3A_927, %gather3A_937 : vector<16xf32>
    %get3A_939 = arith.constant 8 : i32
    %get3A_940 = arith.index_cast %get3A_939 : i32 to index
    %get3A_941 = arith.constant 48 : index
    %get3A_942 = tpu.vector_load %arg9[%get3A_940, %get3A_941] {strides = array<i32>} : memref<16x128xi32, #tpu.memory_space<vmem>>, vector<16xi32>,
    %gather3A_943 = tpu.vector_load_idx %arg11[%get3A_942] : memref<1024xi32, #tpu.memory_space<vmem>>[vector<16xi32>], vector<16xi32>,
    %swap3A_944 = arith.constant 8 : i32
    %swap3A_945 = arith.index_cast %swap3A_944 : i32 to index
    %swap3A_946 = arith.constant 48 : index
    %swap3A_947 = tpu.vector_load %arg13[%swap3A_945, %swap3A_946] {strides = array<i32>} : memref<16x128xi32, #tpu.memory_space<vmem>>, vector<16xi32>,
    tpu.vector_store %arg13[%swap3A_945, %swap3A_946], %gather3A_943 {strides = array<i32>} : memref<16x128xi32, #tpu.memory_space<vmem>>, vector<16xi32>,
    %gather3A_948 = tpu.vector_load_idx %arg12[%get3A_942] : memref<1024xf32, #tpu.memory_space<vmem>>[vector<16xi32>], vector<16xf32>,
    %add3A_949 = arith.addf %add3A_938, %gather3A_948 : vector<16xf32>
    %get3A_950 = arith.constant 8 : i32
    %get3A_951 = arith.index_cast %get3A_950 : i32 to index
    %get3A_952 = arith.constant 64 : index
    %get3A_953 = tpu.vector_load %arg9[%get3A_951, %get3A_952] {strides = array<i32>} : memref<16x128xi32, #tpu.memory_space<vmem>>, vector<16xi32>,
    %gather3A_954 = tpu.vector_load_idx %arg11[%get3A_953] : memref<1024xi32, #tpu.memory_space<vmem>>[vector<16xi32>], vector<16xi32>,
    %swap3A_955 = arith.constant 8 : i32
    %swap3A_956 = arith.index_cast %swap3A_955 : i32 to index
    %swap3A_957 = arith.constant 64 : index
    %swap3A_958 = tpu.vector_load %arg13[%swap3A_956, %swap3A_957] {strides = array<i32>} : memref<16x128xi32, #tpu.memory_space<vmem>>, vector<16xi32>,
    tpu.vector_store %arg13[%swap3A_956, %swap3A_957], %gather3A_954 {strides = array<i32>} : memref<16x128xi32, #tpu.memory_space<vmem>>, vector<16xi32>,
    %gather3A_959 = tpu.vector_load_idx %arg12[%get3A_953] : memref<1024xf32, #tpu.memory_space<vmem>>[vector<16xi32>], vector<16xf32>,
    %add3A_960 = arith.addf %add3A_949, %gather3A_959 : vector<16xf32>
    %get3A_961 = arith.constant 8 : i32
    %get3A_962 = arith.index_cast %get3A_961 : i32 to index
    %get3A_963 = arith.constant 80 : index
    %get3A_964 = tpu.vector_load %arg9[%get3A_962, %get3A_963] {strides = array<i32>} : memref<16x128xi32, #tpu.memory_space<vmem>>, vector<16xi32>,
    %gather3A_965 = tpu.vector_load_idx %arg11[%get3A_964] : memref<1024xi32, #tpu.memory_space<vmem>>[vector<16xi32>], vector<16xi32>,
    %swap3A_966 = arith.constant 8 : i32
    %swap3A_967 = arith.index_cast %swap3A_966 : i32 to index
    %swap3A_968 = arith.constant 80 : index
    %swap3A_969 = tpu.vector_load %arg13[%swap3A_967, %swap3A_968] {strides = array<i32>} : memref<16x128xi32, #tpu.memory_space<vmem>>, vector<16xi32>,
    tpu.vector_store %arg13[%swap3A_967, %swap3A_968], %gather3A_965 {strides = array<i32>} : memref<16x128xi32, #tpu.memory_space<vmem>>, vector<16xi32>,
    %gather3A_970 = tpu.vector_load_idx %arg12[%get3A_964] : memref<1024xf32, #tpu.memory_space<vmem>>[vector<16xi32>], vector<16xf32>,
    %add3A_971 = arith.addf %add3A_960, %gather3A_970 : vector<16xf32>
    %get3A_972 = arith.constant 8 : i32
    %get3A_973 = arith.index_cast %get3A_972 : i32 to index
    %get3A_974 = arith.constant 96 : index
    %get3A_975 = tpu.vector_load %arg9[%get3A_973, %get3A_974] {strides = array<i32>} : memref<16x128xi32, #tpu.memory_space<vmem>>, vector<16xi32>,
    %gather3A_976 = tpu.vector_load_idx %arg11[%get3A_975] : memref<1024xi32, #tpu.memory_space<vmem>>[vector<16xi32>], vector<16xi32>,
    %swap3A_977 = arith.constant 8 : i32
    %swap3A_978 = arith.index_cast %swap3A_977 : i32 to index
    %swap3A_979 = arith.constant 96 : index
    %swap3A_980 = tpu.vector_load %arg13[%swap3A_978, %swap3A_979] {strides = array<i32>} : memref<16x128xi32, #tpu.memory_space<vmem>>, vector<16xi32>,
    tpu.vector_store %arg13[%swap3A_978, %swap3A_979], %gather3A_976 {strides = array<i32>} : memref<16x128xi32, #tpu.memory_space<vmem>>, vector<16xi32>,
    %gather3A_981 = tpu.vector_load_idx %arg12[%get3A_975] : memref<1024xf32, #tpu.memory_space<vmem>>[vector<16xi32>], vector<16xf32>,
    %add3A_982 = arith.addf %add3A_971, %gather3A_981 : vector<16xf32>
    %get3A_983 = arith.constant 8 : i32
    %get3A_984 = arith.index_cast %get3A_983 : i32 to index
    %get3A_985 = arith.constant 112 : index
    %get3A_986 = tpu.vector_load %arg9[%get3A_984, %get3A_985] {strides = array<i32>} : memref<16x128xi32, #tpu.memory_space<vmem>>, vector<16xi32>,
    %gather3A_987 = tpu.vector_load_idx %arg11[%get3A_986] : memref<1024xi32, #tpu.memory_space<vmem>>[vector<16xi32>], vector<16xi32>,
    %swap3A_988 = arith.constant 8 : i32
    %swap3A_989 = arith.index_cast %swap3A_988 : i32 to index
    %swap3A_990 = arith.constant 112 : index
    %swap3A_991 = tpu.vector_load %arg13[%swap3A_989, %swap3A_990] {strides = array<i32>} : memref<16x128xi32, #tpu.memory_space<vmem>>, vector<16xi32>,
    tpu.vector_store %arg13[%swap3A_989, %swap3A_990], %gather3A_987 {strides = array<i32>} : memref<16x128xi32, #tpu.memory_space<vmem>>, vector<16xi32>,
    %gather3A_992 = tpu.vector_load_idx %arg12[%get3A_986] : memref<1024xf32, #tpu.memory_space<vmem>>[vector<16xi32>], vector<16xf32>,
    %add3A_993 = arith.addf %add3A_982, %gather3A_992 : vector<16xf32>
    %get3A_994 = arith.constant 9 : i32
    %get3A_995 = arith.index_cast %get3A_994 : i32 to index
    %get3A_996 = arith.constant 0 : index
    %get3A_997 = tpu.vector_load %arg9[%get3A_995, %get3A_996] {strides = array<i32>} : memref<16x128xi32, #tpu.memory_space<vmem>>, vector<16xi32>,
    %gather3A_998 = tpu.vector_load_idx %arg11[%get3A_997] : memref<1024xi32, #tpu.memory_space<vmem>>[vector<16xi32>], vector<16xi32>,
    %swap3A_999 = arith.constant 9 : i32
    %swap3A_1000 = arith.index_cast %swap3A_999 : i32 to index
    %swap3A_1001 = arith.constant 0 : index
    %swap3A_1002 = tpu.vector_load %arg13[%swap3A_1000, %swap3A_1001] {strides = array<i32>} : memref<16x128xi32, #tpu.memory_space<vmem>>, vector<16xi32>,
    tpu.vector_store %arg13[%swap3A_1000, %swap3A_1001], %gather3A_998 {strides = array<i32>} : memref<16x128xi32, #tpu.memory_space<vmem>>, vector<16xi32>,
    %gather3A_1003 = tpu.vector_load_idx %arg12[%get3A_997] : memref<1024xf32, #tpu.memory_space<vmem>>[vector<16xi32>], vector<16xf32>,
    %add3A_1004 = arith.addf %add3A_993, %gather3A_1003 : vector<16xf32>
    %get3A_1005 = arith.constant 9 : i32
    %get3A_1006 = arith.index_cast %get3A_1005 : i32 to index
    %get3A_1007 = arith.constant 16 : index
    %get3A_1008 = tpu.vector_load %arg9[%get3A_1006, %get3A_1007] {strides = array<i32>} : memref<16x128xi32, #tpu.memory_space<vmem>>, vector<16xi32>,
    %gather3A_1009 = tpu.vector_load_idx %arg11[%get3A_1008] : memref<1024xi32, #tpu.memory_space<vmem>>[vector<16xi32>], vector<16xi32>,
    %swap3A_1010 = arith.constant 9 : i32
    %swap3A_1011 = arith.index_cast %swap3A_1010 : i32 to index
    %swap3A_1012 = arith.constant 16 : index
    %swap3A_1013 = tpu.vector_load %arg13[%swap3A_1011, %swap3A_1012] {strides = array<i32>} : memref<16x128xi32, #tpu.memory_space<vmem>>, vector<16xi32>,
    tpu.vector_store %arg13[%swap3A_1011, %swap3A_1012], %gather3A_1009 {strides = array<i32>} : memref<16x128xi32, #tpu.memory_space<vmem>>, vector<16xi32>,
    %gather3A_1014 = tpu.vector_load_idx %arg12[%get3A_1008] : memref<1024xf32, #tpu.memory_space<vmem>>[vector<16xi32>], vector<16xf32>,
    %add3A_1015 = arith.addf %add3A_1004, %gather3A_1014 : vector<16xf32>
    %get3A_1016 = arith.constant 9 : i32
    %get3A_1017 = arith.index_cast %get3A_1016 : i32 to index
    %get3A_1018 = arith.constant 32 : index
    %get3A_1019 = tpu.vector_load %arg9[%get3A_1017, %get3A_1018] {strides = array<i32>} : memref<16x128xi32, #tpu.memory_space<vmem>>, vector<16xi32>,
    %gather3A_1020 = tpu.vector_load_idx %arg11[%get3A_1019] : memref<1024xi32, #tpu.memory_space<vmem>>[vector<16xi32>], vector<16xi32>,
    %swap3A_1021 = arith.constant 9 : i32
    %swap3A_1022 = arith.index_cast %swap3A_1021 : i32 to index
    %swap3A_1023 = arith.constant 32 : index
    %swap3A_1024 = tpu.vector_load %arg13[%swap3A_1022, %swap3A_1023] {strides = array<i32>} : memref<16x128xi32, #tpu.memory_space<vmem>>, vector<16xi32>,
    tpu.vector_store %arg13[%swap3A_1022, %swap3A_1023], %gather3A_1020 {strides = array<i32>} : memref<16x128xi32, #tpu.memory_space<vmem>>, vector<16xi32>,
    %gather3A_1025 = tpu.vector_load_idx %arg12[%get3A_1019] : memref<1024xf32, #tpu.memory_space<vmem>>[vector<16xi32>], vector<16xf32>,
    %add3A_1026 = arith.addf %add3A_1015, %gather3A_1025 : vector<16xf32>
    %get3A_1027 = arith.constant 9 : i32
    %get3A_1028 = arith.index_cast %get3A_1027 : i32 to index
    %get3A_1029 = arith.constant 48 : index
    %get3A_1030 = tpu.vector_load %arg9[%get3A_1028, %get3A_1029] {strides = array<i32>} : memref<16x128xi32, #tpu.memory_space<vmem>>, vector<16xi32>,
    %gather3A_1031 = tpu.vector_load_idx %arg11[%get3A_1030] : memref<1024xi32, #tpu.memory_space<vmem>>[vector<16xi32>], vector<16xi32>,
    %swap3A_1032 = arith.constant 9 : i32
    %swap3A_1033 = arith.index_cast %swap3A_1032 : i32 to index
    %swap3A_1034 = arith.constant 48 : index
    %swap3A_1035 = tpu.vector_load %arg13[%swap3A_1033, %swap3A_1034] {strides = array<i32>} : memref<16x128xi32, #tpu.memory_space<vmem>>, vector<16xi32>,
    tpu.vector_store %arg13[%swap3A_1033, %swap3A_1034], %gather3A_1031 {strides = array<i32>} : memref<16x128xi32, #tpu.memory_space<vmem>>, vector<16xi32>,
    %gather3A_1036 = tpu.vector_load_idx %arg12[%get3A_1030] : memref<1024xf32, #tpu.memory_space<vmem>>[vector<16xi32>], vector<16xf32>,
    %add3A_1037 = arith.addf %add3A_1026, %gather3A_1036 : vector<16xf32>
    %get3A_1038 = arith.constant 9 : i32
    %get3A_1039 = arith.index_cast %get3A_1038 : i32 to index
    %get3A_1040 = arith.constant 64 : index
    %get3A_1041 = tpu.vector_load %arg9[%get3A_1039, %get3A_1040] {strides = array<i32>} : memref<16x128xi32, #tpu.memory_space<vmem>>, vector<16xi32>,
    %gather3A_1042 = tpu.vector_load_idx %arg11[%get3A_1041] : memref<1024xi32, #tpu.memory_space<vmem>>[vector<16xi32>], vector<16xi32>,
    %swap3A_1043 = arith.constant 9 : i32
    %swap3A_1044 = arith.index_cast %swap3A_1043 : i32 to index
    %swap3A_1045 = arith.constant 64 : index
    %swap3A_1046 = tpu.vector_load %arg13[%swap3A_1044, %swap3A_1045] {strides = array<i32>} : memref<16x128xi32, #tpu.memory_space<vmem>>, vector<16xi32>,
    tpu.vector_store %arg13[%swap3A_1044, %swap3A_1045], %gather3A_1042 {strides = array<i32>} : memref<16x128xi32, #tpu.memory_space<vmem>>, vector<16xi32>,
    %gather3A_1047 = tpu.vector_load_idx %arg12[%get3A_1041] : memref<1024xf32, #tpu.memory_space<vmem>>[vector<16xi32>], vector<16xf32>,
    %add3A_1048 = arith.addf %add3A_1037, %gather3A_1047 : vector<16xf32>
    %get3A_1049 = arith.constant 9 : i32
    %get3A_1050 = arith.index_cast %get3A_1049 : i32 to index
    %get3A_1051 = arith.constant 80 : index
    %get3A_1052 = tpu.vector_load %arg9[%get3A_1050, %get3A_1051] {strides = array<i32>} : memref<16x128xi32, #tpu.memory_space<vmem>>, vector<16xi32>,
    %gather3A_1053 = tpu.vector_load_idx %arg11[%get3A_1052] : memref<1024xi32, #tpu.memory_space<vmem>>[vector<16xi32>], vector<16xi32>,
    %swap3A_1054 = arith.constant 9 : i32
    %swap3A_1055 = arith.index_cast %swap3A_1054 : i32 to index
    %swap3A_1056 = arith.constant 80 : index
    %swap3A_1057 = tpu.vector_load %arg13[%swap3A_1055, %swap3A_1056] {strides = array<i32>} : memref<16x128xi32, #tpu.memory_space<vmem>>, vector<16xi32>,
    tpu.vector_store %arg13[%swap3A_1055, %swap3A_1056], %gather3A_1053 {strides = array<i32>} : memref<16x128xi32, #tpu.memory_space<vmem>>, vector<16xi32>,
    %gather3A_1058 = tpu.vector_load_idx %arg12[%get3A_1052] : memref<1024xf32, #tpu.memory_space<vmem>>[vector<16xi32>], vector<16xf32>,
    %add3A_1059 = arith.addf %add3A_1048, %gather3A_1058 : vector<16xf32>
    %get3A_1060 = arith.constant 9 : i32
    %get3A_1061 = arith.index_cast %get3A_1060 : i32 to index
    %get3A_1062 = arith.constant 96 : index
    %get3A_1063 = tpu.vector_load %arg9[%get3A_1061, %get3A_1062] {strides = array<i32>} : memref<16x128xi32, #tpu.memory_space<vmem>>, vector<16xi32>,
    %gather3A_1064 = tpu.vector_load_idx %arg11[%get3A_1063] : memref<1024xi32, #tpu.memory_space<vmem>>[vector<16xi32>], vector<16xi32>,
    %swap3A_1065 = arith.constant 9 : i32
    %swap3A_1066 = arith.index_cast %swap3A_1065 : i32 to index
    %swap3A_1067 = arith.constant 96 : index
    %swap3A_1068 = tpu.vector_load %arg13[%swap3A_1066, %swap3A_1067] {strides = array<i32>} : memref<16x128xi32, #tpu.memory_space<vmem>>, vector<16xi32>,
    tpu.vector_store %arg13[%swap3A_1066, %swap3A_1067], %gather3A_1064 {strides = array<i32>} : memref<16x128xi32, #tpu.memory_space<vmem>>, vector<16xi32>,
    %gather3A_1069 = tpu.vector_load_idx %arg12[%get3A_1063] : memref<1024xf32, #tpu.memory_space<vmem>>[vector<16xi32>], vector<16xf32>,
    %add3A_1070 = arith.addf %add3A_1059, %gather3A_1069 : vector<16xf32>
    %get3A_1071 = arith.constant 9 : i32
    %get3A_1072 = arith.index_cast %get3A_1071 : i32 to index
    %get3A_1073 = arith.constant 112 : index
    %get3A_1074 = tpu.vector_load %arg9[%get3A_1072, %get3A_1073] {strides = array<i32>} : memref<16x128xi32, #tpu.memory_space<vmem>>, vector<16xi32>,
    %gather3A_1075 = tpu.vector_load_idx %arg11[%get3A_1074] : memref<1024xi32, #tpu.memory_space<vmem>>[vector<16xi32>], vector<16xi32>,
    %swap3A_1076 = arith.constant 9 : i32
    %swap3A_1077 = arith.index_cast %swap3A_1076 : i32 to index
    %swap3A_1078 = arith.constant 112 : index
    %swap3A_1079 = tpu.vector_load %arg13[%swap3A_1077, %swap3A_1078] {strides = array<i32>} : memref<16x128xi32, #tpu.memory_space<vmem>>, vector<16xi32>,
    tpu.vector_store %arg13[%swap3A_1077, %swap3A_1078], %gather3A_1075 {strides = array<i32>} : memref<16x128xi32, #tpu.memory_space<vmem>>, vector<16xi32>,
    %gather3A_1080 = tpu.vector_load_idx %arg12[%get3A_1074] : memref<1024xf32, #tpu.memory_space<vmem>>[vector<16xi32>], vector<16xf32>,
    %add3A_1081 = arith.addf %add3A_1070, %gather3A_1080 : vector<16xf32>
    %get3A_1082 = arith.constant 10 : i32
    %get3A_1083 = arith.index_cast %get3A_1082 : i32 to index
    %get3A_1084 = arith.constant 0 : index
    %get3A_1085 = tpu.vector_load %arg9[%get3A_1083, %get3A_1084] {strides = array<i32>} : memref<16x128xi32, #tpu.memory_space<vmem>>, vector<16xi32>,
    %gather3A_1086 = tpu.vector_load_idx %arg11[%get3A_1085] : memref<1024xi32, #tpu.memory_space<vmem>>[vector<16xi32>], vector<16xi32>,
    %swap3A_1087 = arith.constant 10 : i32
    %swap3A_1088 = arith.index_cast %swap3A_1087 : i32 to index
    %swap3A_1089 = arith.constant 0 : index
    %swap3A_1090 = tpu.vector_load %arg13[%swap3A_1088, %swap3A_1089] {strides = array<i32>} : memref<16x128xi32, #tpu.memory_space<vmem>>, vector<16xi32>,
    tpu.vector_store %arg13[%swap3A_1088, %swap3A_1089], %gather3A_1086 {strides = array<i32>} : memref<16x128xi32, #tpu.memory_space<vmem>>, vector<16xi32>,
    %gather3A_1091 = tpu.vector_load_idx %arg12[%get3A_1085] : memref<1024xf32, #tpu.memory_space<vmem>>[vector<16xi32>], vector<16xf32>,
    %add3A_1092 = arith.addf %add3A_1081, %gather3A_1091 : vector<16xf32>
    %get3A_1093 = arith.constant 10 : i32
    %get3A_1094 = arith.index_cast %get3A_1093 : i32 to index
    %get3A_1095 = arith.constant 16 : index
    %get3A_1096 = tpu.vector_load %arg9[%get3A_1094, %get3A_1095] {strides = array<i32>} : memref<16x128xi32, #tpu.memory_space<vmem>>, vector<16xi32>,
    %gather3A_1097 = tpu.vector_load_idx %arg11[%get3A_1096] : memref<1024xi32, #tpu.memory_space<vmem>>[vector<16xi32>], vector<16xi32>,
    %swap3A_1098 = arith.constant 10 : i32
    %swap3A_1099 = arith.index_cast %swap3A_1098 : i32 to index
    %swap3A_1100 = arith.constant 16 : index
    %swap3A_1101 = tpu.vector_load %arg13[%swap3A_1099, %swap3A_1100] {strides = array<i32>} : memref<16x128xi32, #tpu.memory_space<vmem>>, vector<16xi32>,
    tpu.vector_store %arg13[%swap3A_1099, %swap3A_1100], %gather3A_1097 {strides = array<i32>} : memref<16x128xi32, #tpu.memory_space<vmem>>, vector<16xi32>,
    %gather3A_1102 = tpu.vector_load_idx %arg12[%get3A_1096] : memref<1024xf32, #tpu.memory_space<vmem>>[vector<16xi32>], vector<16xf32>,
    %add3A_1103 = arith.addf %add3A_1092, %gather3A_1102 : vector<16xf32>
    %get3A_1104 = arith.constant 10 : i32
    %get3A_1105 = arith.index_cast %get3A_1104 : i32 to index
    %get3A_1106 = arith.constant 32 : index
    %get3A_1107 = tpu.vector_load %arg9[%get3A_1105, %get3A_1106] {strides = array<i32>} : memref<16x128xi32, #tpu.memory_space<vmem>>, vector<16xi32>,
    %gather3A_1108 = tpu.vector_load_idx %arg11[%get3A_1107] : memref<1024xi32, #tpu.memory_space<vmem>>[vector<16xi32>], vector<16xi32>,
    %swap3A_1109 = arith.constant 10 : i32
    %swap3A_1110 = arith.index_cast %swap3A_1109 : i32 to index
    %swap3A_1111 = arith.constant 32 : index
    %swap3A_1112 = tpu.vector_load %arg13[%swap3A_1110, %swap3A_1111] {strides = array<i32>} : memref<16x128xi32, #tpu.memory_space<vmem>>, vector<16xi32>,
    tpu.vector_store %arg13[%swap3A_1110, %swap3A_1111], %gather3A_1108 {strides = array<i32>} : memref<16x128xi32, #tpu.memory_space<vmem>>, vector<16xi32>,
    %gather3A_1113 = tpu.vector_load_idx %arg12[%get3A_1107] : memref<1024xf32, #tpu.memory_space<vmem>>[vector<16xi32>], vector<16xf32>,
    %add3A_1114 = arith.addf %add3A_1103, %gather3A_1113 : vector<16xf32>
    %get3A_1115 = arith.constant 10 : i32
    %get3A_1116 = arith.index_cast %get3A_1115 : i32 to index
    %get3A_1117 = arith.constant 48 : index
    %get3A_1118 = tpu.vector_load %arg9[%get3A_1116, %get3A_1117] {strides = array<i32>} : memref<16x128xi32, #tpu.memory_space<vmem>>, vector<16xi32>,
    %gather3A_1119 = tpu.vector_load_idx %arg11[%get3A_1118] : memref<1024xi32, #tpu.memory_space<vmem>>[vector<16xi32>], vector<16xi32>,
    %swap3A_1120 = arith.constant 10 : i32
    %swap3A_1121 = arith.index_cast %swap3A_1120 : i32 to index
    %swap3A_1122 = arith.constant 48 : index
    %swap3A_1123 = tpu.vector_load %arg13[%swap3A_1121, %swap3A_1122] {strides = array<i32>} : memref<16x128xi32, #tpu.memory_space<vmem>>, vector<16xi32>,
    tpu.vector_store %arg13[%swap3A_1121, %swap3A_1122], %gather3A_1119 {strides = array<i32>} : memref<16x128xi32, #tpu.memory_space<vmem>>, vector<16xi32>,
    %gather3A_1124 = tpu.vector_load_idx %arg12[%get3A_1118] : memref<1024xf32, #tpu.memory_space<vmem>>[vector<16xi32>], vector<16xf32>,
    %add3A_1125 = arith.addf %add3A_1114, %gather3A_1124 : vector<16xf32>
    %get3A_1126 = arith.constant 10 : i32
    %get3A_1127 = arith.index_cast %get3A_1126 : i32 to index
    %get3A_1128 = arith.constant 64 : index
    %get3A_1129 = tpu.vector_load %arg9[%get3A_1127, %get3A_1128] {strides = array<i32>} : memref<16x128xi32, #tpu.memory_space<vmem>>, vector<16xi32>,
    %gather3A_1130 = tpu.vector_load_idx %arg11[%get3A_1129] : memref<1024xi32, #tpu.memory_space<vmem>>[vector<16xi32>], vector<16xi32>,
    %swap3A_1131 = arith.constant 10 : i32
    %swap3A_1132 = arith.index_cast %swap3A_1131 : i32 to index
    %swap3A_1133 = arith.constant 64 : index
    %swap3A_1134 = tpu.vector_load %arg13[%swap3A_1132, %swap3A_1133] {strides = array<i32>} : memref<16x128xi32, #tpu.memory_space<vmem>>, vector<16xi32>,
    tpu.vector_store %arg13[%swap3A_1132, %swap3A_1133], %gather3A_1130 {strides = array<i32>} : memref<16x128xi32, #tpu.memory_space<vmem>>, vector<16xi32>,
    %gather3A_1135 = tpu.vector_load_idx %arg12[%get3A_1129] : memref<1024xf32, #tpu.memory_space<vmem>>[vector<16xi32>], vector<16xf32>,
    %add3A_1136 = arith.addf %add3A_1125, %gather3A_1135 : vector<16xf32>
    %get3A_1137 = arith.constant 10 : i32
    %get3A_1138 = arith.index_cast %get3A_1137 : i32 to index
    %get3A_1139 = arith.constant 80 : index
    %get3A_1140 = tpu.vector_load %arg9[%get3A_1138, %get3A_1139] {strides = array<i32>} : memref<16x128xi32, #tpu.memory_space<vmem>>, vector<16xi32>,
    %gather3A_1141 = tpu.vector_load_idx %arg11[%get3A_1140] : memref<1024xi32, #tpu.memory_space<vmem>>[vector<16xi32>], vector<16xi32>,
    %swap3A_1142 = arith.constant 10 : i32
    %swap3A_1143 = arith.index_cast %swap3A_1142 : i32 to index
    %swap3A_1144 = arith.constant 80 : index
    %swap3A_1145 = tpu.vector_load %arg13[%swap3A_1143, %swap3A_1144] {strides = array<i32>} : memref<16x128xi32, #tpu.memory_space<vmem>>, vector<16xi32>,
    tpu.vector_store %arg13[%swap3A_1143, %swap3A_1144], %gather3A_1141 {strides = array<i32>} : memref<16x128xi32, #tpu.memory_space<vmem>>, vector<16xi32>,
    %gather3A_1146 = tpu.vector_load_idx %arg12[%get3A_1140] : memref<1024xf32, #tpu.memory_space<vmem>>[vector<16xi32>], vector<16xf32>,
    %add3A_1147 = arith.addf %add3A_1136, %gather3A_1146 : vector<16xf32>
    %get3A_1148 = arith.constant 10 : i32
    %get3A_1149 = arith.index_cast %get3A_1148 : i32 to index
    %get3A_1150 = arith.constant 96 : index
    %get3A_1151 = tpu.vector_load %arg9[%get3A_1149, %get3A_1150] {strides = array<i32>} : memref<16x128xi32, #tpu.memory_space<vmem>>, vector<16xi32>,
    %gather3A_1152 = tpu.vector_load_idx %arg11[%get3A_1151] : memref<1024xi32, #tpu.memory_space<vmem>>[vector<16xi32>], vector<16xi32>,
    %swap3A_1153 = arith.constant 10 : i32
    %swap3A_1154 = arith.index_cast %swap3A_1153 : i32 to index
    %swap3A_1155 = arith.constant 96 : index
    %swap3A_1156 = tpu.vector_load %arg13[%swap3A_1154, %swap3A_1155] {strides = array<i32>} : memref<16x128xi32, #tpu.memory_space<vmem>>, vector<16xi32>,
    tpu.vector_store %arg13[%swap3A_1154, %swap3A_1155], %gather3A_1152 {strides = array<i32>} : memref<16x128xi32, #tpu.memory_space<vmem>>, vector<16xi32>,
    %gather3A_1157 = tpu.vector_load_idx %arg12[%get3A_1151] : memref<1024xf32, #tpu.memory_space<vmem>>[vector<16xi32>], vector<16xf32>,
    %add3A_1158 = arith.addf %add3A_1147, %gather3A_1157 : vector<16xf32>
    %get3A_1159 = arith.constant 10 : i32
    %get3A_1160 = arith.index_cast %get3A_1159 : i32 to index
    %get3A_1161 = arith.constant 112 : index
    %get3A_1162 = tpu.vector_load %arg9[%get3A_1160, %get3A_1161] {strides = array<i32>} : memref<16x128xi32, #tpu.memory_space<vmem>>, vector<16xi32>,
    %gather3A_1163 = tpu.vector_load_idx %arg11[%get3A_1162] : memref<1024xi32, #tpu.memory_space<vmem>>[vector<16xi32>], vector<16xi32>,
    %swap3A_1164 = arith.constant 10 : i32
    %swap3A_1165 = arith.index_cast %swap3A_1164 : i32 to index
    %swap3A_1166 = arith.constant 112 : index
    %swap3A_1167 = tpu.vector_load %arg13[%swap3A_1165, %swap3A_1166] {strides = array<i32>} : memref<16x128xi32, #tpu.memory_space<vmem>>, vector<16xi32>,
    tpu.vector_store %arg13[%swap3A_1165, %swap3A_1166], %gather3A_1163 {strides = array<i32>} : memref<16x128xi32, #tpu.memory_space<vmem>>, vector<16xi32>,
    %gather3A_1168 = tpu.vector_load_idx %arg12[%get3A_1162] : memref<1024xf32, #tpu.memory_space<vmem>>[vector<16xi32>], vector<16xf32>,
    %add3A_1169 = arith.addf %add3A_1158, %gather3A_1168 : vector<16xf32>
    %get3A_1170 = arith.constant 11 : i32
    %get3A_1171 = arith.index_cast %get3A_1170 : i32 to index
    %get3A_1172 = arith.constant 0 : index
    %get3A_1173 = tpu.vector_load %arg9[%get3A_1171, %get3A_1172] {strides = array<i32>} : memref<16x128xi32, #tpu.memory_space<vmem>>, vector<16xi32>,
    %gather3A_1174 = tpu.vector_load_idx %arg11[%get3A_1173] : memref<1024xi32, #tpu.memory_space<vmem>>[vector<16xi32>], vector<16xi32>,
    %swap3A_1175 = arith.constant 11 : i32
    %swap3A_1176 = arith.index_cast %swap3A_1175 : i32 to index
    %swap3A_1177 = arith.constant 0 : index
    %swap3A_1178 = tpu.vector_load %arg13[%swap3A_1176, %swap3A_1177] {strides = array<i32>} : memref<16x128xi32, #tpu.memory_space<vmem>>, vector<16xi32>,
    tpu.vector_store %arg13[%swap3A_1176, %swap3A_1177], %gather3A_1174 {strides = array<i32>} : memref<16x128xi32, #tpu.memory_space<vmem>>, vector<16xi32>,
    %gather3A_1179 = tpu.vector_load_idx %arg12[%get3A_1173] : memref<1024xf32, #tpu.memory_space<vmem>>[vector<16xi32>], vector<16xf32>,
    %add3A_1180 = arith.addf %add3A_1169, %gather3A_1179 : vector<16xf32>
    %get3A_1181 = arith.constant 11 : i32
    %get3A_1182 = arith.index_cast %get3A_1181 : i32 to index
    %get3A_1183 = arith.constant 16 : index
    %get3A_1184 = tpu.vector_load %arg9[%get3A_1182, %get3A_1183] {strides = array<i32>} : memref<16x128xi32, #tpu.memory_space<vmem>>, vector<16xi32>,
    %gather3A_1185 = tpu.vector_load_idx %arg11[%get3A_1184] : memref<1024xi32, #tpu.memory_space<vmem>>[vector<16xi32>], vector<16xi32>,
    %swap3A_1186 = arith.constant 11 : i32
    %swap3A_1187 = arith.index_cast %swap3A_1186 : i32 to index
    %swap3A_1188 = arith.constant 16 : index
    %swap3A_1189 = tpu.vector_load %arg13[%swap3A_1187, %swap3A_1188] {strides = array<i32>} : memref<16x128xi32, #tpu.memory_space<vmem>>, vector<16xi32>,
    tpu.vector_store %arg13[%swap3A_1187, %swap3A_1188], %gather3A_1185 {strides = array<i32>} : memref<16x128xi32, #tpu.memory_space<vmem>>, vector<16xi32>,
    %gather3A_1190 = tpu.vector_load_idx %arg12[%get3A_1184] : memref<1024xf32, #tpu.memory_space<vmem>>[vector<16xi32>], vector<16xf32>,
    %add3A_1191 = arith.addf %add3A_1180, %gather3A_1190 : vector<16xf32>
    %get3A_1192 = arith.constant 11 : i32
    %get3A_1193 = arith.index_cast %get3A_1192 : i32 to index
    %get3A_1194 = arith.constant 32 : index
    %get3A_1195 = tpu.vector_load %arg9[%get3A_1193, %get3A_1194] {strides = array<i32>} : memref<16x128xi32, #tpu.memory_space<vmem>>, vector<16xi32>,
    %gather3A_1196 = tpu.vector_load_idx %arg11[%get3A_1195] : memref<1024xi32, #tpu.memory_space<vmem>>[vector<16xi32>], vector<16xi32>,
    %swap3A_1197 = arith.constant 11 : i32
    %swap3A_1198 = arith.index_cast %swap3A_1197 : i32 to index
    %swap3A_1199 = arith.constant 32 : index
    %swap3A_1200 = tpu.vector_load %arg13[%swap3A_1198, %swap3A_1199] {strides = array<i32>} : memref<16x128xi32, #tpu.memory_space<vmem>>, vector<16xi32>,
    tpu.vector_store %arg13[%swap3A_1198, %swap3A_1199], %gather3A_1196 {strides = array<i32>} : memref<16x128xi32, #tpu.memory_space<vmem>>, vector<16xi32>,
    %gather3A_1201 = tpu.vector_load_idx %arg12[%get3A_1195] : memref<1024xf32, #tpu.memory_space<vmem>>[vector<16xi32>], vector<16xf32>,
    %add3A_1202 = arith.addf %add3A_1191, %gather3A_1201 : vector<16xf32>
    %get3A_1203 = arith.constant 11 : i32
    %get3A_1204 = arith.index_cast %get3A_1203 : i32 to index
    %get3A_1205 = arith.constant 48 : index
    %get3A_1206 = tpu.vector_load %arg9[%get3A_1204, %get3A_1205] {strides = array<i32>} : memref<16x128xi32, #tpu.memory_space<vmem>>, vector<16xi32>,
    %gather3A_1207 = tpu.vector_load_idx %arg11[%get3A_1206] : memref<1024xi32, #tpu.memory_space<vmem>>[vector<16xi32>], vector<16xi32>,
    %swap3A_1208 = arith.constant 11 : i32
    %swap3A_1209 = arith.index_cast %swap3A_1208 : i32 to index
    %swap3A_1210 = arith.constant 48 : index
    %swap3A_1211 = tpu.vector_load %arg13[%swap3A_1209, %swap3A_1210] {strides = array<i32>} : memref<16x128xi32, #tpu.memory_space<vmem>>, vector<16xi32>,
    tpu.vector_store %arg13[%swap3A_1209, %swap3A_1210], %gather3A_1207 {strides = array<i32>} : memref<16x128xi32, #tpu.memory_space<vmem>>, vector<16xi32>,
    %gather3A_1212 = tpu.vector_load_idx %arg12[%get3A_1206] : memref<1024xf32, #tpu.memory_space<vmem>>[vector<16xi32>], vector<16xf32>,
    %add3A_1213 = arith.addf %add3A_1202, %gather3A_1212 : vector<16xf32>
    %get3A_1214 = arith.constant 11 : i32
    %get3A_1215 = arith.index_cast %get3A_1214 : i32 to index
    %get3A_1216 = arith.constant 64 : index
    %get3A_1217 = tpu.vector_load %arg9[%get3A_1215, %get3A_1216] {strides = array<i32>} : memref<16x128xi32, #tpu.memory_space<vmem>>, vector<16xi32>,
    %gather3A_1218 = tpu.vector_load_idx %arg11[%get3A_1217] : memref<1024xi32, #tpu.memory_space<vmem>>[vector<16xi32>], vector<16xi32>,
    %swap3A_1219 = arith.constant 11 : i32
    %swap3A_1220 = arith.index_cast %swap3A_1219 : i32 to index
    %swap3A_1221 = arith.constant 64 : index
    %swap3A_1222 = tpu.vector_load %arg13[%swap3A_1220, %swap3A_1221] {strides = array<i32>} : memref<16x128xi32, #tpu.memory_space<vmem>>, vector<16xi32>,
    tpu.vector_store %arg13[%swap3A_1220, %swap3A_1221], %gather3A_1218 {strides = array<i32>} : memref<16x128xi32, #tpu.memory_space<vmem>>, vector<16xi32>,
    %gather3A_1223 = tpu.vector_load_idx %arg12[%get3A_1217] : memref<1024xf32, #tpu.memory_space<vmem>>[vector<16xi32>], vector<16xf32>,
    %add3A_1224 = arith.addf %add3A_1213, %gather3A_1223 : vector<16xf32>
    %get3A_1225 = arith.constant 11 : i32
    %get3A_1226 = arith.index_cast %get3A_1225 : i32 to index
    %get3A_1227 = arith.constant 80 : index
    %get3A_1228 = tpu.vector_load %arg9[%get3A_1226, %get3A_1227] {strides = array<i32>} : memref<16x128xi32, #tpu.memory_space<vmem>>, vector<16xi32>,
    %gather3A_1229 = tpu.vector_load_idx %arg11[%get3A_1228] : memref<1024xi32, #tpu.memory_space<vmem>>[vector<16xi32>], vector<16xi32>,
    %swap3A_1230 = arith.constant 11 : i32
    %swap3A_1231 = arith.index_cast %swap3A_1230 : i32 to index
    %swap3A_1232 = arith.constant 80 : index
    %swap3A_1233 = tpu.vector_load %arg13[%swap3A_1231, %swap3A_1232] {strides = array<i32>} : memref<16x128xi32, #tpu.memory_space<vmem>>, vector<16xi32>,
    tpu.vector_store %arg13[%swap3A_1231, %swap3A_1232], %gather3A_1229 {strides = array<i32>} : memref<16x128xi32, #tpu.memory_space<vmem>>, vector<16xi32>,
    %gather3A_1234 = tpu.vector_load_idx %arg12[%get3A_1228] : memref<1024xf32, #tpu.memory_space<vmem>>[vector<16xi32>], vector<16xf32>,
    %add3A_1235 = arith.addf %add3A_1224, %gather3A_1234 : vector<16xf32>
    %get3A_1236 = arith.constant 11 : i32
    %get3A_1237 = arith.index_cast %get3A_1236 : i32 to index
    %get3A_1238 = arith.constant 96 : index
    %get3A_1239 = tpu.vector_load %arg9[%get3A_1237, %get3A_1238] {strides = array<i32>} : memref<16x128xi32, #tpu.memory_space<vmem>>, vector<16xi32>,
    %gather3A_1240 = tpu.vector_load_idx %arg11[%get3A_1239] : memref<1024xi32, #tpu.memory_space<vmem>>[vector<16xi32>], vector<16xi32>,
    %swap3A_1241 = arith.constant 11 : i32
    %swap3A_1242 = arith.index_cast %swap3A_1241 : i32 to index
    %swap3A_1243 = arith.constant 96 : index
    %swap3A_1244 = tpu.vector_load %arg13[%swap3A_1242, %swap3A_1243] {strides = array<i32>} : memref<16x128xi32, #tpu.memory_space<vmem>>, vector<16xi32>,
    tpu.vector_store %arg13[%swap3A_1242, %swap3A_1243], %gather3A_1240 {strides = array<i32>} : memref<16x128xi32, #tpu.memory_space<vmem>>, vector<16xi32>,
    %gather3A_1245 = tpu.vector_load_idx %arg12[%get3A_1239] : memref<1024xf32, #tpu.memory_space<vmem>>[vector<16xi32>], vector<16xf32>,
    %add3A_1246 = arith.addf %add3A_1235, %gather3A_1245 : vector<16xf32>
    %get3A_1247 = arith.constant 11 : i32
    %get3A_1248 = arith.index_cast %get3A_1247 : i32 to index
    %get3A_1249 = arith.constant 112 : index
    %get3A_1250 = tpu.vector_load %arg9[%get3A_1248, %get3A_1249] {strides = array<i32>} : memref<16x128xi32, #tpu.memory_space<vmem>>, vector<16xi32>,
    %gather3A_1251 = tpu.vector_load_idx %arg11[%get3A_1250] : memref<1024xi32, #tpu.memory_space<vmem>>[vector<16xi32>], vector<16xi32>,
    %swap3A_1252 = arith.constant 11 : i32
    %swap3A_1253 = arith.index_cast %swap3A_1252 : i32 to index
    %swap3A_1254 = arith.constant 112 : index
    %swap3A_1255 = tpu.vector_load %arg13[%swap3A_1253, %swap3A_1254] {strides = array<i32>} : memref<16x128xi32, #tpu.memory_space<vmem>>, vector<16xi32>,
    tpu.vector_store %arg13[%swap3A_1253, %swap3A_1254], %gather3A_1251 {strides = array<i32>} : memref<16x128xi32, #tpu.memory_space<vmem>>, vector<16xi32>,
    %gather3A_1256 = tpu.vector_load_idx %arg12[%get3A_1250] : memref<1024xf32, #tpu.memory_space<vmem>>[vector<16xi32>], vector<16xf32>,
    %add3A_1257 = arith.addf %add3A_1246, %gather3A_1256 : vector<16xf32>
    %get3A_1258 = arith.constant 12 : i32
    %get3A_1259 = arith.index_cast %get3A_1258 : i32 to index
    %get3A_1260 = arith.constant 0 : index
    %get3A_1261 = tpu.vector_load %arg9[%get3A_1259, %get3A_1260] {strides = array<i32>} : memref<16x128xi32, #tpu.memory_space<vmem>>, vector<16xi32>,
    %gather3A_1262 = tpu.vector_load_idx %arg11[%get3A_1261] : memref<1024xi32, #tpu.memory_space<vmem>>[vector<16xi32>], vector<16xi32>,
    %swap3A_1263 = arith.constant 12 : i32
    %swap3A_1264 = arith.index_cast %swap3A_1263 : i32 to index
    %swap3A_1265 = arith.constant 0 : index
    %swap3A_1266 = tpu.vector_load %arg13[%swap3A_1264, %swap3A_1265] {strides = array<i32>} : memref<16x128xi32, #tpu.memory_space<vmem>>, vector<16xi32>,
    tpu.vector_store %arg13[%swap3A_1264, %swap3A_1265], %gather3A_1262 {strides = array<i32>} : memref<16x128xi32, #tpu.memory_space<vmem>>, vector<16xi32>,
    %gather3A_1267 = tpu.vector_load_idx %arg12[%get3A_1261] : memref<1024xf32, #tpu.memory_space<vmem>>[vector<16xi32>], vector<16xf32>,
    %add3A_1268 = arith.addf %add3A_1257, %gather3A_1267 : vector<16xf32>
    %get3A_1269 = arith.constant 12 : i32
    %get3A_1270 = arith.index_cast %get3A_1269 : i32 to index
    %get3A_1271 = arith.constant 16 : index
    %get3A_1272 = tpu.vector_load %arg9[%get3A_1270, %get3A_1271] {strides = array<i32>} : memref<16x128xi32, #tpu.memory_space<vmem>>, vector<16xi32>,
    %gather3A_1273 = tpu.vector_load_idx %arg11[%get3A_1272] : memref<1024xi32, #tpu.memory_space<vmem>>[vector<16xi32>], vector<16xi32>,
    %swap3A_1274 = arith.constant 12 : i32
    %swap3A_1275 = arith.index_cast %swap3A_1274 : i32 to index
    %swap3A_1276 = arith.constant 16 : index
    %swap3A_1277 = tpu.vector_load %arg13[%swap3A_1275, %swap3A_1276] {strides = array<i32>} : memref<16x128xi32, #tpu.memory_space<vmem>>, vector<16xi32>,
    tpu.vector_store %arg13[%swap3A_1275, %swap3A_1276], %gather3A_1273 {strides = array<i32>} : memref<16x128xi32, #tpu.memory_space<vmem>>, vector<16xi32>,
    %gather3A_1278 = tpu.vector_load_idx %arg12[%get3A_1272] : memref<1024xf32, #tpu.memory_space<vmem>>[vector<16xi32>], vector<16xf32>,
    %add3A_1279 = arith.addf %add3A_1268, %gather3A_1278 : vector<16xf32>
    %get3A_1280 = arith.constant 12 : i32
    %get3A_1281 = arith.index_cast %get3A_1280 : i32 to index
    %get3A_1282 = arith.constant 32 : index
    %get3A_1283 = tpu.vector_load %arg9[%get3A_1281, %get3A_1282] {strides = array<i32>} : memref<16x128xi32, #tpu.memory_space<vmem>>, vector<16xi32>,
    %gather3A_1284 = tpu.vector_load_idx %arg11[%get3A_1283] : memref<1024xi32, #tpu.memory_space<vmem>>[vector<16xi32>], vector<16xi32>,
    %swap3A_1285 = arith.constant 12 : i32
    %swap3A_1286 = arith.index_cast %swap3A_1285 : i32 to index
    %swap3A_1287 = arith.constant 32 : index
    %swap3A_1288 = tpu.vector_load %arg13[%swap3A_1286, %swap3A_1287] {strides = array<i32>} : memref<16x128xi32, #tpu.memory_space<vmem>>, vector<16xi32>,
    tpu.vector_store %arg13[%swap3A_1286, %swap3A_1287], %gather3A_1284 {strides = array<i32>} : memref<16x128xi32, #tpu.memory_space<vmem>>, vector<16xi32>,
    %gather3A_1289 = tpu.vector_load_idx %arg12[%get3A_1283] : memref<1024xf32, #tpu.memory_space<vmem>>[vector<16xi32>], vector<16xf32>,
    %add3A_1290 = arith.addf %add3A_1279, %gather3A_1289 : vector<16xf32>
    %get3A_1291 = arith.constant 12 : i32
    %get3A_1292 = arith.index_cast %get3A_1291 : i32 to index
    %get3A_1293 = arith.constant 48 : index
    %get3A_1294 = tpu.vector_load %arg9[%get3A_1292, %get3A_1293] {strides = array<i32>} : memref<16x128xi32, #tpu.memory_space<vmem>>, vector<16xi32>,
    %gather3A_1295 = tpu.vector_load_idx %arg11[%get3A_1294] : memref<1024xi32, #tpu.memory_space<vmem>>[vector<16xi32>], vector<16xi32>,
    %swap3A_1296 = arith.constant 12 : i32
    %swap3A_1297 = arith.index_cast %swap3A_1296 : i32 to index
    %swap3A_1298 = arith.constant 48 : index
    %swap3A_1299 = tpu.vector_load %arg13[%swap3A_1297, %swap3A_1298] {strides = array<i32>} : memref<16x128xi32, #tpu.memory_space<vmem>>, vector<16xi32>,
    tpu.vector_store %arg13[%swap3A_1297, %swap3A_1298], %gather3A_1295 {strides = array<i32>} : memref<16x128xi32, #tpu.memory_space<vmem>>, vector<16xi32>,
    %gather3A_1300 = tpu.vector_load_idx %arg12[%get3A_1294] : memref<1024xf32, #tpu.memory_space<vmem>>[vector<16xi32>], vector<16xf32>,
    %add3A_1301 = arith.addf %add3A_1290, %gather3A_1300 : vector<16xf32>
    %get3A_1302 = arith.constant 12 : i32
    %get3A_1303 = arith.index_cast %get3A_1302 : i32 to index
    %get3A_1304 = arith.constant 64 : index
    %get3A_1305 = tpu.vector_load %arg9[%get3A_1303, %get3A_1304] {strides = array<i32>} : memref<16x128xi32, #tpu.memory_space<vmem>>, vector<16xi32>,
    %gather3A_1306 = tpu.vector_load_idx %arg11[%get3A_1305] : memref<1024xi32, #tpu.memory_space<vmem>>[vector<16xi32>], vector<16xi32>,
    %swap3A_1307 = arith.constant 12 : i32
    %swap3A_1308 = arith.index_cast %swap3A_1307 : i32 to index
    %swap3A_1309 = arith.constant 64 : index
    %swap3A_1310 = tpu.vector_load %arg13[%swap3A_1308, %swap3A_1309] {strides = array<i32>} : memref<16x128xi32, #tpu.memory_space<vmem>>, vector<16xi32>,
    tpu.vector_store %arg13[%swap3A_1308, %swap3A_1309], %gather3A_1306 {strides = array<i32>} : memref<16x128xi32, #tpu.memory_space<vmem>>, vector<16xi32>,
    %gather3A_1311 = tpu.vector_load_idx %arg12[%get3A_1305] : memref<1024xf32, #tpu.memory_space<vmem>>[vector<16xi32>], vector<16xf32>,
    %add3A_1312 = arith.addf %add3A_1301, %gather3A_1311 : vector<16xf32>
    %get3A_1313 = arith.constant 12 : i32
    %get3A_1314 = arith.index_cast %get3A_1313 : i32 to index
    %get3A_1315 = arith.constant 80 : index
    %get3A_1316 = tpu.vector_load %arg9[%get3A_1314, %get3A_1315] {strides = array<i32>} : memref<16x128xi32, #tpu.memory_space<vmem>>, vector<16xi32>,
    %gather3A_1317 = tpu.vector_load_idx %arg11[%get3A_1316] : memref<1024xi32, #tpu.memory_space<vmem>>[vector<16xi32>], vector<16xi32>,
    %swap3A_1318 = arith.constant 12 : i32
    %swap3A_1319 = arith.index_cast %swap3A_1318 : i32 to index
    %swap3A_1320 = arith.constant 80 : index
    %swap3A_1321 = tpu.vector_load %arg13[%swap3A_1319, %swap3A_1320] {strides = array<i32>} : memref<16x128xi32, #tpu.memory_space<vmem>>, vector<16xi32>,
    tpu.vector_store %arg13[%swap3A_1319, %swap3A_1320], %gather3A_1317 {strides = array<i32>} : memref<16x128xi32, #tpu.memory_space<vmem>>, vector<16xi32>,
    %gather3A_1322 = tpu.vector_load_idx %arg12[%get3A_1316] : memref<1024xf32, #tpu.memory_space<vmem>>[vector<16xi32>], vector<16xf32>,
    %add3A_1323 = arith.addf %add3A_1312, %gather3A_1322 : vector<16xf32>
    %get3A_1324 = arith.constant 12 : i32
    %get3A_1325 = arith.index_cast %get3A_1324 : i32 to index
    %get3A_1326 = arith.constant 96 : index
    %get3A_1327 = tpu.vector_load %arg9[%get3A_1325, %get3A_1326] {strides = array<i32>} : memref<16x128xi32, #tpu.memory_space<vmem>>, vector<16xi32>,
    %gather3A_1328 = tpu.vector_load_idx %arg11[%get3A_1327] : memref<1024xi32, #tpu.memory_space<vmem>>[vector<16xi32>], vector<16xi32>,
    %swap3A_1329 = arith.constant 12 : i32
    %swap3A_1330 = arith.index_cast %swap3A_1329 : i32 to index
    %swap3A_1331 = arith.constant 96 : index
    %swap3A_1332 = tpu.vector_load %arg13[%swap3A_1330, %swap3A_1331] {strides = array<i32>} : memref<16x128xi32, #tpu.memory_space<vmem>>, vector<16xi32>,
    tpu.vector_store %arg13[%swap3A_1330, %swap3A_1331], %gather3A_1328 {strides = array<i32>} : memref<16x128xi32, #tpu.memory_space<vmem>>, vector<16xi32>,
    %gather3A_1333 = tpu.vector_load_idx %arg12[%get3A_1327] : memref<1024xf32, #tpu.memory_space<vmem>>[vector<16xi32>], vector<16xf32>,
    %add3A_1334 = arith.addf %add3A_1323, %gather3A_1333 : vector<16xf32>
    %get3A_1335 = arith.constant 12 : i32
    %get3A_1336 = arith.index_cast %get3A_1335 : i32 to index
    %get3A_1337 = arith.constant 112 : index
    %get3A_1338 = tpu.vector_load %arg9[%get3A_1336, %get3A_1337] {strides = array<i32>} : memref<16x128xi32, #tpu.memory_space<vmem>>, vector<16xi32>,
    %gather3A_1339 = tpu.vector_load_idx %arg11[%get3A_1338] : memref<1024xi32, #tpu.memory_space<vmem>>[vector<16xi32>], vector<16xi32>,
    %swap3A_1340 = arith.constant 12 : i32
    %swap3A_1341 = arith.index_cast %swap3A_1340 : i32 to index
    %swap3A_1342 = arith.constant 112 : index
    %swap3A_1343 = tpu.vector_load %arg13[%swap3A_1341, %swap3A_1342] {strides = array<i32>} : memref<16x128xi32, #tpu.memory_space<vmem>>, vector<16xi32>,
    tpu.vector_store %arg13[%swap3A_1341, %swap3A_1342], %gather3A_1339 {strides = array<i32>} : memref<16x128xi32, #tpu.memory_space<vmem>>, vector<16xi32>,
    %gather3A_1344 = tpu.vector_load_idx %arg12[%get3A_1338] : memref<1024xf32, #tpu.memory_space<vmem>>[vector<16xi32>], vector<16xf32>,
    %add3A_1345 = arith.addf %add3A_1334, %gather3A_1344 : vector<16xf32>
    %get3A_1346 = arith.constant 13 : i32
    %get3A_1347 = arith.index_cast %get3A_1346 : i32 to index
    %get3A_1348 = arith.constant 0 : index
    %get3A_1349 = tpu.vector_load %arg9[%get3A_1347, %get3A_1348] {strides = array<i32>} : memref<16x128xi32, #tpu.memory_space<vmem>>, vector<16xi32>,
    %gather3A_1350 = tpu.vector_load_idx %arg11[%get3A_1349] : memref<1024xi32, #tpu.memory_space<vmem>>[vector<16xi32>], vector<16xi32>,
    %swap3A_1351 = arith.constant 13 : i32
    %swap3A_1352 = arith.index_cast %swap3A_1351 : i32 to index
    %swap3A_1353 = arith.constant 0 : index
    %swap3A_1354 = tpu.vector_load %arg13[%swap3A_1352, %swap3A_1353] {strides = array<i32>} : memref<16x128xi32, #tpu.memory_space<vmem>>, vector<16xi32>,
    tpu.vector_store %arg13[%swap3A_1352, %swap3A_1353], %gather3A_1350 {strides = array<i32>} : memref<16x128xi32, #tpu.memory_space<vmem>>, vector<16xi32>,
    %gather3A_1355 = tpu.vector_load_idx %arg12[%get3A_1349] : memref<1024xf32, #tpu.memory_space<vmem>>[vector<16xi32>], vector<16xf32>,
    %add3A_1356 = arith.addf %add3A_1345, %gather3A_1355 : vector<16xf32>
    %get3A_1357 = arith.constant 13 : i32
    %get3A_1358 = arith.index_cast %get3A_1357 : i32 to index
    %get3A_1359 = arith.constant 16 : index
    %get3A_1360 = tpu.vector_load %arg9[%get3A_1358, %get3A_1359] {strides = array<i32>} : memref<16x128xi32, #tpu.memory_space<vmem>>, vector<16xi32>,
    %gather3A_1361 = tpu.vector_load_idx %arg11[%get3A_1360] : memref<1024xi32, #tpu.memory_space<vmem>>[vector<16xi32>], vector<16xi32>,
    %swap3A_1362 = arith.constant 13 : i32
    %swap3A_1363 = arith.index_cast %swap3A_1362 : i32 to index
    %swap3A_1364 = arith.constant 16 : index
    %swap3A_1365 = tpu.vector_load %arg13[%swap3A_1363, %swap3A_1364] {strides = array<i32>} : memref<16x128xi32, #tpu.memory_space<vmem>>, vector<16xi32>,
    tpu.vector_store %arg13[%swap3A_1363, %swap3A_1364], %gather3A_1361 {strides = array<i32>} : memref<16x128xi32, #tpu.memory_space<vmem>>, vector<16xi32>,
    %gather3A_1366 = tpu.vector_load_idx %arg12[%get3A_1360] : memref<1024xf32, #tpu.memory_space<vmem>>[vector<16xi32>], vector<16xf32>,
    %add3A_1367 = arith.addf %add3A_1356, %gather3A_1366 : vector<16xf32>
    %get3A_1368 = arith.constant 13 : i32
    %get3A_1369 = arith.index_cast %get3A_1368 : i32 to index
    %get3A_1370 = arith.constant 32 : index
    %get3A_1371 = tpu.vector_load %arg9[%get3A_1369, %get3A_1370] {strides = array<i32>} : memref<16x128xi32, #tpu.memory_space<vmem>>, vector<16xi32>,
    %gather3A_1372 = tpu.vector_load_idx %arg11[%get3A_1371] : memref<1024xi32, #tpu.memory_space<vmem>>[vector<16xi32>], vector<16xi32>,
    %swap3A_1373 = arith.constant 13 : i32
    %swap3A_1374 = arith.index_cast %swap3A_1373 : i32 to index
    %swap3A_1375 = arith.constant 32 : index
    %swap3A_1376 = tpu.vector_load %arg13[%swap3A_1374, %swap3A_1375] {strides = array<i32>} : memref<16x128xi32, #tpu.memory_space<vmem>>, vector<16xi32>,
    tpu.vector_store %arg13[%swap3A_1374, %swap3A_1375], %gather3A_1372 {strides = array<i32>} : memref<16x128xi32, #tpu.memory_space<vmem>>, vector<16xi32>,
    %gather3A_1377 = tpu.vector_load_idx %arg12[%get3A_1371] : memref<1024xf32, #tpu.memory_space<vmem>>[vector<16xi32>], vector<16xf32>,
    %add3A_1378 = arith.addf %add3A_1367, %gather3A_1377 : vector<16xf32>
    %get3A_1379 = arith.constant 13 : i32
    %get3A_1380 = arith.index_cast %get3A_1379 : i32 to index
    %get3A_1381 = arith.constant 48 : index
    %get3A_1382 = tpu.vector_load %arg9[%get3A_1380, %get3A_1381] {strides = array<i32>} : memref<16x128xi32, #tpu.memory_space<vmem>>, vector<16xi32>,
    %gather3A_1383 = tpu.vector_load_idx %arg11[%get3A_1382] : memref<1024xi32, #tpu.memory_space<vmem>>[vector<16xi32>], vector<16xi32>,
    %swap3A_1384 = arith.constant 13 : i32
    %swap3A_1385 = arith.index_cast %swap3A_1384 : i32 to index
    %swap3A_1386 = arith.constant 48 : index
    %swap3A_1387 = tpu.vector_load %arg13[%swap3A_1385, %swap3A_1386] {strides = array<i32>} : memref<16x128xi32, #tpu.memory_space<vmem>>, vector<16xi32>,
    tpu.vector_store %arg13[%swap3A_1385, %swap3A_1386], %gather3A_1383 {strides = array<i32>} : memref<16x128xi32, #tpu.memory_space<vmem>>, vector<16xi32>,
    %gather3A_1388 = tpu.vector_load_idx %arg12[%get3A_1382] : memref<1024xf32, #tpu.memory_space<vmem>>[vector<16xi32>], vector<16xf32>,
    %add3A_1389 = arith.addf %add3A_1378, %gather3A_1388 : vector<16xf32>
    %get3A_1390 = arith.constant 13 : i32
    %get3A_1391 = arith.index_cast %get3A_1390 : i32 to index
    %get3A_1392 = arith.constant 64 : index
    %get3A_1393 = tpu.vector_load %arg9[%get3A_1391, %get3A_1392] {strides = array<i32>} : memref<16x128xi32, #tpu.memory_space<vmem>>, vector<16xi32>,
    %gather3A_1394 = tpu.vector_load_idx %arg11[%get3A_1393] : memref<1024xi32, #tpu.memory_space<vmem>>[vector<16xi32>], vector<16xi32>,
    %swap3A_1395 = arith.constant 13 : i32
    %swap3A_1396 = arith.index_cast %swap3A_1395 : i32 to index
    %swap3A_1397 = arith.constant 64 : index
    %swap3A_1398 = tpu.vector_load %arg13[%swap3A_1396, %swap3A_1397] {strides = array<i32>} : memref<16x128xi32, #tpu.memory_space<vmem>>, vector<16xi32>,
    tpu.vector_store %arg13[%swap3A_1396, %swap3A_1397], %gather3A_1394 {strides = array<i32>} : memref<16x128xi32, #tpu.memory_space<vmem>>, vector<16xi32>,
    %gather3A_1399 = tpu.vector_load_idx %arg12[%get3A_1393] : memref<1024xf32, #tpu.memory_space<vmem>>[vector<16xi32>], vector<16xf32>,
    %add3A_1400 = arith.addf %add3A_1389, %gather3A_1399 : vector<16xf32>
    %get3A_1401 = arith.constant 13 : i32
    %get3A_1402 = arith.index_cast %get3A_1401 : i32 to index
    %get3A_1403 = arith.constant 80 : index
    %get3A_1404 = tpu.vector_load %arg9[%get3A_1402, %get3A_1403] {strides = array<i32>} : memref<16x128xi32, #tpu.memory_space<vmem>>, vector<16xi32>,
    %gather3A_1405 = tpu.vector_load_idx %arg11[%get3A_1404] : memref<1024xi32, #tpu.memory_space<vmem>>[vector<16xi32>], vector<16xi32>,
    %swap3A_1406 = arith.constant 13 : i32
    %swap3A_1407 = arith.index_cast %swap3A_1406 : i32 to index
    %swap3A_1408 = arith.constant 80 : index
    %swap3A_1409 = tpu.vector_load %arg13[%swap3A_1407, %swap3A_1408] {strides = array<i32>} : memref<16x128xi32, #tpu.memory_space<vmem>>, vector<16xi32>,
    tpu.vector_store %arg13[%swap3A_1407, %swap3A_1408], %gather3A_1405 {strides = array<i32>} : memref<16x128xi32, #tpu.memory_space<vmem>>, vector<16xi32>,
    %gather3A_1410 = tpu.vector_load_idx %arg12[%get3A_1404] : memref<1024xf32, #tpu.memory_space<vmem>>[vector<16xi32>], vector<16xf32>,
    %add3A_1411 = arith.addf %add3A_1400, %gather3A_1410 : vector<16xf32>
    %get3A_1412 = arith.constant 13 : i32
    %get3A_1413 = arith.index_cast %get3A_1412 : i32 to index
    %get3A_1414 = arith.constant 96 : index
    %get3A_1415 = tpu.vector_load %arg9[%get3A_1413, %get3A_1414] {strides = array<i32>} : memref<16x128xi32, #tpu.memory_space<vmem>>, vector<16xi32>,
    %gather3A_1416 = tpu.vector_load_idx %arg11[%get3A_1415] : memref<1024xi32, #tpu.memory_space<vmem>>[vector<16xi32>], vector<16xi32>,
    %swap3A_1417 = arith.constant 13 : i32
    %swap3A_1418 = arith.index_cast %swap3A_1417 : i32 to index
    %swap3A_1419 = arith.constant 96 : index
    %swap3A_1420 = tpu.vector_load %arg13[%swap3A_1418, %swap3A_1419] {strides = array<i32>} : memref<16x128xi32, #tpu.memory_space<vmem>>, vector<16xi32>,
    tpu.vector_store %arg13[%swap3A_1418, %swap3A_1419], %gather3A_1416 {strides = array<i32>} : memref<16x128xi32, #tpu.memory_space<vmem>>, vector<16xi32>,
    %gather3A_1421 = tpu.vector_load_idx %arg12[%get3A_1415] : memref<1024xf32, #tpu.memory_space<vmem>>[vector<16xi32>], vector<16xf32>,
    %add3A_1422 = arith.addf %add3A_1411, %gather3A_1421 : vector<16xf32>
    %get3A_1423 = arith.constant 13 : i32
    %get3A_1424 = arith.index_cast %get3A_1423 : i32 to index
    %get3A_1425 = arith.constant 112 : index
    %get3A_1426 = tpu.vector_load %arg9[%get3A_1424, %get3A_1425] {strides = array<i32>} : memref<16x128xi32, #tpu.memory_space<vmem>>, vector<16xi32>,
    %gather3A_1427 = tpu.vector_load_idx %arg11[%get3A_1426] : memref<1024xi32, #tpu.memory_space<vmem>>[vector<16xi32>], vector<16xi32>,
    %swap3A_1428 = arith.constant 13 : i32
    %swap3A_1429 = arith.index_cast %swap3A_1428 : i32 to index
    %swap3A_1430 = arith.constant 112 : index
    %swap3A_1431 = tpu.vector_load %arg13[%swap3A_1429, %swap3A_1430] {strides = array<i32>} : memref<16x128xi32, #tpu.memory_space<vmem>>, vector<16xi32>,
    tpu.vector_store %arg13[%swap3A_1429, %swap3A_1430], %gather3A_1427 {strides = array<i32>} : memref<16x128xi32, #tpu.memory_space<vmem>>, vector<16xi32>,
    %gather3A_1432 = tpu.vector_load_idx %arg12[%get3A_1426] : memref<1024xf32, #tpu.memory_space<vmem>>[vector<16xi32>], vector<16xf32>,
    %add3A_1433 = arith.addf %add3A_1422, %gather3A_1432 : vector<16xf32>
    %get3A_1434 = arith.constant 14 : i32
    %get3A_1435 = arith.index_cast %get3A_1434 : i32 to index
    %get3A_1436 = arith.constant 0 : index
    %get3A_1437 = tpu.vector_load %arg9[%get3A_1435, %get3A_1436] {strides = array<i32>} : memref<16x128xi32, #tpu.memory_space<vmem>>, vector<16xi32>,
    %gather3A_1438 = tpu.vector_load_idx %arg11[%get3A_1437] : memref<1024xi32, #tpu.memory_space<vmem>>[vector<16xi32>], vector<16xi32>,
    %swap3A_1439 = arith.constant 14 : i32
    %swap3A_1440 = arith.index_cast %swap3A_1439 : i32 to index
    %swap3A_1441 = arith.constant 0 : index
    %swap3A_1442 = tpu.vector_load %arg13[%swap3A_1440, %swap3A_1441] {strides = array<i32>} : memref<16x128xi32, #tpu.memory_space<vmem>>, vector<16xi32>,
    tpu.vector_store %arg13[%swap3A_1440, %swap3A_1441], %gather3A_1438 {strides = array<i32>} : memref<16x128xi32, #tpu.memory_space<vmem>>, vector<16xi32>,
    %gather3A_1443 = tpu.vector_load_idx %arg12[%get3A_1437] : memref<1024xf32, #tpu.memory_space<vmem>>[vector<16xi32>], vector<16xf32>,
    %add3A_1444 = arith.addf %add3A_1433, %gather3A_1443 : vector<16xf32>
    %get3A_1445 = arith.constant 14 : i32
    %get3A_1446 = arith.index_cast %get3A_1445 : i32 to index
    %get3A_1447 = arith.constant 16 : index
    %get3A_1448 = tpu.vector_load %arg9[%get3A_1446, %get3A_1447] {strides = array<i32>} : memref<16x128xi32, #tpu.memory_space<vmem>>, vector<16xi32>,
    %gather3A_1449 = tpu.vector_load_idx %arg11[%get3A_1448] : memref<1024xi32, #tpu.memory_space<vmem>>[vector<16xi32>], vector<16xi32>,
    %swap3A_1450 = arith.constant 14 : i32
    %swap3A_1451 = arith.index_cast %swap3A_1450 : i32 to index
    %swap3A_1452 = arith.constant 16 : index
    %swap3A_1453 = tpu.vector_load %arg13[%swap3A_1451, %swap3A_1452] {strides = array<i32>} : memref<16x128xi32, #tpu.memory_space<vmem>>, vector<16xi32>,
    tpu.vector_store %arg13[%swap3A_1451, %swap3A_1452], %gather3A_1449 {strides = array<i32>} : memref<16x128xi32, #tpu.memory_space<vmem>>, vector<16xi32>,
    %gather3A_1454 = tpu.vector_load_idx %arg12[%get3A_1448] : memref<1024xf32, #tpu.memory_space<vmem>>[vector<16xi32>], vector<16xf32>,
    %add3A_1455 = arith.addf %add3A_1444, %gather3A_1454 : vector<16xf32>
    %get3A_1456 = arith.constant 14 : i32
    %get3A_1457 = arith.index_cast %get3A_1456 : i32 to index
    %get3A_1458 = arith.constant 32 : index
    %get3A_1459 = tpu.vector_load %arg9[%get3A_1457, %get3A_1458] {strides = array<i32>} : memref<16x128xi32, #tpu.memory_space<vmem>>, vector<16xi32>,
    %gather3A_1460 = tpu.vector_load_idx %arg11[%get3A_1459] : memref<1024xi32, #tpu.memory_space<vmem>>[vector<16xi32>], vector<16xi32>,
    %swap3A_1461 = arith.constant 14 : i32
    %swap3A_1462 = arith.index_cast %swap3A_1461 : i32 to index
    %swap3A_1463 = arith.constant 32 : index
    %swap3A_1464 = tpu.vector_load %arg13[%swap3A_1462, %swap3A_1463] {strides = array<i32>} : memref<16x128xi32, #tpu.memory_space<vmem>>, vector<16xi32>,
    tpu.vector_store %arg13[%swap3A_1462, %swap3A_1463], %gather3A_1460 {strides = array<i32>} : memref<16x128xi32, #tpu.memory_space<vmem>>, vector<16xi32>,
    %gather3A_1465 = tpu.vector_load_idx %arg12[%get3A_1459] : memref<1024xf32, #tpu.memory_space<vmem>>[vector<16xi32>], vector<16xf32>,
    %add3A_1466 = arith.addf %add3A_1455, %gather3A_1465 : vector<16xf32>
    %get3A_1467 = arith.constant 14 : i32
    %get3A_1468 = arith.index_cast %get3A_1467 : i32 to index
    %get3A_1469 = arith.constant 48 : index
    %get3A_1470 = tpu.vector_load %arg9[%get3A_1468, %get3A_1469] {strides = array<i32>} : memref<16x128xi32, #tpu.memory_space<vmem>>, vector<16xi32>,
    %gather3A_1471 = tpu.vector_load_idx %arg11[%get3A_1470] : memref<1024xi32, #tpu.memory_space<vmem>>[vector<16xi32>], vector<16xi32>,
    %swap3A_1472 = arith.constant 14 : i32
    %swap3A_1473 = arith.index_cast %swap3A_1472 : i32 to index
    %swap3A_1474 = arith.constant 48 : index
    %swap3A_1475 = tpu.vector_load %arg13[%swap3A_1473, %swap3A_1474] {strides = array<i32>} : memref<16x128xi32, #tpu.memory_space<vmem>>, vector<16xi32>,
    tpu.vector_store %arg13[%swap3A_1473, %swap3A_1474], %gather3A_1471 {strides = array<i32>} : memref<16x128xi32, #tpu.memory_space<vmem>>, vector<16xi32>,
    %gather3A_1476 = tpu.vector_load_idx %arg12[%get3A_1470] : memref<1024xf32, #tpu.memory_space<vmem>>[vector<16xi32>], vector<16xf32>,
    %add3A_1477 = arith.addf %add3A_1466, %gather3A_1476 : vector<16xf32>
    %get3A_1478 = arith.constant 14 : i32
    %get3A_1479 = arith.index_cast %get3A_1478 : i32 to index
    %get3A_1480 = arith.constant 64 : index
    %get3A_1481 = tpu.vector_load %arg9[%get3A_1479, %get3A_1480] {strides = array<i32>} : memref<16x128xi32, #tpu.memory_space<vmem>>, vector<16xi32>,
    %gather3A_1482 = tpu.vector_load_idx %arg11[%get3A_1481] : memref<1024xi32, #tpu.memory_space<vmem>>[vector<16xi32>], vector<16xi32>,
    %swap3A_1483 = arith.constant 14 : i32
    %swap3A_1484 = arith.index_cast %swap3A_1483 : i32 to index
    %swap3A_1485 = arith.constant 64 : index
    %swap3A_1486 = tpu.vector_load %arg13[%swap3A_1484, %swap3A_1485] {strides = array<i32>} : memref<16x128xi32, #tpu.memory_space<vmem>>, vector<16xi32>,
    tpu.vector_store %arg13[%swap3A_1484, %swap3A_1485], %gather3A_1482 {strides = array<i32>} : memref<16x128xi32, #tpu.memory_space<vmem>>, vector<16xi32>,
    %gather3A_1487 = tpu.vector_load_idx %arg12[%get3A_1481] : memref<1024xf32, #tpu.memory_space<vmem>>[vector<16xi32>], vector<16xf32>,
    %add3A_1488 = arith.addf %add3A_1477, %gather3A_1487 : vector<16xf32>
    %get3A_1489 = arith.constant 14 : i32
    %get3A_1490 = arith.index_cast %get3A_1489 : i32 to index
    %get3A_1491 = arith.constant 80 : index
    %get3A_1492 = tpu.vector_load %arg9[%get3A_1490, %get3A_1491] {strides = array<i32>} : memref<16x128xi32, #tpu.memory_space<vmem>>, vector<16xi32>,
    %gather3A_1493 = tpu.vector_load_idx %arg11[%get3A_1492] : memref<1024xi32, #tpu.memory_space<vmem>>[vector<16xi32>], vector<16xi32>,
    %swap3A_1494 = arith.constant 14 : i32
    %swap3A_1495 = arith.index_cast %swap3A_1494 : i32 to index
    %swap3A_1496 = arith.constant 80 : index
    %swap3A_1497 = tpu.vector_load %arg13[%swap3A_1495, %swap3A_1496] {strides = array<i32>} : memref<16x128xi32, #tpu.memory_space<vmem>>, vector<16xi32>,
    tpu.vector_store %arg13[%swap3A_1495, %swap3A_1496], %gather3A_1493 {strides = array<i32>} : memref<16x128xi32, #tpu.memory_space<vmem>>, vector<16xi32>,
    %gather3A_1498 = tpu.vector_load_idx %arg12[%get3A_1492] : memref<1024xf32, #tpu.memory_space<vmem>>[vector<16xi32>], vector<16xf32>,
    %add3A_1499 = arith.addf %add3A_1488, %gather3A_1498 : vector<16xf32>
    %get3A_1500 = arith.constant 14 : i32
    %get3A_1501 = arith.index_cast %get3A_1500 : i32 to index
    %get3A_1502 = arith.constant 96 : index
    %get3A_1503 = tpu.vector_load %arg9[%get3A_1501, %get3A_1502] {strides = array<i32>} : memref<16x128xi32, #tpu.memory_space<vmem>>, vector<16xi32>,
    %gather3A_1504 = tpu.vector_load_idx %arg11[%get3A_1503] : memref<1024xi32, #tpu.memory_space<vmem>>[vector<16xi32>], vector<16xi32>,
    %swap3A_1505 = arith.constant 14 : i32
    %swap3A_1506 = arith.index_cast %swap3A_1505 : i32 to index
    %swap3A_1507 = arith.constant 96 : index
    %swap3A_1508 = tpu.vector_load %arg13[%swap3A_1506, %swap3A_1507] {strides = array<i32>} : memref<16x128xi32, #tpu.memory_space<vmem>>, vector<16xi32>,
    tpu.vector_store %arg13[%swap3A_1506, %swap3A_1507], %gather3A_1504 {strides = array<i32>} : memref<16x128xi32, #tpu.memory_space<vmem>>, vector<16xi32>,
    %gather3A_1509 = tpu.vector_load_idx %arg12[%get3A_1503] : memref<1024xf32, #tpu.memory_space<vmem>>[vector<16xi32>], vector<16xf32>,
    %add3A_1510 = arith.addf %add3A_1499, %gather3A_1509 : vector<16xf32>
    %get3A_1511 = arith.constant 14 : i32
    %get3A_1512 = arith.index_cast %get3A_1511 : i32 to index
    %get3A_1513 = arith.constant 112 : index
    %get3A_1514 = tpu.vector_load %arg9[%get3A_1512, %get3A_1513] {strides = array<i32>} : memref<16x128xi32, #tpu.memory_space<vmem>>, vector<16xi32>,
    %gather3A_1515 = tpu.vector_load_idx %arg11[%get3A_1514] : memref<1024xi32, #tpu.memory_space<vmem>>[vector<16xi32>], vector<16xi32>,
    %swap3A_1516 = arith.constant 14 : i32
    %swap3A_1517 = arith.index_cast %swap3A_1516 : i32 to index
    %swap3A_1518 = arith.constant 112 : index
    %swap3A_1519 = tpu.vector_load %arg13[%swap3A_1517, %swap3A_1518] {strides = array<i32>} : memref<16x128xi32, #tpu.memory_space<vmem>>, vector<16xi32>,
    tpu.vector_store %arg13[%swap3A_1517, %swap3A_1518], %gather3A_1515 {strides = array<i32>} : memref<16x128xi32, #tpu.memory_space<vmem>>, vector<16xi32>,
    %gather3A_1520 = tpu.vector_load_idx %arg12[%get3A_1514] : memref<1024xf32, #tpu.memory_space<vmem>>[vector<16xi32>], vector<16xf32>,
    %add3A_1521 = arith.addf %add3A_1510, %gather3A_1520 : vector<16xf32>
    %get3A_1522 = arith.constant 15 : i32
    %get3A_1523 = arith.index_cast %get3A_1522 : i32 to index
    %get3A_1524 = arith.constant 0 : index
    %get3A_1525 = tpu.vector_load %arg9[%get3A_1523, %get3A_1524] {strides = array<i32>} : memref<16x128xi32, #tpu.memory_space<vmem>>, vector<16xi32>,
    %gather3A_1526 = tpu.vector_load_idx %arg11[%get3A_1525] : memref<1024xi32, #tpu.memory_space<vmem>>[vector<16xi32>], vector<16xi32>,
    %swap3A_1527 = arith.constant 15 : i32
    %swap3A_1528 = arith.index_cast %swap3A_1527 : i32 to index
    %swap3A_1529 = arith.constant 0 : index
    %swap3A_1530 = tpu.vector_load %arg13[%swap3A_1528, %swap3A_1529] {strides = array<i32>} : memref<16x128xi32, #tpu.memory_space<vmem>>, vector<16xi32>,
    tpu.vector_store %arg13[%swap3A_1528, %swap3A_1529], %gather3A_1526 {strides = array<i32>} : memref<16x128xi32, #tpu.memory_space<vmem>>, vector<16xi32>,
    %gather3A_1531 = tpu.vector_load_idx %arg12[%get3A_1525] : memref<1024xf32, #tpu.memory_space<vmem>>[vector<16xi32>], vector<16xf32>,
    %add3A_1532 = arith.addf %add3A_1521, %gather3A_1531 : vector<16xf32>
    %get3A_1533 = arith.constant 15 : i32
    %get3A_1534 = arith.index_cast %get3A_1533 : i32 to index
    %get3A_1535 = arith.constant 16 : index
    %get3A_1536 = tpu.vector_load %arg9[%get3A_1534, %get3A_1535] {strides = array<i32>} : memref<16x128xi32, #tpu.memory_space<vmem>>, vector<16xi32>,
    %gather3A_1537 = tpu.vector_load_idx %arg11[%get3A_1536] : memref<1024xi32, #tpu.memory_space<vmem>>[vector<16xi32>], vector<16xi32>,
    %swap3A_1538 = arith.constant 15 : i32
    %swap3A_1539 = arith.index_cast %swap3A_1538 : i32 to index
    %swap3A_1540 = arith.constant 16 : index
    %swap3A_1541 = tpu.vector_load %arg13[%swap3A_1539, %swap3A_1540] {strides = array<i32>} : memref<16x128xi32, #tpu.memory_space<vmem>>, vector<16xi32>,
    tpu.vector_store %arg13[%swap3A_1539, %swap3A_1540], %gather3A_1537 {strides = array<i32>} : memref<16x128xi32, #tpu.memory_space<vmem>>, vector<16xi32>,
    %gather3A_1542 = tpu.vector_load_idx %arg12[%get3A_1536] : memref<1024xf32, #tpu.memory_space<vmem>>[vector<16xi32>], vector<16xf32>,
    %add3A_1543 = arith.addf %add3A_1532, %gather3A_1542 : vector<16xf32>
    %get3A_1544 = arith.constant 15 : i32
    %get3A_1545 = arith.index_cast %get3A_1544 : i32 to index
    %get3A_1546 = arith.constant 32 : index
    %get3A_1547 = tpu.vector_load %arg9[%get3A_1545, %get3A_1546] {strides = array<i32>} : memref<16x128xi32, #tpu.memory_space<vmem>>, vector<16xi32>,
    %gather3A_1548 = tpu.vector_load_idx %arg11[%get3A_1547] : memref<1024xi32, #tpu.memory_space<vmem>>[vector<16xi32>], vector<16xi32>,
    %swap3A_1549 = arith.constant 15 : i32
    %swap3A_1550 = arith.index_cast %swap3A_1549 : i32 to index
    %swap3A_1551 = arith.constant 32 : index
    %swap3A_1552 = tpu.vector_load %arg13[%swap3A_1550, %swap3A_1551] {strides = array<i32>} : memref<16x128xi32, #tpu.memory_space<vmem>>, vector<16xi32>,
    tpu.vector_store %arg13[%swap3A_1550, %swap3A_1551], %gather3A_1548 {strides = array<i32>} : memref<16x128xi32, #tpu.memory_space<vmem>>, vector<16xi32>,
    %gather3A_1553 = tpu.vector_load_idx %arg12[%get3A_1547] : memref<1024xf32, #tpu.memory_space<vmem>>[vector<16xi32>], vector<16xf32>,
    %add3A_1554 = arith.addf %add3A_1543, %gather3A_1553 : vector<16xf32>
    %get3A_1555 = arith.constant 15 : i32
    %get3A_1556 = arith.index_cast %get3A_1555 : i32 to index
    %get3A_1557 = arith.constant 48 : index
    %get3A_1558 = tpu.vector_load %arg9[%get3A_1556, %get3A_1557] {strides = array<i32>} : memref<16x128xi32, #tpu.memory_space<vmem>>, vector<16xi32>,
    %gather3A_1559 = tpu.vector_load_idx %arg11[%get3A_1558] : memref<1024xi32, #tpu.memory_space<vmem>>[vector<16xi32>], vector<16xi32>,
    %swap3A_1560 = arith.constant 15 : i32
    %swap3A_1561 = arith.index_cast %swap3A_1560 : i32 to index
    %swap3A_1562 = arith.constant 48 : index
    %swap3A_1563 = tpu.vector_load %arg13[%swap3A_1561, %swap3A_1562] {strides = array<i32>} : memref<16x128xi32, #tpu.memory_space<vmem>>, vector<16xi32>,
    tpu.vector_store %arg13[%swap3A_1561, %swap3A_1562], %gather3A_1559 {strides = array<i32>} : memref<16x128xi32, #tpu.memory_space<vmem>>, vector<16xi32>,
    %gather3A_1564 = tpu.vector_load_idx %arg12[%get3A_1558] : memref<1024xf32, #tpu.memory_space<vmem>>[vector<16xi32>], vector<16xf32>,
    %add3A_1565 = arith.addf %add3A_1554, %gather3A_1564 : vector<16xf32>
    %get3A_1566 = arith.constant 15 : i32
    %get3A_1567 = arith.index_cast %get3A_1566 : i32 to index
    %get3A_1568 = arith.constant 64 : index
    %get3A_1569 = tpu.vector_load %arg9[%get3A_1567, %get3A_1568] {strides = array<i32>} : memref<16x128xi32, #tpu.memory_space<vmem>>, vector<16xi32>,
    %gather3A_1570 = tpu.vector_load_idx %arg11[%get3A_1569] : memref<1024xi32, #tpu.memory_space<vmem>>[vector<16xi32>], vector<16xi32>,
    %swap3A_1571 = arith.constant 15 : i32
    %swap3A_1572 = arith.index_cast %swap3A_1571 : i32 to index
    %swap3A_1573 = arith.constant 64 : index
    %swap3A_1574 = tpu.vector_load %arg13[%swap3A_1572, %swap3A_1573] {strides = array<i32>} : memref<16x128xi32, #tpu.memory_space<vmem>>, vector<16xi32>,
    tpu.vector_store %arg13[%swap3A_1572, %swap3A_1573], %gather3A_1570 {strides = array<i32>} : memref<16x128xi32, #tpu.memory_space<vmem>>, vector<16xi32>,
    %gather3A_1575 = tpu.vector_load_idx %arg12[%get3A_1569] : memref<1024xf32, #tpu.memory_space<vmem>>[vector<16xi32>], vector<16xf32>,
    %add3A_1576 = arith.addf %add3A_1565, %gather3A_1575 : vector<16xf32>
    %get3A_1577 = arith.constant 15 : i32
    %get3A_1578 = arith.index_cast %get3A_1577 : i32 to index
    %get3A_1579 = arith.constant 80 : index
    %get3A_1580 = tpu.vector_load %arg9[%get3A_1578, %get3A_1579] {strides = array<i32>} : memref<16x128xi32, #tpu.memory_space<vmem>>, vector<16xi32>,
    %gather3A_1581 = tpu.vector_load_idx %arg11[%get3A_1580] : memref<1024xi32, #tpu.memory_space<vmem>>[vector<16xi32>], vector<16xi32>,
    %swap3A_1582 = arith.constant 15 : i32
    %swap3A_1583 = arith.index_cast %swap3A_1582 : i32 to index
    %swap3A_1584 = arith.constant 80 : index
    %swap3A_1585 = tpu.vector_load %arg13[%swap3A_1583, %swap3A_1584] {strides = array<i32>} : memref<16x128xi32, #tpu.memory_space<vmem>>, vector<16xi32>,
    tpu.vector_store %arg13[%swap3A_1583, %swap3A_1584], %gather3A_1581 {strides = array<i32>} : memref<16x128xi32, #tpu.memory_space<vmem>>, vector<16xi32>,
    %gather3A_1586 = tpu.vector_load_idx %arg12[%get3A_1580] : memref<1024xf32, #tpu.memory_space<vmem>>[vector<16xi32>], vector<16xf32>,
    %add3A_1587 = arith.addf %add3A_1576, %gather3A_1586 : vector<16xf32>
    %get3A_1588 = arith.constant 15 : i32
    %get3A_1589 = arith.index_cast %get3A_1588 : i32 to index
    %get3A_1590 = arith.constant 96 : index
    %get3A_1591 = tpu.vector_load %arg9[%get3A_1589, %get3A_1590] {strides = array<i32>} : memref<16x128xi32, #tpu.memory_space<vmem>>, vector<16xi32>,
    %gather3A_1592 = tpu.vector_load_idx %arg11[%get3A_1591] : memref<1024xi32, #tpu.memory_space<vmem>>[vector<16xi32>], vector<16xi32>,
    %swap3A_1593 = arith.constant 15 : i32
    %swap3A_1594 = arith.index_cast %swap3A_1593 : i32 to index
    %swap3A_1595 = arith.constant 96 : index
    %swap3A_1596 = tpu.vector_load %arg13[%swap3A_1594, %swap3A_1595] {strides = array<i32>} : memref<16x128xi32, #tpu.memory_space<vmem>>, vector<16xi32>,
    tpu.vector_store %arg13[%swap3A_1594, %swap3A_1595], %gather3A_1592 {strides = array<i32>} : memref<16x128xi32, #tpu.memory_space<vmem>>, vector<16xi32>,
    %gather3A_1597 = tpu.vector_load_idx %arg12[%get3A_1591] : memref<1024xf32, #tpu.memory_space<vmem>>[vector<16xi32>], vector<16xf32>,
    %add3A_1598 = arith.addf %add3A_1587, %gather3A_1597 : vector<16xf32>
    %get3A_1599 = arith.constant 15 : i32
    %get3A_1600 = arith.index_cast %get3A_1599 : i32 to index
    %get3A_1601 = arith.constant 112 : index
    %get3A_1602 = tpu.vector_load %arg9[%get3A_1600, %get3A_1601] {strides = array<i32>} : memref<16x128xi32, #tpu.memory_space<vmem>>, vector<16xi32>,
    %gather3A_1603 = tpu.vector_load_idx %arg11[%get3A_1602] : memref<1024xi32, #tpu.memory_space<vmem>>[vector<16xi32>], vector<16xi32>,
    %swap3A_1604 = arith.constant 15 : i32
    %swap3A_1605 = arith.index_cast %swap3A_1604 : i32 to index
    %swap3A_1606 = arith.constant 112 : index
    %swap3A_1607 = tpu.vector_load %arg13[%swap3A_1605, %swap3A_1606] {strides = array<i32>} : memref<16x128xi32, #tpu.memory_space<vmem>>, vector<16xi32>,
    tpu.vector_store %arg13[%swap3A_1605, %swap3A_1606], %gather3A_1603 {strides = array<i32>} : memref<16x128xi32, #tpu.memory_space<vmem>>, vector<16xi32>,
    %gather3A_1608 = tpu.vector_load_idx %arg12[%get3A_1602] : memref<1024xf32, #tpu.memory_space<vmem>>[vector<16xi32>], vector<16xf32>,
    %add3A_1609 = arith.addf %add3A_1598, %gather3A_1608 : vector<16xf32>
    %swap3A_1610 = arith.constant 0 : index
    %swap3A_1611 = tpu.vector_load %arg14[%swap3A_1610] {strides = array<i32>} : memref<16xf32, #tpu.memory_space<vmem>>, vector<16xf32>,
    tpu.vector_store %arg14[%swap3A_1610], %add3A_1609 {strides = array<i32>} : memref<16xf32, #tpu.memory_space<vmem>>, vector<16xf32>,
    %dma_wait3A_1612 = arith.constant 0 : i32
    %dma_wait3A_1613 = arith.constant 0 : i32
    %dma_wait3A_1614 = arith.constant 0 : i32
    %dma_wait3A_1615 = tpu.memref_slice %arg10[%dma_wait3A_1613, %dma_wait3A_1614] : memref<2048x32xf32, #tpu.memory_space<vmem>> -> memref<128x32xf32, #tpu.memory_space<vmem>>
    %dma_wait3A_1616 = arith.constant 0 : i32
    %dma_wait3A_1617 = tpu.memref_slice %arg9[%dma_wait3A_1612, %dma_wait3A_1616] : memref<16x128xi32, #tpu.memory_space<vmem>> -> memref<1x128xi32, #tpu.memory_space<vmem>>
    %dma_wait3A_1618 = tpu.memref_squeeze %dma_wait3A_1617 : memref<1x128xi32, #tpu.memory_space<vmem>> -> memref<128xi32, #tpu.memory_space<vmem>>
    %dma_wait3A_1619 = arith.constant 0 : i32
    %dma_wait3A_1620 = arith.constant 0 : i32
    %dma_wait3A_1621 = tpu.memref_slice %arg15[%dma_wait3A_1619, %dma_wait3A_1620] : memref<1024x32xf32, #tpu.memory_space<vmem_shared>> -> memref<1024x32xf32, #tpu.memory_space<vmem_shared>>
    tpu.wait_indirect_dma semaphore(%arg16 : memref<!tpu.dma_semaphore, #tpu.memory_space<semaphore_mem>>) src(%dma_wait3A_1621 : memref<1024x32xf32, #tpu.memory_space<vmem_shared>>) dst(%dma_wait3A_1615 : memref<128x32xf32, #tpu.memory_space<vmem>>)
    %add3A_1622 = arith.constant 0 : i32
    %add3A_1623 = arith.addi %mul3A_32, %add3A_1622 : i32
    %dma_start3A_1624 = arith.constant 0 : i32
    %dma_start3A_1625 = arith.constant 0 : i32
    %dma_start3A_1626 = tpu.memref_slice %arg10[%dma_start3A_1624, %dma_start3A_1625] : memref<2048x32xf32, #tpu.memory_space<vmem>> -> memref<128x32xf32, #tpu.memory_space<vmem>>
    %dma_start3A_1627 = arith.constant 0 : i32
    %dma_start3A_1628 = tpu.memref_slice %arg6[%select_n3A, %add3A_1623, %dma_start3A_1627] : memref<8x8192x32xf32, #tpu.memory_space<hbm>> -> memref<1x128x32xf32, #tpu.memory_space<hbm>>
    %dma_start3A_1629 = tpu.memref_squeeze %dma_start3A_1628 : memref<1x128x32xf32, #tpu.memory_space<hbm>> -> memref<128x32xf32, #tpu.memory_space<hbm>>
    %dma_start3A_1630 = arith.constant 0 : i32
    %dma_start3A_1631 = tpu.memref_slice %arg6[%select_n3A, %add3A_1623, %dma_start3A_1630] : memref<8x8192x32xf32, #tpu.memory_space<hbm>> -> memref<1x128x32xf32, #tpu.memory_space<hbm>>
    %dma_start3A_1632 = tpu.memref_squeeze %dma_start3A_1631 : memref<1x128x32xf32, #tpu.memory_space<hbm>> -> memref<128x32xf32, #tpu.memory_space<hbm>>
    %dma_start3A_1633 = arith.constant 0 : i32
    %dma_start3A_1634 = arith.constant 0 : i32
    %dma_start3A_1635 = tpu.memref_slice %arg10[%dma_start3A_1633, %dma_start3A_1634] : memref<2048x32xf32, #tpu.memory_space<vmem>> -> memref<128x32xf32, #tpu.memory_space<vmem>>
    tpu.enqueue_dma source(%dma_start3A_1635 : memref<128x32xf32, #tpu.memory_space<vmem>>) target(%dma_start3A_1632 : memref<128x32xf32, #tpu.memory_space<hbm>>) target_semaphore(%arg17 : memref<!tpu.dma_semaphore, #tpu.memory_space<semaphore_mem>>)
    %add3A_1636 = arith.constant 0 : i32
    %add3A_1637 = arith.addi %mul3A_32, %add3A_1636 : i32
    %dma_start3A_1638 = arith.constant 0 : i32
    %dma_start3A_1639 = arith.constant 0 : i32
    %dma_start3A_1640 = tpu.memref_slice %arg13[%dma_start3A_1638, %dma_start3A_1639] : memref<16x128xi32, #tpu.memory_space<vmem>> -> memref<1x128xi32, #tpu.memory_space<vmem>>
    %dma_start3A_1641 = tpu.memref_squeeze %dma_start3A_1640 : memref<1x128xi32, #tpu.memory_space<vmem>> -> memref<128xi32, #tpu.memory_space<vmem>>
    %dma_start3A_1642 = tpu.memref_slice %arg7[%select_n3A, %add3A_1637] : memref<8x8192xi32, #tpu.memory_space<hbm>> -> memref<1x128xi32, #tpu.memory_space<hbm>>
    %dma_start3A_1643 = tpu.memref_squeeze %dma_start3A_1642 : memref<1x128xi32, #tpu.memory_space<hbm>> -> memref<128xi32, #tpu.memory_space<hbm>>
    %dma_start3A_1644 = tpu.memref_slice %arg7[%select_n3A, %add3A_1637] : memref<8x8192xi32, #tpu.memory_space<hbm>> -> memref<1x128xi32, #tpu.memory_space<hbm>>
    %dma_start3A_1645 = tpu.memref_squeeze %dma_start3A_1644 : memref<1x128xi32, #tpu.memory_space<hbm>> -> memref<128xi32, #tpu.memory_space<hbm>>
    %dma_start3A_1646 = arith.constant 0 : i32
    %dma_start3A_1647 = tpu.memref_slice %arg13[%dma_start3A_1638, %dma_start3A_1646] : memref<16x128xi32, #tpu.memory_space<vmem>> -> memref<1x128xi32, #tpu.memory_space<vmem>>
    %dma_start3A_1648 = tpu.memref_squeeze %dma_start3A_1647 : memref<1x128xi32, #tpu.memory_space<vmem>> -> memref<128xi32, #tpu.memory_space<vmem>>
    tpu.enqueue_dma source(%dma_start3A_1648 : memref<128xi32, #tpu.memory_space<vmem>>) target(%dma_start3A_1645 : memref<128xi32, #tpu.memory_space<hbm>>) target_semaphore(%arg17 : memref<!tpu.dma_semaphore, #tpu.memory_space<semaphore_mem>>)
    %dma_wait3A_1649 = arith.constant 1 : i32
    %dma_wait3A_1650 = arith.constant 128 : i32
    %dma_wait3A_1651 = arith.constant 0 : i32
    %dma_wait3A_1652 = tpu.memref_slice %arg10[%dma_wait3A_1650, %dma_wait3A_1651] : memref<2048x32xf32, #tpu.memory_space<vmem>> -> memref<128x32xf32, #tpu.memory_space<vmem>>
    %dma_wait3A_1653 = arith.constant 0 : i32
    %dma_wait3A_1654 = tpu.memref_slice %arg9[%dma_wait3A_1649, %dma_wait3A_1653] : memref<16x128xi32, #tpu.memory_space<vmem>> -> memref<1x128xi32, #tpu.memory_space<vmem>>
    %dma_wait3A_1655 = tpu.memref_squeeze %dma_wait3A_1654 : memref<1x128xi32, #tpu.memory_space<vmem>> -> memref<128xi32, #tpu.memory_space<vmem>>
    %dma_wait3A_1656 = arith.constant 0 : i32
    %dma_wait3A_1657 = arith.constant 0 : i32
    %dma_wait3A_1658 = tpu.memref_slice %arg15[%dma_wait3A_1656, %dma_wait3A_1657] : memref<1024x32xf32, #tpu.memory_space<vmem_shared>> -> memref<1024x32xf32, #tpu.memory_space<vmem_shared>>
    tpu.wait_indirect_dma semaphore(%arg16 : memref<!tpu.dma_semaphore, #tpu.memory_space<semaphore_mem>>) src(%dma_wait3A_1658 : memref<1024x32xf32, #tpu.memory_space<vmem_shared>>) dst(%dma_wait3A_1652 : memref<128x32xf32, #tpu.memory_space<vmem>>)
    %add3A_1659 = arith.constant 128 : i32
    %add3A_1660 = arith.addi %mul3A_32, %add3A_1659 : i32
    %dma_start3A_1661 = arith.constant 128 : i32
    %dma_start3A_1662 = arith.constant 0 : i32
    %dma_start3A_1663 = tpu.memref_slice %arg10[%dma_start3A_1661, %dma_start3A_1662] : memref<2048x32xf32, #tpu.memory_space<vmem>> -> memref<128x32xf32, #tpu.memory_space<vmem>>
    %dma_start3A_1664 = arith.constant 0 : i32
    %dma_start3A_1665 = tpu.memref_slice %arg6[%select_n3A, %add3A_1660, %dma_start3A_1664] : memref<8x8192x32xf32, #tpu.memory_space<hbm>> -> memref<1x128x32xf32, #tpu.memory_space<hbm>>
    %dma_start3A_1666 = tpu.memref_squeeze %dma_start3A_1665 : memref<1x128x32xf32, #tpu.memory_space<hbm>> -> memref<128x32xf32, #tpu.memory_space<hbm>>
    %dma_start3A_1667 = arith.constant 0 : i32
    %dma_start3A_1668 = tpu.memref_slice %arg6[%select_n3A, %add3A_1660, %dma_start3A_1667] : memref<8x8192x32xf32, #tpu.memory_space<hbm>> -> memref<1x128x32xf32, #tpu.memory_space<hbm>>
    %dma_start3A_1669 = tpu.memref_squeeze %dma_start3A_1668 : memref<1x128x32xf32, #tpu.memory_space<hbm>> -> memref<128x32xf32, #tpu.memory_space<hbm>>
    %dma_start3A_1670 = arith.constant 128 : i32
    %dma_start3A_1671 = arith.constant 0 : i32
    %dma_start3A_1672 = tpu.memref_slice %arg10[%dma_start3A_1670, %dma_start3A_1671] : memref<2048x32xf32, #tpu.memory_space<vmem>> -> memref<128x32xf32, #tpu.memory_space<vmem>>
    tpu.enqueue_dma source(%dma_start3A_1672 : memref<128x32xf32, #tpu.memory_space<vmem>>) target(%dma_start3A_1669 : memref<128x32xf32, #tpu.memory_space<hbm>>) target_semaphore(%arg17 : memref<!tpu.dma_semaphore, #tpu.memory_space<semaphore_mem>>)
    %add3A_1673 = arith.constant 128 : i32
    %add3A_1674 = arith.addi %mul3A_32, %add3A_1673 : i32
    %dma_start3A_1675 = arith.constant 1 : i32
    %dma_start3A_1676 = arith.constant 0 : i32
    %dma_start3A_1677 = tpu.memref_slice %arg13[%dma_start3A_1675, %dma_start3A_1676] : memref<16x128xi32, #tpu.memory_space<vmem>> -> memref<1x128xi32, #tpu.memory_space<vmem>>
    %dma_start3A_1678 = tpu.memref_squeeze %dma_start3A_1677 : memref<1x128xi32, #tpu.memory_space<vmem>> -> memref<128xi32, #tpu.memory_space<vmem>>
    %dma_start3A_1679 = tpu.memref_slice %arg7[%select_n3A, %add3A_1674] : memref<8x8192xi32, #tpu.memory_space<hbm>> -> memref<1x128xi32, #tpu.memory_space<hbm>>
    %dma_start3A_1680 = tpu.memref_squeeze %dma_start3A_1679 : memref<1x128xi32, #tpu.memory_space<hbm>> -> memref<128xi32, #tpu.memory_space<hbm>>
    %dma_start3A_1681 = tpu.memref_slice %arg7[%select_n3A, %add3A_1674] : memref<8x8192xi32, #tpu.memory_space<hbm>> -> memref<1x128xi32, #tpu.memory_space<hbm>>
    %dma_start3A_1682 = tpu.memref_squeeze %dma_start3A_1681 : memref<1x128xi32, #tpu.memory_space<hbm>> -> memref<128xi32, #tpu.memory_space<hbm>>
    %dma_start3A_1683 = arith.constant 0 : i32
    %dma_start3A_1684 = tpu.memref_slice %arg13[%dma_start3A_1675, %dma_start3A_1683] : memref<16x128xi32, #tpu.memory_space<vmem>> -> memref<1x128xi32, #tpu.memory_space<vmem>>
    %dma_start3A_1685 = tpu.memref_squeeze %dma_start3A_1684 : memref<1x128xi32, #tpu.memory_space<vmem>> -> memref<128xi32, #tpu.memory_space<vmem>>
    tpu.enqueue_dma source(%dma_start3A_1685 : memref<128xi32, #tpu.memory_space<vmem>>) target(%dma_start3A_1682 : memref<128xi32, #tpu.memory_space<hbm>>) target_semaphore(%arg17 : memref<!tpu.dma_semaphore, #tpu.memory_space<semaphore_mem>>)
    %dma_wait3A_1686 = arith.constant 2 : i32
    %dma_wait3A_1687 = arith.constant 256 : i32
    %dma_wait3A_1688 = arith.constant 0 : i32
    %dma_wait3A_1689 = tpu.memref_slice %arg10[%dma_wait3A_1687, %dma_wait3A_1688] : memref<2048x32xf32, #tpu.memory_space<vmem>> -> memref<128x32xf32, #tpu.memory_space<vmem>>
    %dma_wait3A_1690 = arith.constant 0 : i32
    %dma_wait3A_1691 = tpu.memref_slice %arg9[%dma_wait3A_1686, %dma_wait3A_1690] : memref<16x128xi32, #tpu.memory_space<vmem>> -> memref<1x128xi32, #tpu.memory_space<vmem>>
    %dma_wait3A_1692 = tpu.memref_squeeze %dma_wait3A_1691 : memref<1x128xi32, #tpu.memory_space<vmem>> -> memref<128xi32, #tpu.memory_space<vmem>>
    %dma_wait3A_1693 = arith.constant 0 : i32
    %dma_wait3A_1694 = arith.constant 0 : i32
    %dma_wait3A_1695 = tpu.memref_slice %arg15[%dma_wait3A_1693, %dma_wait3A_1694] : memref<1024x32xf32, #tpu.memory_space<vmem_shared>> -> memref<1024x32xf32, #tpu.memory_space<vmem_shared>>
    tpu.wait_indirect_dma semaphore(%arg16 : memref<!tpu.dma_semaphore, #tpu.memory_space<semaphore_mem>>) src(%dma_wait3A_1695 : memref<1024x32xf32, #tpu.memory_space<vmem_shared>>) dst(%dma_wait3A_1689 : memref<128x32xf32, #tpu.memory_space<vmem>>)
    %add3A_1696 = arith.constant 256 : i32
    %add3A_1697 = arith.addi %mul3A_32, %add3A_1696 : i32
    %dma_start3A_1698 = arith.constant 256 : i32
    %dma_start3A_1699 = arith.constant 0 : i32
    %dma_start3A_1700 = tpu.memref_slice %arg10[%dma_start3A_1698, %dma_start3A_1699] : memref<2048x32xf32, #tpu.memory_space<vmem>> -> memref<128x32xf32, #tpu.memory_space<vmem>>
    %dma_start3A_1701 = arith.constant 0 : i32
    %dma_start3A_1702 = tpu.memref_slice %arg6[%select_n3A, %add3A_1697, %dma_start3A_1701] : memref<8x8192x32xf32, #tpu.memory_space<hbm>> -> memref<1x128x32xf32, #tpu.memory_space<hbm>>
    %dma_start3A_1703 = tpu.memref_squeeze %dma_start3A_1702 : memref<1x128x32xf32, #tpu.memory_space<hbm>> -> memref<128x32xf32, #tpu.memory_space<hbm>>
    %dma_start3A_1704 = arith.constant 0 : i32
    %dma_start3A_1705 = tpu.memref_slice %arg6[%select_n3A, %add3A_1697, %dma_start3A_1704] : memref<8x8192x32xf32, #tpu.memory_space<hbm>> -> memref<1x128x32xf32, #tpu.memory_space<hbm>>
    %dma_start3A_1706 = tpu.memref_squeeze %dma_start3A_1705 : memref<1x128x32xf32, #tpu.memory_space<hbm>> -> memref<128x32xf32, #tpu.memory_space<hbm>>
    %dma_start3A_1707 = arith.constant 256 : i32
    %dma_start3A_1708 = arith.constant 0 : i32
    %dma_start3A_1709 = tpu.memref_slice %arg10[%dma_start3A_1707, %dma_start3A_1708] : memref<2048x32xf32, #tpu.memory_space<vmem>> -> memref<128x32xf32, #tpu.memory_space<vmem>>
    tpu.enqueue_dma source(%dma_start3A_1709 : memref<128x32xf32, #tpu.memory_space<vmem>>) target(%dma_start3A_1706 : memref<128x32xf32, #tpu.memory_space<hbm>>) target_semaphore(%arg17 : memref<!tpu.dma_semaphore, #tpu.memory_space<semaphore_mem>>)
    %add3A_1710 = arith.constant 256 : i32
    %add3A_1711 = arith.addi %mul3A_32, %add3A_1710 : i32
    %dma_start3A_1712 = arith.constant 2 : i32
    %dma_start3A_1713 = arith.constant 0 : i32
    %dma_start3A_1714 = tpu.memref_slice %arg13[%dma_start3A_1712, %dma_start3A_1713] : memref<16x128xi32, #tpu.memory_space<vmem>> -> memref<1x128xi32, #tpu.memory_space<vmem>>
    %dma_start3A_1715 = tpu.memref_squeeze %dma_start3A_1714 : memref<1x128xi32, #tpu.memory_space<vmem>> -> memref<128xi32, #tpu.memory_space<vmem>>
    %dma_start3A_1716 = tpu.memref_slice %arg7[%select_n3A, %add3A_1711] : memref<8x8192xi32, #tpu.memory_space<hbm>> -> memref<1x128xi32, #tpu.memory_space<hbm>>
    %dma_start3A_1717 = tpu.memref_squeeze %dma_start3A_1716 : memref<1x128xi32, #tpu.memory_space<hbm>> -> memref<128xi32, #tpu.memory_space<hbm>>
    %dma_start3A_1718 = tpu.memref_slice %arg7[%select_n3A, %add3A_1711] : memref<8x8192xi32, #tpu.memory_space<hbm>> -> memref<1x128xi32, #tpu.memory_space<hbm>>
    %dma_start3A_1719 = tpu.memref_squeeze %dma_start3A_1718 : memref<1x128xi32, #tpu.memory_space<hbm>> -> memref<128xi32, #tpu.memory_space<hbm>>
    %dma_start3A_1720 = arith.constant 0 : i32
    %dma_start3A_1721 = tpu.memref_slice %arg13[%dma_start3A_1712, %dma_start3A_1720] : memref<16x128xi32, #tpu.memory_space<vmem>> -> memref<1x128xi32, #tpu.memory_space<vmem>>
    %dma_start3A_1722 = tpu.memref_squeeze %dma_start3A_1721 : memref<1x128xi32, #tpu.memory_space<vmem>> -> memref<128xi32, #tpu.memory_space<vmem>>
    tpu.enqueue_dma source(%dma_start3A_1722 : memref<128xi32, #tpu.memory_space<vmem>>) target(%dma_start3A_1719 : memref<128xi32, #tpu.memory_space<hbm>>) target_semaphore(%arg17 : memref<!tpu.dma_semaphore, #tpu.memory_space<semaphore_mem>>)
    %dma_wait3A_1723 = arith.constant 3 : i32
    %dma_wait3A_1724 = arith.constant 384 : i32
    %dma_wait3A_1725 = arith.constant 0 : i32
    %dma_wait3A_1726 = tpu.memref_slice %arg10[%dma_wait3A_1724, %dma_wait3A_1725] : memref<2048x32xf32, #tpu.memory_space<vmem>> -> memref<128x32xf32, #tpu.memory_space<vmem>>
    %dma_wait3A_1727 = arith.constant 0 : i32
    %dma_wait3A_1728 = tpu.memref_slice %arg9[%dma_wait3A_1723, %dma_wait3A_1727] : memref<16x128xi32, #tpu.memory_space<vmem>> -> memref<1x128xi32, #tpu.memory_space<vmem>>
    %dma_wait3A_1729 = tpu.memref_squeeze %dma_wait3A_1728 : memref<1x128xi32, #tpu.memory_space<vmem>> -> memref<128xi32, #tpu.memory_space<vmem>>
    %dma_wait3A_1730 = arith.constant 0 : i32
    %dma_wait3A_1731 = arith.constant 0 : i32
    %dma_wait3A_1732 = tpu.memref_slice %arg15[%dma_wait3A_1730, %dma_wait3A_1731] : memref<1024x32xf32, #tpu.memory_space<vmem_shared>> -> memref<1024x32xf32, #tpu.memory_space<vmem_shared>>
    tpu.wait_indirect_dma semaphore(%arg16 : memref<!tpu.dma_semaphore, #tpu.memory_space<semaphore_mem>>) src(%dma_wait3A_1732 : memref<1024x32xf32, #tpu.memory_space<vmem_shared>>) dst(%dma_wait3A_1726 : memref<128x32xf32, #tpu.memory_space<vmem>>)
    %add3A_1733 = arith.constant 384 : i32
    %add3A_1734 = arith.addi %mul3A_32, %add3A_1733 : i32
    %dma_start3A_1735 = arith.constant 384 : i32
    %dma_start3A_1736 = arith.constant 0 : i32
    %dma_start3A_1737 = tpu.memref_slice %arg10[%dma_start3A_1735, %dma_start3A_1736] : memref<2048x32xf32, #tpu.memory_space<vmem>> -> memref<128x32xf32, #tpu.memory_space<vmem>>
    %dma_start3A_1738 = arith.constant 0 : i32
    %dma_start3A_1739 = tpu.memref_slice %arg6[%select_n3A, %add3A_1734, %dma_start3A_1738] : memref<8x8192x32xf32, #tpu.memory_space<hbm>> -> memref<1x128x32xf32, #tpu.memory_space<hbm>>
    %dma_start3A_1740 = tpu.memref_squeeze %dma_start3A_1739 : memref<1x128x32xf32, #tpu.memory_space<hbm>> -> memref<128x32xf32, #tpu.memory_space<hbm>>
    %dma_start3A_1741 = arith.constant 0 : i32
    %dma_start3A_1742 = tpu.memref_slice %arg6[%select_n3A, %add3A_1734, %dma_start3A_1741] : memref<8x8192x32xf32, #tpu.memory_space<hbm>> -> memref<1x128x32xf32, #tpu.memory_space<hbm>>
    %dma_start3A_1743 = tpu.memref_squeeze %dma_start3A_1742 : memref<1x128x32xf32, #tpu.memory_space<hbm>> -> memref<128x32xf32, #tpu.memory_space<hbm>>
    %dma_start3A_1744 = arith.constant 384 : i32
    %dma_start3A_1745 = arith.constant 0 : i32
    %dma_start3A_1746 = tpu.memref_slice %arg10[%dma_start3A_1744, %dma_start3A_1745] : memref<2048x32xf32, #tpu.memory_space<vmem>> -> memref<128x32xf32, #tpu.memory_space<vmem>>
    tpu.enqueue_dma source(%dma_start3A_1746 : memref<128x32xf32, #tpu.memory_space<vmem>>) target(%dma_start3A_1743 : memref<128x32xf32, #tpu.memory_space<hbm>>) target_semaphore(%arg17 : memref<!tpu.dma_semaphore, #tpu.memory_space<semaphore_mem>>)
    %add3A_1747 = arith.constant 384 : i32
    %add3A_1748 = arith.addi %mul3A_32, %add3A_1747 : i32
    %dma_start3A_1749 = arith.constant 3 : i32
    %dma_start3A_1750 = arith.constant 0 : i32
    %dma_start3A_1751 = tpu.memref_slice %arg13[%dma_start3A_1749, %dma_start3A_1750] : memref<16x128xi32, #tpu.memory_space<vmem>> -> memref<1x128xi32, #tpu.memory_space<vmem>>
    %dma_start3A_1752 = tpu.memref_squeeze %dma_start3A_1751 : memref<1x128xi32, #tpu.memory_space<vmem>> -> memref<128xi32, #tpu.memory_space<vmem>>
    %dma_start3A_1753 = tpu.memref_slice %arg7[%select_n3A, %add3A_1748] : memref<8x8192xi32, #tpu.memory_space<hbm>> -> memref<1x128xi32, #tpu.memory_space<hbm>>
    %dma_start3A_1754 = tpu.memref_squeeze %dma_start3A_1753 : memref<1x128xi32, #tpu.memory_space<hbm>> -> memref<128xi32, #tpu.memory_space<hbm>>
    %dma_start3A_1755 = tpu.memref_slice %arg7[%select_n3A, %add3A_1748] : memref<8x8192xi32, #tpu.memory_space<hbm>> -> memref<1x128xi32, #tpu.memory_space<hbm>>
    %dma_start3A_1756 = tpu.memref_squeeze %dma_start3A_1755 : memref<1x128xi32, #tpu.memory_space<hbm>> -> memref<128xi32, #tpu.memory_space<hbm>>
    %dma_start3A_1757 = arith.constant 0 : i32
    %dma_start3A_1758 = tpu.memref_slice %arg13[%dma_start3A_1749, %dma_start3A_1757] : memref<16x128xi32, #tpu.memory_space<vmem>> -> memref<1x128xi32, #tpu.memory_space<vmem>>
    %dma_start3A_1759 = tpu.memref_squeeze %dma_start3A_1758 : memref<1x128xi32, #tpu.memory_space<vmem>> -> memref<128xi32, #tpu.memory_space<vmem>>
    tpu.enqueue_dma source(%dma_start3A_1759 : memref<128xi32, #tpu.memory_space<vmem>>) target(%dma_start3A_1756 : memref<128xi32, #tpu.memory_space<hbm>>) target_semaphore(%arg17 : memref<!tpu.dma_semaphore, #tpu.memory_space<semaphore_mem>>)
    %dma_wait3A_1760 = arith.constant 4 : i32
    %dma_wait3A_1761 = arith.constant 512 : i32
    %dma_wait3A_1762 = arith.constant 0 : i32
    %dma_wait3A_1763 = tpu.memref_slice %arg10[%dma_wait3A_1761, %dma_wait3A_1762] : memref<2048x32xf32, #tpu.memory_space<vmem>> -> memref<128x32xf32, #tpu.memory_space<vmem>>
    %dma_wait3A_1764 = arith.constant 0 : i32
    %dma_wait3A_1765 = tpu.memref_slice %arg9[%dma_wait3A_1760, %dma_wait3A_1764] : memref<16x128xi32, #tpu.memory_space<vmem>> -> memref<1x128xi32, #tpu.memory_space<vmem>>
    %dma_wait3A_1766 = tpu.memref_squeeze %dma_wait3A_1765 : memref<1x128xi32, #tpu.memory_space<vmem>> -> memref<128xi32, #tpu.memory_space<vmem>>
    %dma_wait3A_1767 = arith.constant 0 : i32
    %dma_wait3A_1768 = arith.constant 0 : i32
    %dma_wait3A_1769 = tpu.memref_slice %arg15[%dma_wait3A_1767, %dma_wait3A_1768] : memref<1024x32xf32, #tpu.memory_space<vmem_shared>> -> memref<1024x32xf32, #tpu.memory_space<vmem_shared>>
    tpu.wait_indirect_dma semaphore(%arg16 : memref<!tpu.dma_semaphore, #tpu.memory_space<semaphore_mem>>) src(%dma_wait3A_1769 : memref<1024x32xf32, #tpu.memory_space<vmem_shared>>) dst(%dma_wait3A_1763 : memref<128x32xf32, #tpu.memory_space<vmem>>)
    %add3A_1770 = arith.constant 512 : i32
    %add3A_1771 = arith.addi %mul3A_32, %add3A_1770 : i32
    %dma_start3A_1772 = arith.constant 512 : i32
    %dma_start3A_1773 = arith.constant 0 : i32
    %dma_start3A_1774 = tpu.memref_slice %arg10[%dma_start3A_1772, %dma_start3A_1773] : memref<2048x32xf32, #tpu.memory_space<vmem>> -> memref<128x32xf32, #tpu.memory_space<vmem>>
    %dma_start3A_1775 = arith.constant 0 : i32
    %dma_start3A_1776 = tpu.memref_slice %arg6[%select_n3A, %add3A_1771, %dma_start3A_1775] : memref<8x8192x32xf32, #tpu.memory_space<hbm>> -> memref<1x128x32xf32, #tpu.memory_space<hbm>>
    %dma_start3A_1777 = tpu.memref_squeeze %dma_start3A_1776 : memref<1x128x32xf32, #tpu.memory_space<hbm>> -> memref<128x32xf32, #tpu.memory_space<hbm>>
    %dma_start3A_1778 = arith.constant 0 : i32
    %dma_start3A_1779 = tpu.memref_slice %arg6[%select_n3A, %add3A_1771, %dma_start3A_1778] : memref<8x8192x32xf32, #tpu.memory_space<hbm>> -> memref<1x128x32xf32, #tpu.memory_space<hbm>>
    %dma_start3A_1780 = tpu.memref_squeeze %dma_start3A_1779 : memref<1x128x32xf32, #tpu.memory_space<hbm>> -> memref<128x32xf32, #tpu.memory_space<hbm>>
    %dma_start3A_1781 = arith.constant 512 : i32
    %dma_start3A_1782 = arith.constant 0 : i32
    %dma_start3A_1783 = tpu.memref_slice %arg10[%dma_start3A_1781, %dma_start3A_1782] : memref<2048x32xf32, #tpu.memory_space<vmem>> -> memref<128x32xf32, #tpu.memory_space<vmem>>
    tpu.enqueue_dma source(%dma_start3A_1783 : memref<128x32xf32, #tpu.memory_space<vmem>>) target(%dma_start3A_1780 : memref<128x32xf32, #tpu.memory_space<hbm>>) target_semaphore(%arg17 : memref<!tpu.dma_semaphore, #tpu.memory_space<semaphore_mem>>)
    %add3A_1784 = arith.constant 512 : i32
    %add3A_1785 = arith.addi %mul3A_32, %add3A_1784 : i32
    %dma_start3A_1786 = arith.constant 4 : i32
    %dma_start3A_1787 = arith.constant 0 : i32
    %dma_start3A_1788 = tpu.memref_slice %arg13[%dma_start3A_1786, %dma_start3A_1787] : memref<16x128xi32, #tpu.memory_space<vmem>> -> memref<1x128xi32, #tpu.memory_space<vmem>>
    %dma_start3A_1789 = tpu.memref_squeeze %dma_start3A_1788 : memref<1x128xi32, #tpu.memory_space<vmem>> -> memref<128xi32, #tpu.memory_space<vmem>>
    %dma_start3A_1790 = tpu.memref_slice %arg7[%select_n3A, %add3A_1785] : memref<8x8192xi32, #tpu.memory_space<hbm>> -> memref<1x128xi32, #tpu.memory_space<hbm>>
    %dma_start3A_1791 = tpu.memref_squeeze %dma_start3A_1790 : memref<1x128xi32, #tpu.memory_space<hbm>> -> memref<128xi32, #tpu.memory_space<hbm>>
    %dma_start3A_1792 = tpu.memref_slice %arg7[%select_n3A, %add3A_1785] : memref<8x8192xi32, #tpu.memory_space<hbm>> -> memref<1x128xi32, #tpu.memory_space<hbm>>
    %dma_start3A_1793 = tpu.memref_squeeze %dma_start3A_1792 : memref<1x128xi32, #tpu.memory_space<hbm>> -> memref<128xi32, #tpu.memory_space<hbm>>
    %dma_start3A_1794 = arith.constant 0 : i32
    %dma_start3A_1795 = tpu.memref_slice %arg13[%dma_start3A_1786, %dma_start3A_1794] : memref<16x128xi32, #tpu.memory_space<vmem>> -> memref<1x128xi32, #tpu.memory_space<vmem>>
    %dma_start3A_1796 = tpu.memref_squeeze %dma_start3A_1795 : memref<1x128xi32, #tpu.memory_space<vmem>> -> memref<128xi32, #tpu.memory_space<vmem>>
    tpu.enqueue_dma source(%dma_start3A_1796 : memref<128xi32, #tpu.memory_space<vmem>>) target(%dma_start3A_1793 : memref<128xi32, #tpu.memory_space<hbm>>) target_semaphore(%arg17 : memref<!tpu.dma_semaphore, #tpu.memory_space<semaphore_mem>>)
    %dma_wait3A_1797 = arith.constant 5 : i32
    %dma_wait3A_1798 = arith.constant 640 : i32
    %dma_wait3A_1799 = arith.constant 0 : i32
    %dma_wait3A_1800 = tpu.memref_slice %arg10[%dma_wait3A_1798, %dma_wait3A_1799] : memref<2048x32xf32, #tpu.memory_space<vmem>> -> memref<128x32xf32, #tpu.memory_space<vmem>>
    %dma_wait3A_1801 = arith.constant 0 : i32
    %dma_wait3A_1802 = tpu.memref_slice %arg9[%dma_wait3A_1797, %dma_wait3A_1801] : memref<16x128xi32, #tpu.memory_space<vmem>> -> memref<1x128xi32, #tpu.memory_space<vmem>>
    %dma_wait3A_1803 = tpu.memref_squeeze %dma_wait3A_1802 : memref<1x128xi32, #tpu.memory_space<vmem>> -> memref<128xi32, #tpu.memory_space<vmem>>
    %dma_wait3A_1804 = arith.constant 0 : i32
    %dma_wait3A_1805 = arith.constant 0 : i32
    %dma_wait3A_1806 = tpu.memref_slice %arg15[%dma_wait3A_1804, %dma_wait3A_1805] : memref<1024x32xf32, #tpu.memory_space<vmem_shared>> -> memref<1024x32xf32, #tpu.memory_space<vmem_shared>>
    tpu.wait_indirect_dma semaphore(%arg16 : memref<!tpu.dma_semaphore, #tpu.memory_space<semaphore_mem>>) src(%dma_wait3A_1806 : memref<1024x32xf32, #tpu.memory_space<vmem_shared>>) dst(%dma_wait3A_1800 : memref<128x32xf32, #tpu.memory_space<vmem>>)
    %add3A_1807 = arith.constant 640 : i32
    %add3A_1808 = arith.addi %mul3A_32, %add3A_1807 : i32
    %dma_start3A_1809 = arith.constant 640 : i32
    %dma_start3A_1810 = arith.constant 0 : i32
    %dma_start3A_1811 = tpu.memref_slice %arg10[%dma_start3A_1809, %dma_start3A_1810] : memref<2048x32xf32, #tpu.memory_space<vmem>> -> memref<128x32xf32, #tpu.memory_space<vmem>>
    %dma_start3A_1812 = arith.constant 0 : i32
    %dma_start3A_1813 = tpu.memref_slice %arg6[%select_n3A, %add3A_1808, %dma_start3A_1812] : memref<8x8192x32xf32, #tpu.memory_space<hbm>> -> memref<1x128x32xf32, #tpu.memory_space<hbm>>
    %dma_start3A_1814 = tpu.memref_squeeze %dma_start3A_1813 : memref<1x128x32xf32, #tpu.memory_space<hbm>> -> memref<128x32xf32, #tpu.memory_space<hbm>>
    %dma_start3A_1815 = arith.constant 0 : i32
    %dma_start3A_1816 = tpu.memref_slice %arg6[%select_n3A, %add3A_1808, %dma_start3A_1815] : memref<8x8192x32xf32, #tpu.memory_space<hbm>> -> memref<1x128x32xf32, #tpu.memory_space<hbm>>
    %dma_start3A_1817 = tpu.memref_squeeze %dma_start3A_1816 : memref<1x128x32xf32, #tpu.memory_space<hbm>> -> memref<128x32xf32, #tpu.memory_space<hbm>>
    %dma_start3A_1818 = arith.constant 640 : i32
    %dma_start3A_1819 = arith.constant 0 : i32
    %dma_start3A_1820 = tpu.memref_slice %arg10[%dma_start3A_1818, %dma_start3A_1819] : memref<2048x32xf32, #tpu.memory_space<vmem>> -> memref<128x32xf32, #tpu.memory_space<vmem>>
    tpu.enqueue_dma source(%dma_start3A_1820 : memref<128x32xf32, #tpu.memory_space<vmem>>) target(%dma_start3A_1817 : memref<128x32xf32, #tpu.memory_space<hbm>>) target_semaphore(%arg17 : memref<!tpu.dma_semaphore, #tpu.memory_space<semaphore_mem>>)
    %add3A_1821 = arith.constant 640 : i32
    %add3A_1822 = arith.addi %mul3A_32, %add3A_1821 : i32
    %dma_start3A_1823 = arith.constant 5 : i32
    %dma_start3A_1824 = arith.constant 0 : i32
    %dma_start3A_1825 = tpu.memref_slice %arg13[%dma_start3A_1823, %dma_start3A_1824] : memref<16x128xi32, #tpu.memory_space<vmem>> -> memref<1x128xi32, #tpu.memory_space<vmem>>
    %dma_start3A_1826 = tpu.memref_squeeze %dma_start3A_1825 : memref<1x128xi32, #tpu.memory_space<vmem>> -> memref<128xi32, #tpu.memory_space<vmem>>
    %dma_start3A_1827 = tpu.memref_slice %arg7[%select_n3A, %add3A_1822] : memref<8x8192xi32, #tpu.memory_space<hbm>> -> memref<1x128xi32, #tpu.memory_space<hbm>>
    %dma_start3A_1828 = tpu.memref_squeeze %dma_start3A_1827 : memref<1x128xi32, #tpu.memory_space<hbm>> -> memref<128xi32, #tpu.memory_space<hbm>>
    %dma_start3A_1829 = tpu.memref_slice %arg7[%select_n3A, %add3A_1822] : memref<8x8192xi32, #tpu.memory_space<hbm>> -> memref<1x128xi32, #tpu.memory_space<hbm>>
    %dma_start3A_1830 = tpu.memref_squeeze %dma_start3A_1829 : memref<1x128xi32, #tpu.memory_space<hbm>> -> memref<128xi32, #tpu.memory_space<hbm>>
    %dma_start3A_1831 = arith.constant 0 : i32
    %dma_start3A_1832 = tpu.memref_slice %arg13[%dma_start3A_1823, %dma_start3A_1831] : memref<16x128xi32, #tpu.memory_space<vmem>> -> memref<1x128xi32, #tpu.memory_space<vmem>>
    %dma_start3A_1833 = tpu.memref_squeeze %dma_start3A_1832 : memref<1x128xi32, #tpu.memory_space<vmem>> -> memref<128xi32, #tpu.memory_space<vmem>>
    tpu.enqueue_dma source(%dma_start3A_1833 : memref<128xi32, #tpu.memory_space<vmem>>) target(%dma_start3A_1830 : memref<128xi32, #tpu.memory_space<hbm>>) target_semaphore(%arg17 : memref<!tpu.dma_semaphore, #tpu.memory_space<semaphore_mem>>)
    %dma_wait3A_1834 = arith.constant 6 : i32
    %dma_wait3A_1835 = arith.constant 768 : i32
    %dma_wait3A_1836 = arith.constant 0 : i32
    %dma_wait3A_1837 = tpu.memref_slice %arg10[%dma_wait3A_1835, %dma_wait3A_1836] : memref<2048x32xf32, #tpu.memory_space<vmem>> -> memref<128x32xf32, #tpu.memory_space<vmem>>
    %dma_wait3A_1838 = arith.constant 0 : i32
    %dma_wait3A_1839 = tpu.memref_slice %arg9[%dma_wait3A_1834, %dma_wait3A_1838] : memref<16x128xi32, #tpu.memory_space<vmem>> -> memref<1x128xi32, #tpu.memory_space<vmem>>
    %dma_wait3A_1840 = tpu.memref_squeeze %dma_wait3A_1839 : memref<1x128xi32, #tpu.memory_space<vmem>> -> memref<128xi32, #tpu.memory_space<vmem>>
    %dma_wait3A_1841 = arith.constant 0 : i32
    %dma_wait3A_1842 = arith.constant 0 : i32
    %dma_wait3A_1843 = tpu.memref_slice %arg15[%dma_wait3A_1841, %dma_wait3A_1842] : memref<1024x32xf32, #tpu.memory_space<vmem_shared>> -> memref<1024x32xf32, #tpu.memory_space<vmem_shared>>
    tpu.wait_indirect_dma semaphore(%arg16 : memref<!tpu.dma_semaphore, #tpu.memory_space<semaphore_mem>>) src(%dma_wait3A_1843 : memref<1024x32xf32, #tpu.memory_space<vmem_shared>>) dst(%dma_wait3A_1837 : memref<128x32xf32, #tpu.memory_space<vmem>>)
    %add3A_1844 = arith.constant 768 : i32
    %add3A_1845 = arith.addi %mul3A_32, %add3A_1844 : i32
    %dma_start3A_1846 = arith.constant 768 : i32
    %dma_start3A_1847 = arith.constant 0 : i32
    %dma_start3A_1848 = tpu.memref_slice %arg10[%dma_start3A_1846, %dma_start3A_1847] : memref<2048x32xf32, #tpu.memory_space<vmem>> -> memref<128x32xf32, #tpu.memory_space<vmem>>
    %dma_start3A_1849 = arith.constant 0 : i32
    %dma_start3A_1850 = tpu.memref_slice %arg6[%select_n3A, %add3A_1845, %dma_start3A_1849] : memref<8x8192x32xf32, #tpu.memory_space<hbm>> -> memref<1x128x32xf32, #tpu.memory_space<hbm>>
    %dma_start3A_1851 = tpu.memref_squeeze %dma_start3A_1850 : memref<1x128x32xf32, #tpu.memory_space<hbm>> -> memref<128x32xf32, #tpu.memory_space<hbm>>
    %dma_start3A_1852 = arith.constant 0 : i32
    %dma_start3A_1853 = tpu.memref_slice %arg6[%select_n3A, %add3A_1845, %dma_start3A_1852] : memref<8x8192x32xf32, #tpu.memory_space<hbm>> -> memref<1x128x32xf32, #tpu.memory_space<hbm>>
    %dma_start3A_1854 = tpu.memref_squeeze %dma_start3A_1853 : memref<1x128x32xf32, #tpu.memory_space<hbm>> -> memref<128x32xf32, #tpu.memory_space<hbm>>
    %dma_start3A_1855 = arith.constant 768 : i32
    %dma_start3A_1856 = arith.constant 0 : i32
    %dma_start3A_1857 = tpu.memref_slice %arg10[%dma_start3A_1855, %dma_start3A_1856] : memref<2048x32xf32, #tpu.memory_space<vmem>> -> memref<128x32xf32, #tpu.memory_space<vmem>>
    tpu.enqueue_dma source(%dma_start3A_1857 : memref<128x32xf32, #tpu.memory_space<vmem>>) target(%dma_start3A_1854 : memref<128x32xf32, #tpu.memory_space<hbm>>) target_semaphore(%arg17 : memref<!tpu.dma_semaphore, #tpu.memory_space<semaphore_mem>>)
    %add3A_1858 = arith.constant 768 : i32
    %add3A_1859 = arith.addi %mul3A_32, %add3A_1858 : i32
    %dma_start3A_1860 = arith.constant 6 : i32
    %dma_start3A_1861 = arith.constant 0 : i32
    %dma_start3A_1862 = tpu.memref_slice %arg13[%dma_start3A_1860, %dma_start3A_1861] : memref<16x128xi32, #tpu.memory_space<vmem>> -> memref<1x128xi32, #tpu.memory_space<vmem>>
    %dma_start3A_1863 = tpu.memref_squeeze %dma_start3A_1862 : memref<1x128xi32, #tpu.memory_space<vmem>> -> memref<128xi32, #tpu.memory_space<vmem>>
    %dma_start3A_1864 = tpu.memref_slice %arg7[%select_n3A, %add3A_1859] : memref<8x8192xi32, #tpu.memory_space<hbm>> -> memref<1x128xi32, #tpu.memory_space<hbm>>
    %dma_start3A_1865 = tpu.memref_squeeze %dma_start3A_1864 : memref<1x128xi32, #tpu.memory_space<hbm>> -> memref<128xi32, #tpu.memory_space<hbm>>
    %dma_start3A_1866 = tpu.memref_slice %arg7[%select_n3A, %add3A_1859] : memref<8x8192xi32, #tpu.memory_space<hbm>> -> memref<1x128xi32, #tpu.memory_space<hbm>>
    %dma_start3A_1867 = tpu.memref_squeeze %dma_start3A_1866 : memref<1x128xi32, #tpu.memory_space<hbm>> -> memref<128xi32, #tpu.memory_space<hbm>>
    %dma_start3A_1868 = arith.constant 0 : i32
    %dma_start3A_1869 = tpu.memref_slice %arg13[%dma_start3A_1860, %dma_start3A_1868] : memref<16x128xi32, #tpu.memory_space<vmem>> -> memref<1x128xi32, #tpu.memory_space<vmem>>
    %dma_start3A_1870 = tpu.memref_squeeze %dma_start3A_1869 : memref<1x128xi32, #tpu.memory_space<vmem>> -> memref<128xi32, #tpu.memory_space<vmem>>
    tpu.enqueue_dma source(%dma_start3A_1870 : memref<128xi32, #tpu.memory_space<vmem>>) target(%dma_start3A_1867 : memref<128xi32, #tpu.memory_space<hbm>>) target_semaphore(%arg17 : memref<!tpu.dma_semaphore, #tpu.memory_space<semaphore_mem>>)
    %dma_wait3A_1871 = arith.constant 7 : i32
    %dma_wait3A_1872 = arith.constant 896 : i32
    %dma_wait3A_1873 = arith.constant 0 : i32
    %dma_wait3A_1874 = tpu.memref_slice %arg10[%dma_wait3A_1872, %dma_wait3A_1873] : memref<2048x32xf32, #tpu.memory_space<vmem>> -> memref<128x32xf32, #tpu.memory_space<vmem>>
    %dma_wait3A_1875 = arith.constant 0 : i32
    %dma_wait3A_1876 = tpu.memref_slice %arg9[%dma_wait3A_1871, %dma_wait3A_1875] : memref<16x128xi32, #tpu.memory_space<vmem>> -> memref<1x128xi32, #tpu.memory_space<vmem>>
    %dma_wait3A_1877 = tpu.memref_squeeze %dma_wait3A_1876 : memref<1x128xi32, #tpu.memory_space<vmem>> -> memref<128xi32, #tpu.memory_space<vmem>>
    %dma_wait3A_1878 = arith.constant 0 : i32
    %dma_wait3A_1879 = arith.constant 0 : i32
    %dma_wait3A_1880 = tpu.memref_slice %arg15[%dma_wait3A_1878, %dma_wait3A_1879] : memref<1024x32xf32, #tpu.memory_space<vmem_shared>> -> memref<1024x32xf32, #tpu.memory_space<vmem_shared>>
    tpu.wait_indirect_dma semaphore(%arg16 : memref<!tpu.dma_semaphore, #tpu.memory_space<semaphore_mem>>) src(%dma_wait3A_1880 : memref<1024x32xf32, #tpu.memory_space<vmem_shared>>) dst(%dma_wait3A_1874 : memref<128x32xf32, #tpu.memory_space<vmem>>)
    %add3A_1881 = arith.constant 896 : i32
    %add3A_1882 = arith.addi %mul3A_32, %add3A_1881 : i32
    %dma_start3A_1883 = arith.constant 896 : i32
    %dma_start3A_1884 = arith.constant 0 : i32
    %dma_start3A_1885 = tpu.memref_slice %arg10[%dma_start3A_1883, %dma_start3A_1884] : memref<2048x32xf32, #tpu.memory_space<vmem>> -> memref<128x32xf32, #tpu.memory_space<vmem>>
    %dma_start3A_1886 = arith.constant 0 : i32
    %dma_start3A_1887 = tpu.memref_slice %arg6[%select_n3A, %add3A_1882, %dma_start3A_1886] : memref<8x8192x32xf32, #tpu.memory_space<hbm>> -> memref<1x128x32xf32, #tpu.memory_space<hbm>>
    %dma_start3A_1888 = tpu.memref_squeeze %dma_start3A_1887 : memref<1x128x32xf32, #tpu.memory_space<hbm>> -> memref<128x32xf32, #tpu.memory_space<hbm>>
    %dma_start3A_1889 = arith.constant 0 : i32
    %dma_start3A_1890 = tpu.memref_slice %arg6[%select_n3A, %add3A_1882, %dma_start3A_1889] : memref<8x8192x32xf32, #tpu.memory_space<hbm>> -> memref<1x128x32xf32, #tpu.memory_space<hbm>>
    %dma_start3A_1891 = tpu.memref_squeeze %dma_start3A_1890 : memref<1x128x32xf32, #tpu.memory_space<hbm>> -> memref<128x32xf32, #tpu.memory_space<hbm>>
    %dma_start3A_1892 = arith.constant 896 : i32
    %dma_start3A_1893 = arith.constant 0 : i32
    %dma_start3A_1894 = tpu.memref_slice %arg10[%dma_start3A_1892, %dma_start3A_1893] : memref<2048x32xf32, #tpu.memory_space<vmem>> -> memref<128x32xf32, #tpu.memory_space<vmem>>
    tpu.enqueue_dma source(%dma_start3A_1894 : memref<128x32xf32, #tpu.memory_space<vmem>>) target(%dma_start3A_1891 : memref<128x32xf32, #tpu.memory_space<hbm>>) target_semaphore(%arg17 : memref<!tpu.dma_semaphore, #tpu.memory_space<semaphore_mem>>)
    %add3A_1895 = arith.constant 896 : i32
    %add3A_1896 = arith.addi %mul3A_32, %add3A_1895 : i32
    %dma_start3A_1897 = arith.constant 7 : i32
    %dma_start3A_1898 = arith.constant 0 : i32
    %dma_start3A_1899 = tpu.memref_slice %arg13[%dma_start3A_1897, %dma_start3A_1898] : memref<16x128xi32, #tpu.memory_space<vmem>> -> memref<1x128xi32, #tpu.memory_space<vmem>>
    %dma_start3A_1900 = tpu.memref_squeeze %dma_start3A_1899 : memref<1x128xi32, #tpu.memory_space<vmem>> -> memref<128xi32, #tpu.memory_space<vmem>>
    %dma_start3A_1901 = tpu.memref_slice %arg7[%select_n3A, %add3A_1896] : memref<8x8192xi32, #tpu.memory_space<hbm>> -> memref<1x128xi32, #tpu.memory_space<hbm>>
    %dma_start3A_1902 = tpu.memref_squeeze %dma_start3A_1901 : memref<1x128xi32, #tpu.memory_space<hbm>> -> memref<128xi32, #tpu.memory_space<hbm>>
    %dma_start3A_1903 = tpu.memref_slice %arg7[%select_n3A, %add3A_1896] : memref<8x8192xi32, #tpu.memory_space<hbm>> -> memref<1x128xi32, #tpu.memory_space<hbm>>
    %dma_start3A_1904 = tpu.memref_squeeze %dma_start3A_1903 : memref<1x128xi32, #tpu.memory_space<hbm>> -> memref<128xi32, #tpu.memory_space<hbm>>
    %dma_start3A_1905 = arith.constant 0 : i32
    %dma_start3A_1906 = tpu.memref_slice %arg13[%dma_start3A_1897, %dma_start3A_1905] : memref<16x128xi32, #tpu.memory_space<vmem>> -> memref<1x128xi32, #tpu.memory_space<vmem>>
    %dma_start3A_1907 = tpu.memref_squeeze %dma_start3A_1906 : memref<1x128xi32, #tpu.memory_space<vmem>> -> memref<128xi32, #tpu.memory_space<vmem>>
    tpu.enqueue_dma source(%dma_start3A_1907 : memref<128xi32, #tpu.memory_space<vmem>>) target(%dma_start3A_1904 : memref<128xi32, #tpu.memory_space<hbm>>) target_semaphore(%arg17 : memref<!tpu.dma_semaphore, #tpu.memory_space<semaphore_mem>>)
    %dma_wait3A_1908 = arith.constant 8 : i32
    %dma_wait3A_1909 = arith.constant 1024 : i32
    %dma_wait3A_1910 = arith.constant 0 : i32
    %dma_wait3A_1911 = tpu.memref_slice %arg10[%dma_wait3A_1909, %dma_wait3A_1910] : memref<2048x32xf32, #tpu.memory_space<vmem>> -> memref<128x32xf32, #tpu.memory_space<vmem>>
    %dma_wait3A_1912 = arith.constant 0 : i32
    %dma_wait3A_1913 = tpu.memref_slice %arg9[%dma_wait3A_1908, %dma_wait3A_1912] : memref<16x128xi32, #tpu.memory_space<vmem>> -> memref<1x128xi32, #tpu.memory_space<vmem>>
    %dma_wait3A_1914 = tpu.memref_squeeze %dma_wait3A_1913 : memref<1x128xi32, #tpu.memory_space<vmem>> -> memref<128xi32, #tpu.memory_space<vmem>>
    %dma_wait3A_1915 = arith.constant 0 : i32
    %dma_wait3A_1916 = arith.constant 0 : i32
    %dma_wait3A_1917 = tpu.memref_slice %arg15[%dma_wait3A_1915, %dma_wait3A_1916] : memref<1024x32xf32, #tpu.memory_space<vmem_shared>> -> memref<1024x32xf32, #tpu.memory_space<vmem_shared>>
    tpu.wait_indirect_dma semaphore(%arg16 : memref<!tpu.dma_semaphore, #tpu.memory_space<semaphore_mem>>) src(%dma_wait3A_1917 : memref<1024x32xf32, #tpu.memory_space<vmem_shared>>) dst(%dma_wait3A_1911 : memref<128x32xf32, #tpu.memory_space<vmem>>)
    %add3A_1918 = arith.constant 1024 : i32
    %add3A_1919 = arith.addi %mul3A_32, %add3A_1918 : i32
    %dma_start3A_1920 = arith.constant 1024 : i32
    %dma_start3A_1921 = arith.constant 0 : i32
    %dma_start3A_1922 = tpu.memref_slice %arg10[%dma_start3A_1920, %dma_start3A_1921] : memref<2048x32xf32, #tpu.memory_space<vmem>> -> memref<128x32xf32, #tpu.memory_space<vmem>>
    %dma_start3A_1923 = arith.constant 0 : i32
    %dma_start3A_1924 = tpu.memref_slice %arg6[%select_n3A, %add3A_1919, %dma_start3A_1923] : memref<8x8192x32xf32, #tpu.memory_space<hbm>> -> memref<1x128x32xf32, #tpu.memory_space<hbm>>
    %dma_start3A_1925 = tpu.memref_squeeze %dma_start3A_1924 : memref<1x128x32xf32, #tpu.memory_space<hbm>> -> memref<128x32xf32, #tpu.memory_space<hbm>>
    %dma_start3A_1926 = arith.constant 0 : i32
    %dma_start3A_1927 = tpu.memref_slice %arg6[%select_n3A, %add3A_1919, %dma_start3A_1926] : memref<8x8192x32xf32, #tpu.memory_space<hbm>> -> memref<1x128x32xf32, #tpu.memory_space<hbm>>
    %dma_start3A_1928 = tpu.memref_squeeze %dma_start3A_1927 : memref<1x128x32xf32, #tpu.memory_space<hbm>> -> memref<128x32xf32, #tpu.memory_space<hbm>>
    %dma_start3A_1929 = arith.constant 1024 : i32
    %dma_start3A_1930 = arith.constant 0 : i32
    %dma_start3A_1931 = tpu.memref_slice %arg10[%dma_start3A_1929, %dma_start3A_1930] : memref<2048x32xf32, #tpu.memory_space<vmem>> -> memref<128x32xf32, #tpu.memory_space<vmem>>
    tpu.enqueue_dma source(%dma_start3A_1931 : memref<128x32xf32, #tpu.memory_space<vmem>>) target(%dma_start3A_1928 : memref<128x32xf32, #tpu.memory_space<hbm>>) target_semaphore(%arg17 : memref<!tpu.dma_semaphore, #tpu.memory_space<semaphore_mem>>)
    %add3A_1932 = arith.constant 1024 : i32
    %add3A_1933 = arith.addi %mul3A_32, %add3A_1932 : i32
    %dma_start3A_1934 = arith.constant 8 : i32
    %dma_start3A_1935 = arith.constant 0 : i32
    %dma_start3A_1936 = tpu.memref_slice %arg13[%dma_start3A_1934, %dma_start3A_1935] : memref<16x128xi32, #tpu.memory_space<vmem>> -> memref<1x128xi32, #tpu.memory_space<vmem>>
    %dma_start3A_1937 = tpu.memref_squeeze %dma_start3A_1936 : memref<1x128xi32, #tpu.memory_space<vmem>> -> memref<128xi32, #tpu.memory_space<vmem>>
    %dma_start3A_1938 = tpu.memref_slice %arg7[%select_n3A, %add3A_1933] : memref<8x8192xi32, #tpu.memory_space<hbm>> -> memref<1x128xi32, #tpu.memory_space<hbm>>
    %dma_start3A_1939 = tpu.memref_squeeze %dma_start3A_1938 : memref<1x128xi32, #tpu.memory_space<hbm>> -> memref<128xi32, #tpu.memory_space<hbm>>
    %dma_start3A_1940 = tpu.memref_slice %arg7[%select_n3A, %add3A_1933] : memref<8x8192xi32, #tpu.memory_space<hbm>> -> memref<1x128xi32, #tpu.memory_space<hbm>>
    %dma_start3A_1941 = tpu.memref_squeeze %dma_start3A_1940 : memref<1x128xi32, #tpu.memory_space<hbm>> -> memref<128xi32, #tpu.memory_space<hbm>>
    %dma_start3A_1942 = arith.constant 0 : i32
    %dma_start3A_1943 = tpu.memref_slice %arg13[%dma_start3A_1934, %dma_start3A_1942] : memref<16x128xi32, #tpu.memory_space<vmem>> -> memref<1x128xi32, #tpu.memory_space<vmem>>
    %dma_start3A_1944 = tpu.memref_squeeze %dma_start3A_1943 : memref<1x128xi32, #tpu.memory_space<vmem>> -> memref<128xi32, #tpu.memory_space<vmem>>
    tpu.enqueue_dma source(%dma_start3A_1944 : memref<128xi32, #tpu.memory_space<vmem>>) target(%dma_start3A_1941 : memref<128xi32, #tpu.memory_space<hbm>>) target_semaphore(%arg17 : memref<!tpu.dma_semaphore, #tpu.memory_space<semaphore_mem>>)
    %dma_wait3A_1945 = arith.constant 9 : i32
    %dma_wait3A_1946 = arith.constant 1152 : i32
    %dma_wait3A_1947 = arith.constant 0 : i32
    %dma_wait3A_1948 = tpu.memref_slice %arg10[%dma_wait3A_1946, %dma_wait3A_1947] : memref<2048x32xf32, #tpu.memory_space<vmem>> -> memref<128x32xf32, #tpu.memory_space<vmem>>
    %dma_wait3A_1949 = arith.constant 0 : i32
    %dma_wait3A_1950 = tpu.memref_slice %arg9[%dma_wait3A_1945, %dma_wait3A_1949] : memref<16x128xi32, #tpu.memory_space<vmem>> -> memref<1x128xi32, #tpu.memory_space<vmem>>
    %dma_wait3A_1951 = tpu.memref_squeeze %dma_wait3A_1950 : memref<1x128xi32, #tpu.memory_space<vmem>> -> memref<128xi32, #tpu.memory_space<vmem>>
    %dma_wait3A_1952 = arith.constant 0 : i32
    %dma_wait3A_1953 = arith.constant 0 : i32
    %dma_wait3A_1954 = tpu.memref_slice %arg15[%dma_wait3A_1952, %dma_wait3A_1953] : memref<1024x32xf32, #tpu.memory_space<vmem_shared>> -> memref<1024x32xf32, #tpu.memory_space<vmem_shared>>
    tpu.wait_indirect_dma semaphore(%arg16 : memref<!tpu.dma_semaphore, #tpu.memory_space<semaphore_mem>>) src(%dma_wait3A_1954 : memref<1024x32xf32, #tpu.memory_space<vmem_shared>>) dst(%dma_wait3A_1948 : memref<128x32xf32, #tpu.memory_space<vmem>>)
    %add3A_1955 = arith.constant 1152 : i32
    %add3A_1956 = arith.addi %mul3A_32, %add3A_1955 : i32
    %dma_start3A_1957 = arith.constant 1152 : i32
    %dma_start3A_1958 = arith.constant 0 : i32
    %dma_start3A_1959 = tpu.memref_slice %arg10[%dma_start3A_1957, %dma_start3A_1958] : memref<2048x32xf32, #tpu.memory_space<vmem>> -> memref<128x32xf32, #tpu.memory_space<vmem>>
    %dma_start3A_1960 = arith.constant 0 : i32
    %dma_start3A_1961 = tpu.memref_slice %arg6[%select_n3A, %add3A_1956, %dma_start3A_1960] : memref<8x8192x32xf32, #tpu.memory_space<hbm>> -> memref<1x128x32xf32, #tpu.memory_space<hbm>>
    %dma_start3A_1962 = tpu.memref_squeeze %dma_start3A_1961 : memref<1x128x32xf32, #tpu.memory_space<hbm>> -> memref<128x32xf32, #tpu.memory_space<hbm>>
    %dma_start3A_1963 = arith.constant 0 : i32
    %dma_start3A_1964 = tpu.memref_slice %arg6[%select_n3A, %add3A_1956, %dma_start3A_1963] : memref<8x8192x32xf32, #tpu.memory_space<hbm>> -> memref<1x128x32xf32, #tpu.memory_space<hbm>>
    %dma_start3A_1965 = tpu.memref_squeeze %dma_start3A_1964 : memref<1x128x32xf32, #tpu.memory_space<hbm>> -> memref<128x32xf32, #tpu.memory_space<hbm>>
    %dma_start3A_1966 = arith.constant 1152 : i32
    %dma_start3A_1967 = arith.constant 0 : i32
    %dma_start3A_1968 = tpu.memref_slice %arg10[%dma_start3A_1966, %dma_start3A_1967] : memref<2048x32xf32, #tpu.memory_space<vmem>> -> memref<128x32xf32, #tpu.memory_space<vmem>>
    tpu.enqueue_dma source(%dma_start3A_1968 : memref<128x32xf32, #tpu.memory_space<vmem>>) target(%dma_start3A_1965 : memref<128x32xf32, #tpu.memory_space<hbm>>) target_semaphore(%arg17 : memref<!tpu.dma_semaphore, #tpu.memory_space<semaphore_mem>>)
    %add3A_1969 = arith.constant 1152 : i32
    %add3A_1970 = arith.addi %mul3A_32, %add3A_1969 : i32
    %dma_start3A_1971 = arith.constant 9 : i32
    %dma_start3A_1972 = arith.constant 0 : i32
    %dma_start3A_1973 = tpu.memref_slice %arg13[%dma_start3A_1971, %dma_start3A_1972] : memref<16x128xi32, #tpu.memory_space<vmem>> -> memref<1x128xi32, #tpu.memory_space<vmem>>
    %dma_start3A_1974 = tpu.memref_squeeze %dma_start3A_1973 : memref<1x128xi32, #tpu.memory_space<vmem>> -> memref<128xi32, #tpu.memory_space<vmem>>
    %dma_start3A_1975 = tpu.memref_slice %arg7[%select_n3A, %add3A_1970] : memref<8x8192xi32, #tpu.memory_space<hbm>> -> memref<1x128xi32, #tpu.memory_space<hbm>>
    %dma_start3A_1976 = tpu.memref_squeeze %dma_start3A_1975 : memref<1x128xi32, #tpu.memory_space<hbm>> -> memref<128xi32, #tpu.memory_space<hbm>>
    %dma_start3A_1977 = tpu.memref_slice %arg7[%select_n3A, %add3A_1970] : memref<8x8192xi32, #tpu.memory_space<hbm>> -> memref<1x128xi32, #tpu.memory_space<hbm>>
    %dma_start3A_1978 = tpu.memref_squeeze %dma_start3A_1977 : memref<1x128xi32, #tpu.memory_space<hbm>> -> memref<128xi32, #tpu.memory_space<hbm>>
    %dma_start3A_1979 = arith.constant 0 : i32
    %dma_start3A_1980 = tpu.memref_slice %arg13[%dma_start3A_1971, %dma_start3A_1979] : memref<16x128xi32, #tpu.memory_space<vmem>> -> memref<1x128xi32, #tpu.memory_space<vmem>>
    %dma_start3A_1981 = tpu.memref_squeeze %dma_start3A_1980 : memref<1x128xi32, #tpu.memory_space<vmem>> -> memref<128xi32, #tpu.memory_space<vmem>>
    tpu.enqueue_dma source(%dma_start3A_1981 : memref<128xi32, #tpu.memory_space<vmem>>) target(%dma_start3A_1978 : memref<128xi32, #tpu.memory_space<hbm>>) target_semaphore(%arg17 : memref<!tpu.dma_semaphore, #tpu.memory_space<semaphore_mem>>)
    %dma_wait3A_1982 = arith.constant 10 : i32
    %dma_wait3A_1983 = arith.constant 1280 : i32
    %dma_wait3A_1984 = arith.constant 0 : i32
    %dma_wait3A_1985 = tpu.memref_slice %arg10[%dma_wait3A_1983, %dma_wait3A_1984] : memref<2048x32xf32, #tpu.memory_space<vmem>> -> memref<128x32xf32, #tpu.memory_space<vmem>>
    %dma_wait3A_1986 = arith.constant 0 : i32
    %dma_wait3A_1987 = tpu.memref_slice %arg9[%dma_wait3A_1982, %dma_wait3A_1986] : memref<16x128xi32, #tpu.memory_space<vmem>> -> memref<1x128xi32, #tpu.memory_space<vmem>>
    %dma_wait3A_1988 = tpu.memref_squeeze %dma_wait3A_1987 : memref<1x128xi32, #tpu.memory_space<vmem>> -> memref<128xi32, #tpu.memory_space<vmem>>
    %dma_wait3A_1989 = arith.constant 0 : i32
    %dma_wait3A_1990 = arith.constant 0 : i32
    %dma_wait3A_1991 = tpu.memref_slice %arg15[%dma_wait3A_1989, %dma_wait3A_1990] : memref<1024x32xf32, #tpu.memory_space<vmem_shared>> -> memref<1024x32xf32, #tpu.memory_space<vmem_shared>>
    tpu.wait_indirect_dma semaphore(%arg16 : memref<!tpu.dma_semaphore, #tpu.memory_space<semaphore_mem>>) src(%dma_wait3A_1991 : memref<1024x32xf32, #tpu.memory_space<vmem_shared>>) dst(%dma_wait3A_1985 : memref<128x32xf32, #tpu.memory_space<vmem>>)
    %add3A_1992 = arith.constant 1280 : i32
    %add3A_1993 = arith.addi %mul3A_32, %add3A_1992 : i32
    %dma_start3A_1994 = arith.constant 1280 : i32
    %dma_start3A_1995 = arith.constant 0 : i32
    %dma_start3A_1996 = tpu.memref_slice %arg10[%dma_start3A_1994, %dma_start3A_1995] : memref<2048x32xf32, #tpu.memory_space<vmem>> -> memref<128x32xf32, #tpu.memory_space<vmem>>
    %dma_start3A_1997 = arith.constant 0 : i32
    %dma_start3A_1998 = tpu.memref_slice %arg6[%select_n3A, %add3A_1993, %dma_start3A_1997] : memref<8x8192x32xf32, #tpu.memory_space<hbm>> -> memref<1x128x32xf32, #tpu.memory_space<hbm>>
    %dma_start3A_1999 = tpu.memref_squeeze %dma_start3A_1998 : memref<1x128x32xf32, #tpu.memory_space<hbm>> -> memref<128x32xf32, #tpu.memory_space<hbm>>
    %dma_start3A_2000 = arith.constant 0 : i32
    %dma_start3A_2001 = tpu.memref_slice %arg6[%select_n3A, %add3A_1993, %dma_start3A_2000] : memref<8x8192x32xf32, #tpu.memory_space<hbm>> -> memref<1x128x32xf32, #tpu.memory_space<hbm>>
    %dma_start3A_2002 = tpu.memref_squeeze %dma_start3A_2001 : memref<1x128x32xf32, #tpu.memory_space<hbm>> -> memref<128x32xf32, #tpu.memory_space<hbm>>
    %dma_start3A_2003 = arith.constant 1280 : i32
    %dma_start3A_2004 = arith.constant 0 : i32
    %dma_start3A_2005 = tpu.memref_slice %arg10[%dma_start3A_2003, %dma_start3A_2004] : memref<2048x32xf32, #tpu.memory_space<vmem>> -> memref<128x32xf32, #tpu.memory_space<vmem>>
    tpu.enqueue_dma source(%dma_start3A_2005 : memref<128x32xf32, #tpu.memory_space<vmem>>) target(%dma_start3A_2002 : memref<128x32xf32, #tpu.memory_space<hbm>>) target_semaphore(%arg17 : memref<!tpu.dma_semaphore, #tpu.memory_space<semaphore_mem>>)
    %add3A_2006 = arith.constant 1280 : i32
    %add3A_2007 = arith.addi %mul3A_32, %add3A_2006 : i32
    %dma_start3A_2008 = arith.constant 10 : i32
    %dma_start3A_2009 = arith.constant 0 : i32
    %dma_start3A_2010 = tpu.memref_slice %arg13[%dma_start3A_2008, %dma_start3A_2009] : memref<16x128xi32, #tpu.memory_space<vmem>> -> memref<1x128xi32, #tpu.memory_space<vmem>>
    %dma_start3A_2011 = tpu.memref_squeeze %dma_start3A_2010 : memref<1x128xi32, #tpu.memory_space<vmem>> -> memref<128xi32, #tpu.memory_space<vmem>>
    %dma_start3A_2012 = tpu.memref_slice %arg7[%select_n3A, %add3A_2007] : memref<8x8192xi32, #tpu.memory_space<hbm>> -> memref<1x128xi32, #tpu.memory_space<hbm>>
    %dma_start3A_2013 = tpu.memref_squeeze %dma_start3A_2012 : memref<1x128xi32, #tpu.memory_space<hbm>> -> memref<128xi32, #tpu.memory_space<hbm>>
    %dma_start3A_2014 = tpu.memref_slice %arg7[%select_n3A, %add3A_2007] : memref<8x8192xi32, #tpu.memory_space<hbm>> -> memref<1x128xi32, #tpu.memory_space<hbm>>
    %dma_start3A_2015 = tpu.memref_squeeze %dma_start3A_2014 : memref<1x128xi32, #tpu.memory_space<hbm>> -> memref<128xi32, #tpu.memory_space<hbm>>
    %dma_start3A_2016 = arith.constant 0 : i32
    %dma_start3A_2017 = tpu.memref_slice %arg13[%dma_start3A_2008, %dma_start3A_2016] : memref<16x128xi32, #tpu.memory_space<vmem>> -> memref<1x128xi32, #tpu.memory_space<vmem>>
    %dma_start3A_2018 = tpu.memref_squeeze %dma_start3A_2017 : memref<1x128xi32, #tpu.memory_space<vmem>> -> memref<128xi32, #tpu.memory_space<vmem>>
    tpu.enqueue_dma source(%dma_start3A_2018 : memref<128xi32, #tpu.memory_space<vmem>>) target(%dma_start3A_2015 : memref<128xi32, #tpu.memory_space<hbm>>) target_semaphore(%arg17 : memref<!tpu.dma_semaphore, #tpu.memory_space<semaphore_mem>>)
    %dma_wait3A_2019 = arith.constant 11 : i32
    %dma_wait3A_2020 = arith.constant 1408 : i32
    %dma_wait3A_2021 = arith.constant 0 : i32
    %dma_wait3A_2022 = tpu.memref_slice %arg10[%dma_wait3A_2020, %dma_wait3A_2021] : memref<2048x32xf32, #tpu.memory_space<vmem>> -> memref<128x32xf32, #tpu.memory_space<vmem>>
    %dma_wait3A_2023 = arith.constant 0 : i32
    %dma_wait3A_2024 = tpu.memref_slice %arg9[%dma_wait3A_2019, %dma_wait3A_2023] : memref<16x128xi32, #tpu.memory_space<vmem>> -> memref<1x128xi32, #tpu.memory_space<vmem>>
    %dma_wait3A_2025 = tpu.memref_squeeze %dma_wait3A_2024 : memref<1x128xi32, #tpu.memory_space<vmem>> -> memref<128xi32, #tpu.memory_space<vmem>>
    %dma_wait3A_2026 = arith.constant 0 : i32
    %dma_wait3A_2027 = arith.constant 0 : i32
    %dma_wait3A_2028 = tpu.memref_slice %arg15[%dma_wait3A_2026, %dma_wait3A_2027] : memref<1024x32xf32, #tpu.memory_space<vmem_shared>> -> memref<1024x32xf32, #tpu.memory_space<vmem_shared>>
    tpu.wait_indirect_dma semaphore(%arg16 : memref<!tpu.dma_semaphore, #tpu.memory_space<semaphore_mem>>) src(%dma_wait3A_2028 : memref<1024x32xf32, #tpu.memory_space<vmem_shared>>) dst(%dma_wait3A_2022 : memref<128x32xf32, #tpu.memory_space<vmem>>)
    %add3A_2029 = arith.constant 1408 : i32
    %add3A_2030 = arith.addi %mul3A_32, %add3A_2029 : i32
    %dma_start3A_2031 = arith.constant 1408 : i32
    %dma_start3A_2032 = arith.constant 0 : i32
    %dma_start3A_2033 = tpu.memref_slice %arg10[%dma_start3A_2031, %dma_start3A_2032] : memref<2048x32xf32, #tpu.memory_space<vmem>> -> memref<128x32xf32, #tpu.memory_space<vmem>>
    %dma_start3A_2034 = arith.constant 0 : i32
    %dma_start3A_2035 = tpu.memref_slice %arg6[%select_n3A, %add3A_2030, %dma_start3A_2034] : memref<8x8192x32xf32, #tpu.memory_space<hbm>> -> memref<1x128x32xf32, #tpu.memory_space<hbm>>
    %dma_start3A_2036 = tpu.memref_squeeze %dma_start3A_2035 : memref<1x128x32xf32, #tpu.memory_space<hbm>> -> memref<128x32xf32, #tpu.memory_space<hbm>>
    %dma_start3A_2037 = arith.constant 0 : i32
    %dma_start3A_2038 = tpu.memref_slice %arg6[%select_n3A, %add3A_2030, %dma_start3A_2037] : memref<8x8192x32xf32, #tpu.memory_space<hbm>> -> memref<1x128x32xf32, #tpu.memory_space<hbm>>
    %dma_start3A_2039 = tpu.memref_squeeze %dma_start3A_2038 : memref<1x128x32xf32, #tpu.memory_space<hbm>> -> memref<128x32xf32, #tpu.memory_space<hbm>>
    %dma_start3A_2040 = arith.constant 1408 : i32
    %dma_start3A_2041 = arith.constant 0 : i32
    %dma_start3A_2042 = tpu.memref_slice %arg10[%dma_start3A_2040, %dma_start3A_2041] : memref<2048x32xf32, #tpu.memory_space<vmem>> -> memref<128x32xf32, #tpu.memory_space<vmem>>
    tpu.enqueue_dma source(%dma_start3A_2042 : memref<128x32xf32, #tpu.memory_space<vmem>>) target(%dma_start3A_2039 : memref<128x32xf32, #tpu.memory_space<hbm>>) target_semaphore(%arg17 : memref<!tpu.dma_semaphore, #tpu.memory_space<semaphore_mem>>)
    %add3A_2043 = arith.constant 1408 : i32
    %add3A_2044 = arith.addi %mul3A_32, %add3A_2043 : i32
    %dma_start3A_2045 = arith.constant 11 : i32
    %dma_start3A_2046 = arith.constant 0 : i32
    %dma_start3A_2047 = tpu.memref_slice %arg13[%dma_start3A_2045, %dma_start3A_2046] : memref<16x128xi32, #tpu.memory_space<vmem>> -> memref<1x128xi32, #tpu.memory_space<vmem>>
    %dma_start3A_2048 = tpu.memref_squeeze %dma_start3A_2047 : memref<1x128xi32, #tpu.memory_space<vmem>> -> memref<128xi32, #tpu.memory_space<vmem>>
    %dma_start3A_2049 = tpu.memref_slice %arg7[%select_n3A, %add3A_2044] : memref<8x8192xi32, #tpu.memory_space<hbm>> -> memref<1x128xi32, #tpu.memory_space<hbm>>
    %dma_start3A_2050 = tpu.memref_squeeze %dma_start3A_2049 : memref<1x128xi32, #tpu.memory_space<hbm>> -> memref<128xi32, #tpu.memory_space<hbm>>
    %dma_start3A_2051 = tpu.memref_slice %arg7[%select_n3A, %add3A_2044] : memref<8x8192xi32, #tpu.memory_space<hbm>> -> memref<1x128xi32, #tpu.memory_space<hbm>>
    %dma_start3A_2052 = tpu.memref_squeeze %dma_start3A_2051 : memref<1x128xi32, #tpu.memory_space<hbm>> -> memref<128xi32, #tpu.memory_space<hbm>>
    %dma_start3A_2053 = arith.constant 0 : i32
    %dma_start3A_2054 = tpu.memref_slice %arg13[%dma_start3A_2045, %dma_start3A_2053] : memref<16x128xi32, #tpu.memory_space<vmem>> -> memref<1x128xi32, #tpu.memory_space<vmem>>
    %dma_start3A_2055 = tpu.memref_squeeze %dma_start3A_2054 : memref<1x128xi32, #tpu.memory_space<vmem>> -> memref<128xi32, #tpu.memory_space<vmem>>
    tpu.enqueue_dma source(%dma_start3A_2055 : memref<128xi32, #tpu.memory_space<vmem>>) target(%dma_start3A_2052 : memref<128xi32, #tpu.memory_space<hbm>>) target_semaphore(%arg17 : memref<!tpu.dma_semaphore, #tpu.memory_space<semaphore_mem>>)
    %dma_wait3A_2056 = arith.constant 12 : i32
    %dma_wait3A_2057 = arith.constant 1536 : i32
    %dma_wait3A_2058 = arith.constant 0 : i32
    %dma_wait3A_2059 = tpu.memref_slice %arg10[%dma_wait3A_2057, %dma_wait3A_2058] : memref<2048x32xf32, #tpu.memory_space<vmem>> -> memref<128x32xf32, #tpu.memory_space<vmem>>
    %dma_wait3A_2060 = arith.constant 0 : i32
    %dma_wait3A_2061 = tpu.memref_slice %arg9[%dma_wait3A_2056, %dma_wait3A_2060] : memref<16x128xi32, #tpu.memory_space<vmem>> -> memref<1x128xi32, #tpu.memory_space<vmem>>
    %dma_wait3A_2062 = tpu.memref_squeeze %dma_wait3A_2061 : memref<1x128xi32, #tpu.memory_space<vmem>> -> memref<128xi32, #tpu.memory_space<vmem>>
    %dma_wait3A_2063 = arith.constant 0 : i32
    %dma_wait3A_2064 = arith.constant 0 : i32
    %dma_wait3A_2065 = tpu.memref_slice %arg15[%dma_wait3A_2063, %dma_wait3A_2064] : memref<1024x32xf32, #tpu.memory_space<vmem_shared>> -> memref<1024x32xf32, #tpu.memory_space<vmem_shared>>
    tpu.wait_indirect_dma semaphore(%arg16 : memref<!tpu.dma_semaphore, #tpu.memory_space<semaphore_mem>>) src(%dma_wait3A_2065 : memref<1024x32xf32, #tpu.memory_space<vmem_shared>>) dst(%dma_wait3A_2059 : memref<128x32xf32, #tpu.memory_space<vmem>>)
    %add3A_2066 = arith.constant 1536 : i32
    %add3A_2067 = arith.addi %mul3A_32, %add3A_2066 : i32
    %dma_start3A_2068 = arith.constant 1536 : i32
    %dma_start3A_2069 = arith.constant 0 : i32
    %dma_start3A_2070 = tpu.memref_slice %arg10[%dma_start3A_2068, %dma_start3A_2069] : memref<2048x32xf32, #tpu.memory_space<vmem>> -> memref<128x32xf32, #tpu.memory_space<vmem>>
    %dma_start3A_2071 = arith.constant 0 : i32
    %dma_start3A_2072 = tpu.memref_slice %arg6[%select_n3A, %add3A_2067, %dma_start3A_2071] : memref<8x8192x32xf32, #tpu.memory_space<hbm>> -> memref<1x128x32xf32, #tpu.memory_space<hbm>>
    %dma_start3A_2073 = tpu.memref_squeeze %dma_start3A_2072 : memref<1x128x32xf32, #tpu.memory_space<hbm>> -> memref<128x32xf32, #tpu.memory_space<hbm>>
    %dma_start3A_2074 = arith.constant 0 : i32
    %dma_start3A_2075 = tpu.memref_slice %arg6[%select_n3A, %add3A_2067, %dma_start3A_2074] : memref<8x8192x32xf32, #tpu.memory_space<hbm>> -> memref<1x128x32xf32, #tpu.memory_space<hbm>>
    %dma_start3A_2076 = tpu.memref_squeeze %dma_start3A_2075 : memref<1x128x32xf32, #tpu.memory_space<hbm>> -> memref<128x32xf32, #tpu.memory_space<hbm>>
    %dma_start3A_2077 = arith.constant 1536 : i32
    %dma_start3A_2078 = arith.constant 0 : i32
    %dma_start3A_2079 = tpu.memref_slice %arg10[%dma_start3A_2077, %dma_start3A_2078] : memref<2048x32xf32, #tpu.memory_space<vmem>> -> memref<128x32xf32, #tpu.memory_space<vmem>>
    tpu.enqueue_dma source(%dma_start3A_2079 : memref<128x32xf32, #tpu.memory_space<vmem>>) target(%dma_start3A_2076 : memref<128x32xf32, #tpu.memory_space<hbm>>) target_semaphore(%arg17 : memref<!tpu.dma_semaphore, #tpu.memory_space<semaphore_mem>>)
    %add3A_2080 = arith.constant 1536 : i32
    %add3A_2081 = arith.addi %mul3A_32, %add3A_2080 : i32
    %dma_start3A_2082 = arith.constant 12 : i32
    %dma_start3A_2083 = arith.constant 0 : i32
    %dma_start3A_2084 = tpu.memref_slice %arg13[%dma_start3A_2082, %dma_start3A_2083] : memref<16x128xi32, #tpu.memory_space<vmem>> -> memref<1x128xi32, #tpu.memory_space<vmem>>
    %dma_start3A_2085 = tpu.memref_squeeze %dma_start3A_2084 : memref<1x128xi32, #tpu.memory_space<vmem>> -> memref<128xi32, #tpu.memory_space<vmem>>
    %dma_start3A_2086 = tpu.memref_slice %arg7[%select_n3A, %add3A_2081] : memref<8x8192xi32, #tpu.memory_space<hbm>> -> memref<1x128xi32, #tpu.memory_space<hbm>>
    %dma_start3A_2087 = tpu.memref_squeeze %dma_start3A_2086 : memref<1x128xi32, #tpu.memory_space<hbm>> -> memref<128xi32, #tpu.memory_space<hbm>>
    %dma_start3A_2088 = tpu.memref_slice %arg7[%select_n3A, %add3A_2081] : memref<8x8192xi32, #tpu.memory_space<hbm>> -> memref<1x128xi32, #tpu.memory_space<hbm>>
    %dma_start3A_2089 = tpu.memref_squeeze %dma_start3A_2088 : memref<1x128xi32, #tpu.memory_space<hbm>> -> memref<128xi32, #tpu.memory_space<hbm>>
    %dma_start3A_2090 = arith.constant 0 : i32
    %dma_start3A_2091 = tpu.memref_slice %arg13[%dma_start3A_2082, %dma_start3A_2090] : memref<16x128xi32, #tpu.memory_space<vmem>> -> memref<1x128xi32, #tpu.memory_space<vmem>>
    %dma_start3A_2092 = tpu.memref_squeeze %dma_start3A_2091 : memref<1x128xi32, #tpu.memory_space<vmem>> -> memref<128xi32, #tpu.memory_space<vmem>>
    tpu.enqueue_dma source(%dma_start3A_2092 : memref<128xi32, #tpu.memory_space<vmem>>) target(%dma_start3A_2089 : memref<128xi32, #tpu.memory_space<hbm>>) target_semaphore(%arg17 : memref<!tpu.dma_semaphore, #tpu.memory_space<semaphore_mem>>)
    %dma_wait3A_2093 = arith.constant 13 : i32
    %dma_wait3A_2094 = arith.constant 1664 : i32
    %dma_wait3A_2095 = arith.constant 0 : i32
    %dma_wait3A_2096 = tpu.memref_slice %arg10[%dma_wait3A_2094, %dma_wait3A_2095] : memref<2048x32xf32, #tpu.memory_space<vmem>> -> memref<128x32xf32, #tpu.memory_space<vmem>>
    %dma_wait3A_2097 = arith.constant 0 : i32
    %dma_wait3A_2098 = tpu.memref_slice %arg9[%dma_wait3A_2093, %dma_wait3A_2097] : memref<16x128xi32, #tpu.memory_space<vmem>> -> memref<1x128xi32, #tpu.memory_space<vmem>>
    %dma_wait3A_2099 = tpu.memref_squeeze %dma_wait3A_2098 : memref<1x128xi32, #tpu.memory_space<vmem>> -> memref<128xi32, #tpu.memory_space<vmem>>
    %dma_wait3A_2100 = arith.constant 0 : i32
    %dma_wait3A_2101 = arith.constant 0 : i32
    %dma_wait3A_2102 = tpu.memref_slice %arg15[%dma_wait3A_2100, %dma_wait3A_2101] : memref<1024x32xf32, #tpu.memory_space<vmem_shared>> -> memref<1024x32xf32, #tpu.memory_space<vmem_shared>>
    tpu.wait_indirect_dma semaphore(%arg16 : memref<!tpu.dma_semaphore, #tpu.memory_space<semaphore_mem>>) src(%dma_wait3A_2102 : memref<1024x32xf32, #tpu.memory_space<vmem_shared>>) dst(%dma_wait3A_2096 : memref<128x32xf32, #tpu.memory_space<vmem>>)
    %add3A_2103 = arith.constant 1664 : i32
    %add3A_2104 = arith.addi %mul3A_32, %add3A_2103 : i32
    %dma_start3A_2105 = arith.constant 1664 : i32
    %dma_start3A_2106 = arith.constant 0 : i32
    %dma_start3A_2107 = tpu.memref_slice %arg10[%dma_start3A_2105, %dma_start3A_2106] : memref<2048x32xf32, #tpu.memory_space<vmem>> -> memref<128x32xf32, #tpu.memory_space<vmem>>
    %dma_start3A_2108 = arith.constant 0 : i32
    %dma_start3A_2109 = tpu.memref_slice %arg6[%select_n3A, %add3A_2104, %dma_start3A_2108] : memref<8x8192x32xf32, #tpu.memory_space<hbm>> -> memref<1x128x32xf32, #tpu.memory_space<hbm>>
    %dma_start3A_2110 = tpu.memref_squeeze %dma_start3A_2109 : memref<1x128x32xf32, #tpu.memory_space<hbm>> -> memref<128x32xf32, #tpu.memory_space<hbm>>
    %dma_start3A_2111 = arith.constant 0 : i32
    %dma_start3A_2112 = tpu.memref_slice %arg6[%select_n3A, %add3A_2104, %dma_start3A_2111] : memref<8x8192x32xf32, #tpu.memory_space<hbm>> -> memref<1x128x32xf32, #tpu.memory_space<hbm>>
    %dma_start3A_2113 = tpu.memref_squeeze %dma_start3A_2112 : memref<1x128x32xf32, #tpu.memory_space<hbm>> -> memref<128x32xf32, #tpu.memory_space<hbm>>
    %dma_start3A_2114 = arith.constant 1664 : i32
    %dma_start3A_2115 = arith.constant 0 : i32
    %dma_start3A_2116 = tpu.memref_slice %arg10[%dma_start3A_2114, %dma_start3A_2115] : memref<2048x32xf32, #tpu.memory_space<vmem>> -> memref<128x32xf32, #tpu.memory_space<vmem>>
    tpu.enqueue_dma source(%dma_start3A_2116 : memref<128x32xf32, #tpu.memory_space<vmem>>) target(%dma_start3A_2113 : memref<128x32xf32, #tpu.memory_space<hbm>>) target_semaphore(%arg17 : memref<!tpu.dma_semaphore, #tpu.memory_space<semaphore_mem>>)
    %add3A_2117 = arith.constant 1664 : i32
    %add3A_2118 = arith.addi %mul3A_32, %add3A_2117 : i32
    %dma_start3A_2119 = arith.constant 13 : i32
    %dma_start3A_2120 = arith.constant 0 : i32
    %dma_start3A_2121 = tpu.memref_slice %arg13[%dma_start3A_2119, %dma_start3A_2120] : memref<16x128xi32, #tpu.memory_space<vmem>> -> memref<1x128xi32, #tpu.memory_space<vmem>>
    %dma_start3A_2122 = tpu.memref_squeeze %dma_start3A_2121 : memref<1x128xi32, #tpu.memory_space<vmem>> -> memref<128xi32, #tpu.memory_space<vmem>>
    %dma_start3A_2123 = tpu.memref_slice %arg7[%select_n3A, %add3A_2118] : memref<8x8192xi32, #tpu.memory_space<hbm>> -> memref<1x128xi32, #tpu.memory_space<hbm>>
    %dma_start3A_2124 = tpu.memref_squeeze %dma_start3A_2123 : memref<1x128xi32, #tpu.memory_space<hbm>> -> memref<128xi32, #tpu.memory_space<hbm>>
    %dma_start3A_2125 = tpu.memref_slice %arg7[%select_n3A, %add3A_2118] : memref<8x8192xi32, #tpu.memory_space<hbm>> -> memref<1x128xi32, #tpu.memory_space<hbm>>
    %dma_start3A_2126 = tpu.memref_squeeze %dma_start3A_2125 : memref<1x128xi32, #tpu.memory_space<hbm>> -> memref<128xi32, #tpu.memory_space<hbm>>
    %dma_start3A_2127 = arith.constant 0 : i32
    %dma_start3A_2128 = tpu.memref_slice %arg13[%dma_start3A_2119, %dma_start3A_2127] : memref<16x128xi32, #tpu.memory_space<vmem>> -> memref<1x128xi32, #tpu.memory_space<vmem>>
    %dma_start3A_2129 = tpu.memref_squeeze %dma_start3A_2128 : memref<1x128xi32, #tpu.memory_space<vmem>> -> memref<128xi32, #tpu.memory_space<vmem>>
    tpu.enqueue_dma source(%dma_start3A_2129 : memref<128xi32, #tpu.memory_space<vmem>>) target(%dma_start3A_2126 : memref<128xi32, #tpu.memory_space<hbm>>) target_semaphore(%arg17 : memref<!tpu.dma_semaphore, #tpu.memory_space<semaphore_mem>>)
    %dma_wait3A_2130 = arith.constant 14 : i32
    %dma_wait3A_2131 = arith.constant 1792 : i32
    %dma_wait3A_2132 = arith.constant 0 : i32
    %dma_wait3A_2133 = tpu.memref_slice %arg10[%dma_wait3A_2131, %dma_wait3A_2132] : memref<2048x32xf32, #tpu.memory_space<vmem>> -> memref<128x32xf32, #tpu.memory_space<vmem>>
    %dma_wait3A_2134 = arith.constant 0 : i32
    %dma_wait3A_2135 = tpu.memref_slice %arg9[%dma_wait3A_2130, %dma_wait3A_2134] : memref<16x128xi32, #tpu.memory_space<vmem>> -> memref<1x128xi32, #tpu.memory_space<vmem>>
    %dma_wait3A_2136 = tpu.memref_squeeze %dma_wait3A_2135 : memref<1x128xi32, #tpu.memory_space<vmem>> -> memref<128xi32, #tpu.memory_space<vmem>>
    %dma_wait3A_2137 = arith.constant 0 : i32
    %dma_wait3A_2138 = arith.constant 0 : i32
    %dma_wait3A_2139 = tpu.memref_slice %arg15[%dma_wait3A_2137, %dma_wait3A_2138] : memref<1024x32xf32, #tpu.memory_space<vmem_shared>> -> memref<1024x32xf32, #tpu.memory_space<vmem_shared>>
    tpu.wait_indirect_dma semaphore(%arg16 : memref<!tpu.dma_semaphore, #tpu.memory_space<semaphore_mem>>) src(%dma_wait3A_2139 : memref<1024x32xf32, #tpu.memory_space<vmem_shared>>) dst(%dma_wait3A_2133 : memref<128x32xf32, #tpu.memory_space<vmem>>)
    %add3A_2140 = arith.constant 1792 : i32
    %add3A_2141 = arith.addi %mul3A_32, %add3A_2140 : i32
    %dma_start3A_2142 = arith.constant 1792 : i32
    %dma_start3A_2143 = arith.constant 0 : i32
    %dma_start3A_2144 = tpu.memref_slice %arg10[%dma_start3A_2142, %dma_start3A_2143] : memref<2048x32xf32, #tpu.memory_space<vmem>> -> memref<128x32xf32, #tpu.memory_space<vmem>>
    %dma_start3A_2145 = arith.constant 0 : i32
    %dma_start3A_2146 = tpu.memref_slice %arg6[%select_n3A, %add3A_2141, %dma_start3A_2145] : memref<8x8192x32xf32, #tpu.memory_space<hbm>> -> memref<1x128x32xf32, #tpu.memory_space<hbm>>
    %dma_start3A_2147 = tpu.memref_squeeze %dma_start3A_2146 : memref<1x128x32xf32, #tpu.memory_space<hbm>> -> memref<128x32xf32, #tpu.memory_space<hbm>>
    %dma_start3A_2148 = arith.constant 0 : i32
    %dma_start3A_2149 = tpu.memref_slice %arg6[%select_n3A, %add3A_2141, %dma_start3A_2148] : memref<8x8192x32xf32, #tpu.memory_space<hbm>> -> memref<1x128x32xf32, #tpu.memory_space<hbm>>
    %dma_start3A_2150 = tpu.memref_squeeze %dma_start3A_2149 : memref<1x128x32xf32, #tpu.memory_space<hbm>> -> memref<128x32xf32, #tpu.memory_space<hbm>>
    %dma_start3A_2151 = arith.constant 1792 : i32
    %dma_start3A_2152 = arith.constant 0 : i32
    %dma_start3A_2153 = tpu.memref_slice %arg10[%dma_start3A_2151, %dma_start3A_2152] : memref<2048x32xf32, #tpu.memory_space<vmem>> -> memref<128x32xf32, #tpu.memory_space<vmem>>
    tpu.enqueue_dma source(%dma_start3A_2153 : memref<128x32xf32, #tpu.memory_space<vmem>>) target(%dma_start3A_2150 : memref<128x32xf32, #tpu.memory_space<hbm>>) target_semaphore(%arg17 : memref<!tpu.dma_semaphore, #tpu.memory_space<semaphore_mem>>)
    %add3A_2154 = arith.constant 1792 : i32
    %add3A_2155 = arith.addi %mul3A_32, %add3A_2154 : i32
    %dma_start3A_2156 = arith.constant 14 : i32
    %dma_start3A_2157 = arith.constant 0 : i32
    %dma_start3A_2158 = tpu.memref_slice %arg13[%dma_start3A_2156, %dma_start3A_2157] : memref<16x128xi32, #tpu.memory_space<vmem>> -> memref<1x128xi32, #tpu.memory_space<vmem>>
    %dma_start3A_2159 = tpu.memref_squeeze %dma_start3A_2158 : memref<1x128xi32, #tpu.memory_space<vmem>> -> memref<128xi32, #tpu.memory_space<vmem>>
    %dma_start3A_2160 = tpu.memref_slice %arg7[%select_n3A, %add3A_2155] : memref<8x8192xi32, #tpu.memory_space<hbm>> -> memref<1x128xi32, #tpu.memory_space<hbm>>
    %dma_start3A_2161 = tpu.memref_squeeze %dma_start3A_2160 : memref<1x128xi32, #tpu.memory_space<hbm>> -> memref<128xi32, #tpu.memory_space<hbm>>
    %dma_start3A_2162 = tpu.memref_slice %arg7[%select_n3A, %add3A_2155] : memref<8x8192xi32, #tpu.memory_space<hbm>> -> memref<1x128xi32, #tpu.memory_space<hbm>>
    %dma_start3A_2163 = tpu.memref_squeeze %dma_start3A_2162 : memref<1x128xi32, #tpu.memory_space<hbm>> -> memref<128xi32, #tpu.memory_space<hbm>>
    %dma_start3A_2164 = arith.constant 0 : i32
    %dma_start3A_2165 = tpu.memref_slice %arg13[%dma_start3A_2156, %dma_start3A_2164] : memref<16x128xi32, #tpu.memory_space<vmem>> -> memref<1x128xi32, #tpu.memory_space<vmem>>
    %dma_start3A_2166 = tpu.memref_squeeze %dma_start3A_2165 : memref<1x128xi32, #tpu.memory_space<vmem>> -> memref<128xi32, #tpu.memory_space<vmem>>
    tpu.enqueue_dma source(%dma_start3A_2166 : memref<128xi32, #tpu.memory_space<vmem>>) target(%dma_start3A_2163 : memref<128xi32, #tpu.memory_space<hbm>>) target_semaphore(%arg17 : memref<!tpu.dma_semaphore, #tpu.memory_space<semaphore_mem>>)
    %dma_wait3A_2167 = arith.constant 15 : i32
    %dma_wait3A_2168 = arith.constant 1920 : i32
    %dma_wait3A_2169 = arith.constant 0 : i32
    %dma_wait3A_2170 = tpu.memref_slice %arg10[%dma_wait3A_2168, %dma_wait3A_2169] : memref<2048x32xf32, #tpu.memory_space<vmem>> -> memref<128x32xf32, #tpu.memory_space<vmem>>
    %dma_wait3A_2171 = arith.constant 0 : i32
    %dma_wait3A_2172 = tpu.memref_slice %arg9[%dma_wait3A_2167, %dma_wait3A_2171] : memref<16x128xi32, #tpu.memory_space<vmem>> -> memref<1x128xi32, #tpu.memory_space<vmem>>
    %dma_wait3A_2173 = tpu.memref_squeeze %dma_wait3A_2172 : memref<1x128xi32, #tpu.memory_space<vmem>> -> memref<128xi32, #tpu.memory_space<vmem>>
    %dma_wait3A_2174 = arith.constant 0 : i32
    %dma_wait3A_2175 = arith.constant 0 : i32
    %dma_wait3A_2176 = tpu.memref_slice %arg15[%dma_wait3A_2174, %dma_wait3A_2175] : memref<1024x32xf32, #tpu.memory_space<vmem_shared>> -> memref<1024x32xf32, #tpu.memory_space<vmem_shared>>
    tpu.wait_indirect_dma semaphore(%arg16 : memref<!tpu.dma_semaphore, #tpu.memory_space<semaphore_mem>>) src(%dma_wait3A_2176 : memref<1024x32xf32, #tpu.memory_space<vmem_shared>>) dst(%dma_wait3A_2170 : memref<128x32xf32, #tpu.memory_space<vmem>>)
    %add3A_2177 = arith.constant 1920 : i32
    %add3A_2178 = arith.addi %mul3A_32, %add3A_2177 : i32
    %dma_start3A_2179 = arith.constant 1920 : i32
    %dma_start3A_2180 = arith.constant 0 : i32
    %dma_start3A_2181 = tpu.memref_slice %arg10[%dma_start3A_2179, %dma_start3A_2180] : memref<2048x32xf32, #tpu.memory_space<vmem>> -> memref<128x32xf32, #tpu.memory_space<vmem>>
    %dma_start3A_2182 = arith.constant 0 : i32
    %dma_start3A_2183 = tpu.memref_slice %arg6[%select_n3A, %add3A_2178, %dma_start3A_2182] : memref<8x8192x32xf32, #tpu.memory_space<hbm>> -> memref<1x128x32xf32, #tpu.memory_space<hbm>>
    %dma_start3A_2184 = tpu.memref_squeeze %dma_start3A_2183 : memref<1x128x32xf32, #tpu.memory_space<hbm>> -> memref<128x32xf32, #tpu.memory_space<hbm>>
    %dma_start3A_2185 = arith.constant 0 : i32
    %dma_start3A_2186 = tpu.memref_slice %arg6[%select_n3A, %add3A_2178, %dma_start3A_2185] : memref<8x8192x32xf32, #tpu.memory_space<hbm>> -> memref<1x128x32xf32, #tpu.memory_space<hbm>>
    %dma_start3A_2187 = tpu.memref_squeeze %dma_start3A_2186 : memref<1x128x32xf32, #tpu.memory_space<hbm>> -> memref<128x32xf32, #tpu.memory_space<hbm>>
    %dma_start3A_2188 = arith.constant 1920 : i32
    %dma_start3A_2189 = arith.constant 0 : i32
    %dma_start3A_2190 = tpu.memref_slice %arg10[%dma_start3A_2188, %dma_start3A_2189] : memref<2048x32xf32, #tpu.memory_space<vmem>> -> memref<128x32xf32, #tpu.memory_space<vmem>>
    tpu.enqueue_dma source(%dma_start3A_2190 : memref<128x32xf32, #tpu.memory_space<vmem>>) target(%dma_start3A_2187 : memref<128x32xf32, #tpu.memory_space<hbm>>) target_semaphore(%arg17 : memref<!tpu.dma_semaphore, #tpu.memory_space<semaphore_mem>>)
    %add3A_2191 = arith.constant 1920 : i32
    %add3A_2192 = arith.addi %mul3A_32, %add3A_2191 : i32
    %dma_start3A_2193 = arith.constant 15 : i32
    %dma_start3A_2194 = arith.constant 0 : i32
    %dma_start3A_2195 = tpu.memref_slice %arg13[%dma_start3A_2193, %dma_start3A_2194] : memref<16x128xi32, #tpu.memory_space<vmem>> -> memref<1x128xi32, #tpu.memory_space<vmem>>
    %dma_start3A_2196 = tpu.memref_squeeze %dma_start3A_2195 : memref<1x128xi32, #tpu.memory_space<vmem>> -> memref<128xi32, #tpu.memory_space<vmem>>
    %dma_start3A_2197 = tpu.memref_slice %arg7[%select_n3A, %add3A_2192] : memref<8x8192xi32, #tpu.memory_space<hbm>> -> memref<1x128xi32, #tpu.memory_space<hbm>>
    %dma_start3A_2198 = tpu.memref_squeeze %dma_start3A_2197 : memref<1x128xi32, #tpu.memory_space<hbm>> -> memref<128xi32, #tpu.memory_space<hbm>>
    %dma_start3A_2199 = tpu.memref_slice %arg7[%select_n3A, %add3A_2192] : memref<8x8192xi32, #tpu.memory_space<hbm>> -> memref<1x128xi32, #tpu.memory_space<hbm>>
    %dma_start3A_2200 = tpu.memref_squeeze %dma_start3A_2199 : memref<1x128xi32, #tpu.memory_space<hbm>> -> memref<128xi32, #tpu.memory_space<hbm>>
    %dma_start3A_2201 = arith.constant 0 : i32
    %dma_start3A_2202 = tpu.memref_slice %arg13[%dma_start3A_2193, %dma_start3A_2201] : memref<16x128xi32, #tpu.memory_space<vmem>> -> memref<1x128xi32, #tpu.memory_space<vmem>>
    %dma_start3A_2203 = tpu.memref_squeeze %dma_start3A_2202 : memref<1x128xi32, #tpu.memory_space<vmem>> -> memref<128xi32, #tpu.memory_space<vmem>>
    tpu.enqueue_dma source(%dma_start3A_2203 : memref<128xi32, #tpu.memory_space<vmem>>) target(%dma_start3A_2200 : memref<128xi32, #tpu.memory_space<hbm>>) target_semaphore(%arg17 : memref<!tpu.dma_semaphore, #tpu.memory_space<semaphore_mem>>)
    "tpu.region"() ({
      %run_scoped3A = tpu.sem_alloc : memref<!tpu.dma_semaphore, #tpu.memory_space<semaphore_mem>>
      %dma_start3A_2572 = arith.constant 0 : i32
      %dma_start3A_2573 = tpu.memref_slice %arg8[%add3A, %dma_start3A_2572] : memref<32x16xf32, #tpu.memory_space<hbm>> -> memref<1x16xf32, #tpu.memory_space<hbm>>
      %dma_start3A_2574 = tpu.memref_squeeze %dma_start3A_2573 : memref<1x16xf32, #tpu.memory_space<hbm>> -> memref<16xf32, #tpu.memory_space<hbm>>
      %dma_start3A_2575 = arith.constant 0 : i32
      %dma_start3A_2576 = tpu.memref_slice %arg8[%add3A, %dma_start3A_2575] : memref<32x16xf32, #tpu.memory_space<hbm>> -> memref<1x16xf32, #tpu.memory_space<hbm>>
      %dma_start3A_2577 = tpu.memref_squeeze %dma_start3A_2576 : memref<1x16xf32, #tpu.memory_space<hbm>> -> memref<16xf32, #tpu.memory_space<hbm>>
      tpu.enqueue_dma source(%arg14 : memref<16xf32, #tpu.memory_space<vmem>>) target(%dma_start3A_2577 : memref<16xf32, #tpu.memory_space<hbm>>) target_semaphore(%run_scoped3A : memref<!tpu.dma_semaphore, #tpu.memory_space<semaphore_mem>>)
      %dma_wait3A_2578 = arith.constant 0 : i32
      %dma_wait3A_2579 = tpu.memref_slice %arg8[%add3A, %dma_wait3A_2578] : memref<32x16xf32, #tpu.memory_space<hbm>> -> memref<1x16xf32, #tpu.memory_space<hbm>>
      %dma_wait3A_2580 = tpu.memref_squeeze %dma_wait3A_2579 : memref<1x16xf32, #tpu.memory_space<hbm>> -> memref<16xf32, #tpu.memory_space<hbm>>
      %dma_wait3A_2581 = arith.constant 0 : i32
      %dma_wait3A_2582 = tpu.memref_slice %arg8[%add3A, %dma_wait3A_2581] : memref<32x16xf32, #tpu.memory_space<hbm>> -> memref<1x16xf32, #tpu.memory_space<hbm>>
      %dma_wait3A_2583 = tpu.memref_squeeze %dma_wait3A_2582 : memref<1x16xf32, #tpu.memory_space<hbm>> -> memref<16xf32, #tpu.memory_space<hbm>>
      tpu.wait_dma2 semaphore(%run_scoped3A : memref<!tpu.dma_semaphore, #tpu.memory_space<semaphore_mem>>) src(%arg14 : memref<16xf32, #tpu.memory_space<vmem>>) dst(%dma_wait3A_2583 : memref<16xf32, #tpu.memory_space<hbm>>)
      tpu.yield
    }) : () -> ()
    %dma_wait3A_2204 = arith.constant 0 : i32
    %dma_wait3A_2205 = arith.constant 0 : i32
    %dma_wait3A_2206 = tpu.memref_slice %arg10[%dma_wait3A_2204, %dma_wait3A_2205] : memref<2048x32xf32, #tpu.memory_space<vmem>> -> memref<128x32xf32, #tpu.memory_space<vmem>>
    %dma_wait3A_2207 = arith.constant 0 : i32
    %dma_wait3A_2208 = tpu.memref_slice %arg6[%select_n3A, %add3A_1623, %dma_wait3A_2207] : memref<8x8192x32xf32, #tpu.memory_space<hbm>> -> memref<1x128x32xf32, #tpu.memory_space<hbm>>
    %dma_wait3A_2209 = tpu.memref_squeeze %dma_wait3A_2208 : memref<1x128x32xf32, #tpu.memory_space<hbm>> -> memref<128x32xf32, #tpu.memory_space<hbm>>
    %dma_wait3A_2210 = arith.constant 0 : i32
    %dma_wait3A_2211 = tpu.memref_slice %arg6[%select_n3A, %add3A_1623, %dma_wait3A_2210] : memref<8x8192x32xf32, #tpu.memory_space<hbm>> -> memref<1x128x32xf32, #tpu.memory_space<hbm>>
    %dma_wait3A_2212 = tpu.memref_squeeze %dma_wait3A_2211 : memref<1x128x32xf32, #tpu.memory_space<hbm>> -> memref<128x32xf32, #tpu.memory_space<hbm>>
    %dma_wait3A_2213 = arith.constant 0 : i32
    %dma_wait3A_2214 = arith.constant 0 : i32
    %dma_wait3A_2215 = tpu.memref_slice %arg10[%dma_wait3A_2213, %dma_wait3A_2214] : memref<2048x32xf32, #tpu.memory_space<vmem>> -> memref<128x32xf32, #tpu.memory_space<vmem>>
    tpu.wait_dma2 semaphore(%arg17 : memref<!tpu.dma_semaphore, #tpu.memory_space<semaphore_mem>>) src(%dma_wait3A_2215 : memref<128x32xf32, #tpu.memory_space<vmem>>) dst(%dma_wait3A_2212 : memref<128x32xf32, #tpu.memory_space<hbm>>)
    %dma_wait3A_2216 = arith.constant 0 : i32
    %dma_wait3A_2217 = arith.constant 0 : i32
    %dma_wait3A_2218 = tpu.memref_slice %arg13[%dma_wait3A_2216, %dma_wait3A_2217] : memref<16x128xi32, #tpu.memory_space<vmem>> -> memref<1x128xi32, #tpu.memory_space<vmem>>
    %dma_wait3A_2219 = tpu.memref_squeeze %dma_wait3A_2218 : memref<1x128xi32, #tpu.memory_space<vmem>> -> memref<128xi32, #tpu.memory_space<vmem>>
    %dma_wait3A_2220 = tpu.memref_slice %arg7[%select_n3A, %add3A_1637] : memref<8x8192xi32, #tpu.memory_space<hbm>> -> memref<1x128xi32, #tpu.memory_space<hbm>>
    %dma_wait3A_2221 = tpu.memref_squeeze %dma_wait3A_2220 : memref<1x128xi32, #tpu.memory_space<hbm>> -> memref<128xi32, #tpu.memory_space<hbm>>
    %dma_wait3A_2222 = tpu.memref_slice %arg7[%select_n3A, %add3A_1637] : memref<8x8192xi32, #tpu.memory_space<hbm>> -> memref<1x128xi32, #tpu.memory_space<hbm>>
    %dma_wait3A_2223 = tpu.memref_squeeze %dma_wait3A_2222 : memref<1x128xi32, #tpu.memory_space<hbm>> -> memref<128xi32, #tpu.memory_space<hbm>>
    %dma_wait3A_2224 = arith.constant 0 : i32
    %dma_wait3A_2225 = tpu.memref_slice %arg13[%dma_wait3A_2216, %dma_wait3A_2224] : memref<16x128xi32, #tpu.memory_space<vmem>> -> memref<1x128xi32, #tpu.memory_space<vmem>>
    %dma_wait3A_2226 = tpu.memref_squeeze %dma_wait3A_2225 : memref<1x128xi32, #tpu.memory_space<vmem>> -> memref<128xi32, #tpu.memory_space<vmem>>
    tpu.wait_dma2 semaphore(%arg17 : memref<!tpu.dma_semaphore, #tpu.memory_space<semaphore_mem>>) src(%dma_wait3A_2226 : memref<128xi32, #tpu.memory_space<vmem>>) dst(%dma_wait3A_2223 : memref<128xi32, #tpu.memory_space<hbm>>)
    %dma_wait3A_2227 = arith.constant 128 : i32
    %dma_wait3A_2228 = arith.constant 0 : i32
    %dma_wait3A_2229 = tpu.memref_slice %arg10[%dma_wait3A_2227, %dma_wait3A_2228] : memref<2048x32xf32, #tpu.memory_space<vmem>> -> memref<128x32xf32, #tpu.memory_space<vmem>>
    %dma_wait3A_2230 = arith.constant 0 : i32
    %dma_wait3A_2231 = tpu.memref_slice %arg6[%select_n3A, %add3A_1660, %dma_wait3A_2230] : memref<8x8192x32xf32, #tpu.memory_space<hbm>> -> memref<1x128x32xf32, #tpu.memory_space<hbm>>
    %dma_wait3A_2232 = tpu.memref_squeeze %dma_wait3A_2231 : memref<1x128x32xf32, #tpu.memory_space<hbm>> -> memref<128x32xf32, #tpu.memory_space<hbm>>
    %dma_wait3A_2233 = arith.constant 0 : i32
    %dma_wait3A_2234 = tpu.memref_slice %arg6[%select_n3A, %add3A_1660, %dma_wait3A_2233] : memref<8x8192x32xf32, #tpu.memory_space<hbm>> -> memref<1x128x32xf32, #tpu.memory_space<hbm>>
    %dma_wait3A_2235 = tpu.memref_squeeze %dma_wait3A_2234 : memref<1x128x32xf32, #tpu.memory_space<hbm>> -> memref<128x32xf32, #tpu.memory_space<hbm>>
    %dma_wait3A_2236 = arith.constant 128 : i32
    %dma_wait3A_2237 = arith.constant 0 : i32
    %dma_wait3A_2238 = tpu.memref_slice %arg10[%dma_wait3A_2236, %dma_wait3A_2237] : memref<2048x32xf32, #tpu.memory_space<vmem>> -> memref<128x32xf32, #tpu.memory_space<vmem>>
    tpu.wait_dma2 semaphore(%arg17 : memref<!tpu.dma_semaphore, #tpu.memory_space<semaphore_mem>>) src(%dma_wait3A_2238 : memref<128x32xf32, #tpu.memory_space<vmem>>) dst(%dma_wait3A_2235 : memref<128x32xf32, #tpu.memory_space<hbm>>)
    %dma_wait3A_2239 = arith.constant 1 : i32
    %dma_wait3A_2240 = arith.constant 0 : i32
    %dma_wait3A_2241 = tpu.memref_slice %arg13[%dma_wait3A_2239, %dma_wait3A_2240] : memref<16x128xi32, #tpu.memory_space<vmem>> -> memref<1x128xi32, #tpu.memory_space<vmem>>
    %dma_wait3A_2242 = tpu.memref_squeeze %dma_wait3A_2241 : memref<1x128xi32, #tpu.memory_space<vmem>> -> memref<128xi32, #tpu.memory_space<vmem>>
    %dma_wait3A_2243 = tpu.memref_slice %arg7[%select_n3A, %add3A_1674] : memref<8x8192xi32, #tpu.memory_space<hbm>> -> memref<1x128xi32, #tpu.memory_space<hbm>>
    %dma_wait3A_2244 = tpu.memref_squeeze %dma_wait3A_2243 : memref<1x128xi32, #tpu.memory_space<hbm>> -> memref<128xi32, #tpu.memory_space<hbm>>
    %dma_wait3A_2245 = tpu.memref_slice %arg7[%select_n3A, %add3A_1674] : memref<8x8192xi32, #tpu.memory_space<hbm>> -> memref<1x128xi32, #tpu.memory_space<hbm>>
    %dma_wait3A_2246 = tpu.memref_squeeze %dma_wait3A_2245 : memref<1x128xi32, #tpu.memory_space<hbm>> -> memref<128xi32, #tpu.memory_space<hbm>>
    %dma_wait3A_2247 = arith.constant 0 : i32
    %dma_wait3A_2248 = tpu.memref_slice %arg13[%dma_wait3A_2239, %dma_wait3A_2247] : memref<16x128xi32, #tpu.memory_space<vmem>> -> memref<1x128xi32, #tpu.memory_space<vmem>>
    %dma_wait3A_2249 = tpu.memref_squeeze %dma_wait3A_2248 : memref<1x128xi32, #tpu.memory_space<vmem>> -> memref<128xi32, #tpu.memory_space<vmem>>
    tpu.wait_dma2 semaphore(%arg17 : memref<!tpu.dma_semaphore, #tpu.memory_space<semaphore_mem>>) src(%dma_wait3A_2249 : memref<128xi32, #tpu.memory_space<vmem>>) dst(%dma_wait3A_2246 : memref<128xi32, #tpu.memory_space<hbm>>)
    %dma_wait3A_2250 = arith.constant 256 : i32
    %dma_wait3A_2251 = arith.constant 0 : i32
    %dma_wait3A_2252 = tpu.memref_slice %arg10[%dma_wait3A_2250, %dma_wait3A_2251] : memref<2048x32xf32, #tpu.memory_space<vmem>> -> memref<128x32xf32, #tpu.memory_space<vmem>>
    %dma_wait3A_2253 = arith.constant 0 : i32
    %dma_wait3A_2254 = tpu.memref_slice %arg6[%select_n3A, %add3A_1697, %dma_wait3A_2253] : memref<8x8192x32xf32, #tpu.memory_space<hbm>> -> memref<1x128x32xf32, #tpu.memory_space<hbm>>
    %dma_wait3A_2255 = tpu.memref_squeeze %dma_wait3A_2254 : memref<1x128x32xf32, #tpu.memory_space<hbm>> -> memref<128x32xf32, #tpu.memory_space<hbm>>
    %dma_wait3A_2256 = arith.constant 0 : i32
    %dma_wait3A_2257 = tpu.memref_slice %arg6[%select_n3A, %add3A_1697, %dma_wait3A_2256] : memref<8x8192x32xf32, #tpu.memory_space<hbm>> -> memref<1x128x32xf32, #tpu.memory_space<hbm>>
    %dma_wait3A_2258 = tpu.memref_squeeze %dma_wait3A_2257 : memref<1x128x32xf32, #tpu.memory_space<hbm>> -> memref<128x32xf32, #tpu.memory_space<hbm>>
    %dma_wait3A_2259 = arith.constant 256 : i32
    %dma_wait3A_2260 = arith.constant 0 : i32
    %dma_wait3A_2261 = tpu.memref_slice %arg10[%dma_wait3A_2259, %dma_wait3A_2260] : memref<2048x32xf32, #tpu.memory_space<vmem>> -> memref<128x32xf32, #tpu.memory_space<vmem>>
    tpu.wait_dma2 semaphore(%arg17 : memref<!tpu.dma_semaphore, #tpu.memory_space<semaphore_mem>>) src(%dma_wait3A_2261 : memref<128x32xf32, #tpu.memory_space<vmem>>) dst(%dma_wait3A_2258 : memref<128x32xf32, #tpu.memory_space<hbm>>)
    %dma_wait3A_2262 = arith.constant 2 : i32
    %dma_wait3A_2263 = arith.constant 0 : i32
    %dma_wait3A_2264 = tpu.memref_slice %arg13[%dma_wait3A_2262, %dma_wait3A_2263] : memref<16x128xi32, #tpu.memory_space<vmem>> -> memref<1x128xi32, #tpu.memory_space<vmem>>
    %dma_wait3A_2265 = tpu.memref_squeeze %dma_wait3A_2264 : memref<1x128xi32, #tpu.memory_space<vmem>> -> memref<128xi32, #tpu.memory_space<vmem>>
    %dma_wait3A_2266 = tpu.memref_slice %arg7[%select_n3A, %add3A_1711] : memref<8x8192xi32, #tpu.memory_space<hbm>> -> memref<1x128xi32, #tpu.memory_space<hbm>>
    %dma_wait3A_2267 = tpu.memref_squeeze %dma_wait3A_2266 : memref<1x128xi32, #tpu.memory_space<hbm>> -> memref<128xi32, #tpu.memory_space<hbm>>
    %dma_wait3A_2268 = tpu.memref_slice %arg7[%select_n3A, %add3A_1711] : memref<8x8192xi32, #tpu.memory_space<hbm>> -> memref<1x128xi32, #tpu.memory_space<hbm>>
    %dma_wait3A_2269 = tpu.memref_squeeze %dma_wait3A_2268 : memref<1x128xi32, #tpu.memory_space<hbm>> -> memref<128xi32, #tpu.memory_space<hbm>>
    %dma_wait3A_2270 = arith.constant 0 : i32
    %dma_wait3A_2271 = tpu.memref_slice %arg13[%dma_wait3A_2262, %dma_wait3A_2270] : memref<16x128xi32, #tpu.memory_space<vmem>> -> memref<1x128xi32, #tpu.memory_space<vmem>>
    %dma_wait3A_2272 = tpu.memref_squeeze %dma_wait3A_2271 : memref<1x128xi32, #tpu.memory_space<vmem>> -> memref<128xi32, #tpu.memory_space<vmem>>
    tpu.wait_dma2 semaphore(%arg17 : memref<!tpu.dma_semaphore, #tpu.memory_space<semaphore_mem>>) src(%dma_wait3A_2272 : memref<128xi32, #tpu.memory_space<vmem>>) dst(%dma_wait3A_2269 : memref<128xi32, #tpu.memory_space<hbm>>)
    %dma_wait3A_2273 = arith.constant 384 : i32
    %dma_wait3A_2274 = arith.constant 0 : i32
    %dma_wait3A_2275 = tpu.memref_slice %arg10[%dma_wait3A_2273, %dma_wait3A_2274] : memref<2048x32xf32, #tpu.memory_space<vmem>> -> memref<128x32xf32, #tpu.memory_space<vmem>>
    %dma_wait3A_2276 = arith.constant 0 : i32
    %dma_wait3A_2277 = tpu.memref_slice %arg6[%select_n3A, %add3A_1734, %dma_wait3A_2276] : memref<8x8192x32xf32, #tpu.memory_space<hbm>> -> memref<1x128x32xf32, #tpu.memory_space<hbm>>
    %dma_wait3A_2278 = tpu.memref_squeeze %dma_wait3A_2277 : memref<1x128x32xf32, #tpu.memory_space<hbm>> -> memref<128x32xf32, #tpu.memory_space<hbm>>
    %dma_wait3A_2279 = arith.constant 0 : i32
    %dma_wait3A_2280 = tpu.memref_slice %arg6[%select_n3A, %add3A_1734, %dma_wait3A_2279] : memref<8x8192x32xf32, #tpu.memory_space<hbm>> -> memref<1x128x32xf32, #tpu.memory_space<hbm>>
    %dma_wait3A_2281 = tpu.memref_squeeze %dma_wait3A_2280 : memref<1x128x32xf32, #tpu.memory_space<hbm>> -> memref<128x32xf32, #tpu.memory_space<hbm>>
    %dma_wait3A_2282 = arith.constant 384 : i32
    %dma_wait3A_2283 = arith.constant 0 : i32
    %dma_wait3A_2284 = tpu.memref_slice %arg10[%dma_wait3A_2282, %dma_wait3A_2283] : memref<2048x32xf32, #tpu.memory_space<vmem>> -> memref<128x32xf32, #tpu.memory_space<vmem>>
    tpu.wait_dma2 semaphore(%arg17 : memref<!tpu.dma_semaphore, #tpu.memory_space<semaphore_mem>>) src(%dma_wait3A_2284 : memref<128x32xf32, #tpu.memory_space<vmem>>) dst(%dma_wait3A_2281 : memref<128x32xf32, #tpu.memory_space<hbm>>)
    %dma_wait3A_2285 = arith.constant 3 : i32
    %dma_wait3A_2286 = arith.constant 0 : i32
    %dma_wait3A_2287 = tpu.memref_slice %arg13[%dma_wait3A_2285, %dma_wait3A_2286] : memref<16x128xi32, #tpu.memory_space<vmem>> -> memref<1x128xi32, #tpu.memory_space<vmem>>
    %dma_wait3A_2288 = tpu.memref_squeeze %dma_wait3A_2287 : memref<1x128xi32, #tpu.memory_space<vmem>> -> memref<128xi32, #tpu.memory_space<vmem>>
    %dma_wait3A_2289 = tpu.memref_slice %arg7[%select_n3A, %add3A_1748] : memref<8x8192xi32, #tpu.memory_space<hbm>> -> memref<1x128xi32, #tpu.memory_space<hbm>>
    %dma_wait3A_2290 = tpu.memref_squeeze %dma_wait3A_2289 : memref<1x128xi32, #tpu.memory_space<hbm>> -> memref<128xi32, #tpu.memory_space<hbm>>
    %dma_wait3A_2291 = tpu.memref_slice %arg7[%select_n3A, %add3A_1748] : memref<8x8192xi32, #tpu.memory_space<hbm>> -> memref<1x128xi32, #tpu.memory_space<hbm>>
    %dma_wait3A_2292 = tpu.memref_squeeze %dma_wait3A_2291 : memref<1x128xi32, #tpu.memory_space<hbm>> -> memref<128xi32, #tpu.memory_space<hbm>>
    %dma_wait3A_2293 = arith.constant 0 : i32
    %dma_wait3A_2294 = tpu.memref_slice %arg13[%dma_wait3A_2285, %dma_wait3A_2293] : memref<16x128xi32, #tpu.memory_space<vmem>> -> memref<1x128xi32, #tpu.memory_space<vmem>>
    %dma_wait3A_2295 = tpu.memref_squeeze %dma_wait3A_2294 : memref<1x128xi32, #tpu.memory_space<vmem>> -> memref<128xi32, #tpu.memory_space<vmem>>
    tpu.wait_dma2 semaphore(%arg17 : memref<!tpu.dma_semaphore, #tpu.memory_space<semaphore_mem>>) src(%dma_wait3A_2295 : memref<128xi32, #tpu.memory_space<vmem>>) dst(%dma_wait3A_2292 : memref<128xi32, #tpu.memory_space<hbm>>)
    %dma_wait3A_2296 = arith.constant 512 : i32
    %dma_wait3A_2297 = arith.constant 0 : i32
    %dma_wait3A_2298 = tpu.memref_slice %arg10[%dma_wait3A_2296, %dma_wait3A_2297] : memref<2048x32xf32, #tpu.memory_space<vmem>> -> memref<128x32xf32, #tpu.memory_space<vmem>>
    %dma_wait3A_2299 = arith.constant 0 : i32
    %dma_wait3A_2300 = tpu.memref_slice %arg6[%select_n3A, %add3A_1771, %dma_wait3A_2299] : memref<8x8192x32xf32, #tpu.memory_space<hbm>> -> memref<1x128x32xf32, #tpu.memory_space<hbm>>
    %dma_wait3A_2301 = tpu.memref_squeeze %dma_wait3A_2300 : memref<1x128x32xf32, #tpu.memory_space<hbm>> -> memref<128x32xf32, #tpu.memory_space<hbm>>
    %dma_wait3A_2302 = arith.constant 0 : i32
    %dma_wait3A_2303 = tpu.memref_slice %arg6[%select_n3A, %add3A_1771, %dma_wait3A_2302] : memref<8x8192x32xf32, #tpu.memory_space<hbm>> -> memref<1x128x32xf32, #tpu.memory_space<hbm>>
    %dma_wait3A_2304 = tpu.memref_squeeze %dma_wait3A_2303 : memref<1x128x32xf32, #tpu.memory_space<hbm>> -> memref<128x32xf32, #tpu.memory_space<hbm>>
    %dma_wait3A_2305 = arith.constant 512 : i32
    %dma_wait3A_2306 = arith.constant 0 : i32
    %dma_wait3A_2307 = tpu.memref_slice %arg10[%dma_wait3A_2305, %dma_wait3A_2306] : memref<2048x32xf32, #tpu.memory_space<vmem>> -> memref<128x32xf32, #tpu.memory_space<vmem>>
    tpu.wait_dma2 semaphore(%arg17 : memref<!tpu.dma_semaphore, #tpu.memory_space<semaphore_mem>>) src(%dma_wait3A_2307 : memref<128x32xf32, #tpu.memory_space<vmem>>) dst(%dma_wait3A_2304 : memref<128x32xf32, #tpu.memory_space<hbm>>)
    %dma_wait3A_2308 = arith.constant 4 : i32
    %dma_wait3A_2309 = arith.constant 0 : i32
    %dma_wait3A_2310 = tpu.memref_slice %arg13[%dma_wait3A_2308, %dma_wait3A_2309] : memref<16x128xi32, #tpu.memory_space<vmem>> -> memref<1x128xi32, #tpu.memory_space<vmem>>
    %dma_wait3A_2311 = tpu.memref_squeeze %dma_wait3A_2310 : memref<1x128xi32, #tpu.memory_space<vmem>> -> memref<128xi32, #tpu.memory_space<vmem>>
    %dma_wait3A_2312 = tpu.memref_slice %arg7[%select_n3A, %add3A_1785] : memref<8x8192xi32, #tpu.memory_space<hbm>> -> memref<1x128xi32, #tpu.memory_space<hbm>>
    %dma_wait3A_2313 = tpu.memref_squeeze %dma_wait3A_2312 : memref<1x128xi32, #tpu.memory_space<hbm>> -> memref<128xi32, #tpu.memory_space<hbm>>
    %dma_wait3A_2314 = tpu.memref_slice %arg7[%select_n3A, %add3A_1785] : memref<8x8192xi32, #tpu.memory_space<hbm>> -> memref<1x128xi32, #tpu.memory_space<hbm>>
    %dma_wait3A_2315 = tpu.memref_squeeze %dma_wait3A_2314 : memref<1x128xi32, #tpu.memory_space<hbm>> -> memref<128xi32, #tpu.memory_space<hbm>>
    %dma_wait3A_2316 = arith.constant 0 : i32
    %dma_wait3A_2317 = tpu.memref_slice %arg13[%dma_wait3A_2308, %dma_wait3A_2316] : memref<16x128xi32, #tpu.memory_space<vmem>> -> memref<1x128xi32, #tpu.memory_space<vmem>>
    %dma_wait3A_2318 = tpu.memref_squeeze %dma_wait3A_2317 : memref<1x128xi32, #tpu.memory_space<vmem>> -> memref<128xi32, #tpu.memory_space<vmem>>
    tpu.wait_dma2 semaphore(%arg17 : memref<!tpu.dma_semaphore, #tpu.memory_space<semaphore_mem>>) src(%dma_wait3A_2318 : memref<128xi32, #tpu.memory_space<vmem>>) dst(%dma_wait3A_2315 : memref<128xi32, #tpu.memory_space<hbm>>)
    %dma_wait3A_2319 = arith.constant 640 : i32
    %dma_wait3A_2320 = arith.constant 0 : i32
    %dma_wait3A_2321 = tpu.memref_slice %arg10[%dma_wait3A_2319, %dma_wait3A_2320] : memref<2048x32xf32, #tpu.memory_space<vmem>> -> memref<128x32xf32, #tpu.memory_space<vmem>>
    %dma_wait3A_2322 = arith.constant 0 : i32
    %dma_wait3A_2323 = tpu.memref_slice %arg6[%select_n3A, %add3A_1808, %dma_wait3A_2322] : memref<8x8192x32xf32, #tpu.memory_space<hbm>> -> memref<1x128x32xf32, #tpu.memory_space<hbm>>
    %dma_wait3A_2324 = tpu.memref_squeeze %dma_wait3A_2323 : memref<1x128x32xf32, #tpu.memory_space<hbm>> -> memref<128x32xf32, #tpu.memory_space<hbm>>
    %dma_wait3A_2325 = arith.constant 0 : i32
    %dma_wait3A_2326 = tpu.memref_slice %arg6[%select_n3A, %add3A_1808, %dma_wait3A_2325] : memref<8x8192x32xf32, #tpu.memory_space<hbm>> -> memref<1x128x32xf32, #tpu.memory_space<hbm>>
    %dma_wait3A_2327 = tpu.memref_squeeze %dma_wait3A_2326 : memref<1x128x32xf32, #tpu.memory_space<hbm>> -> memref<128x32xf32, #tpu.memory_space<hbm>>
    %dma_wait3A_2328 = arith.constant 640 : i32
    %dma_wait3A_2329 = arith.constant 0 : i32
    %dma_wait3A_2330 = tpu.memref_slice %arg10[%dma_wait3A_2328, %dma_wait3A_2329] : memref<2048x32xf32, #tpu.memory_space<vmem>> -> memref<128x32xf32, #tpu.memory_space<vmem>>
    tpu.wait_dma2 semaphore(%arg17 : memref<!tpu.dma_semaphore, #tpu.memory_space<semaphore_mem>>) src(%dma_wait3A_2330 : memref<128x32xf32, #tpu.memory_space<vmem>>) dst(%dma_wait3A_2327 : memref<128x32xf32, #tpu.memory_space<hbm>>)
    %dma_wait3A_2331 = arith.constant 5 : i32
    %dma_wait3A_2332 = arith.constant 0 : i32
    %dma_wait3A_2333 = tpu.memref_slice %arg13[%dma_wait3A_2331, %dma_wait3A_2332] : memref<16x128xi32, #tpu.memory_space<vmem>> -> memref<1x128xi32, #tpu.memory_space<vmem>>
    %dma_wait3A_2334 = tpu.memref_squeeze %dma_wait3A_2333 : memref<1x128xi32, #tpu.memory_space<vmem>> -> memref<128xi32, #tpu.memory_space<vmem>>
    %dma_wait3A_2335 = tpu.memref_slice %arg7[%select_n3A, %add3A_1822] : memref<8x8192xi32, #tpu.memory_space<hbm>> -> memref<1x128xi32, #tpu.memory_space<hbm>>
    %dma_wait3A_2336 = tpu.memref_squeeze %dma_wait3A_2335 : memref<1x128xi32, #tpu.memory_space<hbm>> -> memref<128xi32, #tpu.memory_space<hbm>>
    %dma_wait3A_2337 = tpu.memref_slice %arg7[%select_n3A, %add3A_1822] : memref<8x8192xi32, #tpu.memory_space<hbm>> -> memref<1x128xi32, #tpu.memory_space<hbm>>
    %dma_wait3A_2338 = tpu.memref_squeeze %dma_wait3A_2337 : memref<1x128xi32, #tpu.memory_space<hbm>> -> memref<128xi32, #tpu.memory_space<hbm>>
    %dma_wait3A_2339 = arith.constant 0 : i32
    %dma_wait3A_2340 = tpu.memref_slice %arg13[%dma_wait3A_2331, %dma_wait3A_2339] : memref<16x128xi32, #tpu.memory_space<vmem>> -> memref<1x128xi32, #tpu.memory_space<vmem>>
    %dma_wait3A_2341 = tpu.memref_squeeze %dma_wait3A_2340 : memref<1x128xi32, #tpu.memory_space<vmem>> -> memref<128xi32, #tpu.memory_space<vmem>>
    tpu.wait_dma2 semaphore(%arg17 : memref<!tpu.dma_semaphore, #tpu.memory_space<semaphore_mem>>) src(%dma_wait3A_2341 : memref<128xi32, #tpu.memory_space<vmem>>) dst(%dma_wait3A_2338 : memref<128xi32, #tpu.memory_space<hbm>>)
    %dma_wait3A_2342 = arith.constant 768 : i32
    %dma_wait3A_2343 = arith.constant 0 : i32
    %dma_wait3A_2344 = tpu.memref_slice %arg10[%dma_wait3A_2342, %dma_wait3A_2343] : memref<2048x32xf32, #tpu.memory_space<vmem>> -> memref<128x32xf32, #tpu.memory_space<vmem>>
    %dma_wait3A_2345 = arith.constant 0 : i32
    %dma_wait3A_2346 = tpu.memref_slice %arg6[%select_n3A, %add3A_1845, %dma_wait3A_2345] : memref<8x8192x32xf32, #tpu.memory_space<hbm>> -> memref<1x128x32xf32, #tpu.memory_space<hbm>>
    %dma_wait3A_2347 = tpu.memref_squeeze %dma_wait3A_2346 : memref<1x128x32xf32, #tpu.memory_space<hbm>> -> memref<128x32xf32, #tpu.memory_space<hbm>>
    %dma_wait3A_2348 = arith.constant 0 : i32
    %dma_wait3A_2349 = tpu.memref_slice %arg6[%select_n3A, %add3A_1845, %dma_wait3A_2348] : memref<8x8192x32xf32, #tpu.memory_space<hbm>> -> memref<1x128x32xf32, #tpu.memory_space<hbm>>
    %dma_wait3A_2350 = tpu.memref_squeeze %dma_wait3A_2349 : memref<1x128x32xf32, #tpu.memory_space<hbm>> -> memref<128x32xf32, #tpu.memory_space<hbm>>
    %dma_wait3A_2351 = arith.constant 768 : i32
    %dma_wait3A_2352 = arith.constant 0 : i32
    %dma_wait3A_2353 = tpu.memref_slice %arg10[%dma_wait3A_2351, %dma_wait3A_2352] : memref<2048x32xf32, #tpu.memory_space<vmem>> -> memref<128x32xf32, #tpu.memory_space<vmem>>
    tpu.wait_dma2 semaphore(%arg17 : memref<!tpu.dma_semaphore, #tpu.memory_space<semaphore_mem>>) src(%dma_wait3A_2353 : memref<128x32xf32, #tpu.memory_space<vmem>>) dst(%dma_wait3A_2350 : memref<128x32xf32, #tpu.memory_space<hbm>>)
    %dma_wait3A_2354 = arith.constant 6 : i32
    %dma_wait3A_2355 = arith.constant 0 : i32
    %dma_wait3A_2356 = tpu.memref_slice %arg13[%dma_wait3A_2354, %dma_wait3A_2355] : memref<16x128xi32, #tpu.memory_space<vmem>> -> memref<1x128xi32, #tpu.memory_space<vmem>>
    %dma_wait3A_2357 = tpu.memref_squeeze %dma_wait3A_2356 : memref<1x128xi32, #tpu.memory_space<vmem>> -> memref<128xi32, #tpu.memory_space<vmem>>
    %dma_wait3A_2358 = tpu.memref_slice %arg7[%select_n3A, %add3A_1859] : memref<8x8192xi32, #tpu.memory_space<hbm>> -> memref<1x128xi32, #tpu.memory_space<hbm>>
    %dma_wait3A_2359 = tpu.memref_squeeze %dma_wait3A_2358 : memref<1x128xi32, #tpu.memory_space<hbm>> -> memref<128xi32, #tpu.memory_space<hbm>>
    %dma_wait3A_2360 = tpu.memref_slice %arg7[%select_n3A, %add3A_1859] : memref<8x8192xi32, #tpu.memory_space<hbm>> -> memref<1x128xi32, #tpu.memory_space<hbm>>
    %dma_wait3A_2361 = tpu.memref_squeeze %dma_wait3A_2360 : memref<1x128xi32, #tpu.memory_space<hbm>> -> memref<128xi32, #tpu.memory_space<hbm>>
    %dma_wait3A_2362 = arith.constant 0 : i32
    %dma_wait3A_2363 = tpu.memref_slice %arg13[%dma_wait3A_2354, %dma_wait3A_2362] : memref<16x128xi32, #tpu.memory_space<vmem>> -> memref<1x128xi32, #tpu.memory_space<vmem>>
    %dma_wait3A_2364 = tpu.memref_squeeze %dma_wait3A_2363 : memref<1x128xi32, #tpu.memory_space<vmem>> -> memref<128xi32, #tpu.memory_space<vmem>>
    tpu.wait_dma2 semaphore(%arg17 : memref<!tpu.dma_semaphore, #tpu.memory_space<semaphore_mem>>) src(%dma_wait3A_2364 : memref<128xi32, #tpu.memory_space<vmem>>) dst(%dma_wait3A_2361 : memref<128xi32, #tpu.memory_space<hbm>>)
    %dma_wait3A_2365 = arith.constant 896 : i32
    %dma_wait3A_2366 = arith.constant 0 : i32
    %dma_wait3A_2367 = tpu.memref_slice %arg10[%dma_wait3A_2365, %dma_wait3A_2366] : memref<2048x32xf32, #tpu.memory_space<vmem>> -> memref<128x32xf32, #tpu.memory_space<vmem>>
    %dma_wait3A_2368 = arith.constant 0 : i32
    %dma_wait3A_2369 = tpu.memref_slice %arg6[%select_n3A, %add3A_1882, %dma_wait3A_2368] : memref<8x8192x32xf32, #tpu.memory_space<hbm>> -> memref<1x128x32xf32, #tpu.memory_space<hbm>>
    %dma_wait3A_2370 = tpu.memref_squeeze %dma_wait3A_2369 : memref<1x128x32xf32, #tpu.memory_space<hbm>> -> memref<128x32xf32, #tpu.memory_space<hbm>>
    %dma_wait3A_2371 = arith.constant 0 : i32
    %dma_wait3A_2372 = tpu.memref_slice %arg6[%select_n3A, %add3A_1882, %dma_wait3A_2371] : memref<8x8192x32xf32, #tpu.memory_space<hbm>> -> memref<1x128x32xf32, #tpu.memory_space<hbm>>
    %dma_wait3A_2373 = tpu.memref_squeeze %dma_wait3A_2372 : memref<1x128x32xf32, #tpu.memory_space<hbm>> -> memref<128x32xf32, #tpu.memory_space<hbm>>
    %dma_wait3A_2374 = arith.constant 896 : i32
    %dma_wait3A_2375 = arith.constant 0 : i32
    %dma_wait3A_2376 = tpu.memref_slice %arg10[%dma_wait3A_2374, %dma_wait3A_2375] : memref<2048x32xf32, #tpu.memory_space<vmem>> -> memref<128x32xf32, #tpu.memory_space<vmem>>
    tpu.wait_dma2 semaphore(%arg17 : memref<!tpu.dma_semaphore, #tpu.memory_space<semaphore_mem>>) src(%dma_wait3A_2376 : memref<128x32xf32, #tpu.memory_space<vmem>>) dst(%dma_wait3A_2373 : memref<128x32xf32, #tpu.memory_space<hbm>>)
    %dma_wait3A_2377 = arith.constant 7 : i32
    %dma_wait3A_2378 = arith.constant 0 : i32
    %dma_wait3A_2379 = tpu.memref_slice %arg13[%dma_wait3A_2377, %dma_wait3A_2378] : memref<16x128xi32, #tpu.memory_space<vmem>> -> memref<1x128xi32, #tpu.memory_space<vmem>>
    %dma_wait3A_2380 = tpu.memref_squeeze %dma_wait3A_2379 : memref<1x128xi32, #tpu.memory_space<vmem>> -> memref<128xi32, #tpu.memory_space<vmem>>
    %dma_wait3A_2381 = tpu.memref_slice %arg7[%select_n3A, %add3A_1896] : memref<8x8192xi32, #tpu.memory_space<hbm>> -> memref<1x128xi32, #tpu.memory_space<hbm>>
    %dma_wait3A_2382 = tpu.memref_squeeze %dma_wait3A_2381 : memref<1x128xi32, #tpu.memory_space<hbm>> -> memref<128xi32, #tpu.memory_space<hbm>>
    %dma_wait3A_2383 = tpu.memref_slice %arg7[%select_n3A, %add3A_1896] : memref<8x8192xi32, #tpu.memory_space<hbm>> -> memref<1x128xi32, #tpu.memory_space<hbm>>
    %dma_wait3A_2384 = tpu.memref_squeeze %dma_wait3A_2383 : memref<1x128xi32, #tpu.memory_space<hbm>> -> memref<128xi32, #tpu.memory_space<hbm>>
    %dma_wait3A_2385 = arith.constant 0 : i32
    %dma_wait3A_2386 = tpu.memref_slice %arg13[%dma_wait3A_2377, %dma_wait3A_2385] : memref<16x128xi32, #tpu.memory_space<vmem>> -> memref<1x128xi32, #tpu.memory_space<vmem>>
    %dma_wait3A_2387 = tpu.memref_squeeze %dma_wait3A_2386 : memref<1x128xi32, #tpu.memory_space<vmem>> -> memref<128xi32, #tpu.memory_space<vmem>>
    tpu.wait_dma2 semaphore(%arg17 : memref<!tpu.dma_semaphore, #tpu.memory_space<semaphore_mem>>) src(%dma_wait3A_2387 : memref<128xi32, #tpu.memory_space<vmem>>) dst(%dma_wait3A_2384 : memref<128xi32, #tpu.memory_space<hbm>>)
    %dma_wait3A_2388 = arith.constant 1024 : i32
    %dma_wait3A_2389 = arith.constant 0 : i32
    %dma_wait3A_2390 = tpu.memref_slice %arg10[%dma_wait3A_2388, %dma_wait3A_2389] : memref<2048x32xf32, #tpu.memory_space<vmem>> -> memref<128x32xf32, #tpu.memory_space<vmem>>
    %dma_wait3A_2391 = arith.constant 0 : i32
    %dma_wait3A_2392 = tpu.memref_slice %arg6[%select_n3A, %add3A_1919, %dma_wait3A_2391] : memref<8x8192x32xf32, #tpu.memory_space<hbm>> -> memref<1x128x32xf32, #tpu.memory_space<hbm>>
    %dma_wait3A_2393 = tpu.memref_squeeze %dma_wait3A_2392 : memref<1x128x32xf32, #tpu.memory_space<hbm>> -> memref<128x32xf32, #tpu.memory_space<hbm>>
    %dma_wait3A_2394 = arith.constant 0 : i32
    %dma_wait3A_2395 = tpu.memref_slice %arg6[%select_n3A, %add3A_1919, %dma_wait3A_2394] : memref<8x8192x32xf32, #tpu.memory_space<hbm>> -> memref<1x128x32xf32, #tpu.memory_space<hbm>>
    %dma_wait3A_2396 = tpu.memref_squeeze %dma_wait3A_2395 : memref<1x128x32xf32, #tpu.memory_space<hbm>> -> memref<128x32xf32, #tpu.memory_space<hbm>>
    %dma_wait3A_2397 = arith.constant 1024 : i32
    %dma_wait3A_2398 = arith.constant 0 : i32
    %dma_wait3A_2399 = tpu.memref_slice %arg10[%dma_wait3A_2397, %dma_wait3A_2398] : memref<2048x32xf32, #tpu.memory_space<vmem>> -> memref<128x32xf32, #tpu.memory_space<vmem>>
    tpu.wait_dma2 semaphore(%arg17 : memref<!tpu.dma_semaphore, #tpu.memory_space<semaphore_mem>>) src(%dma_wait3A_2399 : memref<128x32xf32, #tpu.memory_space<vmem>>) dst(%dma_wait3A_2396 : memref<128x32xf32, #tpu.memory_space<hbm>>)
    %dma_wait3A_2400 = arith.constant 8 : i32
    %dma_wait3A_2401 = arith.constant 0 : i32
    %dma_wait3A_2402 = tpu.memref_slice %arg13[%dma_wait3A_2400, %dma_wait3A_2401] : memref<16x128xi32, #tpu.memory_space<vmem>> -> memref<1x128xi32, #tpu.memory_space<vmem>>
    %dma_wait3A_2403 = tpu.memref_squeeze %dma_wait3A_2402 : memref<1x128xi32, #tpu.memory_space<vmem>> -> memref<128xi32, #tpu.memory_space<vmem>>
    %dma_wait3A_2404 = tpu.memref_slice %arg7[%select_n3A, %add3A_1933] : memref<8x8192xi32, #tpu.memory_space<hbm>> -> memref<1x128xi32, #tpu.memory_space<hbm>>
    %dma_wait3A_2405 = tpu.memref_squeeze %dma_wait3A_2404 : memref<1x128xi32, #tpu.memory_space<hbm>> -> memref<128xi32, #tpu.memory_space<hbm>>
    %dma_wait3A_2406 = tpu.memref_slice %arg7[%select_n3A, %add3A_1933] : memref<8x8192xi32, #tpu.memory_space<hbm>> -> memref<1x128xi32, #tpu.memory_space<hbm>>
    %dma_wait3A_2407 = tpu.memref_squeeze %dma_wait3A_2406 : memref<1x128xi32, #tpu.memory_space<hbm>> -> memref<128xi32, #tpu.memory_space<hbm>>
    %dma_wait3A_2408 = arith.constant 0 : i32
    %dma_wait3A_2409 = tpu.memref_slice %arg13[%dma_wait3A_2400, %dma_wait3A_2408] : memref<16x128xi32, #tpu.memory_space<vmem>> -> memref<1x128xi32, #tpu.memory_space<vmem>>
    %dma_wait3A_2410 = tpu.memref_squeeze %dma_wait3A_2409 : memref<1x128xi32, #tpu.memory_space<vmem>> -> memref<128xi32, #tpu.memory_space<vmem>>
    tpu.wait_dma2 semaphore(%arg17 : memref<!tpu.dma_semaphore, #tpu.memory_space<semaphore_mem>>) src(%dma_wait3A_2410 : memref<128xi32, #tpu.memory_space<vmem>>) dst(%dma_wait3A_2407 : memref<128xi32, #tpu.memory_space<hbm>>)
    %dma_wait3A_2411 = arith.constant 1152 : i32
    %dma_wait3A_2412 = arith.constant 0 : i32
    %dma_wait3A_2413 = tpu.memref_slice %arg10[%dma_wait3A_2411, %dma_wait3A_2412] : memref<2048x32xf32, #tpu.memory_space<vmem>> -> memref<128x32xf32, #tpu.memory_space<vmem>>
    %dma_wait3A_2414 = arith.constant 0 : i32
    %dma_wait3A_2415 = tpu.memref_slice %arg6[%select_n3A, %add3A_1956, %dma_wait3A_2414] : memref<8x8192x32xf32, #tpu.memory_space<hbm>> -> memref<1x128x32xf32, #tpu.memory_space<hbm>>
    %dma_wait3A_2416 = tpu.memref_squeeze %dma_wait3A_2415 : memref<1x128x32xf32, #tpu.memory_space<hbm>> -> memref<128x32xf32, #tpu.memory_space<hbm>>
    %dma_wait3A_2417 = arith.constant 0 : i32
    %dma_wait3A_2418 = tpu.memref_slice %arg6[%select_n3A, %add3A_1956, %dma_wait3A_2417] : memref<8x8192x32xf32, #tpu.memory_space<hbm>> -> memref<1x128x32xf32, #tpu.memory_space<hbm>>
    %dma_wait3A_2419 = tpu.memref_squeeze %dma_wait3A_2418 : memref<1x128x32xf32, #tpu.memory_space<hbm>> -> memref<128x32xf32, #tpu.memory_space<hbm>>
    %dma_wait3A_2420 = arith.constant 1152 : i32
    %dma_wait3A_2421 = arith.constant 0 : i32
    %dma_wait3A_2422 = tpu.memref_slice %arg10[%dma_wait3A_2420, %dma_wait3A_2421] : memref<2048x32xf32, #tpu.memory_space<vmem>> -> memref<128x32xf32, #tpu.memory_space<vmem>>
    tpu.wait_dma2 semaphore(%arg17 : memref<!tpu.dma_semaphore, #tpu.memory_space<semaphore_mem>>) src(%dma_wait3A_2422 : memref<128x32xf32, #tpu.memory_space<vmem>>) dst(%dma_wait3A_2419 : memref<128x32xf32, #tpu.memory_space<hbm>>)
    %dma_wait3A_2423 = arith.constant 9 : i32
    %dma_wait3A_2424 = arith.constant 0 : i32
    %dma_wait3A_2425 = tpu.memref_slice %arg13[%dma_wait3A_2423, %dma_wait3A_2424] : memref<16x128xi32, #tpu.memory_space<vmem>> -> memref<1x128xi32, #tpu.memory_space<vmem>>
    %dma_wait3A_2426 = tpu.memref_squeeze %dma_wait3A_2425 : memref<1x128xi32, #tpu.memory_space<vmem>> -> memref<128xi32, #tpu.memory_space<vmem>>
    %dma_wait3A_2427 = tpu.memref_slice %arg7[%select_n3A, %add3A_1970] : memref<8x8192xi32, #tpu.memory_space<hbm>> -> memref<1x128xi32, #tpu.memory_space<hbm>>
    %dma_wait3A_2428 = tpu.memref_squeeze %dma_wait3A_2427 : memref<1x128xi32, #tpu.memory_space<hbm>> -> memref<128xi32, #tpu.memory_space<hbm>>
    %dma_wait3A_2429 = tpu.memref_slice %arg7[%select_n3A, %add3A_1970] : memref<8x8192xi32, #tpu.memory_space<hbm>> -> memref<1x128xi32, #tpu.memory_space<hbm>>
    %dma_wait3A_2430 = tpu.memref_squeeze %dma_wait3A_2429 : memref<1x128xi32, #tpu.memory_space<hbm>> -> memref<128xi32, #tpu.memory_space<hbm>>
    %dma_wait3A_2431 = arith.constant 0 : i32
    %dma_wait3A_2432 = tpu.memref_slice %arg13[%dma_wait3A_2423, %dma_wait3A_2431] : memref<16x128xi32, #tpu.memory_space<vmem>> -> memref<1x128xi32, #tpu.memory_space<vmem>>
    %dma_wait3A_2433 = tpu.memref_squeeze %dma_wait3A_2432 : memref<1x128xi32, #tpu.memory_space<vmem>> -> memref<128xi32, #tpu.memory_space<vmem>>
    tpu.wait_dma2 semaphore(%arg17 : memref<!tpu.dma_semaphore, #tpu.memory_space<semaphore_mem>>) src(%dma_wait3A_2433 : memref<128xi32, #tpu.memory_space<vmem>>) dst(%dma_wait3A_2430 : memref<128xi32, #tpu.memory_space<hbm>>)
    %dma_wait3A_2434 = arith.constant 1280 : i32
    %dma_wait3A_2435 = arith.constant 0 : i32
    %dma_wait3A_2436 = tpu.memref_slice %arg10[%dma_wait3A_2434, %dma_wait3A_2435] : memref<2048x32xf32, #tpu.memory_space<vmem>> -> memref<128x32xf32, #tpu.memory_space<vmem>>
    %dma_wait3A_2437 = arith.constant 0 : i32
    %dma_wait3A_2438 = tpu.memref_slice %arg6[%select_n3A, %add3A_1993, %dma_wait3A_2437] : memref<8x8192x32xf32, #tpu.memory_space<hbm>> -> memref<1x128x32xf32, #tpu.memory_space<hbm>>
    %dma_wait3A_2439 = tpu.memref_squeeze %dma_wait3A_2438 : memref<1x128x32xf32, #tpu.memory_space<hbm>> -> memref<128x32xf32, #tpu.memory_space<hbm>>
    %dma_wait3A_2440 = arith.constant 0 : i32
    %dma_wait3A_2441 = tpu.memref_slice %arg6[%select_n3A, %add3A_1993, %dma_wait3A_2440] : memref<8x8192x32xf32, #tpu.memory_space<hbm>> -> memref<1x128x32xf32, #tpu.memory_space<hbm>>
    %dma_wait3A_2442 = tpu.memref_squeeze %dma_wait3A_2441 : memref<1x128x32xf32, #tpu.memory_space<hbm>> -> memref<128x32xf32, #tpu.memory_space<hbm>>
    %dma_wait3A_2443 = arith.constant 1280 : i32
    %dma_wait3A_2444 = arith.constant 0 : i32
    %dma_wait3A_2445 = tpu.memref_slice %arg10[%dma_wait3A_2443, %dma_wait3A_2444] : memref<2048x32xf32, #tpu.memory_space<vmem>> -> memref<128x32xf32, #tpu.memory_space<vmem>>
    tpu.wait_dma2 semaphore(%arg17 : memref<!tpu.dma_semaphore, #tpu.memory_space<semaphore_mem>>) src(%dma_wait3A_2445 : memref<128x32xf32, #tpu.memory_space<vmem>>) dst(%dma_wait3A_2442 : memref<128x32xf32, #tpu.memory_space<hbm>>)
    %dma_wait3A_2446 = arith.constant 10 : i32
    %dma_wait3A_2447 = arith.constant 0 : i32
    %dma_wait3A_2448 = tpu.memref_slice %arg13[%dma_wait3A_2446, %dma_wait3A_2447] : memref<16x128xi32, #tpu.memory_space<vmem>> -> memref<1x128xi32, #tpu.memory_space<vmem>>
    %dma_wait3A_2449 = tpu.memref_squeeze %dma_wait3A_2448 : memref<1x128xi32, #tpu.memory_space<vmem>> -> memref<128xi32, #tpu.memory_space<vmem>>
    %dma_wait3A_2450 = tpu.memref_slice %arg7[%select_n3A, %add3A_2007] : memref<8x8192xi32, #tpu.memory_space<hbm>> -> memref<1x128xi32, #tpu.memory_space<hbm>>
    %dma_wait3A_2451 = tpu.memref_squeeze %dma_wait3A_2450 : memref<1x128xi32, #tpu.memory_space<hbm>> -> memref<128xi32, #tpu.memory_space<hbm>>
    %dma_wait3A_2452 = tpu.memref_slice %arg7[%select_n3A, %add3A_2007] : memref<8x8192xi32, #tpu.memory_space<hbm>> -> memref<1x128xi32, #tpu.memory_space<hbm>>
    %dma_wait3A_2453 = tpu.memref_squeeze %dma_wait3A_2452 : memref<1x128xi32, #tpu.memory_space<hbm>> -> memref<128xi32, #tpu.memory_space<hbm>>
    %dma_wait3A_2454 = arith.constant 0 : i32
    %dma_wait3A_2455 = tpu.memref_slice %arg13[%dma_wait3A_2446, %dma_wait3A_2454] : memref<16x128xi32, #tpu.memory_space<vmem>> -> memref<1x128xi32, #tpu.memory_space<vmem>>
    %dma_wait3A_2456 = tpu.memref_squeeze %dma_wait3A_2455 : memref<1x128xi32, #tpu.memory_space<vmem>> -> memref<128xi32, #tpu.memory_space<vmem>>
    tpu.wait_dma2 semaphore(%arg17 : memref<!tpu.dma_semaphore, #tpu.memory_space<semaphore_mem>>) src(%dma_wait3A_2456 : memref<128xi32, #tpu.memory_space<vmem>>) dst(%dma_wait3A_2453 : memref<128xi32, #tpu.memory_space<hbm>>)
    %dma_wait3A_2457 = arith.constant 1408 : i32
    %dma_wait3A_2458 = arith.constant 0 : i32
    %dma_wait3A_2459 = tpu.memref_slice %arg10[%dma_wait3A_2457, %dma_wait3A_2458] : memref<2048x32xf32, #tpu.memory_space<vmem>> -> memref<128x32xf32, #tpu.memory_space<vmem>>
    %dma_wait3A_2460 = arith.constant 0 : i32
    %dma_wait3A_2461 = tpu.memref_slice %arg6[%select_n3A, %add3A_2030, %dma_wait3A_2460] : memref<8x8192x32xf32, #tpu.memory_space<hbm>> -> memref<1x128x32xf32, #tpu.memory_space<hbm>>
    %dma_wait3A_2462 = tpu.memref_squeeze %dma_wait3A_2461 : memref<1x128x32xf32, #tpu.memory_space<hbm>> -> memref<128x32xf32, #tpu.memory_space<hbm>>
    %dma_wait3A_2463 = arith.constant 0 : i32
    %dma_wait3A_2464 = tpu.memref_slice %arg6[%select_n3A, %add3A_2030, %dma_wait3A_2463] : memref<8x8192x32xf32, #tpu.memory_space<hbm>> -> memref<1x128x32xf32, #tpu.memory_space<hbm>>
    %dma_wait3A_2465 = tpu.memref_squeeze %dma_wait3A_2464 : memref<1x128x32xf32, #tpu.memory_space<hbm>> -> memref<128x32xf32, #tpu.memory_space<hbm>>
    %dma_wait3A_2466 = arith.constant 1408 : i32
    %dma_wait3A_2467 = arith.constant 0 : i32
    %dma_wait3A_2468 = tpu.memref_slice %arg10[%dma_wait3A_2466, %dma_wait3A_2467] : memref<2048x32xf32, #tpu.memory_space<vmem>> -> memref<128x32xf32, #tpu.memory_space<vmem>>
    tpu.wait_dma2 semaphore(%arg17 : memref<!tpu.dma_semaphore, #tpu.memory_space<semaphore_mem>>) src(%dma_wait3A_2468 : memref<128x32xf32, #tpu.memory_space<vmem>>) dst(%dma_wait3A_2465 : memref<128x32xf32, #tpu.memory_space<hbm>>)
    %dma_wait3A_2469 = arith.constant 11 : i32
    %dma_wait3A_2470 = arith.constant 0 : i32
    %dma_wait3A_2471 = tpu.memref_slice %arg13[%dma_wait3A_2469, %dma_wait3A_2470] : memref<16x128xi32, #tpu.memory_space<vmem>> -> memref<1x128xi32, #tpu.memory_space<vmem>>
    %dma_wait3A_2472 = tpu.memref_squeeze %dma_wait3A_2471 : memref<1x128xi32, #tpu.memory_space<vmem>> -> memref<128xi32, #tpu.memory_space<vmem>>
    %dma_wait3A_2473 = tpu.memref_slice %arg7[%select_n3A, %add3A_2044] : memref<8x8192xi32, #tpu.memory_space<hbm>> -> memref<1x128xi32, #tpu.memory_space<hbm>>
    %dma_wait3A_2474 = tpu.memref_squeeze %dma_wait3A_2473 : memref<1x128xi32, #tpu.memory_space<hbm>> -> memref<128xi32, #tpu.memory_space<hbm>>
    %dma_wait3A_2475 = tpu.memref_slice %arg7[%select_n3A, %add3A_2044] : memref<8x8192xi32, #tpu.memory_space<hbm>> -> memref<1x128xi32, #tpu.memory_space<hbm>>
    %dma_wait3A_2476 = tpu.memref_squeeze %dma_wait3A_2475 : memref<1x128xi32, #tpu.memory_space<hbm>> -> memref<128xi32, #tpu.memory_space<hbm>>
    %dma_wait3A_2477 = arith.constant 0 : i32
    %dma_wait3A_2478 = tpu.memref_slice %arg13[%dma_wait3A_2469, %dma_wait3A_2477] : memref<16x128xi32, #tpu.memory_space<vmem>> -> memref<1x128xi32, #tpu.memory_space<vmem>>
    %dma_wait3A_2479 = tpu.memref_squeeze %dma_wait3A_2478 : memref<1x128xi32, #tpu.memory_space<vmem>> -> memref<128xi32, #tpu.memory_space<vmem>>
    tpu.wait_dma2 semaphore(%arg17 : memref<!tpu.dma_semaphore, #tpu.memory_space<semaphore_mem>>) src(%dma_wait3A_2479 : memref<128xi32, #tpu.memory_space<vmem>>) dst(%dma_wait3A_2476 : memref<128xi32, #tpu.memory_space<hbm>>)
    %dma_wait3A_2480 = arith.constant 1536 : i32
    %dma_wait3A_2481 = arith.constant 0 : i32
    %dma_wait3A_2482 = tpu.memref_slice %arg10[%dma_wait3A_2480, %dma_wait3A_2481] : memref<2048x32xf32, #tpu.memory_space<vmem>> -> memref<128x32xf32, #tpu.memory_space<vmem>>
    %dma_wait3A_2483 = arith.constant 0 : i32
    %dma_wait3A_2484 = tpu.memref_slice %arg6[%select_n3A, %add3A_2067, %dma_wait3A_2483] : memref<8x8192x32xf32, #tpu.memory_space<hbm>> -> memref<1x128x32xf32, #tpu.memory_space<hbm>>
    %dma_wait3A_2485 = tpu.memref_squeeze %dma_wait3A_2484 : memref<1x128x32xf32, #tpu.memory_space<hbm>> -> memref<128x32xf32, #tpu.memory_space<hbm>>
    %dma_wait3A_2486 = arith.constant 0 : i32
    %dma_wait3A_2487 = tpu.memref_slice %arg6[%select_n3A, %add3A_2067, %dma_wait3A_2486] : memref<8x8192x32xf32, #tpu.memory_space<hbm>> -> memref<1x128x32xf32, #tpu.memory_space<hbm>>
    %dma_wait3A_2488 = tpu.memref_squeeze %dma_wait3A_2487 : memref<1x128x32xf32, #tpu.memory_space<hbm>> -> memref<128x32xf32, #tpu.memory_space<hbm>>
    %dma_wait3A_2489 = arith.constant 1536 : i32
    %dma_wait3A_2490 = arith.constant 0 : i32
    %dma_wait3A_2491 = tpu.memref_slice %arg10[%dma_wait3A_2489, %dma_wait3A_2490] : memref<2048x32xf32, #tpu.memory_space<vmem>> -> memref<128x32xf32, #tpu.memory_space<vmem>>
    tpu.wait_dma2 semaphore(%arg17 : memref<!tpu.dma_semaphore, #tpu.memory_space<semaphore_mem>>) src(%dma_wait3A_2491 : memref<128x32xf32, #tpu.memory_space<vmem>>) dst(%dma_wait3A_2488 : memref<128x32xf32, #tpu.memory_space<hbm>>)
    %dma_wait3A_2492 = arith.constant 12 : i32
    %dma_wait3A_2493 = arith.constant 0 : i32
    %dma_wait3A_2494 = tpu.memref_slice %arg13[%dma_wait3A_2492, %dma_wait3A_2493] : memref<16x128xi32, #tpu.memory_space<vmem>> -> memref<1x128xi32, #tpu.memory_space<vmem>>
    %dma_wait3A_2495 = tpu.memref_squeeze %dma_wait3A_2494 : memref<1x128xi32, #tpu.memory_space<vmem>> -> memref<128xi32, #tpu.memory_space<vmem>>
    %dma_wait3A_2496 = tpu.memref_slice %arg7[%select_n3A, %add3A_2081] : memref<8x8192xi32, #tpu.memory_space<hbm>> -> memref<1x128xi32, #tpu.memory_space<hbm>>
    %dma_wait3A_2497 = tpu.memref_squeeze %dma_wait3A_2496 : memref<1x128xi32, #tpu.memory_space<hbm>> -> memref<128xi32, #tpu.memory_space<hbm>>
    %dma_wait3A_2498 = tpu.memref_slice %arg7[%select_n3A, %add3A_2081] : memref<8x8192xi32, #tpu.memory_space<hbm>> -> memref<1x128xi32, #tpu.memory_space<hbm>>
    %dma_wait3A_2499 = tpu.memref_squeeze %dma_wait3A_2498 : memref<1x128xi32, #tpu.memory_space<hbm>> -> memref<128xi32, #tpu.memory_space<hbm>>
    %dma_wait3A_2500 = arith.constant 0 : i32
    %dma_wait3A_2501 = tpu.memref_slice %arg13[%dma_wait3A_2492, %dma_wait3A_2500] : memref<16x128xi32, #tpu.memory_space<vmem>> -> memref<1x128xi32, #tpu.memory_space<vmem>>
    %dma_wait3A_2502 = tpu.memref_squeeze %dma_wait3A_2501 : memref<1x128xi32, #tpu.memory_space<vmem>> -> memref<128xi32, #tpu.memory_space<vmem>>
    tpu.wait_dma2 semaphore(%arg17 : memref<!tpu.dma_semaphore, #tpu.memory_space<semaphore_mem>>) src(%dma_wait3A_2502 : memref<128xi32, #tpu.memory_space<vmem>>) dst(%dma_wait3A_2499 : memref<128xi32, #tpu.memory_space<hbm>>)
    %dma_wait3A_2503 = arith.constant 1664 : i32
    %dma_wait3A_2504 = arith.constant 0 : i32
    %dma_wait3A_2505 = tpu.memref_slice %arg10[%dma_wait3A_2503, %dma_wait3A_2504] : memref<2048x32xf32, #tpu.memory_space<vmem>> -> memref<128x32xf32, #tpu.memory_space<vmem>>
    %dma_wait3A_2506 = arith.constant 0 : i32
    %dma_wait3A_2507 = tpu.memref_slice %arg6[%select_n3A, %add3A_2104, %dma_wait3A_2506] : memref<8x8192x32xf32, #tpu.memory_space<hbm>> -> memref<1x128x32xf32, #tpu.memory_space<hbm>>
    %dma_wait3A_2508 = tpu.memref_squeeze %dma_wait3A_2507 : memref<1x128x32xf32, #tpu.memory_space<hbm>> -> memref<128x32xf32, #tpu.memory_space<hbm>>
    %dma_wait3A_2509 = arith.constant 0 : i32
    %dma_wait3A_2510 = tpu.memref_slice %arg6[%select_n3A, %add3A_2104, %dma_wait3A_2509] : memref<8x8192x32xf32, #tpu.memory_space<hbm>> -> memref<1x128x32xf32, #tpu.memory_space<hbm>>
    %dma_wait3A_2511 = tpu.memref_squeeze %dma_wait3A_2510 : memref<1x128x32xf32, #tpu.memory_space<hbm>> -> memref<128x32xf32, #tpu.memory_space<hbm>>
    %dma_wait3A_2512 = arith.constant 1664 : i32
    %dma_wait3A_2513 = arith.constant 0 : i32
    %dma_wait3A_2514 = tpu.memref_slice %arg10[%dma_wait3A_2512, %dma_wait3A_2513] : memref<2048x32xf32, #tpu.memory_space<vmem>> -> memref<128x32xf32, #tpu.memory_space<vmem>>
    tpu.wait_dma2 semaphore(%arg17 : memref<!tpu.dma_semaphore, #tpu.memory_space<semaphore_mem>>) src(%dma_wait3A_2514 : memref<128x32xf32, #tpu.memory_space<vmem>>) dst(%dma_wait3A_2511 : memref<128x32xf32, #tpu.memory_space<hbm>>)
    %dma_wait3A_2515 = arith.constant 13 : i32
    %dma_wait3A_2516 = arith.constant 0 : i32
    %dma_wait3A_2517 = tpu.memref_slice %arg13[%dma_wait3A_2515, %dma_wait3A_2516] : memref<16x128xi32, #tpu.memory_space<vmem>> -> memref<1x128xi32, #tpu.memory_space<vmem>>
    %dma_wait3A_2518 = tpu.memref_squeeze %dma_wait3A_2517 : memref<1x128xi32, #tpu.memory_space<vmem>> -> memref<128xi32, #tpu.memory_space<vmem>>
    %dma_wait3A_2519 = tpu.memref_slice %arg7[%select_n3A, %add3A_2118] : memref<8x8192xi32, #tpu.memory_space<hbm>> -> memref<1x128xi32, #tpu.memory_space<hbm>>
    %dma_wait3A_2520 = tpu.memref_squeeze %dma_wait3A_2519 : memref<1x128xi32, #tpu.memory_space<hbm>> -> memref<128xi32, #tpu.memory_space<hbm>>
    %dma_wait3A_2521 = tpu.memref_slice %arg7[%select_n3A, %add3A_2118] : memref<8x8192xi32, #tpu.memory_space<hbm>> -> memref<1x128xi32, #tpu.memory_space<hbm>>
    %dma_wait3A_2522 = tpu.memref_squeeze %dma_wait3A_2521 : memref<1x128xi32, #tpu.memory_space<hbm>> -> memref<128xi32, #tpu.memory_space<hbm>>
    %dma_wait3A_2523 = arith.constant 0 : i32
    %dma_wait3A_2524 = tpu.memref_slice %arg13[%dma_wait3A_2515, %dma_wait3A_2523] : memref<16x128xi32, #tpu.memory_space<vmem>> -> memref<1x128xi32, #tpu.memory_space<vmem>>
    %dma_wait3A_2525 = tpu.memref_squeeze %dma_wait3A_2524 : memref<1x128xi32, #tpu.memory_space<vmem>> -> memref<128xi32, #tpu.memory_space<vmem>>
    tpu.wait_dma2 semaphore(%arg17 : memref<!tpu.dma_semaphore, #tpu.memory_space<semaphore_mem>>) src(%dma_wait3A_2525 : memref<128xi32, #tpu.memory_space<vmem>>) dst(%dma_wait3A_2522 : memref<128xi32, #tpu.memory_space<hbm>>)
    %dma_wait3A_2526 = arith.constant 1792 : i32
    %dma_wait3A_2527 = arith.constant 0 : i32
    %dma_wait3A_2528 = tpu.memref_slice %arg10[%dma_wait3A_2526, %dma_wait3A_2527] : memref<2048x32xf32, #tpu.memory_space<vmem>> -> memref<128x32xf32, #tpu.memory_space<vmem>>
    %dma_wait3A_2529 = arith.constant 0 : i32
    %dma_wait3A_2530 = tpu.memref_slice %arg6[%select_n3A, %add3A_2141, %dma_wait3A_2529] : memref<8x8192x32xf32, #tpu.memory_space<hbm>> -> memref<1x128x32xf32, #tpu.memory_space<hbm>>
    %dma_wait3A_2531 = tpu.memref_squeeze %dma_wait3A_2530 : memref<1x128x32xf32, #tpu.memory_space<hbm>> -> memref<128x32xf32, #tpu.memory_space<hbm>>
    %dma_wait3A_2532 = arith.constant 0 : i32
    %dma_wait3A_2533 = tpu.memref_slice %arg6[%select_n3A, %add3A_2141, %dma_wait3A_2532] : memref<8x8192x32xf32, #tpu.memory_space<hbm>> -> memref<1x128x32xf32, #tpu.memory_space<hbm>>
    %dma_wait3A_2534 = tpu.memref_squeeze %dma_wait3A_2533 : memref<1x128x32xf32, #tpu.memory_space<hbm>> -> memref<128x32xf32, #tpu.memory_space<hbm>>
    %dma_wait3A_2535 = arith.constant 1792 : i32
    %dma_wait3A_2536 = arith.constant 0 : i32
    %dma_wait3A_2537 = tpu.memref_slice %arg10[%dma_wait3A_2535, %dma_wait3A_2536] : memref<2048x32xf32, #tpu.memory_space<vmem>> -> memref<128x32xf32, #tpu.memory_space<vmem>>
    tpu.wait_dma2 semaphore(%arg17 : memref<!tpu.dma_semaphore, #tpu.memory_space<semaphore_mem>>) src(%dma_wait3A_2537 : memref<128x32xf32, #tpu.memory_space<vmem>>) dst(%dma_wait3A_2534 : memref<128x32xf32, #tpu.memory_space<hbm>>)
    %dma_wait3A_2538 = arith.constant 14 : i32
    %dma_wait3A_2539 = arith.constant 0 : i32
    %dma_wait3A_2540 = tpu.memref_slice %arg13[%dma_wait3A_2538, %dma_wait3A_2539] : memref<16x128xi32, #tpu.memory_space<vmem>> -> memref<1x128xi32, #tpu.memory_space<vmem>>
    %dma_wait3A_2541 = tpu.memref_squeeze %dma_wait3A_2540 : memref<1x128xi32, #tpu.memory_space<vmem>> -> memref<128xi32, #tpu.memory_space<vmem>>
    %dma_wait3A_2542 = tpu.memref_slice %arg7[%select_n3A, %add3A_2155] : memref<8x8192xi32, #tpu.memory_space<hbm>> -> memref<1x128xi32, #tpu.memory_space<hbm>>
    %dma_wait3A_2543 = tpu.memref_squeeze %dma_wait3A_2542 : memref<1x128xi32, #tpu.memory_space<hbm>> -> memref<128xi32, #tpu.memory_space<hbm>>
    %dma_wait3A_2544 = tpu.memref_slice %arg7[%select_n3A, %add3A_2155] : memref<8x8192xi32, #tpu.memory_space<hbm>> -> memref<1x128xi32, #tpu.memory_space<hbm>>
    %dma_wait3A_2545 = tpu.memref_squeeze %dma_wait3A_2544 : memref<1x128xi32, #tpu.memory_space<hbm>> -> memref<128xi32, #tpu.memory_space<hbm>>
    %dma_wait3A_2546 = arith.constant 0 : i32
    %dma_wait3A_2547 = tpu.memref_slice %arg13[%dma_wait3A_2538, %dma_wait3A_2546] : memref<16x128xi32, #tpu.memory_space<vmem>> -> memref<1x128xi32, #tpu.memory_space<vmem>>
    %dma_wait3A_2548 = tpu.memref_squeeze %dma_wait3A_2547 : memref<1x128xi32, #tpu.memory_space<vmem>> -> memref<128xi32, #tpu.memory_space<vmem>>
    tpu.wait_dma2 semaphore(%arg17 : memref<!tpu.dma_semaphore, #tpu.memory_space<semaphore_mem>>) src(%dma_wait3A_2548 : memref<128xi32, #tpu.memory_space<vmem>>) dst(%dma_wait3A_2545 : memref<128xi32, #tpu.memory_space<hbm>>)
    %dma_wait3A_2549 = arith.constant 1920 : i32
    %dma_wait3A_2550 = arith.constant 0 : i32
    %dma_wait3A_2551 = tpu.memref_slice %arg10[%dma_wait3A_2549, %dma_wait3A_2550] : memref<2048x32xf32, #tpu.memory_space<vmem>> -> memref<128x32xf32, #tpu.memory_space<vmem>>
    %dma_wait3A_2552 = arith.constant 0 : i32
    %dma_wait3A_2553 = tpu.memref_slice %arg6[%select_n3A, %add3A_2178, %dma_wait3A_2552] : memref<8x8192x32xf32, #tpu.memory_space<hbm>> -> memref<1x128x32xf32, #tpu.memory_space<hbm>>
    %dma_wait3A_2554 = tpu.memref_squeeze %dma_wait3A_2553 : memref<1x128x32xf32, #tpu.memory_space<hbm>> -> memref<128x32xf32, #tpu.memory_space<hbm>>
    %dma_wait3A_2555 = arith.constant 0 : i32
    %dma_wait3A_2556 = tpu.memref_slice %arg6[%select_n3A, %add3A_2178, %dma_wait3A_2555] : memref<8x8192x32xf32, #tpu.memory_space<hbm>> -> memref<1x128x32xf32, #tpu.memory_space<hbm>>
    %dma_wait3A_2557 = tpu.memref_squeeze %dma_wait3A_2556 : memref<1x128x32xf32, #tpu.memory_space<hbm>> -> memref<128x32xf32, #tpu.memory_space<hbm>>
    %dma_wait3A_2558 = arith.constant 1920 : i32
    %dma_wait3A_2559 = arith.constant 0 : i32
    %dma_wait3A_2560 = tpu.memref_slice %arg10[%dma_wait3A_2558, %dma_wait3A_2559] : memref<2048x32xf32, #tpu.memory_space<vmem>> -> memref<128x32xf32, #tpu.memory_space<vmem>>
    tpu.wait_dma2 semaphore(%arg17 : memref<!tpu.dma_semaphore, #tpu.memory_space<semaphore_mem>>) src(%dma_wait3A_2560 : memref<128x32xf32, #tpu.memory_space<vmem>>) dst(%dma_wait3A_2557 : memref<128x32xf32, #tpu.memory_space<hbm>>)
    %dma_wait3A_2561 = arith.constant 15 : i32
    %dma_wait3A_2562 = arith.constant 0 : i32
    %dma_wait3A_2563 = tpu.memref_slice %arg13[%dma_wait3A_2561, %dma_wait3A_2562] : memref<16x128xi32, #tpu.memory_space<vmem>> -> memref<1x128xi32, #tpu.memory_space<vmem>>
    %dma_wait3A_2564 = tpu.memref_squeeze %dma_wait3A_2563 : memref<1x128xi32, #tpu.memory_space<vmem>> -> memref<128xi32, #tpu.memory_space<vmem>>
    %dma_wait3A_2565 = tpu.memref_slice %arg7[%select_n3A, %add3A_2192] : memref<8x8192xi32, #tpu.memory_space<hbm>> -> memref<1x128xi32, #tpu.memory_space<hbm>>
    %dma_wait3A_2566 = tpu.memref_squeeze %dma_wait3A_2565 : memref<1x128xi32, #tpu.memory_space<hbm>> -> memref<128xi32, #tpu.memory_space<hbm>>
    %dma_wait3A_2567 = tpu.memref_slice %arg7[%select_n3A, %add3A_2192] : memref<8x8192xi32, #tpu.memory_space<hbm>> -> memref<1x128xi32, #tpu.memory_space<hbm>>
    %dma_wait3A_2568 = tpu.memref_squeeze %dma_wait3A_2567 : memref<1x128xi32, #tpu.memory_space<hbm>> -> memref<128xi32, #tpu.memory_space<hbm>>
    %dma_wait3A_2569 = arith.constant 0 : i32
    %dma_wait3A_2570 = tpu.memref_slice %arg13[%dma_wait3A_2561, %dma_wait3A_2569] : memref<16x128xi32, #tpu.memory_space<vmem>> -> memref<1x128xi32, #tpu.memory_space<vmem>>
    %dma_wait3A_2571 = tpu.memref_squeeze %dma_wait3A_2570 : memref<1x128xi32, #tpu.memory_space<vmem>> -> memref<128xi32, #tpu.memory_space<vmem>>
    tpu.wait_dma2 semaphore(%arg17 : memref<!tpu.dma_semaphore, #tpu.memory_space<semaphore_mem>>) src(%dma_wait3A_2571 : memref<128xi32, #tpu.memory_space<vmem>>) dst(%dma_wait3A_2568 : memref<128xi32, #tpu.memory_space<hbm>>)
    return
  }
}

module attributes {stable_mosaic.version = 14 : i64} {
  func.func @_tables_body(%arg0: memref<1x64xf32, #tpu.memory_space<vmem>>, %arg1: memref<1x64xf32, #tpu.memory_space<vmem>>, %arg2: memref<1x64xf32, #tpu.memory_space<vmem>>, %arg3: memref<1x64xf32, #tpu.memory_space<vmem>>, %arg4: memref<64x32xf32, #tpu.memory_space<vmem>>, %arg5: memref<1x32xf32, #tpu.memory_space<vmem>>, %arg6: memref<1024x32xf32, #tpu.memory_space<vmem>>, %arg7: memref<1024x32xf32, #tpu.memory_space<vmem>>, %arg8: memref<8x128xi32, #tpu.memory_space<vmem>>, %arg9: memref<8x128xf32, #tpu.memory_space<vmem>>) attributes {dimension_semantics = [], scalar_prefetch = 0 : i64, scratch_operands = 0 : i64, tpu.core_type = #tpu.core_type<tc>} {
    %iota3A = tpu.iota {dimensions = array<i32: 0>} : vector<1024x1xi32>
    %convert_element_type3A = arith.sitofp %iota3A : vector<1024x1xi32> to vector<1024x1xf32>
    %div3A = arith.constant 1.023000e+03 : f32
    %div3A_0 = vector.broadcast %div3A : f32 to vector<1024x1xf32>
    %div3A_1 = arith.divf %convert_element_type3A, %div3A_0 : vector<1024x1xf32>
    %mul3A = arith.constant 2.000000e+00 : f32
    %mul3A_2 = vector.broadcast %mul3A : f32 to vector<1024x1xf32>
    %mul3A_3 = arith.mulf %div3A_1, %mul3A_2 : vector<1024x1xf32>
    %sub3A = arith.constant 1.000000e+00 : f32
    %sub3A_4 = vector.broadcast %sub3A : f32 to vector<1024x1xf32>
    %sub3A_5 = arith.subf %mul3A_3, %sub3A_4 : vector<1024x1xf32>
    %get3A = arith.constant 0 : index
    %get3A_6 = arith.constant 0 : index
    %get3A_7 = vector.load %arg0[%get3A, %get3A_6] : memref<1x64xf32, #tpu.memory_space<vmem>>, vector<1x64xf32>
    %mul3A_8 = vector.broadcast %sub3A_5 : vector<1024x1xf32> to vector<1024x64xf32>
    %mul3A_9 = vector.broadcast %get3A_7 : vector<1x64xf32> to vector<1024x64xf32>
    %mul3A_10 = arith.mulf %mul3A_8, %mul3A_9 : vector<1024x64xf32>
    %get3A_11 = arith.constant 0 : index
    %get3A_12 = arith.constant 0 : index
    %get3A_13 = vector.load %arg1[%get3A_11, %get3A_12] : memref<1x64xf32, #tpu.memory_space<vmem>>, vector<1x64xf32>
    %add3A = vector.broadcast %get3A_13 : vector<1x64xf32> to vector<1024x64xf32>
    %add3A_14 = arith.addf %mul3A_10, %add3A : vector<1024x64xf32>
    %reduce_sum3A = arith.constant dense<0.000000e+00> : vector<1024xf32>
    %reduce_sum3A_15 = vector.multi_reduction <add>, %add3A_14, %reduce_sum3A [1] : vector<1024x64xf32> to vector<1024xf32>
    %broadcast_in_dim3A = vector.shape_cast %reduce_sum3A_15 : vector<1024xf32> to vector<1024x1xf32>
    %div3A_16 = arith.constant 6.400000e+01 : f32
    %div3A_17 = vector.broadcast %div3A_16 : f32 to vector<1024x1xf32>
    %div3A_18 = arith.divf %broadcast_in_dim3A, %div3A_17 : vector<1024x1xf32>
    %sub3A_19 = vector.broadcast %div3A_18 : vector<1024x1xf32> to vector<1024x64xf32>
    %sub3A_20 = arith.subf %add3A_14, %sub3A_19 : vector<1024x64xf32>
    %integer_pow3A = arith.mulf %sub3A_20, %sub3A_20 : vector<1024x64xf32>
    %reduce_sum3A_21 = arith.constant dense<0.000000e+00> : vector<1024xf32>
    %reduce_sum3A_22 = vector.multi_reduction <add>, %integer_pow3A, %reduce_sum3A_21 [1] : vector<1024x64xf32> to vector<1024xf32>
    %broadcast_in_dim3A_23 = vector.shape_cast %reduce_sum3A_22 : vector<1024xf32> to vector<1024x1xf32>
    %div3A_24 = arith.constant 6.400000e+01 : f32
    %div3A_25 = vector.broadcast %div3A_24 : f32 to vector<1024x1xf32>
    %div3A_26 = arith.divf %broadcast_in_dim3A_23, %div3A_25 : vector<1024x1xf32>
    %sub3A_27 = vector.broadcast %div3A_18 : vector<1024x1xf32> to vector<1024x64xf32>
    %sub3A_28 = arith.subf %add3A_14, %sub3A_27 : vector<1024x64xf32>
    %add3A_29 = arith.constant 9.99999974E-6 : f32
    %add3A_30 = vector.broadcast %add3A_29 : f32 to vector<1024x1xf32>
    %add3A_31 = arith.addf %div3A_26, %add3A_30 : vector<1024x1xf32>
    %sqrt3A = math.sqrt %add3A_31 : vector<1024x1xf32>
    %div3A_32 = vector.broadcast %sqrt3A : vector<1024x1xf32> to vector<1024x64xf32>
    %div3A_33 = arith.divf %sub3A_28, %div3A_32 : vector<1024x64xf32>
    %get3A_34 = arith.constant 0 : index
    %get3A_35 = arith.constant 0 : index
    %get3A_36 = vector.load %arg2[%get3A_34, %get3A_35] : memref<1x64xf32, #tpu.memory_space<vmem>>, vector<1x64xf32>
    %mul3A_37 = vector.broadcast %get3A_36 : vector<1x64xf32> to vector<1024x64xf32>
    %mul3A_38 = arith.mulf %div3A_33, %mul3A_37 : vector<1024x64xf32>
    %get3A_39 = arith.constant 0 : index
    %get3A_40 = arith.constant 0 : index
    %get3A_41 = vector.load %arg3[%get3A_39, %get3A_40] : memref<1x64xf32, #tpu.memory_space<vmem>>, vector<1x64xf32>
    %add3A_42 = vector.broadcast %get3A_41 : vector<1x64xf32> to vector<1024x64xf32>
    %add3A_43 = arith.addf %mul3A_38, %add3A_42 : vector<1024x64xf32>
    %max3A = arith.constant 0.000000e+00 : f32
    %max3A_44 = vector.broadcast %max3A : f32 to vector<1024x64xf32>
    %max3A_45 = arith.maximumf %add3A_43, %max3A_44 : vector<1024x64xf32>
    %get3A_46 = arith.constant 0 : index
    %get3A_47 = arith.constant 0 : index
    %get3A_48 = vector.load %arg4[%get3A_46, %get3A_47] : memref<64x32xf32, #tpu.memory_space<vmem>>, vector<64x32xf32>
    %dot_general3A = arith.constant dense<0.000000e+00> : vector<1024x32xf32>
    %dot_general3A_49 = tpu.matmul %max3A_45, %get3A_48, %dot_general3A {dimension_numbers = #tpu.dot_dimension_numbers<[1], [0], [0], [1], [0, 0, 1, 1], [], []>, precision = #tpu.contract_precision<fp32>, transpose_lhs_hint = false} : vector<1024x64xf32>, vector<64x32xf32>, vector<1024x32xf32> -> vector<1024x32xf32>
    %get3A_50 = arith.constant 0 : index
    %get3A_51 = arith.constant 0 : index
    %get3A_52 = vector.load %arg5[%get3A_50, %get3A_51] : memref<1x32xf32, #tpu.memory_space<vmem>>, vector<1x32xf32>
    %add3A_53 = vector.broadcast %get3A_52 : vector<1x32xf32> to vector<1024x32xf32>
    %add3A_54 = arith.addf %dot_general3A_49, %add3A_53 : vector<1024x32xf32>
    %get3A_55 = arith.constant 0 : index
    %get3A_56 = arith.constant 0 : index
    %get3A_57 = vector.load %arg6[%get3A_55, %get3A_56] : memref<1024x32xf32, #tpu.memory_space<vmem>>, vector<1024x32xf32>
    %mul3A_58 = arith.mulf %add3A_54, %add3A_54 : vector<1024x32xf32>
    %reduce_sum3A_59 = arith.constant dense<0.000000e+00> : vector<1024xf32>
    %reduce_sum3A_60 = vector.multi_reduction <add>, %mul3A_58, %reduce_sum3A_59 [1] : vector<1024x32xf32> to vector<1024xf32>
    %broadcast_in_dim3A_61 = vector.shape_cast %reduce_sum3A_60 : vector<1024xf32> to vector<1024x1xf32>
    %mul3A_62 = arith.mulf %get3A_57, %get3A_57 : vector<1024x32xf32>
    %reduce_sum3A_63 = arith.constant dense<0.000000e+00> : vector<1024xf32>
    %reduce_sum3A_64 = vector.multi_reduction <add>, %mul3A_62, %reduce_sum3A_63 [1] : vector<1024x32xf32> to vector<1024xf32>
    %broadcast_in_dim3A_65 = vector.shape_cast %reduce_sum3A_64 : vector<1024xf32> to vector<1024x1xf32>
    %dot_general3A_66 = arith.constant dense<0.000000e+00> : vector<1024x1024xf32>
    %dot_general3A_67 = tpu.matmul %add3A_54, %get3A_57, %dot_general3A_66 {dimension_numbers = #tpu.dot_dimension_numbers<[1], [1], [0], [0], [0, 0, 1, 0], [], []>, precision = #tpu.contract_precision<fp32>, transpose_lhs_hint = false} : vector<1024x32xf32>, vector<1024x32xf32>, vector<1024x1024xf32> -> vector<1024x1024xf32>
    %mul3A_68 = arith.constant 2.000000e+00 : f32
    %mul3A_69 = vector.broadcast %mul3A_68 : f32 to vector<1024x1024xf32>
    %mul3A_70 = arith.mulf %mul3A_69, %dot_general3A_67 : vector<1024x1024xf32>
    %sub3A_71 = vector.broadcast %broadcast_in_dim3A_61 : vector<1024x1xf32> to vector<1024x1024xf32>
    %sub3A_72 = arith.subf %sub3A_71, %mul3A_70 : vector<1024x1024xf32>
    %reshape3A = vector.shape_cast %broadcast_in_dim3A_65 : vector<1024x1xf32> to vector<1x1024xf32>
    %add3A_73 = vector.broadcast %reshape3A : vector<1x1024xf32> to vector<1024x1024xf32>
    %add3A_74 = arith.addf %sub3A_72, %add3A_73 : vector<1024x1024xf32>
    %reduce_min3A = arith.constant dense<0x7F800000> : vector<1024xf32>
    %reduce_min3A_75 = vector.multi_reduction <minimumf>, %add3A_74, %reduce_min3A [1] : vector<1024x1024xf32> to vector<1024xf32>
    %broadcast_in_dim3A_76 = vector.shape_cast %reduce_min3A_75 : vector<1024xf32> to vector<1024x1xf32>
    %iota3A_77 = tpu.iota {dimensions = array<i32: 1>} : vector<1024x1024xi32>
    %eq3A = vector.broadcast %broadcast_in_dim3A_76 : vector<1024x1xf32> to vector<1024x1024xf32>
    %eq3A_78 = arith.cmpf oeq, %add3A_74, %eq3A : vector<1024x1024xf32>
    %jit3A = arith.constant 1024 : i32
    %broadcast_in_dim3A_79 = vector.broadcast %jit3A : i32 to vector<1024x1024xi32>
    %select_n3A = arith.select %eq3A_78, %iota3A_77, %broadcast_in_dim3A_79 : vector<1024x1024xi1>, vector<1024x1024xi32>
    %reduce_min3A_80 = arith.constant dense<2147483647> : vector<1024xi32>
    %reduce_min3A_81 = vector.multi_reduction <minsi>, %select_n3A, %reduce_min3A_80 [1] : vector<1024x1024xi32> to vector<1024xi32>
    %broadcast_in_dim3A_82 = vector.shape_cast %reduce_min3A_81 : vector<1024xi32> to vector<1024x1xi32>
    %eq3A_83 = vector.broadcast %broadcast_in_dim3A_82 : vector<1024x1xi32> to vector<1024x1024xi32>
    %eq3A_84 = arith.cmpi eq, %iota3A_77, %eq3A_83 : vector<1024x1024xi32>
    %convert_element_type3A_85 = arith.extui %eq3A_84 : vector<1024x1024xi1> to vector<1024x1024xi32>
    %convert_element_type3A_86 = arith.sitofp %convert_element_type3A_85 : vector<1024x1024xi32> to vector<1024x1024xf32>
    %dot_general3A_87 = arith.constant dense<0.000000e+00> : vector<1024x32xf32>
    %dot_general3A_88 = tpu.matmul %convert_element_type3A_86, %get3A_57, %dot_general3A_87 {dimension_numbers = #tpu.dot_dimension_numbers<[1], [0], [0], [1], [0, 0, 1, 1], [], []>, transpose_lhs_hint = false} : vector<1024x1024xf32>, vector<1024x32xf32>, vector<1024x32xf32> -> vector<1024x32xf32>
    %swap3A = arith.constant 0 : index
    %swap3A_89 = arith.constant 0 : index
    %swap3A_90 = vector.load %arg7[%swap3A, %swap3A_89] : memref<1024x32xf32, #tpu.memory_space<vmem>>, vector<1024x32xf32>
    tpu.vector_store %arg7[%swap3A, %swap3A_89], %dot_general3A_88 {strides = array<i32>} : memref<1024x32xf32, #tpu.memory_space<vmem>>, vector<1024x32xf32>,
    %reshape3A_91 = vector.shape_cast %reduce_min3A_81 : vector<1024xi32> to vector<8x128xi32>
    %swap3A_92 = arith.constant 0 : index
    %swap3A_93 = arith.constant 0 : index
    %swap3A_94 = vector.load %arg8[%swap3A_92, %swap3A_93] : memref<8x128xi32, #tpu.memory_space<vmem>>, vector<8x128xi32>
    tpu.vector_store %arg8[%swap3A_92, %swap3A_93], %reshape3A_91 {strides = array<i32>} : memref<8x128xi32, #tpu.memory_space<vmem>>, vector<8x128xi32>,
    %reshape3A_95 = vector.shape_cast %broadcast_in_dim3A_76 : vector<1024x1xf32> to vector<8x128xf32>
    %swap3A_96 = arith.constant 0 : index
    %swap3A_97 = arith.constant 0 : index
    %swap3A_98 = vector.load %arg9[%swap3A_96, %swap3A_97] : memref<8x128xf32, #tpu.memory_space<vmem>>, vector<8x128xf32>
    tpu.vector_store %arg9[%swap3A_96, %swap3A_97], %reshape3A_95 {strides = array<i32>} : memref<8x128xf32, #tpu.memory_space<vmem>>, vector<8x128xf32>,
    return
  }
}

</mosaic_0001>

<sc_bundles>
// kernel: kernel.4.cloned.1.call-start
scs
__scs_entry_jumppad:
0x0: {  	(pc) =	sbr.rel $0x88, $3  }
0x1: {  	(tag) =	ssettag $0x0;
	lr =	simm.s32 $0x1  }
0x2: {  	[smem:$0x3F99] =	sst lr;
	_ =	strace $0xD0000000  }
0x3: {  	_ = 	snop  }
0x4: {  	_ = 	snop  }
0x5: {  	_ = 	snop  }
0x6: {  	_ = 	snop  }
0x7: {  	_ = 	snop  }
__scs_overlays_trampoline_lowered:
0x8: {  	[smem:$0x3FA8] =	sst s0  }
0x9: {  	[smem:$0x3FA9] =	sst s1  }
0xa: {  	[smem:$0x3FAA] =	sst s2  }
0xb: {  	[smem:$0x3FAB] =	sst s3  }
0xc: {  	[smem:$0x3FAC] =	sst s4  }
0xd: {  	[smem:$0x3FAD] =	sst s5  }
0xe: {  	[smem:$0x3FAE] =	sst s6  }
0xf: {  	[smem:$0x3FAF] =	sst s7  }
0x10: {  	[smem:$0x3FB0] =	sst s8  }
0x11: {  	[smem:$0x3FB1] =	sst s9;
	s0 =	simm.s32 @!p0 $0x0  }
0x12: {  	s1 =	sld [smem:$0x3F97];
	s0 =	simm.s32 @p0 $0x1  }
0x13: {  	[smem:$0x3FB2] =	sst s0;
	s0 =	simm.s32 @!p1 $0x0  }
0x14: {  	s2 =	sld [smem:$0x3F96];
	s0 =	simm.s32 @p1 $0x1  }
0x15: {  	[smem:$0x3FB3] =	sst s0;
	s0 =	simm.s32 @!p2 $0x0  }
0x16: {  	s3 =	sld [smem:$0x3FDB];
	s0 =	simm.s32 @p2 $0x1  }
0x17: {  	s4 =	simm.s32 $0x1BF5;
	[smem:$0x3FB5] =	sst s0  }
0x18: {  	s0 =	sld [smem:$0x3F98];
	_ =	swait.ge [sflag:s4], $0x0  }
0x19: {  	s7 =	sld [smem:$0x3F99]  }
0x1a: {  	s8 =	sadd.s32 $0xFFFFE003, lr  }
0x1b: {  	s9 =	sadd.s32 $0xFFFFFEF7, lr;
	s5 =	simm.s32 $0xFFFFFFFF;
	p2 =	slt.u32 s8, $0xFFFFF086  }
0x1c: {  	p1 =	slt.u32 s9, $0xF7A;
	s5 =	simm.s32 @!p2 $0x0  }
0x1d: {  	s5 =	simm.s32 @p1 $0x1;
	p0 =	seq.s32 s7, s2  }
0x1e: {  	s7 =	smul.u32 @!p0 $0xF7A, s2;
	p2 =	seq.s32 @!p0 s5, $0x0  }
0x1f: {  	s9 =	smul.u32 $0xF7A, s1;
	s8 =	simm.s32 @!p0 $0x1BF5;
	p2 =	por !p2, p0  }
0x20: {  	[sflag:s8] =	ssyncset.s32 @!p0 $0xFFFFF086;
	s6 =	sadd.s32 @!p0 s3, s7;
	s7 =	simm.s32 @!p0 $0x108  }
0x21: {  	s3 =	sadd.s32 s3, s9;
	s6 =	sadd.s32 @!p0 $0x88, s6;
	s7 =	simm.s32 @p2 $0x1082  }
0x22: {  	[simem:s7], [sflag:s8] =	dma.local @!p0 [hbm:s6], $0xF7A  }
0x23: {  	s9 =	sor.u32 $0xD0000000, s2;
	s6 =	simm.s32 $0x108;
	_ =	swait.ge @!p0 [sflag:s8], $0x0  }
0x24: {  	s3 =	sadd.s32 $0x88, s3;
	s6 =	simm.s32 @!p1 $0x1082;
	[sflag:s4] =	ssyncset.s32 $0xFFFFF086  }
0x25: {  	[simem:s6], [sflag:s4] =	dma.local [hbm:s3], $0xF7A  }
0x26: {  	[smem:$0x3F99] =	sst s1;
	(tag) =	ssettag s2;
	_ =	strace s9  }
0x27: {  	s1 =	sld [smem:$0x3FA9]  }
0x28: {  	s2 =	sld [smem:$0x3FAA]  }
0x29: {  	s4 =	sld [smem:$0x3FAC]  }
0x2a: {  	p0 =	seq.s32 s5, $0x0;
	s5 =	sld [smem:$0x3FAD]  }
0x2b: {  	s6 =	sld [smem:$0x3FAE]  }
0x2c: {  	s7 =	sld [smem:$0x3FAF]  }
0x2d: {  	s3 =	simm.s32 $0x108;
	s8 =	sld [smem:$0x3FB0]  }
0x2e: {  	s3 =	simm.s32 @!p0 $0x1082;
	s9 =	sld [smem:$0x3FB1]  }
0x2f: {  	lr =	sadd.s32 s0, s3;
	s0 =	sld [smem:$0x3FA8]  }
0x30: {  	s3 =	sld [smem:$0x3FAB]  }
0x31: {  	[smem:$0x3FB4] =	sst s10  }
0x32: {  	s10 =	sld [smem:$0x3FB2];
	_ =	sdelay $0x3  }
0x33: {  	p0 =	seq.s32 s10, $0x1;
	s10 =	sld [smem:$0x3FB4];
	_ =	sdelay $0x3  }
0x34: {  	[smem:$0x3FB4] =	sst s10  }
0x35: {  	s10 =	sld [smem:$0x3FB3];
	_ =	sdelay $0x3  }
0x36: {  	p1 =	seq.s32 s10, $0x1;
	s10 =	sld [smem:$0x3FB4];
	_ =	sdelay $0x3  }
0x37: {  	[smem:$0x3FB4] =	sst s10  }
0x38: {  	s10 =	sld [smem:$0x3FB5]  }
0x39: {  	_ = 	snop;
	(pc) =	sbr.ind lr, $3  }
0x3a: {  	_ = 	snop  }
0x3b: {  	_ = 	snop  }
0x3c: {  	p2 =	seq.s32 s10, $0x1;
	s10 =	sld [smem:$0x3FB4]  }
0x3d: {  	_ =	shalt  }
0x3e: {  	_ =	shalt  }
0x3f: {  	_ =	shalt  }
0x40: {  	_ =	shalt  }
0x41: {  	_ =	shalt  }
0x42: {  	_ =	shalt  }
0x43: {  	_ =	shalt  }
0x44: {  	_ =	shalt  }
0x45: {  	_ =	shalt  }
0x46: {  	_ =	shalt  }
0x47: {  	_ =	shalt  }
0x48: {  	_ =	shalt  }
0x49: {  	_ =	shalt  }
0x4a: {  	_ =	shalt  }
0x4b: {  	_ =	shalt  }
0x4c: {  	_ =	shalt  }
0x4d: {  	_ =	shalt  }
0x4e: {  	_ =	shalt  }
0x4f: {  	_ =	shalt  }
0x50: {  	_ =	shalt  }
0x51: {  	_ =	shalt  }
0x52: {  	_ =	shalt  }
0x53: {  	_ =	shalt  }
0x54: {  	_ =	shalt  }
0x55: {  	_ =	shalt  }
0x56: {  	_ =	shalt  }
0x57: {  	_ =	shalt  }
0x58: {  	_ =	shalt  }
0x59: {  	_ =	shalt  }
0x5a: {  	_ =	shalt  }
0x5b: {  	_ =	shalt  }
0x5c: {  	_ =	shalt  }
0x5d: {  	_ =	shalt  }
0x5e: {  	_ =	shalt  }
0x5f: {  	_ =	shalt  }
0x60: {  	_ =	shalt  }
0x61: {  	_ =	shalt  }
0x62: {  	_ =	shalt  }
0x63: {  	_ =	shalt  }
0x64: {  	_ =	shalt  }
0x65: {  	_ =	shalt  }
0x66: {  	_ =	shalt  }
0x67: {  	_ =	shalt  }
0x68: {  	_ =	shalt  }
0x69: {  	_ =	shalt  }
0x6a: {  	_ =	shalt  }
0x6b: {  	_ =	shalt  }
0x6c: {  	_ =	shalt  }
0x6d: {  	_ =	shalt  }
0x6e: {  	_ =	shalt  }
0x6f: {  	_ =	shalt  }
0x70: {  	_ =	shalt  }
0x71: {  	_ =	shalt  }
0x72: {  	_ =	shalt  }
0x73: {  	_ =	shalt  }
0x74: {  	_ =	shalt  }
0x75: {  	_ =	shalt  }
0x76: {  	_ =	shalt  }
0x77: {  	_ =	shalt  }
0x78: {  	_ =	shalt  }
0x79: {  	_ =	shalt  }
0x7a: {  	_ =	shalt  }
0x7b: {  	_ =	shalt  }
0x7c: {  	_ =	shalt  }
0x7d: {  	_ =	shalt  }
0x7e: {  	_ =	shalt  }
0x7f: {  	_ =	shalt  }
0x80: {  	_ =	shalt  }
0x81: {  	_ =	shalt  }
0x82: {  	_ =	shalt  }
0x83: {  	_ =	shalt  }
0x84: {  	_ =	shalt  }
0x85: {  	_ =	shalt  }
0x86: {  	_ =	shalt  }
0x87: {  	_ =	shalt  }
.Lfunc_end0:
.L_simem_size_0:
called_computation_lowered:
.L_overlay_start_0:
0x88: {  	s2 =	sld [smem:$0x3FD9]  }
0x89: {  	s3 =	sld [smem:$0x3FFE];
	_ =	sdelay $0x1  }
0x8a: {  	s1 =	srdreg.scid  }
0x8b: {  	s0 =	sand.u32 $0x1, s1  }
0x8c: {  	s14 =	sshll.u32 s0, $0xA;
	s2 =	sadd.s32 s3, s2  }
0x8d: {  	s2 =	sadd.s32 s2, s14  }
0x8e: {  	[smem:$0x3FC0] =	sst s2  }
0x8f: {  	_ = 	snop  }
0x90: {  	s2 =	sld [smem:$0x3FD0];
	_ =	sdelay $0x2  }
0x91: {  	s4 =	simm.s32 $0xA;
	s5 =	simm.s32 $0x10;
	s15 =	sld [smem:$0x3FC9]  }
0x92: {  	[smem:s5], [sflag:s4] =	dma.local [hbm:s2], $0x1  }
0x93: {  	_ =	swait.eq [sflag:s4], $0x1  }
0x94: {  	[sflag:s4] =	ssyncset.done $0x0  }
0x95: {  	s16 =	sld [smem:$0x10];
	[sflag:s4] =	ssyncadd.s32 $0xFFFFFFFF  }
0x96: {  	s17 =	sld [smem:$0x11];
	(tm) =	ssettm $0x1  }
0x97: {  	s18 =	sld [smem:$0x3FFB];
	_ =	sdelay $0x3  }
0x98: {  	_ =	strace s18  }
0x99: {  	s5 =	sld [smem:$0x3FFC];
	_ =	sdelay $0x3  }
0x9a: {  	_ =	strace s5  }
0x9b: {  	s5 =	sld [smem:$0x3FFD];
	_ =	sdelay $0x3  }
0x9c: {  	_ =	strace s5  }
0x9d: {  	_ =	strace $0x8FFFFFFF  }
0x9e: {  	s19 =	sld [smem:$0x3FDB];
	_ =	sdelay $0x1  }
0x9f: {  	s6 =	simm.s32 $_scs_section_size  }
0xa0: {  	s7 =	simm.s32 $_size__tile_overlayer_lowered;
	s8 =	simm.s32 $_tile_overlayer_lowered  }
0xa1: {  	s22 =	simm.s32 $0x1BFF;
	s21 =	sshll.u32 s8, $0x1;
	s5 =	sadd.s32 s6, s19  }
0xa2: {  	s9 =	simm.s32 $0x0;
	s20 =	sshll.u32 s7, $0x1;
	s7 =	sadd.s32 s21, s5  }
0xa3: {  	[timem:s9], [sflag:s22] =	dma.local [hbm:s7], s20  }
0xa4: {  	_ =	swait.ge [sflag:s22], s20  }
0xa5: {  	s6 =	ssub.s32 $0x0, s20;
	[sflag:s22] =	ssyncset.done $0x0  }
0xa6: {  	[sflag:s22] =	ssyncadd.s32 s6;
	_ =	sdelay $0x1  }
0xa7: {  	s23 =	simm.s32 $0x1B8B  }
0xa8: {  	_ =	swait.ge [sflag:s23], $0x1  }
0xa9: {  	[sflag:s23] =	ssyncset.done $0x0  }
0xaa: {  	s25 =	simm.s32 $0x1B8E;
	s24 =	sld [smem:$0x3FFE];
	[sflag:s23] =	ssyncadd.s32 $0xFFFFFFFF  }
0xab: {  	s26 =	simm.s32 $execute0_lowered;
	[smem:$0x3FD2] =	sst s25  }
0xac: {  	s7 =	sshll.u32 s26, $0x1;
	_ =	strace $0x80000046;
	[dreg:$0x1] =	wrdreg $0xFFFFFFFF  }
0xad: {  	s28 =	simm.s32 $_size_execute0_lowered;
	s5 =	sadd.s32 s5, s7;
	[dreg:$0x0] =	wrdreg $0x0  }
0xae: {  	s7 =	sshll.u32 s28, $0x1;
	[dreg:$0x2] =	wrdreg s5  }
0xaf: {  	[dreg:$0x3] =	wrdreg s7  }
0xb0: {  	[dreg:$0x4] =	wrdreg $0xC0  }
0xb1: {  	_ =	task [dreg:s9], $0x5FFFF  }
0xb2: {  	[dreg:$0x1] =	wrdreg $0xFFFFFFFF  }
0xb3: {  	[dreg:$0x0] =	wrdreg $0x60  }
0xb4: {  	[dreg:$0x2] =	wrdreg s15  }
0xb5: {  	[dreg:$0x3] =	wrdreg s17  }
0xb6: {  	[dreg:$0x4] =	wrdreg s24  }
0xb7: {  	[dreg:$0x5] =	wrdreg s16  }
0xb8: {  	[dreg:$0x6] =	wrdreg $0x118100  }
0xb9: {  	[dreg:$0x7] =	wrdreg $0x9  }
0xba: {  	_ =	task.clear_ibuf [dreg:s9], $0x8FFFF;
	_ =	strace $0x90000046  }
0xbb: {  	s29 =	simm.s32 $0x9;
	_ =	strace $0x80000048  }
0xbc: {  	_ =	swait.ge [sflag:s29], $0x1  }
0xbd: {  	[sflag:s29] =	ssyncadd.s32 $0xFFFFFFFF  }
0xbe: {  	_ =	strace $0x90000048  }
0xbf: {  	_ =	sfence  }
0xc0: {  	s30 =	sld [smem:$0x0];
	_ =	sdelay $0x2  }
0xc1: {  	s31 =	sshll.u32 s1, $0xD;
	s1 =	sshrl.u32 s1, $0x2  }
0xc2: {  	s3 =	sand.u32 $0x4000, s31;
	s1 =	sadd.s32 s1, s30  }
0xc3: {  	s0 =	sor.u32 s3, s0;
	s1 =	sshll.u32 s1, $0x11  }
0xc4: {  	s0 =	sor.u32 s1, s0  }
0xc5: {  	s0 =	sadd.s32 $0x8F2B, s0  }
0xc6: {  	[sflag:s0] =	ssyncadd.remote.s32 $0x1  }
0xc7: {  	_ =	sfence.sel $0xFFFF  }
0xc8: {  	[dreg:$0x0] =	wrdreg $0xFFFFFFFF;
	(pc) =	sbr.abs _section_cstart, $3  }
0xc9: {  	[dreg:$0x1] =	wrdreg $0xFFFFFFFF  }
0xca: {  	_ =	task.clear_ibuf [dreg:s9], $0x2FFFF;
	_ =	strace $0x9FFFFFFF  }
0xcb: {  	(tm) =	ssettm $0x7FFFFFFF  }
tec
execute0_lowered:
.L_overlay_start_1:
0x0: {  	(tag) =	ssettag $0x1  }
0x1: {  	s9 =	rddreg [dreg:$0x0]  }
0x2: {  	s0 =	rddreg [dreg:$0x1]  }
0x3: {  	s5 =	rddreg [dreg:$0x2]  }
0x4: {  	s6 =	rddreg [dreg:$0x3]  }
0x5: {  	s1 =	rddreg [dreg:$0x4]  }
0x6: {  	s3 =	srdreg.scid;
	[dreg:$0x6] =	wrdreg s0  }
0x7: {  	s2 =	simm.s32 $0x0;
	s4 =	stileid.u32;
	s0 =	rddreg [dreg:$0x5]  }
0x8: {  	s28 =	simm.s32 $0x2;
	[smem:$0x7FF] =	sst s2;
	s7 =	sadd.s32 $0x1400, s5  }
0x9: {  	s3 =	sand.u32 $0x1, s3;
	s8 =	sshll.u32 s4, $0x1;
	s30 =	sadd.s32 $0x1600, s5  }
0xa: {  	s13 =	sshrl.u32 s4, $0x1;
	p0 =	sne.s32 s4, $0x0;
	s4 =	simm.s32 $0x10800  }
0xb: {  	_ =	strace $0x80000047;
	[dreg:$0x7] =	wrdreg s7;
	s11 =	sor.u32 s3, s8  }
0xc: {  	[dreg:$0x8] =	wrdreg s30;
	s7 =	sadd.s32 $0x1800, s5;
	s8 =	sshll.u32 s13, $0x12  }
0xd: {  	s3 =	ssub.s32 $0x2, s3;
	s12 =	sand.u32 $0x3, s11;
	s14 =	sshll.u32 s11, $0x8  }
0xe: {  	s11 =	sshll.u32 s11, $0x1;
	s10 =	sshll.u32 s12, $0xB;
	s12 =	sshll.u32 s12, $0x10  }
0xf: {  	s14 =	sadd.s32 s9, s14;
	s9 =	sshll.u32 s13, $0xD;
	s5 =	sadd.s32 s11, s5  }
0x10: {  	s11 =	simm.s32 $0x280;
	s12 =	sor.u32 s8, s12;
	[dreg:$0x9] =	wrdreg s14  }
0x11: {  	s13 =	sor.u32 s9, s10;
	s31 =	sor.u32 $0x80, s10;
	s18 =	sor.u32 $0x100, s10  }
0x12: {  	s23 =	sor.u32 $0x180, s10;
	s30 =	sor.u32 $0x200, s10;
	s5 =	sadd.s32 $0x3800, s5  }
0x13: {  	[smem:$0x7E3] =	sst s11;
	s14 =	simm.s32 $0x400;
	s11 =	simm.s32 $0x2800  }
0x14: {  	s12 =	sshrl.u32 s12, $0x3;
	s13 =	sshrl.u32 s13, $0x3;
	s15 =	sshll.u32 s31, $0x5  }
0x15: {  	s17 =	sor.u32 s9, s31;
	s22 =	sor.u32 s9, s18;
	s25 =	sshll.u32 s23, $0x5  }
0x16: {  	s29 =	sor.u32 s9, s23;
	s31 =	sshll.u32 s30, $0x5;
	[smem:$0x7DF] =	sst s5  }
0x17: {  	s23 =	sor.u32 $0x300, s10;
	[smem:$0x7E6] =	sst s14;
	s12 =	sadd.s32 s6, s12  }
0x18: {  	s13 =	sadd.s32 s7, s13;
	s16 =	sor.u32 s8, s15;
	s15 =	sshll.u32 s18, $0x5  }
0x19: {  	s26 =	sor.u32 s8, s25;
	s18 =	sor.u32 $0x280, s10;
	[dreg:$0xa] =	wrdreg s12  }
0x1a: {  	[dreg:$0xb] =	wrdreg s13;
	s12 =	sshrl.u32 s16, $0x3;
	s13 =	sshrl.u32 s17, $0x3  }
0x1b: {  	s20 =	sor.u32 s8, s15;
	s15 =	sor.u32 s8, s31;
	s17 =	sor.u32 s9, s30  }
0x1c: {  	s30 =	sor.u32 s9, s23;
	s31 =	sor.u32 $0x380, s10;
	s12 =	sadd.s32 s6, s12  }
0x1d: {  	s19 =	sadd.s32 s7, s13;
	s21 =	sshrl.u32 s20, $0x3;
	s13 =	sshrl.u32 s22, $0x3  }
0x1e: {  	s16 =	sshrl.u32 s15, $0x3;
	s20 =	sshll.u32 s18, $0x5;
	s22 =	sor.u32 s9, s18  }
0x1f: {  	s15 =	sshll.u32 s31, $0x5;
	s18 =	sor.u32 $0x400, s10;
	[dreg:$0xc] =	wrdreg s12  }
0x20: {  	[dreg:$0xd] =	wrdreg s19;
	s12 =	sadd.s32 s6, s21;
	s24 =	sadd.s32 s7, s13  }
0x21: {  	s13 =	sshrl.u32 s29, $0x3;
	s21 =	sor.u32 s8, s20;
	[dreg:$0xe] =	wrdreg s12  }
0x22: {  	[dreg:$0xf] =	wrdreg s24;
	s12 =	sshrl.u32 s26, $0x3;
	s13 =	sadd.s32 s7, s13  }
0x23: {  	s24 =	sshll.u32 s23, $0x5;
	s23 =	sor.u32 s9, s18;
	s12 =	sadd.s32 s6, s12  }
0x24: {  	[dreg:$0x11] =	wrdreg s13;
	s13 =	sshrl.u32 s17, $0x3;
	s26 =	sor.u32 s8, s24  }
0x25: {  	s17 =	sor.u32 s9, s31;
	s24 =	sor.u32 $0x480, s10;
	s31 =	sor.u32 $0x500, s10  }
0x26: {  	[dreg:$0x10] =	wrdreg s12;
	s12 =	sadd.s32 s6, s16;
	s19 =	sadd.s32 s7, s13  }
0x27: {  	s13 =	sshrl.u32 s22, $0x3;
	s29 =	sshrl.u32 s26, $0x3;
	[dreg:$0x12] =	wrdreg s12  }
0x28: {  	s16 =	sor.u32 s8, s15;
	s26 =	sshll.u32 s24, $0x5;
	[dreg:$0x13] =	wrdreg s19  }
0x29: {  	s12 =	sshrl.u32 s21, $0x3;
	s25 =	sadd.s32 s7, s13;
	s13 =	sshrl.u32 s30, $0x3  }
0x2a: {  	s19 =	sshll.u32 s18, $0x5;
	s12 =	sadd.s32 s6, s12;
	[dreg:$0x15] =	wrdreg s25  }
0x2b: {  	s30 =	sor.u32 s9, s24;
	s13 =	sadd.s32 s7, s13;
	[dreg:$0x14] =	wrdreg s12  }
0x2c: {  	s21 =	sor.u32 s8, s19;
	s12 =	sadd.s32 s6, s29;
	[dreg:$0x17] =	wrdreg s13  }
0x2d: {  	s13 =	sshrl.u32 s17, $0x3;
	s22 =	sshrl.u32 s21, $0x3;
	s29 =	sor.u32 s8, s26  }
0x2e: {  	s21 =	sor.u32 $0x580, s10;
	s26 =	sor.u32 $0x600, s10;
	[dreg:$0x16] =	wrdreg s12  }
0x2f: {  	s12 =	sshrl.u32 s16, $0x3;
	s20 =	sadd.s32 s7, s13;
	s13 =	sshrl.u32 s23, $0x3  }
0x30: {  	s16 =	sshll.u32 s31, $0x5;
	s23 =	sshll.u32 s21, $0x5;
	s15 =	sor.u32 s9, s26  }
0x31: {  	s12 =	sadd.s32 s6, s12;
	[dreg:$0x19] =	wrdreg s20;
	s25 =	sadd.s32 s7, s13  }
0x32: {  	s13 =	sshrl.u32 s30, $0x3;
	s18 =	sor.u32 s8, s16;
	s20 =	sor.u32 s9, s31  }
0x33: {  	s24 =	sor.u32 s8, s23;
	s16 =	sor.u32 $0x680, s10;
	[dreg:$0x18] =	wrdreg s12  }
0x34: {  	s12 =	sadd.s32 s6, s22;
	[dreg:$0x1b] =	wrdreg s25;
	s17 =	sadd.s32 s7, s13  }
0x35: {  	s19 =	sshrl.u32 s18, $0x3;
	s13 =	sshrl.u32 s20, $0x3;
	s25 =	sor.u32 s9, s21  }
0x36: {  	s18 =	sshll.u32 s16, $0x5;
	s20 =	sor.u32 s9, s16;
	s21 =	sor.u32 $0x700, s10  }
0x37: {  	s10 =	sor.u32 $0x780, s10;
	s16 =	simm.s32 $0x480;
	[dreg:$0x1a] =	wrdreg s12  }
0x38: {  	s12 =	sshrl.u32 s29, $0x3;
	[dreg:$0x1d] =	wrdreg s17;
	s22 =	sadd.s32 s7, s13  }
0x39: {  	s13 =	sshrl.u32 s25, $0x3;
	s29 =	sshll.u32 s26, $0x5;
	[smem:$0x7E7] =	sst s16  }
0x3a: {  	s26 =	sor.u32 s9, s21;
	s16 =	simm.s32 $0x11380;
	[dreg:$0x1f] =	wrdreg s22  }
0x3b: {  	s9 =	sor.u32 s9, s10;
	s12 =	sadd.s32 s6, s12;
	[smem:$0x7F5] =	sst s16  }
0x3c: {  	s30 =	sadd.s32 s7, s13;
	s31 =	sor.u32 s8, s29;
	[dreg:$0x1c] =	wrdreg s12  }
0x3d: {  	s29 =	sshll.u32 s10, $0x5;
	s10 =	simm.s32 $0x200;
	[smem:$0x7D6] =	sst s30  }
0x3e: {  	s22 =	sshll.u32 s21, $0x5;
	s21 =	simm.s32 $0x700;
	[smem:$0x7E2] =	sst s10  }
0x3f: {  	s12 =	sadd.s32 s6, s19;
	s13 =	sshrl.u32 s31, $0x3;
	[smem:$0x7EC] =	sst s21  }
0x40: {  	s31 =	sshrl.u32 s9, $0x3;
	s9 =	simm.s32 $0x180;
	[dreg:$0x1e] =	wrdreg s12  }
0x41: {  	s19 =	sor.u32 s8, s18;
	s18 =	simm.s32 $0x580;
	[smem:$0x7E1] =	sst s9  }
0x42: {  	s30 =	sshrl.u32 s26, $0x3;
	s26 =	simm.s32 $0x11180;
	[smem:$0x7E9] =	sst s18  }
0x43: {  	s21 =	simm.s32 $0x11600;
	s12 =	sshrl.u32 s24, $0x3;
	[smem:$0x7F1] =	sst s26  }
0x44: {  	s24 =	sor.u32 s8, s22;
	s22 =	simm.s32 $0x780;
	[smem:$0x7FA] =	sst s21  }
0x45: {  	s8 =	sor.u32 s8, s29;
	s29 =	simm.s32 $0x11200;
	[smem:$0x7ED] =	sst s22  }
0x46: {  	s5 =	simm.s32 $0x4;
	s18 =	simm.s32 $0x11480;
	[smem:$0x7F2] =	sst s29  }
0x47: {  	s14 =	simm.s32 $0x5800;
	s12 =	sadd.s32 s6, s12;
	[smem:$0x7F7] =	sst s18  }
0x48: {  	s25 =	sshrl.u32 s24, $0x3;
	s24 =	simm.s32 $0x11080;
	[smem:$0x7D5] =	sst s12  }
0x49: {  	s16 =	simm.s32 $0x7800;
	s22 =	simm.s32 $0x11680;
	[smem:$0x7EF] =	sst s24  }
0x4a: {  	s12 =	sadd.s32 s6, s13;
	s13 =	sshrl.u32 s15, $0x3;
	[smem:$0x7FB] =	sst s22  }
0x4b: {  	s10 =	simm.s32 $0x1800;
	[smem:$0x7D7] =	sst s12;
	s17 =	sadd.s32 s7, s13  }
0x4c: {  	s12 =	sshrl.u32 s19, $0x3;
	s19 =	simm.s32 $0x600;
	[smem:$0x7D8] =	sst s17  }
0x4d: {  	s13 =	sshrl.u32 s20, $0x3;
	s20 =	simm.s32 $0x680;
	[smem:$0x7EA] =	sst s19  }
0x4e: {  	s9 =	simm.s32 $0x800;
	s12 =	sadd.s32 s6, s12;
	[smem:$0x7EB] =	sst s20  }
0x4f: {  	s21 =	simm.s32 $0xC800;
	s23 =	sadd.s32 s7, s13;
	[smem:$0x7D9] =	sst s12  }
0x50: {  	s26 =	simm.s32 $0x11800;
	s13 =	simm.s32 $0x380;
	[smem:$0x7DA] =	sst s23  }
0x51: {  	s8 =	sshrl.u32 s8, $0x3;
	s17 =	simm.s32 $0x500;
	[smem:$0x7E5] =	sst s13  }
0x52: {  	s18 =	simm.s32 $0x9800;
	s19 =	simm.s32 $0x11500;
	[smem:$0x7E8] =	sst s17  }
0x53: {  	s15 =	sshrl.u32 s3, $0x1;
	s20 =	simm.s32 $0x11580;
	[smem:$0x7F8] =	sst s19  }
0x54: {  	s22 =	simm.s32 $0xD800;
	s12 =	sadd.s32 s6, s25;
	[smem:$0x7F9] =	sst s20  }
0x55: {  	s24 =	simm.s32 $0xF800;
	s6 =	sadd.s32 s6, s8;
	[smem:$0x7DB] =	sst s12  }
0x56: {  	s3 =	ssub.s32 s3, s15;
	s8 =	simm.s32 $0x100;
	[smem:$0x7DD] =	sst s6  }
0x57: {  	s15 =	simm.s32 $0x6800;
	s23 =	simm.s32 $0x11000;
	[smem:$0x7E0] =	sst s8  }
0x58: {  	s3 =	smax.u32 s3, $0x1;
	s25 =	simm.s32 $0x11100;
	[smem:$0x7EE] =	sst s23  }
0x59: {  	s13 =	simm.s32 $0x4800;
	s17 =	simm.s32 $0x11400;
	[smem:$0x7F0] =	sst s25  }
0x5a: {  	s19 =	simm.s32 $0xA800;
	s12 =	sadd.s32 s7, s30;
	[smem:$0x7F6] =	sst s17  }
0x5b: {  	s20 =	simm.s32 $0xB800;
	s7 =	sadd.s32 s7, s31;
	[smem:$0x7DC] =	sst s12  }
0x5c: {  	s6 =	simm.s32 $0x10C00;
	s30 =	simm.s32 $0x11280;
	[smem:$0x7DE] =	sst s7  }
0x5d: {  	s8 =	simm.s32 $0x80;
	s31 =	simm.s32 $0x11300;
	[smem:$0x7F3] =	sst s30  }
0x5e: {  	s17 =	simm.s32 $0x8800;
	s23 =	simm.s32 $0x11700;
	[smem:$0x7F4] =	sst s31  }
0x5f: {  	s25 =	simm.s32 $0x11780;
	s12 =	simm.s32 $0x300;
	[smem:$0x7FC] =	sst s23  }
0x60: {  	s7 =	simm.s32 $0x3;
	s23 =	simm.s32 $0xE800;
	[smem:$0x7FD] =	sst s25  }
0x61: {  	s25 =	simm.s32 $0x1;
	[smem:$0x7E4] =	sst s12;
	s12 =	simm.s32 $0x3800  }
.LBB2_1:
0x62: {  	s29 =	rddreg [dreg:$0x9]  }
0x63: {  	[tilespmem:s2], [sflag:$0x3] =	stream.linear.gather [hbm4b:s29+s2], $0x800, $0x38;
	[tilespmem:$0x12010] =	vst v63  }
0x64: {  	s30 =	rddreg [dreg:$0x6];
	s31 =	simm.s32 @!p0 $0x1C04;
	s29 =	sshrl.u32 @!p0 s1, $0x3  }
0x65: {  	[spmem:s29], [sflag:s31] =	dma.local @!p0 [hbm:s30], $0x1000  }
0x66: {  	s29 =	simm.s32 @!p0 $0x4  }
0x67: {  	_ =	swait.ge @!p0 [sflag:s29], $0x1000  }
0x68: {  	[sflag:s29] =	ssyncset.done @!p0 $0x0  }
0x69: {  	s31 =	rddreg [dreg:$0x7];
	[sflag:s29] =	ssyncadd.s32 @!p0 $0xFFFFF000  }
0x6a: {  	[tilespmem:s4], [sflag:$0x4] =	stream.linear.gather [hbm4b:s31+s2], $0x400, $0x38;
	[tilespmem:$0x12010] =	vst v63  }
0x6b: {  	_ =	swait.ge [sflag:s5], $0x400  }
0x6c: {  	[sflag:s5] =	ssyncset.done $0x0  }
0x6d: {  	s30 =	rddreg [dreg:$0x8];
	[sflag:s5] =	ssyncadd.s32 $0xFFFFFC00  }
0x6e: {  	[tilespmem:s6], [sflag:$0x4] =	stream.linear.gather [hbm4b:s30+s2], $0x400, $0x38;
	[tilespmem:$0x12010] =	vst v63  }
0x6f: {  	_ =	swait.ge [sflag:s5], $0x400  }
0x70: {  	[sflag:s5] =	ssyncset.done $0x0  }
0x71: {  	[sflag:s5] =	ssyncadd.s32 $0xFFFFFC00  }
0x72: {  	_ =	swait.ge [sflag:s7], $0x800  }
0x73: {  	[sflag:s7] =	ssyncset.done $0x0  }
0x74: {  	[sflag:s7] =	ssyncadd.s32 $0xFFFFF800  }
0x75: {  	[bflag:$0x0] =	sbarrier.arrive $0xFFFF  }
0x76: {  	[tilespmem:s9], [sflag:$0x1] =	stream.indirect.gather [spmem:s1], $0x20, s2, s8, $0xb8;
	[tilespmem:$0x12010] =	vst v63  }
0x77: {  	s29 =	sld [smem:$0x7E0]  }
0x78: {  	[tilespmem:s10], [sflag:$0x1] =	stream.indirect.gather [spmem:s1], $0x20, s8, s8, $0xb8;
	[tilespmem:$0x12010] =	vst v63  }
0x79: {  	s31 =	sld [smem:$0x7E1]  }
0x7a: {  	[tilespmem:s11], [sflag:$0x1] =	stream.indirect.gather [spmem:s1], $0x20, s29, s8, $0xb8;
	[tilespmem:$0x12010] =	vst v63  }
0x7b: {  	s29 =	sld [smem:$0x7E2]  }
0x7c: {  	[tilespmem:s12], [sflag:$0x1] =	stream.indirect.gather [spmem:s1], $0x20, s31, s8, $0xb8;
	[tilespmem:$0x12010] =	vst v63  }
0x7d: {  	s31 =	sld [smem:$0x7E3]  }
0x7e: {  	[tilespmem:s13], [sflag:$0x1] =	stream.indirect.gather [spmem:s1], $0x20, s29, s8, $0xb8;
	[tilespmem:$0x12010] =	vst v63  }
0x7f: {  	s29 =	sld [smem:$0x7E4]  }
0x80: {  	[tilespmem:s14], [sflag:$0x1] =	stream.indirect.gather [spmem:s1], $0x20, s31, s8, $0xb8;
	[tilespmem:$0x12010] =	vst v63  }
0x81: {  	s31 =	sld [smem:$0x7E5]  }
0x82: {  	[tilespmem:s15], [sflag:$0x1] =	stream.indirect.gather [spmem:s1], $0x20, s29, s8, $0xb8;
	[tilespmem:$0x12010] =	vst v63  }
0x83: {  	s29 =	sld [smem:$0x7E6]  }
0x84: {  	[tilespmem:s16], [sflag:$0x1] =	stream.indirect.gather [spmem:s1], $0x20, s31, s8, $0xb8;
	[tilespmem:$0x12010] =	vst v63  }
0x85: {  	s31 =	sld [smem:$0x7E7]  }
0x86: {  	[tilespmem:s17], [sflag:$0x1] =	stream.indirect.gather [spmem:s1], $0x20, s29, s8, $0xb8;
	[tilespmem:$0x12010] =	vst v63  }
0x87: {  	s29 =	sld [smem:$0x7E8]  }
0x88: {  	[tilespmem:s18], [sflag:$0x1] =	stream.indirect.gather [spmem:s1], $0x20, s31, s8, $0xb8;
	[tilespmem:$0x12010] =	vst v63  }
0x89: {  	s31 =	sld [smem:$0x7E9]  }
0x8a: {  	[tilespmem:s19], [sflag:$0x1] =	stream.indirect.gather [spmem:s1], $0x20, s29, s8, $0xb8;
	[tilespmem:$0x12010] =	vst v63  }
0x8b: {  	s29 =	sld [smem:$0x7EA]  }
0x8c: {  	[tilespmem:s20], [sflag:$0x1] =	stream.indirect.gather [spmem:s1], $0x20, s31, s8, $0xb8;
	[tilespmem:$0x12010] =	vst v63  }
0x8d: {  	s31 =	sld [smem:$0x7EB]  }
0x8e: {  	[tilespmem:s21], [sflag:$0x1] =	stream.indirect.gather [spmem:s1], $0x20, s29, s8, $0xb8;
	[tilespmem:$0x12010] =	vst v63  }
0x8f: {  	s29 =	sld [smem:$0x7EC]  }
0x90: {  	[tilespmem:s22], [sflag:$0x1] =	stream.indirect.gather [spmem:s1], $0x20, s31, s8, $0xb8;
	[tilespmem:$0x12010] =	vst v63  }
0x91: {  	s31 =	sld [smem:$0x7ED]  }
0x92: {  	[tilespmem:s23], [sflag:$0x1] =	stream.indirect.gather [spmem:s1], $0x20, s29, s8, $0xb8;
	[tilespmem:$0x12010] =	vst v63  }
0x93: {  	_ = 	snop  }
0x94: {  	[tilespmem:s24], [sflag:$0x1] =	stream.indirect.gather [spmem:s1], $0x20, s31, s8, $0xb8;
	[tilespmem:$0x12010] =	vst v63  }
0x95: {  	v0 =	vld [tilespmem:$0x0];
	_ =	sdelay $0x5  }
0x96: {  	v1 =	vld [tilespmem:$0x10];
	_ =	sdelay $0x1  }
0x97: {  	v2 =	vld.idx.msk [tilespmem:v0+s4+$0x0], $0xffff;
	_ =	sdelay $0x3  }
0x98: {  	v3 =	vld [tilespmem:$0x20]  }
0x99: {  	[tilespmem:$0x11000] =	vst v2  }
0x9a: {  	v2 =	vld.idx.msk [tilespmem:v1+s4+$0x0], $0xffff;
	_ =	sdelay $0x3  }
0x9b: {  	v21 =	vld [tilespmem:$0x30]  }
0x9c: {  	v4 =	vld.idx.msk [tilespmem:v0+s6+$0x0], $0xffff;
	[tilespmem:$0x11010] =	vst v2  }
0x9d: {  	v2 =	vld.idx.msk [tilespmem:v3+s4+$0x0], $0xffff;
	_ =	sdelay $0x3  }
0x9e: {  	v22 =	vld [tilespmem:$0x40]  }
0x9f: {  	v5 =	vld.idx.msk [tilespmem:v1+s6+$0x0], $0xffff;
	[tilespmem:$0x11020] =	vst v2  }
0xa0: {  	v2 =	vld.idx.msk [tilespmem:v21+s4+$0x0], $0xffff;
	_ =	sdelay $0x3  }
0xa1: {  	v23 =	vld [tilespmem:$0x50]  }
0xa2: {  	v6 =	vld.idx.msk [tilespmem:v3+s6+$0x0], $0xffff;
	[tilespmem:$0x11030] =	vst v2  }
0xa3: {  	v2 =	vld.idx.msk [tilespmem:v22+s4+$0x0], $0xffff;
	_ =	sdelay $0x3  }
0xa4: {  	v24 =	vld [tilespmem:$0x60]  }
0xa5: {  	v7 =	vld.idx.msk [tilespmem:v21+s6+$0x0], $0xffff;
	[tilespmem:$0x11040] =	vst v2  }
0xa6: {  	v2 =	vld.idx.msk [tilespmem:v23+s4+$0x0], $0xffff;
	_ =	sdelay $0x3  }
0xa7: {  	v25 =	vld [tilespmem:$0x70]  }
0xa8: {  	v8 =	vld.idx.msk [tilespmem:v22+s6+$0x0], $0xffff;
	[tilespmem:$0x11050] =	vst v2  }
0xa9: {  	v2 =	vld.idx.msk [tilespmem:v24+s4+$0x0], $0xffff;
	_ =	sdelay $0x3  }
0xaa: {  	v26 =	vld [tilespmem:$0x80]  }
0xab: {  	v9 =	vld.idx.msk [tilespmem:v23+s6+$0x0], $0xffff;
	[tilespmem:$0x11060] =	vst v2  }
0xac: {  	v2 =	vld.idx.msk [tilespmem:v25+s4+$0x0], $0xffff;
	_ =	sdelay $0x3  }
0xad: {  	v27 =	vld [tilespmem:$0x90]  }
0xae: {  	v10 =	vld.idx.msk [tilespmem:v24+s6+$0x0], $0xffff;
	[tilespmem:$0x11070] =	vst v2  }
0xaf: {  	v2 =	vld.idx.msk [tilespmem:v26+s4+$0x0], $0xffff;
	_ =	sdelay $0x3  }
0xb0: {  	v28 =	vld [tilespmem:$0xA0]  }
0xb1: {  	v11 =	vld.idx.msk [tilespmem:v25+s6+$0x0], $0xffff;
	[tilespmem:$0x11080] =	vst v2  }
0xb2: {  	v2 =	vld.idx.msk [tilespmem:v27+s4+$0x0], $0xffff;
	_ =	sdelay $0x3  }
0xb3: {  	v29 =	vld [tilespmem:$0xB0]  }
0xb4: {  	v12 =	vld.idx.msk [tilespmem:v26+s6+$0x0], $0xffff;
	[tilespmem:$0x11090] =	vst v2  }
0xb5: {  	v2 =	vld.idx.msk [tilespmem:v28+s4+$0x0], $0xffff;
	_ =	sdelay $0x3  }
0xb6: {  	v30 =	vld [tilespmem:$0xC0]  }
0xb7: {  	v0 =	vld.idx.msk [tilespmem:v27+s6+$0x0], $0xffff;
	[tilespmem:$0x110A0] =	vst v2  }
0xb8: {  	v2 =	vld.idx.msk [tilespmem:v29+s4+$0x0], $0xffff;
	_ =	sdelay $0x3  }
0xb9: {  	v31 =	vld [tilespmem:$0xD0]  }
0xba: {  	v1 =	vld.idx.msk [tilespmem:v28+s6+$0x0], $0xffff;
	[tilespmem:$0x110B0] =	vst v2  }
0xbb: {  	v2 =	vld.idx.msk [tilespmem:v30+s4+$0x0], $0xffff;
	_ =	sdelay $0x3  }
0xbc: {  	v32 =	vld [tilespmem:$0xE0]  }
0xbd: {  	v3 =	vld.idx.msk [tilespmem:v29+s6+$0x0], $0xffff;
	[tilespmem:$0x110C0] =	vst v2  }
0xbe: {  	v2 =	vld.idx.msk [tilespmem:v31+s4+$0x0], $0xffff;
	_ =	sdelay $0x3  }
0xbf: {  	v33 =	vld [tilespmem:$0xF0];
	[tilespmem:$0x1FE10] =	vst v0  }
0xc0: {  	v0 =	vld.idx.msk [tilespmem:v30+s6+$0x0], $0xffff;
	[tilespmem:$0x110D0] =	vst v2  }
0xc1: {  	v2 =	vld.idx.msk [tilespmem:v32+s4+$0x0], $0xffff;
	_ =	sdelay $0x3  }
0xc2: {  	v34 =	vld [tilespmem:$0x100];
	[tilespmem:$0x1FE20] =	vst v1  }
0xc3: {  	v1 =	vld.idx.msk [tilespmem:v31+s6+$0x0], $0xffff;
	[tilespmem:$0x110E0] =	vst v2  }
0xc4: {  	v2 =	vld.idx.msk [tilespmem:v33+s4+$0x0], $0xffff;
	_ =	sdelay $0x3  }
0xc5: {  	v35 =	vld [tilespmem:$0x110];
	[tilespmem:$0x1FE30] =	vst v3  }
0xc6: {  	v3 =	vld.idx.msk [tilespmem:v32+s6+$0x0], $0xffff;
	[tilespmem:$0x110F0] =	vst v2  }
0xc7: {  	v2 =	vld.idx.msk [tilespmem:v34+s4+$0x0], $0xffff;
	_ =	sdelay $0x3  }
0xc8: {  	v36 =	vld [tilespmem:$0x120];
	[tilespmem:$0x1FE40] =	vst v0  }
0xc9: {  	v0 =	vld.idx.msk [tilespmem:v33+s6+$0x0], $0xffff;
	[tilespmem:$0x11100] =	vst v2  }
0xca: {  	v2 =	vld.idx.msk [tilespmem:v35+s4+$0x0], $0xffff;
	_ =	sdelay $0x3  }
0xcb: {  	v37 =	vld [tilespmem:$0x130];
	[tilespmem:$0x1FE50] =	vst v1  }
0xcc: {  	v1 =	vld.idx.msk [tilespmem:v34+s6+$0x0], $0xffff;
	[tilespmem:$0x11110] =	vst v2  }
0xcd: {  	v2 =	vld.idx.msk [tilespmem:v36+s4+$0x0], $0xffff;
	_ =	sdelay $0x3  }
0xce: {  	v38 =	vld [tilespmem:$0x140];
	[tilespmem:$0x1FE60] =	vst v3  }
0xcf: {  	v3 =	vld.idx.msk [tilespmem:v35+s6+$0x0], $0xffff;
	[tilespmem:$0x11120] =	vst v2  }
0xd0: {  	v2 =	vld.idx.msk [tilespmem:v37+s4+$0x0], $0xffff;
	_ =	sdelay $0x3  }
0xd1: {  	v39 =	vld [tilespmem:$0x150];
	[tilespmem:$0x1FE70] =	vst v0  }
0xd2: {  	v0 =	vld.idx.msk [tilespmem:v36+s6+$0x0], $0xffff;
	[tilespmem:$0x11130] =	vst v2  }
0xd3: {  	v2 =	vld.idx.msk [tilespmem:v38+s4+$0x0], $0xffff;
	_ =	sdelay $0x3  }
0xd4: {  	v40 =	vld [tilespmem:$0x160];
	[tilespmem:$0x1FE80] =	vst v1  }
0xd5: {  	v1 =	vld.idx.msk [tilespmem:v37+s6+$0x0], $0xffff;
	[tilespmem:$0x11140] =	vst v2  }
0xd6: {  	v2 =	vld.idx.msk [tilespmem:v39+s4+$0x0], $0xffff;
	_ =	sdelay $0x3  }
0xd7: {  	v41 =	vld [tilespmem:$0x170];
	[tilespmem:$0x1FE90] =	vst v3  }
0xd8: {  	v3 =	vld.idx.msk [tilespmem:v38+s6+$0x0], $0xffff;
	[tilespmem:$0x11150] =	vst v2  }
0xd9: {  	v2 =	vld.idx.msk [tilespmem:v40+s4+$0x0], $0xffff;
	_ =	sdelay $0x3  }
0xda: {  	v42 =	vld [tilespmem:$0x180];
	[tilespmem:$0x1FEA0] =	vst v0  }
0xdb: {  	v0 =	vld.idx.msk [tilespmem:v39+s6+$0x0], $0xffff;
	[tilespmem:$0x11160] =	vst v2  }
0xdc: {  	v2 =	vld.idx.msk [tilespmem:v41+s4+$0x0], $0xffff;
	_ =	sdelay $0x3  }
0xdd: {  	v43 =	vld [tilespmem:$0x190];
	[tilespmem:$0x1FEB0] =	vst v1  }
0xde: {  	v1 =	vld.idx.msk [tilespmem:v40+s6+$0x0], $0xffff;
	[tilespmem:$0x11170] =	vst v2  }
0xdf: {  	v2 =	vld.idx.msk [tilespmem:v42+s4+$0x0], $0xffff;
	_ =	sdelay $0x3  }
0xe0: {  	v44 =	vld [tilespmem:$0x1A0];
	[tilespmem:$0x1FEC0] =	vst v3  }
0xe1: {  	v3 =	vld.idx.msk [tilespmem:v41+s6+$0x0], $0xffff;
	[tilespmem:$0x11180] =	vst v2  }
0xe2: {  	v2 =	vld.idx.msk [tilespmem:v43+s4+$0x0], $0xffff;
	_ =	sdelay $0x3  }
0xe3: {  	v45 =	vld [tilespmem:$0x1B0];
	[tilespmem:$0x1FED0] =	vst v0  }
0xe4: {  	v0 =	vld.idx.msk [tilespmem:v42+s6+$0x0], $0xffff;
	[tilespmem:$0x11190] =	vst v2  }
0xe5: {  	v2 =	vld.idx.msk [tilespmem:v44+s4+$0x0], $0xffff;
	_ =	sdelay $0x3  }
0xe6: {  	v46 =	vld [tilespmem:$0x1C0];
	[tilespmem:$0x1FEE0] =	vst v1  }
0xe7: {  	v1 =	vld.idx.msk [tilespmem:v43+s6+$0x0], $0xffff;
	[tilespmem:$0x111A0] =	vst v2  }
0xe8: {  	v2 =	vld.idx.msk [tilespmem:v45+s4+$0x0], $0xffff;
	_ =	sdelay $0x3  }
0xe9: {  	v47 =	vld [tilespmem:$0x1D0];
	[tilespmem:$0x1FEF0] =	vst v3  }
0xea: {  	v3 =	vld.idx.msk [tilespmem:v44+s6+$0x0], $0xffff;
	[tilespmem:$0x111B0] =	vst v2  }
0xeb: {  	v2 =	vld.idx.msk [tilespmem:v46+s4+$0x0], $0xffff;
	_ =	sdelay $0x3  }
0xec: {  	v48 =	vld [tilespmem:$0x1E0];
	[tilespmem:$0x1FF00] =	vst v0  }
0xed: {  	v0 =	vld.idx.msk [tilespmem:v45+s6+$0x0], $0xffff;
	[tilespmem:$0x111C0] =	vst v2  }
0xee: {  	v2 =	vld.idx.msk [tilespmem:v47+s4+$0x0], $0xffff;
	_ =	sdelay $0x3  }
0xef: {  	v49 =	vld [tilespmem:$0x1F0];
	[tilespmem:$0x1FF10] =	vst v1  }
0xf0: {  	v1 =	vld.idx.msk [tilespmem:v46+s6+$0x0], $0xffff;
	[tilespmem:$0x111D0] =	vst v2  }
0xf1: {  	v2 =	vld.idx.msk [tilespmem:v48+s4+$0x0], $0xffff;
	_ =	sdelay $0x3  }
0xf2: {  	v50 =	vld [tilespmem:$0x200];
	[tilespmem:$0x1FF20] =	vst v3  }
0xf3: {  	v3 =	vld.idx.msk [tilespmem:v47+s6+$0x0], $0xffff;
	[tilespmem:$0x111E0] =	vst v2  }
0xf4: {  	v2 =	vld.idx.msk [tilespmem:v49+s4+$0x0], $0xffff;
	_ =	sdelay $0x3  }
0xf5: {  	v51 =	vld [tilespmem:$0x210];
	[tilespmem:$0x1FF30] =	vst v0  }
0xf6: {  	v0 =	vld.idx.msk [tilespmem:v48+s6+$0x0], $0xffff;
	[tilespmem:$0x111F0] =	vst v2  }
0xf7: {  	v2 =	vld.idx.msk [tilespmem:v50+s4+$0x0], $0xffff;
	_ =	sdelay $0x3  }
0xf8: {  	v52 =	vld [tilespmem:$0x220];
	[tilespmem:$0x1FF40] =	vst v1  }
0xf9: {  	v1 =	vld.idx.msk [tilespmem:v49+s6+$0x0], $0xffff;
	[tilespmem:$0x11200] =	vst v2  }
0xfa: {  	v2 =	vld.idx.msk [tilespmem:v51+s4+$0x0], $0xffff;
	_ =	sdelay $0x3  }
0xfb: {  	v53 =	vld [tilespmem:$0x230];
	[tilespmem:$0x1FF50] =	vst v3  }
0xfc: {  	v3 =	vld.idx.msk [tilespmem:v50+s6+$0x0], $0xffff;
	[tilespmem:$0x11210] =	vst v2  }
0xfd: {  	v2 =	vld.idx.msk [tilespmem:v52+s4+$0x0], $0xffff;
	_ =	sdelay $0x3  }
0xfe: {  	v54 =	vld [tilespmem:$0x240];
	[tilespmem:$0x1FF60] =	vst v0  }
0xff: {  	v0 =	vld.idx.msk [tilespmem:v51+s6+$0x0], $0xffff;
	[tilespmem:$0x11220] =	vst v2  }
0x100: {  	v2 =	vld.idx.msk [tilespmem:v53+s4+$0x0], $0xffff;
	_ =	sdelay $0x3  }
0x101: {  	v55 =	vld [tilespmem:$0x250];
	[tilespmem:$0x1FF70] =	vst v1  }
0x102: {  	v1 =	vld.idx.msk [tilespmem:v52+s6+$0x0], $0xffff;
	[tilespmem:$0x11230] =	vst v2  }
0x103: {  	v2 =	vld.idx.msk [tilespmem:v54+s4+$0x0], $0xffff;
	_ =	sdelay $0x3  }
0x104: {  	v56 =	vld [tilespmem:$0x260];
	[tilespmem:$0x1FF80] =	vst v3  }
0x105: {  	v3 =	vld.idx.msk [tilespmem:v53+s6+$0x0], $0xffff;
	[tilespmem:$0x11240] =	vst v2  }
0x106: {  	v2 =	vld.idx.msk [tilespmem:v55+s4+$0x0], $0xffff;
	_ =	sdelay $0x3  }
0x107: {  	v57 =	vld [tilespmem:$0x270];
	[tilespmem:$0x1FF90] =	vst v0  }
0x108: {  	v0 =	vld.idx.msk [tilespmem:v54+s6+$0x0], $0xffff;
	[tilespmem:$0x11250] =	vst v2  }
0x109: {  	v2 =	vld.idx.msk [tilespmem:v56+s4+$0x0], $0xffff;
	_ =	sdelay $0x3  }
0x10a: {  	v58 =	vld [tilespmem:$0x280];
	[tilespmem:$0x1FFA0] =	vst v1  }
0x10b: {  	v1 =	vld.idx.msk [tilespmem:v55+s6+$0x0], $0xffff;
	[tilespmem:$0x11260] =	vst v2  }
0x10c: {  	v2 =	vld.idx.msk [tilespmem:v57+s4+$0x0], $0xffff;
	_ =	sdelay $0x3  }
0x10d: {  	v59 =	vld [tilespmem:$0x290];
	[tilespmem:$0x1FFB0] =	vst v3  }
0x10e: {  	v3 =	vld.idx.msk [tilespmem:v56+s6+$0x0], $0xffff;
	[tilespmem:$0x11270] =	vst v2  }
0x10f: {  	v2 =	vld.idx.msk [tilespmem:v58+s4+$0x0], $0xffff;
	_ =	sdelay $0x3  }
0x110: {  	v60 =	vld [tilespmem:$0x2A0];
	[tilespmem:$0x1FFC0] =	vst v0  }
0x111: {  	v0 =	vld.idx.msk [tilespmem:v57+s6+$0x0], $0xffff;
	[tilespmem:$0x11280] =	vst v2  }
0x112: {  	v2 =	vld.idx.msk [tilespmem:v59+s4+$0x0], $0xffff;
	_ =	sdelay $0x3  }
0x113: {  	v61 =	vld [tilespmem:$0x2B0]  }
0x114: {  	v35 =	vld.idx.msk [tilespmem:v58+s6+$0x0], $0xffff;
	[tilespmem:$0x11290] =	vst v2  }
0x115: {  	v2 =	vld.idx.msk [tilespmem:v60+s4+$0x0], $0xffff;
	_ =	sdelay $0x3  }
0x116: {  	v62 =	vld [tilespmem:$0x2C0]  }
0x117: {  	v41 =	vld.idx.msk [tilespmem:v59+s6+$0x0], $0xffff;
	[tilespmem:$0x112A0] =	vst v2  }
0x118: {  	v2 =	vld.idx.msk [tilespmem:v61+s4+$0x0], $0xffff;
	_ =	sdelay $0x3  }
0x119: {  	v63 =	vld [tilespmem:$0x2D0]  }
0x11a: {  	v42 =	vld.idx.msk [tilespmem:v60+s6+$0x0], $0xffff;
	[tilespmem:$0x112B0] =	vst v2  }
0x11b: {  	v2 =	vld.idx.msk [tilespmem:v62+s4+$0x0], $0xffff;
	_ =	sdelay $0x3  }
0x11c: {  	v13 =	vld [tilespmem:$0x2E0]  }
0x11d: {  	v43 =	vld.idx.msk [tilespmem:v61+s6+$0x0], $0xffff;
	[tilespmem:$0x112C0] =	vst v2  }
0x11e: {  	v2 =	vld.idx.msk [tilespmem:v63+s4+$0x0], $0xffff;
	_ =	sdelay $0x3  }
0x11f: {  	v14 =	vld [tilespmem:$0x2F0]  }
0x120: {  	v44 =	vld.idx.msk [tilespmem:v62+s6+$0x0], $0xffff;
	[tilespmem:$0x112D0] =	vst v2  }
0x121: {  	v2 =	vld.idx.msk [tilespmem:v13+s4+$0x0], $0xffff;
	_ =	sdelay $0x3  }
0x122: {  	v15 =	vld [tilespmem:$0x300]  }
0x123: {  	v45 =	vld.idx.msk [tilespmem:v63+s6+$0x0], $0xffff;
	[tilespmem:$0x112E0] =	vst v2  }
0x124: {  	v2 =	vld.idx.msk [tilespmem:v14+s4+$0x0], $0xffff;
	_ =	sdelay $0x3  }
0x125: {  	v17 =	vld [tilespmem:$0x310]  }
0x126: {  	v47 =	vld.idx.msk [tilespmem:v13+s6+$0x0], $0xffff;
	[tilespmem:$0x112F0] =	vst v2  }
0x127: {  	v16 =	vld.idx.msk [tilespmem:v15+s4+$0x0], $0xffff;
	_ =	sdelay $0x3  }
0x128: {  	v18 =	vld [tilespmem:$0x320]  }
0x129: {  	v46 =	vld.idx.msk [tilespmem:v14+s6+$0x0], $0xffff;
	[tilespmem:$0x11300] =	vst v16  }
0x12a: {  	[tilespmem:$0x1FFD0] =	vst v1;
	v1 =	vld.idx.msk [tilespmem:v17+s4+$0x0], $0xffff;
	_ =	sdelay $0x3  }
0x12b: {  	v19 =	vld [tilespmem:$0x330]  }
0x12c: {  	v48 =	vld.idx.msk [tilespmem:v15+s6+$0x0], $0xffff;
	[tilespmem:$0x11310] =	vst v1  }
0x12d: {  	v1 =	vld.idx.msk [tilespmem:v18+s4+$0x0], $0xffff;
	_ =	sdelay $0x3  }
0x12e: {  	v20 =	vld [tilespmem:$0x340]  }
0x12f: {  	v49 =	vld.idx.msk [tilespmem:v17+s6+$0x0], $0xffff;
	[tilespmem:$0x11320] =	vst v1  }
0x130: {  	v1 =	vld.idx.msk [tilespmem:v19+s4+$0x0], $0xffff;
	_ =	sdelay $0x3  }
0x131: {  	v21 =	vld [tilespmem:$0x350]  }
0x132: {  	v50 =	vld.idx.msk [tilespmem:v18+s6+$0x0], $0xffff;
	[tilespmem:$0x11330] =	vst v1  }
0x133: {  	v1 =	vld.idx.msk [tilespmem:v20+s4+$0x0], $0xffff;
	_ =	sdelay $0x3  }
0x134: {  	v22 =	vld [tilespmem:$0x360]  }
0x135: {  	v51 =	vld.idx.msk [tilespmem:v19+s6+$0x0], $0xffff;
	[tilespmem:$0x11340] =	vst v1  }
0x136: {  	v1 =	vld.idx.msk [tilespmem:v21+s4+$0x0], $0xffff;
	_ =	sdelay $0x3  }
0x137: {  	v23 =	vld [tilespmem:$0x370]  }
0x138: {  	v52 =	vld.idx.msk [tilespmem:v20+s6+$0x0], $0xffff;
	[tilespmem:$0x11350] =	vst v1  }
0x139: {  	v1 =	vld.idx.msk [tilespmem:v22+s4+$0x0], $0xffff;
	_ =	sdelay $0x3  }
0x13a: {  	v24 =	vld [tilespmem:$0x380]  }
0x13b: {  	v53 =	vld.idx.msk [tilespmem:v21+s6+$0x0], $0xffff;
	[tilespmem:$0x11360] =	vst v1  }
0x13c: {  	v1 =	vld.idx.msk [tilespmem:v23+s4+$0x0], $0xffff;
	_ =	sdelay $0x2  }
0x13d: {  	[tilespmem:$0x1FFE0] =	vst v3  }
0x13e: {  	v25 =	vld [tilespmem:$0x390];
	[tilespmem:$0x1FFF0] =	vst v0  }
0x13f: {  	v54 =	vld.idx.msk [tilespmem:v22+s6+$0x0], $0xffff;
	[tilespmem:$0x11370] =	vst v1  }
0x140: {  	v1 =	vld.idx.msk [tilespmem:v24+s4+$0x0], $0xffff;
	_ =	sdelay $0x3  }
0x141: {  	v26 =	vld [tilespmem:$0x3A0]  }
0x142: {  	v55 =	vld.idx.msk [tilespmem:v23+s6+$0x0], $0xffff;
	[tilespmem:$0x11380] =	vst v1  }
0x143: {  	v1 =	vld.idx.msk [tilespmem:v25+s4+$0x0], $0xffff;
	_ =	sdelay $0x3  }
0x144: {  	v27 =	vld [tilespmem:$0x3B0]  }
0x145: {  	v56 =	vld.idx.msk [tilespmem:v24+s6+$0x0], $0xffff;
	[tilespmem:$0x11390] =	vst v1  }
0x146: {  	v1 =	vld.idx.msk [tilespmem:v26+s4+$0x0], $0xffff;
	_ =	sdelay $0x3  }
0x147: {  	v28 =	vld [tilespmem:$0x3C0]  }
0x148: {  	v57 =	vld.idx.msk [tilespmem:v25+s6+$0x0], $0xffff;
	[tilespmem:$0x113A0] =	vst v1  }
0x149: {  	v1 =	vld.idx.msk [tilespmem:v27+s4+$0x0], $0xffff;
	_ =	sdelay $0x3  }
0x14a: {  	v29 =	vld [tilespmem:$0x3D0]  }
0x14b: {  	v58 =	vld.idx.msk [tilespmem:v26+s6+$0x0], $0xffff;
	[tilespmem:$0x113B0] =	vst v1  }
0x14c: {  	v1 =	vld.idx.msk [tilespmem:v28+s4+$0x0], $0xffff;
	_ =	sdelay $0x3  }
0x14d: {  	v30 =	vld [tilespmem:$0x3E0]  }
0x14e: {  	v59 =	vld.idx.msk [tilespmem:v27+s6+$0x0], $0xffff;
	[tilespmem:$0x113C0] =	vst v1  }
0x14f: {  	v1 =	vld.idx.msk [tilespmem:v29+s4+$0x0], $0xffff;
	_ =	sdelay $0x3  }
0x150: {  	v31 =	vld [tilespmem:$0x3F0]  }
0x151: {  	v60 =	vld.idx.msk [tilespmem:v28+s6+$0x0], $0xffff;
	[tilespmem:$0x113D0] =	vst v1  }
0x152: {  	v1 =	vld.idx.msk [tilespmem:v30+s4+$0x0], $0xffff;
	_ =	sdelay $0x3  }
0x153: {  	v32 =	vld [tilespmem:$0x400]  }
0x154: {  	v61 =	vld.idx.msk [tilespmem:v29+s6+$0x0], $0xffff;
	[tilespmem:$0x113E0] =	vst v1  }
0x155: {  	v1 =	vld.idx.msk [tilespmem:v31+s4+$0x0], $0xffff;
	_ =	sdelay $0x3  }
0x156: {  	v33 =	vld [tilespmem:$0x410]  }
0x157: {  	v62 =	vld.idx.msk [tilespmem:v30+s6+$0x0], $0xffff;
	[tilespmem:$0x113F0] =	vst v1  }
0x158: {  	v1 =	vld.idx.msk [tilespmem:v32+s4+$0x0], $0xffff;
	_ =	sdelay $0x3  }
0x159: {  	v34 =	vld [tilespmem:$0x420]  }
0x15a: {  	v63 =	vld.idx.msk [tilespmem:v31+s6+$0x0], $0xffff;
	[tilespmem:$0x11400] =	vst v1  }
0x15b: {  	v1 =	vld.idx.msk [tilespmem:v33+s4+$0x0], $0xffff;
	_ =	sdelay $0x3  }
0x15c: {  	v13 =	vld [tilespmem:$0x430]  }
0x15d: {  	v40 =	vld.idx.msk [tilespmem:v32+s6+$0x0], $0xffff;
	[tilespmem:$0x11410] =	vst v1  }
0x15e: {  	v1 =	vld.idx.msk [tilespmem:v34+s4+$0x0], $0xffff;
	_ =	sdelay $0x3  }
0x15f: {  	v14 =	vld [tilespmem:$0x440]  }
0x160: {  	v39 =	vld.idx.msk [tilespmem:v33+s6+$0x0], $0xffff;
	[tilespmem:$0x11420] =	vst v1  }
0x161: {  	v1 =	vld.idx.msk [tilespmem:v13+s4+$0x0], $0xffff;
	_ =	sdelay $0x3  }
0x162: {  	v15 =	vld [tilespmem:$0x450]  }
0x163: {  	v38 =	vld.idx.msk [tilespmem:v34+s6+$0x0], $0xffff;
	[tilespmem:$0x11430] =	vst v1  }
0x164: {  	v1 =	vld.idx.msk [tilespmem:v14+s4+$0x0], $0xffff;
	_ =	sdelay $0x3  }
0x165: {  	v16 =	vld [tilespmem:$0x460]  }
0x166: {  	v37 =	vld.idx.msk [tilespmem:v13+s6+$0x0], $0xffff;
	[tilespmem:$0x11440] =	vst v1  }
0x167: {  	v1 =	vld.idx.msk [tilespmem:v15+s4+$0x0], $0xffff;
	_ =	sdelay $0x3  }
0x168: {  	v17 =	vld [tilespmem:$0x470]  }
0x169: {  	v36 =	vld.idx.msk [tilespmem:v14+s6+$0x0], $0xffff;
	[tilespmem:$0x11450] =	vst v1  }
0x16a: {  	v1 =	vld.idx.msk [tilespmem:v16+s4+$0x0], $0xffff;
	_ =	sdelay $0x3  }
0x16b: {  	v18 =	vld [tilespmem:$0x480]  }
0x16c: {  	v31 =	vld.idx.msk [tilespmem:v15+s6+$0x0], $0xffff;
	[tilespmem:$0x11460] =	vst v1  }
0x16d: {  	v1 =	vld.idx.msk [tilespmem:v17+s4+$0x0], $0xffff;
	_ =	sdelay $0x3  }
0x16e: {  	v19 =	vld [tilespmem:$0x490]  }
0x16f: {  	v30 =	vld.idx.msk [tilespmem:v16+s6+$0x0], $0xffff;
	[tilespmem:$0x11470] =	vst v1  }
0x170: {  	v1 =	vld.idx.msk [tilespmem:v18+s4+$0x0], $0xffff;
	_ =	sdelay $0x3  }
0x171: {  	v20 =	vld [tilespmem:$0x4A0]  }
0x172: {  	v29 =	vld.idx.msk [tilespmem:v17+s6+$0x0], $0xffff;
	[tilespmem:$0x11480] =	vst v1  }
0x173: {  	v1 =	vld.idx.msk [tilespmem:v19+s4+$0x0], $0xffff;
	_ =	sdelay $0x3  }
0x174: {  	v21 =	vld [tilespmem:$0x4B0]  }
0x175: {  	v28 =	vld.idx.msk [tilespmem:v18+s6+$0x0], $0xffff;
	[tilespmem:$0x11490] =	vst v1  }
0x176: {  	v1 =	vld.idx.msk [tilespmem:v20+s4+$0x0], $0xffff;
	_ =	sdelay $0x3  }
0x177: {  	v22 =	vld [tilespmem:$0x4C0]  }
0x178: {  	v27 =	vld.idx.msk [tilespmem:v19+s6+$0x0], $0xffff;
	[tilespmem:$0x114A0] =	vst v1  }
0x179: {  	v1 =	vld.idx.msk [tilespmem:v21+s4+$0x0], $0xffff;
	_ =	sdelay $0x3  }
0x17a: {  	v23 =	vld [tilespmem:$0x4D0]  }
0x17b: {  	v26 =	vld.idx.msk [tilespmem:v20+s6+$0x0], $0xffff;
	[tilespmem:$0x114B0] =	vst v1  }
0x17c: {  	v1 =	vld.idx.msk [tilespmem:v22+s4+$0x0], $0xffff;
	_ =	sdelay $0x3  }
0x17d: {  	v32 =	vld [tilespmem:$0x4E0]  }
0x17e: {  	v25 =	vld.idx.msk [tilespmem:v21+s6+$0x0], $0xffff;
	[tilespmem:$0x114C0] =	vst v1  }
0x17f: {  	v1 =	vld.idx.msk [tilespmem:v23+s4+$0x0], $0xffff;
	_ =	sdelay $0x3  }
0x180: {  	v33 =	vld [tilespmem:$0x4F0]  }
0x181: {  	v24 =	vld.idx.msk [tilespmem:v22+s6+$0x0], $0xffff;
	[tilespmem:$0x114D0] =	vst v1  }
0x182: {  	v1 =	vld.idx.msk [tilespmem:v32+s4+$0x0], $0xffff;
	_ =	sdelay $0x3  }
0x183: {  	v34 =	vld [tilespmem:$0x500]  }
0x184: {  	v23 =	vld.idx.msk [tilespmem:v23+s6+$0x0], $0xffff;
	[tilespmem:$0x114E0] =	vst v1  }
0x185: {  	v1 =	vld.idx.msk [tilespmem:v33+s4+$0x0], $0xffff;
	_ =	sdelay $0x3  }
0x186: {  	v13 =	vld [tilespmem:$0x510]  }
0x187: {  	v22 =	vld.idx.msk [tilespmem:v32+s6+$0x0], $0xffff;
	[tilespmem:$0x114F0] =	vst v1  }
0x188: {  	v1 =	vld.idx.msk [tilespmem:v34+s4+$0x0], $0xffff;
	_ =	sdelay $0x3  }
0x189: {  	v14 =	vld [tilespmem:$0x520]  }
0x18a: {  	v21 =	vld.idx.msk [tilespmem:v33+s6+$0x0], $0xffff;
	[tilespmem:$0x11500] =	vst v1  }
0x18b: {  	v1 =	vld.idx.msk [tilespmem:v13+s4+$0x0], $0xffff;
	_ =	sdelay $0x3  }
0x18c: {  	v15 =	vld [tilespmem:$0x530]  }
0x18d: {  	v20 =	vld.idx.msk [tilespmem:v34+s6+$0x0], $0xffff;
	[tilespmem:$0x11510] =	vst v1  }
0x18e: {  	v1 =	vld.idx.msk [tilespmem:v14+s4+$0x0], $0xffff;
	_ =	sdelay $0x3  }
0x18f: {  	v32 =	vld [tilespmem:$0x540]  }
0x190: {  	v19 =	vld.idx.msk [tilespmem:v13+s6+$0x0], $0xffff;
	[tilespmem:$0x11520] =	vst v1  }
0x191: {  	v1 =	vld.idx.msk [tilespmem:v15+s4+$0x0], $0xffff;
	_ =	sdelay $0x3  }
0x192: {  	v33 =	vld [tilespmem:$0x550]  }
0x193: {  	v18 =	vld.idx.msk [tilespmem:v14+s6+$0x0], $0xffff;
	[tilespmem:$0x11530] =	vst v1  }
0x194: {  	v1 =	vld.idx.msk [tilespmem:v32+s4+$0x0], $0xffff;
	_ =	sdelay $0x3  }
0x195: {  	v34 =	vld [tilespmem:$0x560]  }
0x196: {  	v17 =	vld.idx.msk [tilespmem:v15+s6+$0x0], $0xffff;
	[tilespmem:$0x11540] =	vst v1  }
0x197: {  	v1 =	vld.idx.msk [tilespmem:v33+s4+$0x0], $0xffff;
	_ =	sdelay $0x2  }
0x198: {  	v16 =	vld.idx.msk [tilespmem:v32+s6+$0x0], $0xffff  }
0x199: {  	v32 =	vld [tilespmem:$0x570]  }
0x19a: {  	[tilespmem:$0x11550] =	vst v1  }
0x19b: {  	v4 =	vadd.f32 $0.0e+00, v4;
	v1 =	vld.idx.msk [tilespmem:v34+s4+$0x0], $0xffff;
	_ =	sdelay $0x1  }
0x19c: {  	v4 =	vadd.f32 v5, v4  }
0x19d: {  	v15 =	vld.idx.msk [tilespmem:v33+s6+$0x0], $0xffff  }
0x19e: {  	v4 =	vadd.f32 v6, v4;
	v33 =	vld [tilespmem:$0x580]  }
0x19f: {  	[tilespmem:$0x11560] =	vst v1  }
0x1a0: {  	v4 =	vadd.f32 v7, v4;
	v1 =	vld.idx.msk [tilespmem:v32+s4+$0x0], $0xffff;
	_ =	sdelay $0x1  }
0x1a1: {  	v4 =	vadd.f32 v8, v4  }
0x1a2: {  	v14 =	vld.idx.msk [tilespmem:v34+s6+$0x0], $0xffff  }
0x1a3: {  	v4 =	vadd.f32 v9, v4;
	v34 =	vld [tilespmem:$0x590]  }
0x1a4: {  	[tilespmem:$0x11570] =	vst v1  }
0x1a5: {  	v4 =	vadd.f32 v10, v4;
	v1 =	vld.idx.msk [tilespmem:v33+s4+$0x0], $0xffff  }
0x1a6: {  	v9 =	vld [tilespmem:$0x1FE10]  }
0x1a7: {  	v4 =	vadd.f32 v11, v4;
	v0 =	vld [tilespmem:$0x5A0]  }
0x1a8: {  	v10 =	vld [tilespmem:$0x1FE20]  }
0x1a9: {  	v4 =	vadd.f32 v12, v4;
	v11 =	vld [tilespmem:$0x1FE30]  }
0x1aa: {  	v13 =	vld.idx.msk [tilespmem:v32+s6+$0x0], $0xffff;
	[tilespmem:$0x11580] =	vst v1  }
0x1ab: {  	v4 =	vadd.f32 v9, v4;
	v1 =	vld.idx.msk [tilespmem:v34+s4+$0x0], $0xffff  }
0x1ac: {  	v32 =	vld [tilespmem:$0x1FE40]  }
0x1ad: {  	v4 =	vadd.f32 v10, v4;
	v12 =	vld.idx.msk [tilespmem:v33+s6+$0x0], $0xffff  }
0x1ae: {  	v33 =	vld [tilespmem:$0x1FE50]  }
0x1af: {  	v2 =	vld [tilespmem:$0x5B0];
	v4 =	vadd.f32 v11, v4  }
0x1b0: {  	v6 =	vld [tilespmem:$0x1FE60];
	[tilespmem:$0x11590] =	vst v1  }
0x1b1: {  	v4 =	vadd.f32 v32, v4;
	v1 =	vld.idx.msk [tilespmem:v0+s4+$0x0], $0xffff  }
0x1b2: {  	v7 =	vld [tilespmem:$0x1FE70]  }
0x1b3: {  	v4 =	vadd.f32 v33, v4  }
0x1b4: {  	v8 =	vld [tilespmem:$0x1FE80]  }
0x1b5: {  	v9 =	vld [tilespmem:$0x1FE90];
	v4 =	vadd.f32 v6, v4  }
0x1b6: {  	v11 =	vld.idx.msk [tilespmem:v34+s6+$0x0], $0xffff;
	[tilespmem:$0x115A0] =	vst v1  }
0x1b7: {  	v4 =	vadd.f32 v7, v4;
	v34 =	vld.idx.msk [tilespmem:v2+s4+$0x0], $0xffff  }
0x1b8: {  	v32 =	vld [tilespmem:$0x1FEA0]  }
0x1b9: {  	v4 =	vadd.f32 v8, v4  }
0x1ba: {  	v33 =	vld [tilespmem:$0x1FEB0]  }
0x1bb: {  	v10 =	vld.idx.msk [tilespmem:v0+s6+$0x0], $0xffff;
	v4 =	vadd.f32 v9, v4  }
0x1bc: {  	[tilespmem:$0x115B0] =	vst v34;
	v34 =	vld [tilespmem:$0x1FEC0]  }
0x1bd: {  	v0 =	vadd.f32 v32, v4  }
0x1be: {  	v8 =	vld [tilespmem:$0x1FED0]  }
0x1bf: {  	v0 =	vadd.f32 v33, v0  }
0x1c0: {  	v32 =	vld [tilespmem:$0x1FEE0]  }
0x1c1: {  	v3 =	vld [tilespmem:$0x5C0];
	v0 =	vadd.f32 v34, v0  }
0x1c2: {  	v33 =	vld [tilespmem:$0x1FEF0]  }
0x1c3: {  	v0 =	vadd.f32 v8, v0  }
0x1c4: {  	v34 =	vld [tilespmem:$0x1FF00]  }
0x1c5: {  	v0 =	vadd.f32 v32, v0  }
0x1c6: {  	v32 =	vld [tilespmem:$0x1FF10]  }
0x1c7: {  	v1 =	vld [tilespmem:$0x5D0];
	v0 =	vadd.f32 v33, v0  }
0x1c8: {  	v33 =	vld [tilespmem:$0x1FF20]  }
0x1c9: {  	v5 =	vld.idx.msk [tilespmem:v3+s4+$0x0], $0xffff;
	v0 =	vadd.f32 v34, v0  }
0x1ca: {  	v34 =	vld [tilespmem:$0x1FF30]  }
0x1cb: {  	v9 =	vld.idx.msk [tilespmem:v2+s6+$0x0], $0xffff;
	v0 =	vadd.f32 v32, v0  }
0x1cc: {  	v32 =	vld [tilespmem:$0x1FF40]  }
0x1cd: {  	v2 =	vld [tilespmem:$0x5E0];
	v0 =	vadd.f32 v33, v0  }
0x1ce: {  	[tilespmem:$0x115C0] =	vst v5;
	v33 =	vld [tilespmem:$0x1FF50]  }
0x1cf: {  	v5 =	vld.idx.msk [tilespmem:v1+s4+$0x0], $0xffff;
	v0 =	vadd.f32 v34, v0  }
0x1d0: {  	v34 =	vld [tilespmem:$0x1FF60]  }
0x1d1: {  	v0 =	vadd.f32 v32, v0  }
0x1d2: {  	v32 =	vld [tilespmem:$0x1FF70]  }
0x1d3: {  	v0 =	vadd.f32 v33, v0  }
0x1d4: {  	v8 =	vld.idx.msk [tilespmem:v3+s6+$0x0], $0xffff  }
0x1d5: {  	v3 =	vld [tilespmem:$0x5F0];
	[tilespmem:$0x115D0] =	vst v5;
	v0 =	vadd.f32 v34, v0  }
0x1d6: {  	v4 =	vld.idx.msk [tilespmem:v2+s4+$0x0], $0xffff  }
0x1d7: {  	v0 =	vadd.f32 v32, v0;
	v32 =	vld [tilespmem:$0x1FF80];
	_ =	sdelay $0x2  }
0x1d8: {  	v7 =	vld.idx.msk [tilespmem:v1+s6+$0x0], $0xffff  }
0x1d9: {  	v1 =	vld [tilespmem:$0x600]  }
0x1da: {  	[tilespmem:$0x115E0] =	vst v4;
	v0 =	vadd.f32 v32, v0;
	v32 =	vld [tilespmem:$0x1FF90]  }
0x1db: {  	v4 =	vld.idx.msk [tilespmem:v3+s4+$0x0], $0xffff  }
0x1dc: {  	v33 =	vld [tilespmem:$0x1FFA0];
	_ =	sdelay $0x2  }
0x1dd: {  	v6 =	vld.idx.msk [tilespmem:v2+s6+$0x0], $0xffff;
	v0 =	vadd.f32 v32, v0  }
0x1de: {  	v2 =	vld [tilespmem:$0x610]  }
0x1df: {  	[tilespmem:$0x115F0] =	vst v4;
	v0 =	vadd.f32 v33, v0;
	v33 =	vld [tilespmem:$0x1FFB0]  }
0x1e0: {  	v4 =	vld.idx.msk [tilespmem:v1+s4+$0x0], $0xffff;
	_ =	sdelay $0x1  }
0x1e1: {  	v5 =	vld.idx.msk [tilespmem:v3+s6+$0x0], $0xffff  }
0x1e2: {  	v3 =	vld [tilespmem:$0x620]  }
0x1e3: {  	v0 =	vadd.f32 v33, v0;
	v33 =	vld [tilespmem:$0x1FFC0]  }
0x1e4: {  	v34 =	vld [tilespmem:$0x1FFD0];
	[tilespmem:$0x11600] =	vst v4  }
0x1e5: {  	v4 =	vld.idx.msk [tilespmem:v2+s4+$0x0], $0xffff;
	_ =	sdelay $0x2  }
0x1e6: {  	v32 =	vld.idx.msk [tilespmem:v1+s6+$0x0], $0xffff;
	v0 =	vadd.f32 v33, v0  }
0x1e7: {  	v1 =	vld [tilespmem:$0x630]  }
0x1e8: {  	[tilespmem:$0x11610] =	vst v4;
	v0 =	vadd.f32 v34, v0;
	v34 =	vld [tilespmem:$0x1FFE0]  }
0x1e9: {  	v4 =	vld.idx.msk [tilespmem:v3+s4+$0x0], $0xffff;
	_ =	sdelay $0x1  }
0x1ea: {  	v33 =	vld.idx.msk [tilespmem:v2+s6+$0x0], $0xffff  }
0x1eb: {  	v2 =	vld [tilespmem:$0x640]  }
0x1ec: {  	v0 =	vadd.f32 v34, v0;
	v34 =	vld [tilespmem:$0x1FFF0]  }
0x1ed: {  	[tilespmem:$0x11620] =	vst v4  }
0x1ee: {  	v4 =	vld.idx.msk [tilespmem:v1+s4+$0x0], $0xffff;
	_ =	sdelay $0x2  }
0x1ef: {  	v0 =	vadd.f32 v34, v0;
	v34 =	vld.idx.msk [tilespmem:v3+s6+$0x0], $0xffff  }
0x1f0: {  	v3 =	vld [tilespmem:$0x650]  }
0x1f1: {  	[tilespmem:$0x11630] =	vst v4;
	v0 =	vadd.f32 v35, v0  }
0x1f2: {  	v4 =	vld.idx.msk [tilespmem:v2+s4+$0x0], $0xffff  }
0x1f3: {  	v0 =	vadd.f32 v41, v0;
	_ =	sdelay $0x1  }
0x1f4: {  	v35 =	vld.idx.msk [tilespmem:v1+s6+$0x0], $0xffff;
	v0 =	vadd.f32 v42, v0  }
0x1f5: {  	v1 =	vld [tilespmem:$0x660]  }
0x1f6: {  	[tilespmem:$0x11640] =	vst v4;
	v0 =	vadd.f32 v43, v0  }
0x1f7: {  	v4 =	vld.idx.msk [tilespmem:v3+s4+$0x0], $0xffff  }
0x1f8: {  	v0 =	vadd.f32 v44, v0;
	_ =	sdelay $0x1  }
0x1f9: {  	v0 =	vadd.f32 v45, v0  }
0x1fa: {  	v45 =	vld [tilespmem:$0x670]  }
0x1fb: {  	v2 =	vld.idx.msk [tilespmem:v2+s6+$0x0], $0xffff;
	[tilespmem:$0x11650] =	vst v4;
	v0 =	vadd.f32 v47, v0  }
0x1fc: {  	v4 =	vld.idx.msk [tilespmem:v1+s4+$0x0], $0xffff  }
0x1fd: {  	v0 =	vadd.f32 v46, v0;
	_ =	sdelay $0x1  }
0x1fe: {  	v0 =	vadd.f32 v48, v0  }
0x1ff: {  	v48 =	vld [tilespmem:$0x680]  }
0x200: {  	v3 =	vld.idx.msk [tilespmem:v3+s6+$0x0], $0xffff;
	[tilespmem:$0x11660] =	vst v4;
	v0 =	vadd.f32 v49, v0  }
0x201: {  	v4 =	vld.idx.msk [tilespmem:v45+s4+$0x0], $0xffff  }
0x202: {  	v0 =	vadd.f32 v50, v0;
	_ =	sdelay $0x1  }
0x203: {  	v0 =	vadd.f32 v51, v0  }
0x204: {  	v51 =	vld [tilespmem:$0x690]  }
0x205: {  	v1 =	vld.idx.msk [tilespmem:v1+s6+$0x0], $0xffff;
	[tilespmem:$0x11670] =	vst v4;
	v0 =	vadd.f32 v52, v0  }
0x206: {  	v4 =	vld.idx.msk [tilespmem:v48+s4+$0x0], $0xffff  }
0x207: {  	v0 =	vadd.f32 v53, v0;
	_ =	sdelay $0x1  }
0x208: {  	v0 =	vadd.f32 v54, v0  }
0x209: {  	v52 =	vld [tilespmem:$0x6A0]  }
0x20a: {  	v41 =	vld.idx.msk [tilespmem:v45+s6+$0x0], $0xffff;
	[tilespmem:$0x11680] =	vst v4;
	v0 =	vadd.f32 v55, v0  }
0x20b: {  	v4 =	vld.idx.msk [tilespmem:v51+s4+$0x0], $0xffff  }
0x20c: {  	v0 =	vadd.f32 v56, v0;
	_ =	sdelay $0x1  }
0x20d: {  	v0 =	vadd.f32 v57, v0  }
0x20e: {  	v53 =	vld [tilespmem:$0x6B0]  }
0x20f: {  	v42 =	vld.idx.msk [tilespmem:v48+s6+$0x0], $0xffff;
	[tilespmem:$0x11690] =	vst v4;
	v0 =	vadd.f32 v58, v0  }
0x210: {  	v4 =	vld.idx.msk [tilespmem:v52+s4+$0x0], $0xffff  }
0x211: {  	v0 =	vadd.f32 v59, v0;
	_ =	sdelay $0x1  }
0x212: {  	v0 =	vadd.f32 v60, v0  }
0x213: {  	v54 =	vld [tilespmem:$0x6C0]  }
0x214: {  	v43 =	vld.idx.msk [tilespmem:v51+s6+$0x0], $0xffff;
	[tilespmem:$0x116A0] =	vst v4;
	v0 =	vadd.f32 v61, v0  }
0x215: {  	v4 =	vld.idx.msk [tilespmem:v53+s4+$0x0], $0xffff  }
0x216: {  	v0 =	vadd.f32 v62, v0;
	_ =	sdelay $0x1  }
0x217: {  	v0 =	vadd.f32 v63, v0  }
0x218: {  	v55 =	vld [tilespmem:$0x6D0]  }
0x219: {  	v44 =	vld.idx.msk [tilespmem:v52+s6+$0x0], $0xffff;
	[tilespmem:$0x116B0] =	vst v4;
	v0 =	vadd.f32 v40, v0  }
0x21a: {  	v4 =	vld.idx.msk [tilespmem:v54+s4+$0x0], $0xffff  }
0x21b: {  	v0 =	vadd.f32 v39, v0;
	_ =	sdelay $0x1  }
0x21c: {  	v0 =	vadd.f32 v38, v0  }
0x21d: {  	v56 =	vld [tilespmem:$0x6E0]  }
0x21e: {  	v38 =	vld.idx.msk [tilespmem:v53+s6+$0x0], $0xffff;
	[tilespmem:$0x116C0] =	vst v4;
	v0 =	vadd.f32 v37, v0  }
0x21f: {  	v4 =	vld.idx.msk [tilespmem:v55+s4+$0x0], $0xffff  }
0x220: {  	v0 =	vadd.f32 v36, v0;
	_ =	sdelay $0x1  }
0x221: {  	v0 =	vadd.f32 v31, v0  }
0x222: {  	v58 =	vld [tilespmem:$0x6F0]  }
0x223: {  	v57 =	vld.idx.msk [tilespmem:v54+s6+$0x0], $0xffff;
	[tilespmem:$0x116D0] =	vst v4;
	v0 =	vadd.f32 v30, v0  }
0x224: {  	v4 =	vld.idx.msk [tilespmem:v56+s4+$0x0], $0xffff  }
0x225: {  	v0 =	vadd.f32 v29, v0;
	_ =	sdelay $0x1  }
0x226: {  	v0 =	vadd.f32 v28, v0  }
0x227: {  	v60 =	vld [tilespmem:$0x700]  }
0x228: {  	v59 =	vld.idx.msk [tilespmem:v55+s6+$0x0], $0xffff;
	[tilespmem:$0x116E0] =	vst v4;
	v0 =	vadd.f32 v27, v0  }
0x229: {  	v4 =	vld.idx.msk [tilespmem:v58+s4+$0x0], $0xffff  }
0x22a: {  	v0 =	vadd.f32 v26, v0;
	_ =	sdelay $0x1  }
0x22b: {  	v0 =	vadd.f32 v25, v0  }
0x22c: {  	v62 =	vld [tilespmem:$0x710]  }
0x22d: {  	v61 =	vld.idx.msk [tilespmem:v56+s6+$0x0], $0xffff;
	[tilespmem:$0x116F0] =	vst v4;
	v0 =	vadd.f32 v24, v0  }
0x22e: {  	v4 =	vld.idx.msk [tilespmem:v60+s4+$0x0], $0xffff  }
0x22f: {  	v0 =	vadd.f32 v23, v0;
	_ =	sdelay $0x1  }
0x230: {  	v0 =	vadd.f32 v22, v0  }
0x231: {  	v24 =	vld [tilespmem:$0x720]  }
0x232: {  	v63 =	vld.idx.msk [tilespmem:v58+s6+$0x0], $0xffff;
	[tilespmem:$0x11700] =	vst v4;
	v0 =	vadd.f32 v21, v0  }
0x233: {  	v4 =	vld.idx.msk [tilespmem:v62+s4+$0x0], $0xffff  }
0x234: {  	v0 =	vadd.f32 v20, v0;
	_ =	sdelay $0x1  }
0x235: {  	v0 =	vadd.f32 v19, v0  }
0x236: {  	v29 =	vld [tilespmem:$0x730]  }
0x237: {  	v27 =	vld.idx.msk [tilespmem:v60+s6+$0x0], $0xffff;
	[tilespmem:$0x11710] =	vst v4;
	v0 =	vadd.f32 v18, v0  }
0x238: {  	v4 =	vld.idx.msk [tilespmem:v24+s4+$0x0], $0xffff  }
0x239: {  	v0 =	vadd.f32 v17, v0;
	_ =	sdelay $0x1  }
0x23a: {  	v0 =	vadd.f32 v16, v0  }
0x23b: {  	v36 =	vld [tilespmem:$0x740]  }
0x23c: {  	v30 =	vld.idx.msk [tilespmem:v62+s6+$0x0], $0xffff;
	[tilespmem:$0x11720] =	vst v4;
	v0 =	vadd.f32 v15, v0  }
0x23d: {  	v4 =	vld.idx.msk [tilespmem:v29+s4+$0x0], $0xffff  }
0x23e: {  	v0 =	vadd.f32 v14, v0;
	_ =	sdelay $0x1  }
0x23f: {  	v0 =	vadd.f32 v13, v0  }
0x240: {  	v39 =	vld [tilespmem:$0x750]  }
0x241: {  	v37 =	vld.idx.msk [tilespmem:v24+s6+$0x0], $0xffff;
	[tilespmem:$0x11730] =	vst v4;
	v0 =	vadd.f32 v12, v0  }
0x242: {  	v4 =	vld.idx.msk [tilespmem:v36+s4+$0x0], $0xffff  }
0x243: {  	v0 =	vadd.f32 v11, v0;
	_ =	sdelay $0x1  }
0x244: {  	v0 =	vadd.f32 v10, v0  }
0x245: {  	v45 =	vld [tilespmem:$0x760]  }
0x246: {  	v40 =	vld.idx.msk [tilespmem:v29+s6+$0x0], $0xffff;
	[tilespmem:$0x11740] =	vst v4;
	v0 =	vadd.f32 v9, v0  }
0x247: {  	v4 =	vld.idx.msk [tilespmem:v39+s4+$0x0], $0xffff  }
0x248: {  	v0 =	vadd.f32 v8, v0;
	_ =	sdelay $0x1  }
0x249: {  	v0 =	vadd.f32 v7, v0  }
0x24a: {  	v47 =	vld [tilespmem:$0x770]  }
0x24b: {  	v46 =	vld.idx.msk [tilespmem:v36+s6+$0x0], $0xffff;
	[tilespmem:$0x11750] =	vst v4;
	v0 =	vadd.f32 v6, v0  }
0x24c: {  	v4 =	vld.idx.msk [tilespmem:v45+s4+$0x0], $0xffff  }
0x24d: {  	v0 =	vadd.f32 v5, v0;
	_ =	sdelay $0x1  }
0x24e: {  	v0 =	vadd.f32 v32, v0  }
0x24f: {  	v49 =	vld [tilespmem:$0x780]  }
0x250: {  	v48 =	vld.idx.msk [tilespmem:v39+s6+$0x0], $0xffff;
	[tilespmem:$0x11760] =	vst v4;
	v0 =	vadd.f32 v33, v0  }
0x251: {  	v4 =	vld.idx.msk [tilespmem:v47+s4+$0x0], $0xffff  }
0x252: {  	v0 =	vadd.f32 v34, v0;
	_ =	sdelay $0x1  }
0x253: {  	v0 =	vadd.f32 v35, v0  }
0x254: {  	v51 =	vld [tilespmem:$0x790]  }
0x255: {  	v50 =	vld.idx.msk [tilespmem:v45+s6+$0x0], $0xffff;
	[tilespmem:$0x11770] =	vst v4;
	v0 =	vadd.f32 v2, v0  }
0x256: {  	v52 =	vld.idx.msk [tilespmem:v49+s4+$0x0], $0xffff  }
0x257: {  	v0 =	vadd.f32 v3, v0;
	_ =	sdelay $0x1  }
0x258: {  	v0 =	vadd.f32 v1, v0  }
0x259: {  	v54 =	vld [tilespmem:$0x7A0]  }
0x25a: {  	v53 =	vld.idx.msk [tilespmem:v47+s6+$0x0], $0xffff;
	[tilespmem:$0x11780] =	vst v52;
	v0 =	vadd.f32 v41, v0  }
0x25b: {  	v2 =	vld.idx.msk [tilespmem:v51+s4+$0x0], $0xffff  }
0x25c: {  	v0 =	vadd.f32 v42, v0;
	_ =	sdelay $0x1  }
0x25d: {  	v0 =	vadd.f32 v43, v0  }
0x25e: {  	v55 =	vld [tilespmem:$0x7B0]  }
0x25f: {  	v4 =	vld.idx.msk [tilespmem:v49+s6+$0x0], $0xffff;
	[tilespmem:$0x11790] =	vst v2;
	v0 =	vadd.f32 v44, v0  }
0x260: {  	v2 =	vld.idx.msk [tilespmem:v54+s4+$0x0], $0xffff  }
0x261: {  	v0 =	vadd.f32 v38, v0;
	_ =	sdelay $0x1  }
0x262: {  	v0 =	vadd.f32 v57, v0  }
0x263: {  	v57 =	vld [tilespmem:$0x7C0]  }
0x264: {  	v56 =	vld.idx.msk [tilespmem:v51+s6+$0x0], $0xffff;
	[tilespmem:$0x117A0] =	vst v2;
	v0 =	vadd.f32 v59, v0  }
0x265: {  	v2 =	vld.idx.msk [tilespmem:v55+s4+$0x0], $0xffff  }
0x266: {  	v0 =	vadd.f32 v61, v0;
	_ =	sdelay $0x1  }
0x267: {  	v0 =	vadd.f32 v63, v0  }
0x268: {  	v58 =	vld [tilespmem:$0x7D0]  }
0x269: {  	v3 =	vld.idx.msk [tilespmem:v54+s6+$0x0], $0xffff;
	[tilespmem:$0x117B0] =	vst v2;
	v0 =	vadd.f32 v27, v0  }
0x26a: {  	v2 =	vld.idx.msk [tilespmem:v57+s4+$0x0], $0xffff  }
0x26b: {  	v0 =	vadd.f32 v30, v0;
	_ =	sdelay $0x1  }
0x26c: {  	v0 =	vadd.f32 v37, v0  }
0x26d: {  	v59 =	vld [tilespmem:$0x7E0]  }
0x26e: {  	v6 =	vld.idx.msk [tilespmem:v55+s6+$0x0], $0xffff;
	[tilespmem:$0x117C0] =	vst v2;
	v0 =	vadd.f32 v40, v0  }
0x26f: {  	v2 =	vld.idx.msk [tilespmem:v58+s4+$0x0], $0xffff  }
0x270: {  	v0 =	vadd.f32 v46, v0;
	_ =	sdelay $0x1  }
0x271: {  	v0 =	vadd.f32 v48, v0  }
0x272: {  	v61 =	vld [tilespmem:$0x7F0]  }
0x273: {  	v60 =	vld.idx.msk [tilespmem:v57+s6+$0x0], $0xffff;
	[tilespmem:$0x117D0] =	vst v2;
	v0 =	vadd.f32 v50, v0  }
0x274: {  	v2 =	vld.idx.msk [tilespmem:v59+s4+$0x0], $0xffff  }
0x275: {  	v0 =	vadd.f32 v53, v0;
	_ =	sdelay $0x1  }
0x276: {  	v0 =	vadd.f32 v4, v0;
	_ =	sdelay $0x1  }
0x277: {  	v62 =	vld.idx.msk [tilespmem:v58+s6+$0x0], $0xffff;
	[tilespmem:$0x117E0] =	vst v2;
	v0 =	vadd.f32 v56, v0  }
0x278: {  	v2 =	vld.idx.msk [tilespmem:v61+s4+$0x0], $0xffff  }
0x279: {  	v0 =	vadd.f32 v3, v0;
	_ =	sdelay $0x1  }
0x27a: {  	v0 =	vadd.f32 v6, v0  }
0x27b: {  	v63 =	vld.idx.msk [tilespmem:v59+s6+$0x0], $0xffff  }
0x27c: {  	[tilespmem:$0x117F0] =	vst v2;
	v0 =	vadd.f32 v60, v0  }
0x27d: {  	v2 =	vld.idx.msk [tilespmem:v61+s6+$0x0], $0xffff  }
0x27e: {  	v0 =	vadd.f32 v62, v0;
	_ =	sdelay $0x1  }
0x27f: {  	v0 =	vadd.f32 v63, v0;
	_ =	sdelay $0x1  }
0x280: {  	v0 =	vadd.f32 v2, v0;
	_ =	sdelay $0x1  }
0x281: {  	[tilespmem:$0x11800] =	vst v0  }
0x282: {  	_ =	swait.ge [sflag:s25], $0x1000  }
0x283: {  	s29 =	rddreg [dreg:$0xa];
	[sflag:s25] =	ssyncset.done $0x0  }
0x284: {  	s31 =	sld [smem:$0x7EE];
	[sflag:s25] =	ssyncadd.s32 $0xFFFFF000  }
0x285: {  	[hbm4b:s29+s2] =	stream.linear.scatter [tilespmem:s9], [sflag:$0x2], $0x1000, $0x38;
	[tilespmem:$0x12010] =	vst v63  }
0x286: {  	s30 =	rddreg [dreg:$0xb]  }
0x287: {  	[hbm4b:s30+s2] =	stream.linear.scatter [tilespmem:s31], [sflag:$0x2], $0x80, $0x38;
	[tilespmem:$0x12010] =	vst v63  }
0x288: {  	_ =	swait.ge [sflag:s25], $0x1000  }
0x289: {  	s29 =	rddreg [dreg:$0xc];
	[sflag:s25] =	ssyncset.done $0x0  }
0x28a: {  	s31 =	sld [smem:$0x7EF];
	[sflag:s25] =	ssyncadd.s32 $0xFFFFF000  }
0x28b: {  	[hbm4b:s29+s2] =	stream.linear.scatter [tilespmem:s10], [sflag:$0x2], $0x1000, $0x38;
	[tilespmem:$0x12010] =	vst v63  }
0x28c: {  	s30 =	rddreg [dreg:$0xd]  }
0x28d: {  	[hbm4b:s30+s2] =	stream.linear.scatter [tilespmem:s31], [sflag:$0x2], $0x80, $0x38;
	[tilespmem:$0x12010] =	vst v63  }
0x28e: {  	_ =	swait.ge [sflag:s25], $0x1000  }
0x28f: {  	s29 =	rddreg [dreg:$0xe];
	[sflag:s25] =	ssyncset.done $0x0  }
0x290: {  	s31 =	sld [smem:$0x7F0];
	[sflag:s25] =	ssyncadd.s32 $0xFFFFF000  }
0x291: {  	[hbm4b:s29+s2] =	stream.linear.scatter [tilespmem:s11], [sflag:$0x2], $0x1000, $0x38;
	[tilespmem:$0x12010] =	vst v63  }
0x292: {  	s30 =	rddreg [dreg:$0xf]  }
0x293: {  	[hbm4b:s30+s2] =	stream.linear.scatter [tilespmem:s31], [sflag:$0x2], $0x80, $0x38;
	[tilespmem:$0x12010] =	vst v63  }
0x294: {  	_ =	swait.ge [sflag:s25], $0x1000  }
0x295: {  	s29 =	rddreg [dreg:$0x10];
	[sflag:s25] =	ssyncset.done $0x0  }
0x296: {  	s31 =	sld [smem:$0x7F1];
	[sflag:s25] =	ssyncadd.s32 $0xFFFFF000  }
0x297: {  	[hbm4b:s29+s2] =	stream.linear.scatter [tilespmem:s12], [sflag:$0x2], $0x1000, $0x38;
	[tilespmem:$0x12010] =	vst v63  }
0x298: {  	s30 =	rddreg [dreg:$0x11]  }
0x299: {  	[hbm4b:s30+s2] =	stream.linear.scatter [tilespmem:s31], [sflag:$0x2], $0x80, $0x38;
	[tilespmem:$0x12010] =	vst v63  }
0x29a: {  	_ =	swait.ge [sflag:s25], $0x1000  }
0x29b: {  	s29 =	rddreg [dreg:$0x12];
	[sflag:s25] =	ssyncset.done $0x0  }
0x29c: {  	s31 =	sld [smem:$0x7F2];
	[sflag:s25] =	ssyncadd.s32 $0xFFFFF000  }
0x29d: {  	[hbm4b:s29+s2] =	stream.linear.scatter [tilespmem:s13], [sflag:$0x2], $0x1000, $0x38;
	[tilespmem:$0x12010] =	vst v63  }
0x29e: {  	s30 =	rddreg [dreg:$0x13]  }
0x29f: {  	[hbm4b:s30+s2] =	stream.linear.scatter [tilespmem:s31], [sflag:$0x2], $0x80, $0x38;
	[tilespmem:$0x12010] =	vst v63  }
0x2a0: {  	_ =	swait.ge [sflag:s25], $0x1000  }
0x2a1: {  	s29 =	rddreg [dreg:$0x14];
	[sflag:s25] =	ssyncset.done $0x0  }
0x2a2: {  	s31 =	sld [smem:$0x7F3];
	[sflag:s25] =	ssyncadd.s32 $0xFFFFF000  }
0x2a3: {  	[hbm4b:s29+s2] =	stream.linear.scatter [tilespmem:s14], [sflag:$0x2], $0x1000, $0x38;
	[tilespmem:$0x12010] =	vst v63  }
0x2a4: {  	s30 =	rddreg [dreg:$0x15]  }
0x2a5: {  	[hbm4b:s30+s2] =	stream.linear.scatter [tilespmem:s31], [sflag:$0x2], $0x80, $0x38;
	[tilespmem:$0x12010] =	vst v63  }
0x2a6: {  	_ =	swait.ge [sflag:s25], $0x1000  }
0x2a7: {  	s29 =	rddreg [dreg:$0x16];
	[sflag:s25] =	ssyncset.done $0x0  }
0x2a8: {  	s31 =	sld [smem:$0x7F4];
	[sflag:s25] =	ssyncadd.s32 $0xFFFFF000  }
0x2a9: {  	[hbm4b:s29+s2] =	stream.linear.scatter [tilespmem:s15], [sflag:$0x2], $0x1000, $0x38;
	[tilespmem:$0x12010] =	vst v63  }
0x2aa: {  	s30 =	rddreg [dreg:$0x17]  }
0x2ab: {  	[hbm4b:s30+s2] =	stream.linear.scatter [tilespmem:s31], [sflag:$0x2], $0x80, $0x38;
	[tilespmem:$0x12010] =	vst v63  }
0x2ac: {  	_ =	swait.ge [sflag:s25], $0x1000  }
0x2ad: {  	s29 =	rddreg [dreg:$0x18];
	[sflag:s25] =	ssyncset.done $0x0  }
0x2ae: {  	s31 =	sld [smem:$0x7F5];
	[sflag:s25] =	ssyncadd.s32 $0xFFFFF000  }
0x2af: {  	[hbm4b:s29+s2] =	stream.linear.scatter [tilespmem:s16], [sflag:$0x2], $0x1000, $0x38;
	[tilespmem:$0x12010] =	vst v63  }
0x2b0: {  	s30 =	rddreg [dreg:$0x19]  }
0x2b1: {  	[hbm4b:s30+s2] =	stream.linear.scatter [tilespmem:s31], [sflag:$0x2], $0x80, $0x38;
	[tilespmem:$0x12010] =	vst v63  }
0x2b2: {  	_ =	swait.ge [sflag:s25], $0x1000  }
0x2b3: {  	s29 =	rddreg [dreg:$0x1a];
	[sflag:s25] =	ssyncset.done $0x0  }
0x2b4: {  	s31 =	sld [smem:$0x7F6];
	[sflag:s25] =	ssyncadd.s32 $0xFFFFF000  }
0x2b5: {  	[hbm4b:s29+s2] =	stream.linear.scatter [tilespmem:s17], [sflag:$0x2], $0x1000, $0x38;
	[tilespmem:$0x12010] =	vst v63  }
0x2b6: {  	s30 =	rddreg [dreg:$0x1b]  }
0x2b7: {  	[hbm4b:s30+s2] =	stream.linear.scatter [tilespmem:s31], [sflag:$0x2], $0x80, $0x38;
	[tilespmem:$0x12010] =	vst v63  }
0x2b8: {  	_ =	swait.ge [sflag:s25], $0x1000  }
0x2b9: {  	s29 =	rddreg [dreg:$0x1c];
	[sflag:s25] =	ssyncset.done $0x0  }
0x2ba: {  	s31 =	sld [smem:$0x7F7];
	[sflag:s25] =	ssyncadd.s32 $0xFFFFF000  }
0x2bb: {  	[hbm4b:s29+s2] =	stream.linear.scatter [tilespmem:s18], [sflag:$0x2], $0x1000, $0x38;
	[tilespmem:$0x12010] =	vst v63  }
0x2bc: {  	s30 =	rddreg [dreg:$0x1d]  }
0x2bd: {  	[hbm4b:s30+s2] =	stream.linear.scatter [tilespmem:s31], [sflag:$0x2], $0x80, $0x38;
	[tilespmem:$0x12010] =	vst v63  }
0x2be: {  	_ =	swait.ge [sflag:s25], $0x1000  }
0x2bf: {  	s29 =	rddreg [dreg:$0x1e];
	[sflag:s25] =	ssyncset.done $0x0  }
0x2c0: {  	s31 =	sld [smem:$0x7F8];
	[sflag:s25] =	ssyncadd.s32 $0xFFFFF000  }
0x2c1: {  	[hbm4b:s29+s2] =	stream.linear.scatter [tilespmem:s19], [sflag:$0x2], $0x1000, $0x38;
	[tilespmem:$0x12010] =	vst v63  }
0x2c2: {  	s30 =	rddreg [dreg:$0x1f]  }
0x2c3: {  	[hbm4b:s30+s2] =	stream.linear.scatter [tilespmem:s31], [sflag:$0x2], $0x80, $0x38;
	[tilespmem:$0x12010] =	vst v63  }
0x2c4: {  	_ =	swait.ge [sflag:s25], $0x1000  }
0x2c5: {  	s29 =	sld [smem:$0x7D5]  }
0x2c6: {  	[sflag:s25] =	ssyncset.done $0x0;
	s30 =	sld [smem:$0x7D6]  }
0x2c7: {  	s31 =	sld [smem:$0x7F9];
	[sflag:s25] =	ssyncadd.s32 $0xFFFFF000  }
0x2c8: {  	[hbm4b:s29+s2] =	stream.linear.scatter [tilespmem:s20], [sflag:$0x2], $0x1000, $0x38;
	[tilespmem:$0x12010] =	vst v63  }
0x2c9: {  	_ = 	snop  }
0x2ca: {  	[hbm4b:s30+s2] =	stream.linear.scatter [tilespmem:s31], [sflag:$0x2], $0x80, $0x38;
	[tilespmem:$0x12010] =	vst v63  }
0x2cb: {  	_ =	swait.ge [sflag:s25], $0x1000  }
0x2cc: {  	s29 =	sld [smem:$0x7D7]  }
0x2cd: {  	[sflag:s25] =	ssyncset.done $0x0;
	s30 =	sld [smem:$0x7D8]  }
0x2ce: {  	s31 =	sld [smem:$0x7FA];
	[sflag:s25] =	ssyncadd.s32 $0xFFFFF000  }
0x2cf: {  	[hbm4b:s29+s2] =	stream.linear.scatter [tilespmem:s21], [sflag:$0x2], $0x1000, $0x38;
	[tilespmem:$0x12010] =	vst v63  }
0x2d0: {  	_ = 	snop  }
0x2d1: {  	[hbm4b:s30+s2] =	stream.linear.scatter [tilespmem:s31], [sflag:$0x2], $0x80, $0x38;
	[tilespmem:$0x12010] =	vst v63  }
0x2d2: {  	_ =	swait.ge [sflag:s25], $0x1000  }
0x2d3: {  	s29 =	sld [smem:$0x7D9]  }
0x2d4: {  	[sflag:s25] =	ssyncset.done $0x0;
	s30 =	sld [smem:$0x7DA]  }
0x2d5: {  	s31 =	sld [smem:$0x7FB];
	[sflag:s25] =	ssyncadd.s32 $0xFFFFF000  }
0x2d6: {  	[hbm4b:s29+s2] =	stream.linear.scatter [tilespmem:s22], [sflag:$0x2], $0x1000, $0x38;
	[tilespmem:$0x12010] =	vst v63  }
0x2d7: {  	_ = 	snop  }
0x2d8: {  	[hbm4b:s30+s2] =	stream.linear.scatter [tilespmem:s31], [sflag:$0x2], $0x80, $0x38;
	[tilespmem:$0x12010] =	vst v63  }
0x2d9: {  	_ =	swait.ge [sflag:s25], $0x1000  }
0x2da: {  	s29 =	sld [smem:$0x7DB]  }
0x2db: {  	[sflag:s25] =	ssyncset.done $0x0;
	s30 =	sld [smem:$0x7DC]  }
0x2dc: {  	s31 =	sld [smem:$0x7FC];
	[sflag:s25] =	ssyncadd.s32 $0xFFFFF000  }
0x2dd: {  	[hbm4b:s29+s2] =	stream.linear.scatter [tilespmem:s23], [sflag:$0x2], $0x1000, $0x38;
	[tilespmem:$0x12010] =	vst v63  }
0x2de: {  	_ = 	snop  }
0x2df: {  	[hbm4b:s30+s2] =	stream.linear.scatter [tilespmem:s31], [sflag:$0x2], $0x80, $0x38;
	[tilespmem:$0x12010] =	vst v63  }
0x2e0: {  	_ =	swait.ge [sflag:s25], $0x1000  }
0x2e1: {  	s29 =	sld [smem:$0x7DD]  }
0x2e2: {  	[sflag:s25] =	ssyncset.done $0x0;
	s30 =	sld [smem:$0x7DE]  }
0x2e3: {  	s31 =	sld [smem:$0x7FD];
	[sflag:s25] =	ssyncadd.s32 $0xFFFFF000  }
0x2e4: {  	[hbm4b:s29+s2] =	stream.linear.scatter [tilespmem:s24], [sflag:$0x2], $0x1000, $0x38;
	[tilespmem:$0x12010] =	vst v63  }
0x2e5: {  	s29 =	sld [smem:$0x7DF]  }
0x2e6: {  	[hbm4b:s30+s2] =	stream.linear.scatter [tilespmem:s31], [sflag:$0x2], $0x80, $0x38;
	[tilespmem:$0x12010] =	vst v63  }
0x2e7: {  	_ = 	snop  }
0x2e8: {  	[hbm4b:s29+s2] =	stream.linear.scatter [tilespmem:s26], [sflag:$0x4], $0x10, $0x38;
	[tilespmem:$0x12010] =	vst v63  }
0x2e9: {  	_ =	swait.ge [sflag:s5], $0x10  }
0x2ea: {  	[sflag:s5] =	ssyncset.done $0x0  }
0x2eb: {  	[sflag:s5] =	ssyncadd.s32 $0xFFFFFFF0  }
0x2ec: {  	_ =	swait.ge [sflag:s28], $0x1000  }
0x2ed: {  	[sflag:s28] =	ssyncset.done $0x0  }
0x2ee: {  	[sflag:s28] =	ssyncadd.s32 $0xFFFFF000  }
0x2ef: {  	_ =	swait.ge [sflag:s28], $0x80  }
0x2f0: {  	[sflag:s28] =	ssyncset.done $0x0  }
0x2f1: {  	[sflag:s28] =	ssyncadd.s32 $0xFFFFFF80  }
0x2f2: {  	_ =	swait.ge [sflag:s28], $0x1000  }
0x2f3: {  	[sflag:s28] =	ssyncset.done $0x0  }
0x2f4: {  	[sflag:s28] =	ssyncadd.s32 $0xFFFFF000  }
0x2f5: {  	_ =	swait.ge [sflag:s28], $0x80  }
0x2f6: {  	[sflag:s28] =	ssyncset.done $0x0  }
0x2f7: {  	[sflag:s28] =	ssyncadd.s32 $0xFFFFFF80  }
0x2f8: {  	_ =	swait.ge [sflag:s28], $0x1000  }
0x2f9: {  	[sflag:s28] =	ssyncset.done $0x0  }
0x2fa: {  	[sflag:s28] =	ssyncadd.s32 $0xFFFFF000  }
0x2fb: {  	_ =	swait.ge [sflag:s28], $0x80  }
0x2fc: {  	[sflag:s28] =	ssyncset.done $0x0  }
0x2fd: {  	[sflag:s28] =	ssyncadd.s32 $0xFFFFFF80  }
0x2fe: {  	_ =	swait.ge [sflag:s28], $0x1000  }
0x2ff: {  	[sflag:s28] =	ssyncset.done $0x0  }
0x300: {  	[sflag:s28] =	ssyncadd.s32 $0xFFFFF000  }
0x301: {  	_ =	swait.ge [sflag:s28], $0x80  }
0x302: {  	[sflag:s28] =	ssyncset.done $0x0  }
0x303: {  	[sflag:s28] =	ssyncadd.s32 $0xFFFFFF80  }
0x304: {  	_ =	swait.ge [sflag:s28], $0x1000  }
0x305: {  	[sflag:s28] =	ssyncset.done $0x0  }
0x306: {  	[sflag:s28] =	ssyncadd.s32 $0xFFFFF000  }
0x307: {  	_ =	swait.ge [sflag:s28], $0x80  }
0x308: {  	[sflag:s28] =	ssyncset.done $0x0  }
0x309: {  	[sflag:s28] =	ssyncadd.s32 $0xFFFFFF80  }
0x30a: {  	_ =	swait.ge [sflag:s28], $0x1000  }
0x30b: {  	[sflag:s28] =	ssyncset.done $0x0  }
0x30c: {  	[sflag:s28] =	ssyncadd.s32 $0xFFFFF000  }
0x30d: {  	_ =	swait.ge [sflag:s28], $0x80  }
0x30e: {  	[sflag:s28] =	ssyncset.done $0x0  }
0x30f: {  	[sflag:s28] =	ssyncadd.s32 $0xFFFFFF80  }
0x310: {  	_ =	swait.ge [sflag:s28], $0x1000  }
0x311: {  	[sflag:s28] =	ssyncset.done $0x0  }
0x312: {  	[sflag:s28] =	ssyncadd.s32 $0xFFFFF000  }
0x313: {  	_ =	swait.ge [sflag:s28], $0x80  }
0x314: {  	[sflag:s28] =	ssyncset.done $0x0  }
0x315: {  	[sflag:s28] =	ssyncadd.s32 $0xFFFFFF80  }
0x316: {  	_ =	swait.ge [sflag:s28], $0x1000  }
0x317: {  	[sflag:s28] =	ssyncset.done $0x0  }
0x318: {  	[sflag:s28] =	ssyncadd.s32 $0xFFFFF000  }
0x319: {  	_ =	swait.ge [sflag:s28], $0x80  }
0x31a: {  	[sflag:s28] =	ssyncset.done $0x0  }
0x31b: {  	[sflag:s28] =	ssyncadd.s32 $0xFFFFFF80  }
0x31c: {  	_ =	swait.ge [sflag:s28], $0x1000  }
0x31d: {  	[sflag:s28] =	ssyncset.done $0x0  }
0x31e: {  	[sflag:s28] =	ssyncadd.s32 $0xFFFFF000  }
0x31f: {  	_ =	swait.ge [sflag:s28], $0x80  }
0x320: {  	[sflag:s28] =	ssyncset.done $0x0  }
0x321: {  	[sflag:s28] =	ssyncadd.s32 $0xFFFFFF80  }
0x322: {  	_ =	swait.ge [sflag:s28], $0x1000  }
0x323: {  	[sflag:s28] =	ssyncset.done $0x0  }
0x324: {  	[sflag:s28] =	ssyncadd.s32 $0xFFFFF000  }
0x325: {  	_ =	swait.ge [sflag:s28], $0x80  }
0x326: {  	[sflag:s28] =	ssyncset.done $0x0  }
0x327: {  	[sflag:s28] =	ssyncadd.s32 $0xFFFFFF80  }
0x328: {  	_ =	swait.ge [sflag:s28], $0x1000  }
0x329: {  	[sflag:s28] =	ssyncset.done $0x0  }
0x32a: {  	[sflag:s28] =	ssyncadd.s32 $0xFFFFF000  }
0x32b: {  	_ =	swait.ge [sflag:s28], $0x80  }
0x32c: {  	[sflag:s28] =	ssyncset.done $0x0  }
0x32d: {  	[sflag:s28] =	ssyncadd.s32 $0xFFFFFF80  }
0x32e: {  	_ =	swait.ge [sflag:s28], $0x1000  }
0x32f: {  	[sflag:s28] =	ssyncset.done $0x0  }
0x330: {  	[sflag:s28] =	ssyncadd.s32 $0xFFFFF000  }
0x331: {  	_ =	swait.ge [sflag:s28], $0x80  }
0x332: {  	[sflag:s28] =	ssyncset.done $0x0  }
0x333: {  	[sflag:s28] =	ssyncadd.s32 $0xFFFFFF80  }
0x334: {  	_ =	swait.ge [sflag:s28], $0x1000  }
0x335: {  	[sflag:s28] =	ssyncset.done $0x0  }
0x336: {  	[sflag:s28] =	ssyncadd.s32 $0xFFFFF000  }
0x337: {  	_ =	swait.ge [sflag:s28], $0x80  }
0x338: {  	[sflag:s28] =	ssyncset.done $0x0  }
0x339: {  	[sflag:s28] =	ssyncadd.s32 $0xFFFFFF80  }
0x33a: {  	_ =	swait.ge [sflag:s28], $0x1000  }
0x33b: {  	[sflag:s28] =	ssyncset.done $0x0  }
0x33c: {  	[sflag:s28] =	ssyncadd.s32 $0xFFFFF000  }
0x33d: {  	_ =	swait.ge [sflag:s28], $0x80  }
0x33e: {  	[sflag:s28] =	ssyncset.done $0x0  }
0x33f: {  	[sflag:s28] =	ssyncadd.s32 $0xFFFFFF80  }
0x340: {  	_ =	swait.ge [sflag:s28], $0x1000  }
0x341: {  	[sflag:s28] =	ssyncset.done $0x0  }
0x342: {  	[sflag:s28] =	ssyncadd.s32 $0xFFFFF000  }
0x343: {  	_ =	swait.ge [sflag:s28], $0x80  }
0x344: {  	[sflag:s28] =	ssyncset.done $0x0  }
0x345: {  	s3 =	sadd.s32 $0xFFFFFFFF, s3;
	[sflag:s28] =	ssyncadd.s32 $0xFFFFFF80  }
0x346: {  	p1 =	sne.s32 s3, $0x0;
	_ =	swait.ge [sflag:s28], $0x1000  }
.Ltmp0:
0x347: {  	[sflag:s28] =	ssyncset.done $0x0;
	(pc) =	sbr.rel @p1 .LBB2_1-.Ltmp0, $4  }
0x348: {  	[sflag:s28] =	ssyncadd.s32 $0xFFFFF000  }
0x349: {  	_ =	swait.ge [sflag:s28], $0x80  }
0x34a: {  	[sflag:s28] =	ssyncset.done $0x0  }
0x34b: {  	[sflag:s28] =	ssyncadd.s32 $0xFFFFFF80  }
0x34c: {  	_ =	sfence.sel $0x180000  }
0x34d: {  	[bflag:$0x0] =	sbarrier.arrive $0xFFFF  }
0x34e: {  	_ =	strace $0x90000047  }
0x34f: {  	s0 =	sadd.s32 @!p0 $0x100000, s0;
	[bflag:$0x2] =	sbarrier.arrive $0xFFFF  }
0x350: {  	[sflag:s0] =	ssyncadd.tile.s32 @!p0 $0x1;
	_ =	shalt  }
.Lfunc_end2:
_tile_overlayer_lowered:
.L_overlay_start_2:
0x351: {  	(tag) =	ssettag $0x2  }
0x352: {  	s0 =	rddreg [dreg:$0x0];
	s2 =	stileid.u32  }
0x353: {  	s1 =	rddreg [dreg:$0x1];
	p0 =	sne.s32 s2, $0x0  }
0x354: {  	s3 =	rddreg [dreg:$0x2];
	[bflag:$0x3] =	sbarrier.arrive $0xFFFF;
	s2 =	simm.s32 @!p0 $0x1C04  }
0x355: {  	[timem:s3], [sflag:s2] =	dma.local @!p0 [hbm:s0], s1  }
0x356: {  	s0 =	simm.s32 @!p0 $0x4  }
0x357: {  	_ =	swait.ge @!p0 [sflag:s0], s1  }
0x358: {  	s1 =	ssub.s32 @!p0 $0x0, s1;
	[sflag:s0] =	ssyncset.done @!p0 $0x0  }
0x359: {  	[sflag:s0] =	ssyncadd.s32 @!p0 s1  }
0x35a: {  	[bflag:$0x3] =	sbarrier.arrive $0xFFFF  }
0x35b: {  	_ =	shalt  }

</sc_bundles>
